<compile_context>
chip_gen: v7x
topology: tpu7x:2x2x1
jax: 0.10.2.dev20260603
libtpu: 0.0.44.dev20260713+nightly
codegen_flags: <defaults>
</compile_context>

<pallas_src>
import functools

import jax
import jax.numpy as jnp
from jax import lax
from jax.experimental import pallas as pl
from jax.experimental.pallas import tpu as pltpu
from jax.experimental.pallas import tpu_sc as plsc

VOCAB = 1000000
D_MODEL = 64
BATCH = 4096
SEQ = 200
NUM_CORES = 2
NUM_SUBCORES = 16
NW = NUM_CORES * NUM_SUBCORES
LANES = 128
ROWS_P = VOCAB // 2
GBUF = 4

_mesh = plsc.VectorSubcoreMesh(core_axis_name="c", subcore_axis_name="s")


def _wid():
    return lax.axis_index("s") * NUM_CORES + lax.axis_index("c")


def _skew_vecs():
    iota = lax.broadcasted_iota(jnp.int32, (16,), 0)
    pair_col = lax.shift_left(jnp.bitwise_and(iota, 1), 6)
    pair_row = lax.shift_right_logical(iota, 1)
    return iota, pair_col, pair_row


@functools.partial(
    pl.kernel,
    mesh=_mesh,
    out_type=jax.ShapeDtypeStruct((SEQ, D_MODEL, BATCH), jnp.float32),
    scratch_types=[
        pltpu.VMEM((SEQ, LANES), jnp.int32),
        pltpu.VMEM((GBUF, LANES), jnp.int32),
        *([pltpu.VMEM((LANES, LANES), jnp.float32)] * GBUF),
        pltpu.VMEM((D_MODEL, LANES), jnp.float32),
        pltpu.VMEM((D_MODEL, LANES), jnp.float32),
        *([pltpu.SemaphoreType.DMA] * GBUF),
        pltpu.SemaphoreType.DMA,
        pltpu.SemaphoreType.DMA,
    ],
    compiler_params=pltpu.CompilerParams(needs_layout_passes=False),
)
def _gather(idst_hbm, table_hbm, out_hbm, idsb, qr, *bufs):
    wid = _wid()
    iota, _, _ = _skew_vecs()
    fets = bufs[:GBUF]
    slabs = bufs[GBUF:GBUF + 2]
    gsems = bufs[GBUF + 2:2 * GBUF + 2]
    wsems = bufs[2 * GBUF + 2:2 * GBUF + 4]
    pltpu.sync_copy(idst_hbm.at[:, pl.ds(wid * LANES, LANES)], idsb)

    def make_q(t, b):
        for g in range(8):
            qr[b, pl.ds(16 * g, 16)] = lax.shift_right_logical(
                idsb[t, pl.ds(16 * g, 16)], 1)

    def g_copy(b):
        return pltpu.make_async_copy(
            table_hbm.at[qr.at[b]], fets[b], gsems[b])

    def w_copy(t, b):
        return pltpu.make_async_copy(
            slabs[b], out_hbm.at[t, :, pl.ds(wid * LANES, LANES)], wsems[b])

    def transpose_select(t, b, b2):
        offs = []
        for g in range(8):
            ids16 = idsb[t, pl.ds(16 * g, 16)]
            offs.append(lax.shift_left(jnp.bitwise_and(ids16, 1), 6))

        def kbody(k, carry):
            diag = jnp.bitwise_and(iota + k, 15)
            for g in range(8):
                base = 16 * g + iota
                for d0 in range(0, D_MODEL, 16):
                    reg = plsc.load_gather(
                        fets[b], [base, offs[g] + (d0 + diag)])
                    plsc.store_scatter(slabs[b2], [d0 + diag, base], reg)
            return carry

        lax.fori_loop(0, 16, kbody, 0)

    for b in range(GBUF):
        make_q(b, b)
        g_copy(b).start()

    def group(gi, carry):
        for b in range(GBUF):
            t = gi * GBUF + b
            b2 = b % 2
            g_copy(b).wait()

            @pl.when(t >= 2)
            def _():
                w_copy(t - 2, b2).wait()

            transpose_select(t, b, b2)
            w_copy(t, b2).start()

            @pl.when(t + GBUF < SEQ)
            def _():
                make_q(t + GBUF, b)
                g_copy(b).start()

        return carry

    lax.fori_loop(0, SEQ // GBUF, group, 0)
    for b in range(2):
        w_copy(SEQ - 2 + b, b).wait()


def kernel(input_ids, weight):
    tablep = weight.reshape(ROWS_P, 2 * D_MODEL)
    outt = _gather(input_ids.T, tablep)
    return outt.transpose(2, 0, 1)

# --- scband reference (transcript-rebuilt; emitter-appended) ---
"""Pipeline reference for scband-token-embedding-52905407152220 (READ-ONLY COPY).

The authoritative reference and input builder live on the scoring server;
editing this copy changes nothing except your own understanding.
"""

import jax, jax.numpy as jnp
import numpy as np

VOCAB = 1000000
D_MODEL = 64
PAD_ID = 0

def setup_inputs(seed: int = 0) -> dict:
    key = jax.random.key(seed)
    k_idx, k_w = jax.random.split(key)
    input_ids = jax.random.randint(k_idx, (4096, 200), 0, VOCAB, dtype=jnp.int64 if jax.config.jax_enable_x64 else jnp.int32).astype(jnp.int32)
    weight = jax.random.normal(k_w, (VOCAB, D_MODEL), dtype=jnp.float32) * 0.02
    # zero the padding row, matching nn.Embedding(padding_idx=PAD_ID) init
    weight = weight.at[PAD_ID].set(0.0)
    return {"input_ids": input_ids, "weight": weight}

def reference(input_ids, weight):
    # TokenEmbedding.forward: embedding lookup; pad row of the table is zero,
    # so pad tokens map to the zero vector.
    return jnp.take(weight, input_ids, axis=0)

if __name__ == "__main__":
    import jax
    _d = setup_inputs()
    print(jax.jit(kernel)(*tuple(_d.values())))

</pallas_src>

<mosaic_0001>
#map = affine_map<(d0, d1) -> (0, 0)>
#map1 = affine_map<(d0, d1) -> (0, 0, 0)>
module attributes {stable_mosaic.version = 14 : i64} {
  func.func @_gather(%arg0: i32, %arg1: i32, %arg2: memref<200x4096xi32, #tpu.memory_space<hbm>>, %arg3: memref<500000x128xf32, #tpu.memory_space<hbm>>, %arg4: memref<200x64x4096xf32, #tpu.memory_space<hbm>>, %arg5: memref<200x128xi32, #tpu.memory_space<vmem>>, %arg6: memref<4x128xi32, #tpu.memory_space<vmem>>, %arg7: memref<128x128xf32, #tpu.memory_space<vmem>>, %arg8: memref<128x128xf32, #tpu.memory_space<vmem>>, %arg9: memref<128x128xf32, #tpu.memory_space<vmem>>, %arg10: memref<128x128xf32, #tpu.memory_space<vmem>>, %arg11: memref<64x128xf32, #tpu.memory_space<vmem>>, %arg12: memref<64x128xf32, #tpu.memory_space<vmem>>, %arg13: memref<!tpu.dma_semaphore, #tpu.memory_space<semaphore_mem>>, %arg14: memref<!tpu.dma_semaphore, #tpu.memory_space<semaphore_mem>>, %arg15: memref<!tpu.dma_semaphore, #tpu.memory_space<semaphore_mem>>, %arg16: memref<!tpu.dma_semaphore, #tpu.memory_space<semaphore_mem>>, %arg17: memref<!tpu.dma_semaphore, #tpu.memory_space<semaphore_mem>>, %arg18: memref<!tpu.dma_semaphore, #tpu.memory_space<semaphore_mem>>) attributes {dimension_semantics = [#tpu.dimension_semantics<core_parallel>, #tpu.dimension_semantics<subcore_parallel>], iteration_bounds = array<i64: 2, 16>, scalar_prefetch = 0 : i64, scratch_operands = 14 : i64, tpu.core_type = #tpu.core_type<sc_vector_subcore>, window_params = [{transform_indices = #map}, {transform_indices = #map}, {transform_indices = #map1}]} {
    %mul3A = arith.constant 2 : i32
    %mul3A_0 = arith.muli %arg1, %mul3A : i32
    %add3A = arith.addi %mul3A_0, %arg0 : i32
    %iota3A = tpu.iota {dimensions = array<i32: 0>} : vector<16xi32>
    %and3A = arith.constant 1 : i32
    %and3A_1 = vector.broadcast %and3A : i32 to vector<16xi32>
    %and3A_2 = arith.andi %iota3A, %and3A_1 : vector<16xi32>
    %shift_left3A = arith.constant 6 : i32
    %shift_left3A_3 = vector.broadcast %shift_left3A : i32 to vector<16xi32>
    %shift_left3A_4 = arith.shli %and3A_2, %shift_left3A_3 : vector<16xi32>
    %shift_right_logical3A = arith.constant 1 : i32
    %shift_right_logical3A_5 = vector.broadcast %shift_right_logical3A : i32 to vector<16xi32>
    %shift_right_logical3A_6 = arith.shrui %iota3A, %shift_right_logical3A_5 : vector<16xi32>
    %mul3A_7 = arith.constant 128 : i32
    %mul3A_8 = arith.muli %add3A, %mul3A_7 : i32
    "tpu.region"() ({
      %run_scoped3A = tpu.sem_alloc : memref<!tpu.dma_semaphore, #tpu.memory_space<semaphore_mem>>
      %dma_start3A_408 = arith.constant 0 : i32
      %dma_start3A_409 = tpu.memref_slice %arg2[%dma_start3A_408, %mul3A_8] : memref<200x4096xi32, #tpu.memory_space<hbm>> -> memref<200x128xi32, #tpu.memory_space<hbm>>
      %dma_start3A_410 = arith.constant 0 : i32
      %dma_start3A_411 = tpu.memref_slice %arg2[%dma_start3A_410, %mul3A_8] : memref<200x4096xi32, #tpu.memory_space<hbm>> -> memref<200x128xi32, #tpu.memory_space<hbm>>
      tpu.enqueue_dma source(%dma_start3A_411 : memref<200x128xi32, #tpu.memory_space<hbm>>) target(%arg5 : memref<200x128xi32, #tpu.memory_space<vmem>>) target_semaphore(%run_scoped3A : memref<!tpu.dma_semaphore, #tpu.memory_space<semaphore_mem>>)
      %dma_wait3A_412 = arith.constant 0 : i32
      %dma_wait3A_413 = tpu.memref_slice %arg2[%dma_wait3A_412, %mul3A_8] : memref<200x4096xi32, #tpu.memory_space<hbm>> -> memref<200x128xi32, #tpu.memory_space<hbm>>
      %dma_wait3A_414 = arith.constant 0 : i32
      %dma_wait3A_415 = tpu.memref_slice %arg2[%dma_wait3A_414, %mul3A_8] : memref<200x4096xi32, #tpu.memory_space<hbm>> -> memref<200x128xi32, #tpu.memory_space<hbm>>
      tpu.wait_dma2 semaphore(%run_scoped3A : memref<!tpu.dma_semaphore, #tpu.memory_space<semaphore_mem>>) src(%dma_wait3A_415 : memref<200x128xi32, #tpu.memory_space<hbm>>) dst(%arg5 : memref<200x128xi32, #tpu.memory_space<vmem>>)
      tpu.yield
    }) : () -> ()
    %get3A = arith.constant 0 : i32
    %get3A_9 = arith.index_cast %get3A : i32 to index
    %get3A_10 = arith.constant 0 : index
    %get3A_11 = tpu.vector_load %arg5[%get3A_9, %get3A_10] {strides = array<i32>} : memref<200x128xi32, #tpu.memory_space<vmem>>, vector<16xi32>,
    %shift_right_logical3A_12 = arith.constant 1 : i32
    %shift_right_logical3A_13 = vector.broadcast %shift_right_logical3A_12 : i32 to vector<16xi32>
    %shift_right_logical3A_14 = arith.shrui %get3A_11, %shift_right_logical3A_13 : vector<16xi32>
    %swap3A = arith.constant 0 : i32
    %swap3A_15 = arith.index_cast %swap3A : i32 to index
    %swap3A_16 = arith.constant 0 : index
    %swap3A_17 = tpu.vector_load %arg6[%swap3A_15, %swap3A_16] {strides = array<i32>} : memref<4x128xi32, #tpu.memory_space<vmem>>, vector<16xi32>,
    tpu.vector_store %arg6[%swap3A_15, %swap3A_16], %shift_right_logical3A_14 {strides = array<i32>} : memref<4x128xi32, #tpu.memory_space<vmem>>, vector<16xi32>,
    %get3A_18 = arith.constant 0 : i32
    %get3A_19 = arith.index_cast %get3A_18 : i32 to index
    %get3A_20 = arith.constant 16 : index
    %get3A_21 = tpu.vector_load %arg5[%get3A_19, %get3A_20] {strides = array<i32>} : memref<200x128xi32, #tpu.memory_space<vmem>>, vector<16xi32>,
    %shift_right_logical3A_22 = arith.constant 1 : i32
    %shift_right_logical3A_23 = vector.broadcast %shift_right_logical3A_22 : i32 to vector<16xi32>
    %shift_right_logical3A_24 = arith.shrui %get3A_21, %shift_right_logical3A_23 : vector<16xi32>
    %swap3A_25 = arith.constant 0 : i32
    %swap3A_26 = arith.index_cast %swap3A_25 : i32 to index
    %swap3A_27 = arith.constant 16 : index
    %swap3A_28 = tpu.vector_load %arg6[%swap3A_26, %swap3A_27] {strides = array<i32>} : memref<4x128xi32, #tpu.memory_space<vmem>>, vector<16xi32>,
    tpu.vector_store %arg6[%swap3A_26, %swap3A_27], %shift_right_logical3A_24 {strides = array<i32>} : memref<4x128xi32, #tpu.memory_space<vmem>>, vector<16xi32>,
    %get3A_29 = arith.constant 0 : i32
    %get3A_30 = arith.index_cast %get3A_29 : i32 to index
    %get3A_31 = arith.constant 32 : index
    %get3A_32 = tpu.vector_load %arg5[%get3A_30, %get3A_31] {strides = array<i32>} : memref<200x128xi32, #tpu.memory_space<vmem>>, vector<16xi32>,
    %shift_right_logical3A_33 = arith.constant 1 : i32
    %shift_right_logical3A_34 = vector.broadcast %shift_right_logical3A_33 : i32 to vector<16xi32>
    %shift_right_logical3A_35 = arith.shrui %get3A_32, %shift_right_logical3A_34 : vector<16xi32>
    %swap3A_36 = arith.constant 0 : i32
    %swap3A_37 = arith.index_cast %swap3A_36 : i32 to index
    %swap3A_38 = arith.constant 32 : index
    %swap3A_39 = tpu.vector_load %arg6[%swap3A_37, %swap3A_38] {strides = array<i32>} : memref<4x128xi32, #tpu.memory_space<vmem>>, vector<16xi32>,
    tpu.vector_store %arg6[%swap3A_37, %swap3A_38], %shift_right_logical3A_35 {strides = array<i32>} : memref<4x128xi32, #tpu.memory_space<vmem>>, vector<16xi32>,
    %get3A_40 = arith.constant 0 : i32
    %get3A_41 = arith.index_cast %get3A_40 : i32 to index
    %get3A_42 = arith.constant 48 : index
    %get3A_43 = tpu.vector_load %arg5[%get3A_41, %get3A_42] {strides = array<i32>} : memref<200x128xi32, #tpu.memory_space<vmem>>, vector<16xi32>,
    %shift_right_logical3A_44 = arith.constant 1 : i32
    %shift_right_logical3A_45 = vector.broadcast %shift_right_logical3A_44 : i32 to vector<16xi32>
    %shift_right_logical3A_46 = arith.shrui %get3A_43, %shift_right_logical3A_45 : vector<16xi32>
    %swap3A_47 = arith.constant 0 : i32
    %swap3A_48 = arith.index_cast %swap3A_47 : i32 to index
    %swap3A_49 = arith.constant 48 : index
    %swap3A_50 = tpu.vector_load %arg6[%swap3A_48, %swap3A_49] {strides = array<i32>} : memref<4x128xi32, #tpu.memory_space<vmem>>, vector<16xi32>,
    tpu.vector_store %arg6[%swap3A_48, %swap3A_49], %shift_right_logical3A_46 {strides = array<i32>} : memref<4x128xi32, #tpu.memory_space<vmem>>, vector<16xi32>,
    %get3A_51 = arith.constant 0 : i32
    %get3A_52 = arith.index_cast %get3A_51 : i32 to index
    %get3A_53 = arith.constant 64 : index
    %get3A_54 = tpu.vector_load %arg5[%get3A_52, %get3A_53] {strides = array<i32>} : memref<200x128xi32, #tpu.memory_space<vmem>>, vector<16xi32>,
    %shift_right_logical3A_55 = arith.constant 1 : i32
    %shift_right_logical3A_56 = vector.broadcast %shift_right_logical3A_55 : i32 to vector<16xi32>
    %shift_right_logical3A_57 = arith.shrui %get3A_54, %shift_right_logical3A_56 : vector<16xi32>
    %swap3A_58 = arith.constant 0 : i32
    %swap3A_59 = arith.index_cast %swap3A_58 : i32 to index
    %swap3A_60 = arith.constant 64 : index
    %swap3A_61 = tpu.vector_load %arg6[%swap3A_59, %swap3A_60] {strides = array<i32>} : memref<4x128xi32, #tpu.memory_space<vmem>>, vector<16xi32>,
    tpu.vector_store %arg6[%swap3A_59, %swap3A_60], %shift_right_logical3A_57 {strides = array<i32>} : memref<4x128xi32, #tpu.memory_space<vmem>>, vector<16xi32>,
    %get3A_62 = arith.constant 0 : i32
    %get3A_63 = arith.index_cast %get3A_62 : i32 to index
    %get3A_64 = arith.constant 80 : index
    %get3A_65 = tpu.vector_load %arg5[%get3A_63, %get3A_64] {strides = array<i32>} : memref<200x128xi32, #tpu.memory_space<vmem>>, vector<16xi32>,
    %shift_right_logical3A_66 = arith.constant 1 : i32
    %shift_right_logical3A_67 = vector.broadcast %shift_right_logical3A_66 : i32 to vector<16xi32>
    %shift_right_logical3A_68 = arith.shrui %get3A_65, %shift_right_logical3A_67 : vector<16xi32>
    %swap3A_69 = arith.constant 0 : i32
    %swap3A_70 = arith.index_cast %swap3A_69 : i32 to index
    %swap3A_71 = arith.constant 80 : index
    %swap3A_72 = tpu.vector_load %arg6[%swap3A_70, %swap3A_71] {strides = array<i32>} : memref<4x128xi32, #tpu.memory_space<vmem>>, vector<16xi32>,
    tpu.vector_store %arg6[%swap3A_70, %swap3A_71], %shift_right_logical3A_68 {strides = array<i32>} : memref<4x128xi32, #tpu.memory_space<vmem>>, vector<16xi32>,
    %get3A_73 = arith.constant 0 : i32
    %get3A_74 = arith.index_cast %get3A_73 : i32 to index
    %get3A_75 = arith.constant 96 : index
    %get3A_76 = tpu.vector_load %arg5[%get3A_74, %get3A_75] {strides = array<i32>} : memref<200x128xi32, #tpu.memory_space<vmem>>, vector<16xi32>,
    %shift_right_logical3A_77 = arith.constant 1 : i32
    %shift_right_logical3A_78 = vector.broadcast %shift_right_logical3A_77 : i32 to vector<16xi32>
    %shift_right_logical3A_79 = arith.shrui %get3A_76, %shift_right_logical3A_78 : vector<16xi32>
    %swap3A_80 = arith.constant 0 : i32
    %swap3A_81 = arith.index_cast %swap3A_80 : i32 to index
    %swap3A_82 = arith.constant 96 : index
    %swap3A_83 = tpu.vector_load %arg6[%swap3A_81, %swap3A_82] {strides = array<i32>} : memref<4x128xi32, #tpu.memory_space<vmem>>, vector<16xi32>,
    tpu.vector_store %arg6[%swap3A_81, %swap3A_82], %shift_right_logical3A_79 {strides = array<i32>} : memref<4x128xi32, #tpu.memory_space<vmem>>, vector<16xi32>,
    %get3A_84 = arith.constant 0 : i32
    %get3A_85 = arith.index_cast %get3A_84 : i32 to index
    %get3A_86 = arith.constant 112 : index
    %get3A_87 = tpu.vector_load %arg5[%get3A_85, %get3A_86] {strides = array<i32>} : memref<200x128xi32, #tpu.memory_space<vmem>>, vector<16xi32>,
    %shift_right_logical3A_88 = arith.constant 1 : i32
    %shift_right_logical3A_89 = vector.broadcast %shift_right_logical3A_88 : i32 to vector<16xi32>
    %shift_right_logical3A_90 = arith.shrui %get3A_87, %shift_right_logical3A_89 : vector<16xi32>
    %swap3A_91 = arith.constant 0 : i32
    %swap3A_92 = arith.index_cast %swap3A_91 : i32 to index
    %swap3A_93 = arith.constant 112 : index
    %swap3A_94 = tpu.vector_load %arg6[%swap3A_92, %swap3A_93] {strides = array<i32>} : memref<4x128xi32, #tpu.memory_space<vmem>>, vector<16xi32>,
    tpu.vector_store %arg6[%swap3A_92, %swap3A_93], %shift_right_logical3A_90 {strides = array<i32>} : memref<4x128xi32, #tpu.memory_space<vmem>>, vector<16xi32>,
    %dma_start3A = arith.constant 0 : i32
    %dma_start3A_95 = arith.constant 0 : i32
    %dma_start3A_96 = tpu.memref_slice %arg6[%dma_start3A, %dma_start3A_95] : memref<4x128xi32, #tpu.memory_space<vmem>> -> memref<1x128xi32, #tpu.memory_space<vmem>>
    %dma_start3A_97 = tpu.memref_squeeze %dma_start3A_96 : memref<1x128xi32, #tpu.memory_space<vmem>> -> memref<128xi32, #tpu.memory_space<vmem>>
    %dma_start3A_98 = arith.constant 0 : i32
    %dma_start3A_99 = arith.constant 0 : i32
    %dma_start3A_100 = tpu.memref_slice %arg3[%dma_start3A_98, %dma_start3A_99] : memref<500000x128xf32, #tpu.memory_space<hbm>> -> memref<500000x128xf32, #tpu.memory_space<hbm>>
    tpu.enqueue_indirect_dma source(%dma_start3A_100 : memref<500000x128xf32, #tpu.memory_space<hbm>>) target(%arg7 : memref<128x128xf32, #tpu.memory_space<vmem>>) offsets(%dma_start3A_97 : memref<128xi32, #tpu.memory_space<vmem>>) semaphore(%arg13 : memref<!tpu.dma_semaphore, #tpu.memory_space<semaphore_mem>>)
    %get3A_101 = arith.constant 1 : i32
    %get3A_102 = arith.index_cast %get3A_101 : i32 to index
    %get3A_103 = arith.constant 0 : index
    %get3A_104 = tpu.vector_load %arg5[%get3A_102, %get3A_103] {strides = array<i32>} : memref<200x128xi32, #tpu.memory_space<vmem>>, vector<16xi32>,
    %shift_right_logical3A_105 = arith.constant 1 : i32
    %shift_right_logical3A_106 = vector.broadcast %shift_right_logical3A_105 : i32 to vector<16xi32>
    %shift_right_logical3A_107 = arith.shrui %get3A_104, %shift_right_logical3A_106 : vector<16xi32>
    %swap3A_108 = arith.constant 1 : i32
    %swap3A_109 = arith.index_cast %swap3A_108 : i32 to index
    %swap3A_110 = arith.constant 0 : index
    %swap3A_111 = tpu.vector_load %arg6[%swap3A_109, %swap3A_110] {strides = array<i32>} : memref<4x128xi32, #tpu.memory_space<vmem>>, vector<16xi32>,
    tpu.vector_store %arg6[%swap3A_109, %swap3A_110], %shift_right_logical3A_107 {strides = array<i32>} : memref<4x128xi32, #tpu.memory_space<vmem>>, vector<16xi32>,
    %get3A_112 = arith.constant 1 : i32
    %get3A_113 = arith.index_cast %get3A_112 : i32 to index
    %get3A_114 = arith.constant 16 : index
    %get3A_115 = tpu.vector_load %arg5[%get3A_113, %get3A_114] {strides = array<i32>} : memref<200x128xi32, #tpu.memory_space<vmem>>, vector<16xi32>,
    %shift_right_logical3A_116 = arith.constant 1 : i32
    %shift_right_logical3A_117 = vector.broadcast %shift_right_logical3A_116 : i32 to vector<16xi32>
    %shift_right_logical3A_118 = arith.shrui %get3A_115, %shift_right_logical3A_117 : vector<16xi32>
    %swap3A_119 = arith.constant 1 : i32
    %swap3A_120 = arith.index_cast %swap3A_119 : i32 to index
    %swap3A_121 = arith.constant 16 : index
    %swap3A_122 = tpu.vector_load %arg6[%swap3A_120, %swap3A_121] {strides = array<i32>} : memref<4x128xi32, #tpu.memory_space<vmem>>, vector<16xi32>,
    tpu.vector_store %arg6[%swap3A_120, %swap3A_121], %shift_right_logical3A_118 {strides = array<i32>} : memref<4x128xi32, #tpu.memory_space<vmem>>, vector<16xi32>,
    %get3A_123 = arith.constant 1 : i32
    %get3A_124 = arith.index_cast %get3A_123 : i32 to index
    %get3A_125 = arith.constant 32 : index
    %get3A_126 = tpu.vector_load %arg5[%get3A_124, %get3A_125] {strides = array<i32>} : memref<200x128xi32, #tpu.memory_space<vmem>>, vector<16xi32>,
    %shift_right_logical3A_127 = arith.constant 1 : i32
    %shift_right_logical3A_128 = vector.broadcast %shift_right_logical3A_127 : i32 to vector<16xi32>
    %shift_right_logical3A_129 = arith.shrui %get3A_126, %shift_right_logical3A_128 : vector<16xi32>
    %swap3A_130 = arith.constant 1 : i32
    %swap3A_131 = arith.index_cast %swap3A_130 : i32 to index
    %swap3A_132 = arith.constant 32 : index
    %swap3A_133 = tpu.vector_load %arg6[%swap3A_131, %swap3A_132] {strides = array<i32>} : memref<4x128xi32, #tpu.memory_space<vmem>>, vector<16xi32>,
    tpu.vector_store %arg6[%swap3A_131, %swap3A_132], %shift_right_logical3A_129 {strides = array<i32>} : memref<4x128xi32, #tpu.memory_space<vmem>>, vector<16xi32>,
    %get3A_134 = arith.constant 1 : i32
    %get3A_135 = arith.index_cast %get3A_134 : i32 to index
    %get3A_136 = arith.constant 48 : index
    %get3A_137 = tpu.vector_load %arg5[%get3A_135, %get3A_136] {strides = array<i32>} : memref<200x128xi32, #tpu.memory_space<vmem>>, vector<16xi32>,
    %shift_right_logical3A_138 = arith.constant 1 : i32
    %shift_right_logical3A_139 = vector.broadcast %shift_right_logical3A_138 : i32 to vector<16xi32>
    %shift_right_logical3A_140 = arith.shrui %get3A_137, %shift_right_logical3A_139 : vector<16xi32>
    %swap3A_141 = arith.constant 1 : i32
    %swap3A_142 = arith.index_cast %swap3A_141 : i32 to index
    %swap3A_143 = arith.constant 48 : index
    %swap3A_144 = tpu.vector_load %arg6[%swap3A_142, %swap3A_143] {strides = array<i32>} : memref<4x128xi32, #tpu.memory_space<vmem>>, vector<16xi32>,
    tpu.vector_store %arg6[%swap3A_142, %swap3A_143], %shift_right_logical3A_140 {strides = array<i32>} : memref<4x128xi32, #tpu.memory_space<vmem>>, vector<16xi32>,
    %get3A_145 = arith.constant 1 : i32
    %get3A_146 = arith.index_cast %get3A_145 : i32 to index
    %get3A_147 = arith.constant 64 : index
    %get3A_148 = tpu.vector_load %arg5[%get3A_146, %get3A_147] {strides = array<i32>} : memref<200x128xi32, #tpu.memory_space<vmem>>, vector<16xi32>,
    %shift_right_logical3A_149 = arith.constant 1 : i32
    %shift_right_logical3A_150 = vector.broadcast %shift_right_logical3A_149 : i32 to vector<16xi32>
    %shift_right_logical3A_151 = arith.shrui %get3A_148, %shift_right_logical3A_150 : vector<16xi32>
    %swap3A_152 = arith.constant 1 : i32
    %swap3A_153 = arith.index_cast %swap3A_152 : i32 to index
    %swap3A_154 = arith.constant 64 : index
    %swap3A_155 = tpu.vector_load %arg6[%swap3A_153, %swap3A_154] {strides = array<i32>} : memref<4x128xi32, #tpu.memory_space<vmem>>, vector<16xi32>,
    tpu.vector_store %arg6[%swap3A_153, %swap3A_154], %shift_right_logical3A_151 {strides = array<i32>} : memref<4x128xi32, #tpu.memory_space<vmem>>, vector<16xi32>,
    %get3A_156 = arith.constant 1 : i32
    %get3A_157 = arith.index_cast %get3A_156 : i32 to index
    %get3A_158 = arith.constant 80 : index
    %get3A_159 = tpu.vector_load %arg5[%get3A_157, %get3A_158] {strides = array<i32>} : memref<200x128xi32, #tpu.memory_space<vmem>>, vector<16xi32>,
    %shift_right_logical3A_160 = arith.constant 1 : i32
    %shift_right_logical3A_161 = vector.broadcast %shift_right_logical3A_160 : i32 to vector<16xi32>
    %shift_right_logical3A_162 = arith.shrui %get3A_159, %shift_right_logical3A_161 : vector<16xi32>
    %swap3A_163 = arith.constant 1 : i32
    %swap3A_164 = arith.index_cast %swap3A_163 : i32 to index
    %swap3A_165 = arith.constant 80 : index
    %swap3A_166 = tpu.vector_load %arg6[%swap3A_164, %swap3A_165] {strides = array<i32>} : memref<4x128xi32, #tpu.memory_space<vmem>>, vector<16xi32>,
    tpu.vector_store %arg6[%swap3A_164, %swap3A_165], %shift_right_logical3A_162 {strides = array<i32>} : memref<4x128xi32, #tpu.memory_space<vmem>>, vector<16xi32>,
    %get3A_167 = arith.constant 1 : i32
    %get3A_168 = arith.index_cast %get3A_167 : i32 to index
    %get3A_169 = arith.constant 96 : index
    %get3A_170 = tpu.vector_load %arg5[%get3A_168, %get3A_169] {strides = array<i32>} : memref<200x128xi32, #tpu.memory_space<vmem>>, vector<16xi32>,
    %shift_right_logical3A_171 = arith.constant 1 : i32
    %shift_right_logical3A_172 = vector.broadcast %shift_right_logical3A_171 : i32 to vector<16xi32>
    %shift_right_logical3A_173 = arith.shrui %get3A_170, %shift_right_logical3A_172 : vector<16xi32>
    %swap3A_174 = arith.constant 1 : i32
    %swap3A_175 = arith.index_cast %swap3A_174 : i32 to index
    %swap3A_176 = arith.constant 96 : index
    %swap3A_177 = tpu.vector_load %arg6[%swap3A_175, %swap3A_176] {strides = array<i32>} : memref<4x128xi32, #tpu.memory_space<vmem>>, vector<16xi32>,
    tpu.vector_store %arg6[%swap3A_175, %swap3A_176], %shift_right_logical3A_173 {strides = array<i32>} : memref<4x128xi32, #tpu.memory_space<vmem>>, vector<16xi32>,
    %get3A_178 = arith.constant 1 : i32
    %get3A_179 = arith.index_cast %get3A_178 : i32 to index
    %get3A_180 = arith.constant 112 : index
    %get3A_181 = tpu.vector_load %arg5[%get3A_179, %get3A_180] {strides = array<i32>} : memref<200x128xi32, #tpu.memory_space<vmem>>, vector<16xi32>,
    %shift_right_logical3A_182 = arith.constant 1 : i32
    %shift_right_logical3A_183 = vector.broadcast %shift_right_logical3A_182 : i32 to vector<16xi32>
    %shift_right_logical3A_184 = arith.shrui %get3A_181, %shift_right_logical3A_183 : vector<16xi32>
    %swap3A_185 = arith.constant 1 : i32
    %swap3A_186 = arith.index_cast %swap3A_185 : i32 to index
    %swap3A_187 = arith.constant 112 : index
    %swap3A_188 = tpu.vector_load %arg6[%swap3A_186, %swap3A_187] {strides = array<i32>} : memref<4x128xi32, #tpu.memory_space<vmem>>, vector<16xi32>,
    tpu.vector_store %arg6[%swap3A_186, %swap3A_187], %shift_right_logical3A_184 {strides = array<i32>} : memref<4x128xi32, #tpu.memory_space<vmem>>, vector<16xi32>,
    %dma_start3A_189 = arith.constant 1 : i32
    %dma_start3A_190 = arith.constant 0 : i32
    %dma_start3A_191 = tpu.memref_slice %arg6[%dma_start3A_189, %dma_start3A_190] : memref<4x128xi32, #tpu.memory_space<vmem>> -> memref<1x128xi32, #tpu.memory_space<vmem>>
    %dma_start3A_192 = tpu.memref_squeeze %dma_start3A_191 : memref<1x128xi32, #tpu.memory_space<vmem>> -> memref<128xi32, #tpu.memory_space<vmem>>
    %dma_start3A_193 = arith.constant 0 : i32
    %dma_start3A_194 = arith.constant 0 : i32
    %dma_start3A_195 = tpu.memref_slice %arg3[%dma_start3A_193, %dma_start3A_194] : memref<500000x128xf32, #tpu.memory_space<hbm>> -> memref<500000x128xf32, #tpu.memory_space<hbm>>
    tpu.enqueue_indirect_dma source(%dma_start3A_195 : memref<500000x128xf32, #tpu.memory_space<hbm>>) target(%arg8 : memref<128x128xf32, #tpu.memory_space<vmem>>) offsets(%dma_start3A_192 : memref<128xi32, #tpu.memory_space<vmem>>) semaphore(%arg14 : memref<!tpu.dma_semaphore, #tpu.memory_space<semaphore_mem>>)
    %get3A_196 = arith.constant 2 : i32
    %get3A_197 = arith.index_cast %get3A_196 : i32 to index
    %get3A_198 = arith.constant 0 : index
    %get3A_199 = tpu.vector_load %arg5[%get3A_197, %get3A_198] {strides = array<i32>} : memref<200x128xi32, #tpu.memory_space<vmem>>, vector<16xi32>,
    %shift_right_logical3A_200 = arith.constant 1 : i32
    %shift_right_logical3A_201 = vector.broadcast %shift_right_logical3A_200 : i32 to vector<16xi32>
    %shift_right_logical3A_202 = arith.shrui %get3A_199, %shift_right_logical3A_201 : vector<16xi32>
    %swap3A_203 = arith.constant 2 : i32
    %swap3A_204 = arith.index_cast %swap3A_203 : i32 to index
    %swap3A_205 = arith.constant 0 : index
    %swap3A_206 = tpu.vector_load %arg6[%swap3A_204, %swap3A_205] {strides = array<i32>} : memref<4x128xi32, #tpu.memory_space<vmem>>, vector<16xi32>,
    tpu.vector_store %arg6[%swap3A_204, %swap3A_205], %shift_right_logical3A_202 {strides = array<i32>} : memref<4x128xi32, #tpu.memory_space<vmem>>, vector<16xi32>,
    %get3A_207 = arith.constant 2 : i32
    %get3A_208 = arith.index_cast %get3A_207 : i32 to index
    %get3A_209 = arith.constant 16 : index
    %get3A_210 = tpu.vector_load %arg5[%get3A_208, %get3A_209] {strides = array<i32>} : memref<200x128xi32, #tpu.memory_space<vmem>>, vector<16xi32>,
    %shift_right_logical3A_211 = arith.constant 1 : i32
    %shift_right_logical3A_212 = vector.broadcast %shift_right_logical3A_211 : i32 to vector<16xi32>
    %shift_right_logical3A_213 = arith.shrui %get3A_210, %shift_right_logical3A_212 : vector<16xi32>
    %swap3A_214 = arith.constant 2 : i32
    %swap3A_215 = arith.index_cast %swap3A_214 : i32 to index
    %swap3A_216 = arith.constant 16 : index
    %swap3A_217 = tpu.vector_load %arg6[%swap3A_215, %swap3A_216] {strides = array<i32>} : memref<4x128xi32, #tpu.memory_space<vmem>>, vector<16xi32>,
    tpu.vector_store %arg6[%swap3A_215, %swap3A_216], %shift_right_logical3A_213 {strides = array<i32>} : memref<4x128xi32, #tpu.memory_space<vmem>>, vector<16xi32>,
    %get3A_218 = arith.constant 2 : i32
    %get3A_219 = arith.index_cast %get3A_218 : i32 to index
    %get3A_220 = arith.constant 32 : index
    %get3A_221 = tpu.vector_load %arg5[%get3A_219, %get3A_220] {strides = array<i32>} : memref<200x128xi32, #tpu.memory_space<vmem>>, vector<16xi32>,
    %shift_right_logical3A_222 = arith.constant 1 : i32
    %shift_right_logical3A_223 = vector.broadcast %shift_right_logical3A_222 : i32 to vector<16xi32>
    %shift_right_logical3A_224 = arith.shrui %get3A_221, %shift_right_logical3A_223 : vector<16xi32>
    %swap3A_225 = arith.constant 2 : i32
    %swap3A_226 = arith.index_cast %swap3A_225 : i32 to index
    %swap3A_227 = arith.constant 32 : index
    %swap3A_228 = tpu.vector_load %arg6[%swap3A_226, %swap3A_227] {strides = array<i32>} : memref<4x128xi32, #tpu.memory_space<vmem>>, vector<16xi32>,
    tpu.vector_store %arg6[%swap3A_226, %swap3A_227], %shift_right_logical3A_224 {strides = array<i32>} : memref<4x128xi32, #tpu.memory_space<vmem>>, vector<16xi32>,
    %get3A_229 = arith.constant 2 : i32
    %get3A_230 = arith.index_cast %get3A_229 : i32 to index
    %get3A_231 = arith.constant 48 : index
    %get3A_232 = tpu.vector_load %arg5[%get3A_230, %get3A_231] {strides = array<i32>} : memref<200x128xi32, #tpu.memory_space<vmem>>, vector<16xi32>,
    %shift_right_logical3A_233 = arith.constant 1 : i32
    %shift_right_logical3A_234 = vector.broadcast %shift_right_logical3A_233 : i32 to vector<16xi32>
    %shift_right_logical3A_235 = arith.shrui %get3A_232, %shift_right_logical3A_234 : vector<16xi32>
    %swap3A_236 = arith.constant 2 : i32
    %swap3A_237 = arith.index_cast %swap3A_236 : i32 to index
    %swap3A_238 = arith.constant 48 : index
    %swap3A_239 = tpu.vector_load %arg6[%swap3A_237, %swap3A_238] {strides = array<i32>} : memref<4x128xi32, #tpu.memory_space<vmem>>, vector<16xi32>,
    tpu.vector_store %arg6[%swap3A_237, %swap3A_238], %shift_right_logical3A_235 {strides = array<i32>} : memref<4x128xi32, #tpu.memory_space<vmem>>, vector<16xi32>,
    %get3A_240 = arith.constant 2 : i32
    %get3A_241 = arith.index_cast %get3A_240 : i32 to index
    %get3A_242 = arith.constant 64 : index
    %get3A_243 = tpu.vector_load %arg5[%get3A_241, %get3A_242] {strides = array<i32>} : memref<200x128xi32, #tpu.memory_space<vmem>>, vector<16xi32>,
    %shift_right_logical3A_244 = arith.constant 1 : i32
    %shift_right_logical3A_245 = vector.broadcast %shift_right_logical3A_244 : i32 to vector<16xi32>
    %shift_right_logical3A_246 = arith.shrui %get3A_243, %shift_right_logical3A_245 : vector<16xi32>
    %swap3A_247 = arith.constant 2 : i32
    %swap3A_248 = arith.index_cast %swap3A_247 : i32 to index
    %swap3A_249 = arith.constant 64 : index
    %swap3A_250 = tpu.vector_load %arg6[%swap3A_248, %swap3A_249] {strides = array<i32>} : memref<4x128xi32, #tpu.memory_space<vmem>>, vector<16xi32>,
    tpu.vector_store %arg6[%swap3A_248, %swap3A_249], %shift_right_logical3A_246 {strides = array<i32>} : memref<4x128xi32, #tpu.memory_space<vmem>>, vector<16xi32>,
    %get3A_251 = arith.constant 2 : i32
    %get3A_252 = arith.index_cast %get3A_251 : i32 to index
    %get3A_253 = arith.constant 80 : index
    %get3A_254 = tpu.vector_load %arg5[%get3A_252, %get3A_253] {strides = array<i32>} : memref<200x128xi32, #tpu.memory_space<vmem>>, vector<16xi32>,
    %shift_right_logical3A_255 = arith.constant 1 : i32
    %shift_right_logical3A_256 = vector.broadcast %shift_right_logical3A_255 : i32 to vector<16xi32>
    %shift_right_logical3A_257 = arith.shrui %get3A_254, %shift_right_logical3A_256 : vector<16xi32>
    %swap3A_258 = arith.constant 2 : i32
    %swap3A_259 = arith.index_cast %swap3A_258 : i32 to index
    %swap3A_260 = arith.constant 80 : index
    %swap3A_261 = tpu.vector_load %arg6[%swap3A_259, %swap3A_260] {strides = array<i32>} : memref<4x128xi32, #tpu.memory_space<vmem>>, vector<16xi32>,
    tpu.vector_store %arg6[%swap3A_259, %swap3A_260], %shift_right_logical3A_257 {strides = array<i32>} : memref<4x128xi32, #tpu.memory_space<vmem>>, vector<16xi32>,
    %get3A_262 = arith.constant 2 : i32
    %get3A_263 = arith.index_cast %get3A_262 : i32 to index
    %get3A_264 = arith.constant 96 : index
    %get3A_265 = tpu.vector_load %arg5[%get3A_263, %get3A_264] {strides = array<i32>} : memref<200x128xi32, #tpu.memory_space<vmem>>, vector<16xi32>,
    %shift_right_logical3A_266 = arith.constant 1 : i32
    %shift_right_logical3A_267 = vector.broadcast %shift_right_logical3A_266 : i32 to vector<16xi32>
    %shift_right_logical3A_268 = arith.shrui %get3A_265, %shift_right_logical3A_267 : vector<16xi32>
    %swap3A_269 = arith.constant 2 : i32
    %swap3A_270 = arith.index_cast %swap3A_269 : i32 to index
    %swap3A_271 = arith.constant 96 : index
    %swap3A_272 = tpu.vector_load %arg6[%swap3A_270, %swap3A_271] {strides = array<i32>} : memref<4x128xi32, #tpu.memory_space<vmem>>, vector<16xi32>,
    tpu.vector_store %arg6[%swap3A_270, %swap3A_271], %shift_right_logical3A_268 {strides = array<i32>} : memref<4x128xi32, #tpu.memory_space<vmem>>, vector<16xi32>,
    %get3A_273 = arith.constant 2 : i32
    %get3A_274 = arith.index_cast %get3A_273 : i32 to index
    %get3A_275 = arith.constant 112 : index
    %get3A_276 = tpu.vector_load %arg5[%get3A_274, %get3A_275] {strides = array<i32>} : memref<200x128xi32, #tpu.memory_space<vmem>>, vector<16xi32>,
    %shift_right_logical3A_277 = arith.constant 1 : i32
    %shift_right_logical3A_278 = vector.broadcast %shift_right_logical3A_277 : i32 to vector<16xi32>
    %shift_right_logical3A_279 = arith.shrui %get3A_276, %shift_right_logical3A_278 : vector<16xi32>
    %swap3A_280 = arith.constant 2 : i32
    %swap3A_281 = arith.index_cast %swap3A_280 : i32 to index
    %swap3A_282 = arith.constant 112 : index
    %swap3A_283 = tpu.vector_load %arg6[%swap3A_281, %swap3A_282] {strides = array<i32>} : memref<4x128xi32, #tpu.memory_space<vmem>>, vector<16xi32>,
    tpu.vector_store %arg6[%swap3A_281, %swap3A_282], %shift_right_logical3A_279 {strides = array<i32>} : memref<4x128xi32, #tpu.memory_space<vmem>>, vector<16xi32>,
    %dma_start3A_284 = arith.constant 2 : i32
    %dma_start3A_285 = arith.constant 0 : i32
    %dma_start3A_286 = tpu.memref_slice %arg6[%dma_start3A_284, %dma_start3A_285] : memref<4x128xi32, #tpu.memory_space<vmem>> -> memref<1x128xi32, #tpu.memory_space<vmem>>
    %dma_start3A_287 = tpu.memref_squeeze %dma_start3A_286 : memref<1x128xi32, #tpu.memory_space<vmem>> -> memref<128xi32, #tpu.memory_space<vmem>>
    %dma_start3A_288 = arith.constant 0 : i32
    %dma_start3A_289 = arith.constant 0 : i32
    %dma_start3A_290 = tpu.memref_slice %arg3[%dma_start3A_288, %dma_start3A_289] : memref<500000x128xf32, #tpu.memory_space<hbm>> -> memref<500000x128xf32, #tpu.memory_space<hbm>>
    tpu.enqueue_indirect_dma source(%dma_start3A_290 : memref<500000x128xf32, #tpu.memory_space<hbm>>) target(%arg9 : memref<128x128xf32, #tpu.memory_space<vmem>>) offsets(%dma_start3A_287 : memref<128xi32, #tpu.memory_space<vmem>>) semaphore(%arg15 : memref<!tpu.dma_semaphore, #tpu.memory_space<semaphore_mem>>)
    %get3A_291 = arith.constant 3 : i32
    %get3A_292 = arith.index_cast %get3A_291 : i32 to index
    %get3A_293 = arith.constant 0 : index
    %get3A_294 = tpu.vector_load %arg5[%get3A_292, %get3A_293] {strides = array<i32>} : memref<200x128xi32, #tpu.memory_space<vmem>>, vector<16xi32>,
    %shift_right_logical3A_295 = arith.constant 1 : i32
    %shift_right_logical3A_296 = vector.broadcast %shift_right_logical3A_295 : i32 to vector<16xi32>
    %shift_right_logical3A_297 = arith.shrui %get3A_294, %shift_right_logical3A_296 : vector<16xi32>
    %swap3A_298 = arith.constant 3 : i32
    %swap3A_299 = arith.index_cast %swap3A_298 : i32 to index
    %swap3A_300 = arith.constant 0 : index
    %swap3A_301 = tpu.vector_load %arg6[%swap3A_299, %swap3A_300] {strides = array<i32>} : memref<4x128xi32, #tpu.memory_space<vmem>>, vector<16xi32>,
    tpu.vector_store %arg6[%swap3A_299, %swap3A_300], %shift_right_logical3A_297 {strides = array<i32>} : memref<4x128xi32, #tpu.memory_space<vmem>>, vector<16xi32>,
    %get3A_302 = arith.constant 3 : i32
    %get3A_303 = arith.index_cast %get3A_302 : i32 to index
    %get3A_304 = arith.constant 16 : index
    %get3A_305 = tpu.vector_load %arg5[%get3A_303, %get3A_304] {strides = array<i32>} : memref<200x128xi32, #tpu.memory_space<vmem>>, vector<16xi32>,
    %shift_right_logical3A_306 = arith.constant 1 : i32
    %shift_right_logical3A_307 = vector.broadcast %shift_right_logical3A_306 : i32 to vector<16xi32>
    %shift_right_logical3A_308 = arith.shrui %get3A_305, %shift_right_logical3A_307 : vector<16xi32>
    %swap3A_309 = arith.constant 3 : i32
    %swap3A_310 = arith.index_cast %swap3A_309 : i32 to index
    %swap3A_311 = arith.constant 16 : index
    %swap3A_312 = tpu.vector_load %arg6[%swap3A_310, %swap3A_311] {strides = array<i32>} : memref<4x128xi32, #tpu.memory_space<vmem>>, vector<16xi32>,
    tpu.vector_store %arg6[%swap3A_310, %swap3A_311], %shift_right_logical3A_308 {strides = array<i32>} : memref<4x128xi32, #tpu.memory_space<vmem>>, vector<16xi32>,
    %get3A_313 = arith.constant 3 : i32
    %get3A_314 = arith.index_cast %get3A_313 : i32 to index
    %get3A_315 = arith.constant 32 : index
    %get3A_316 = tpu.vector_load %arg5[%get3A_314, %get3A_315] {strides = array<i32>} : memref<200x128xi32, #tpu.memory_space<vmem>>, vector<16xi32>,
    %shift_right_logical3A_317 = arith.constant 1 : i32
    %shift_right_logical3A_318 = vector.broadcast %shift_right_logical3A_317 : i32 to vector<16xi32>
    %shift_right_logical3A_319 = arith.shrui %get3A_316, %shift_right_logical3A_318 : vector<16xi32>
    %swap3A_320 = arith.constant 3 : i32
    %swap3A_321 = arith.index_cast %swap3A_320 : i32 to index
    %swap3A_322 = arith.constant 32 : index
    %swap3A_323 = tpu.vector_load %arg6[%swap3A_321, %swap3A_322] {strides = array<i32>} : memref<4x128xi32, #tpu.memory_space<vmem>>, vector<16xi32>,
    tpu.vector_store %arg6[%swap3A_321, %swap3A_322], %shift_right_logical3A_319 {strides = array<i32>} : memref<4x128xi32, #tpu.memory_space<vmem>>, vector<16xi32>,
    %get3A_324 = arith.constant 3 : i32
    %get3A_325 = arith.index_cast %get3A_324 : i32 to index
    %get3A_326 = arith.constant 48 : index
    %get3A_327 = tpu.vector_load %arg5[%get3A_325, %get3A_326] {strides = array<i32>} : memref<200x128xi32, #tpu.memory_space<vmem>>, vector<16xi32>,
    %shift_right_logical3A_328 = arith.constant 1 : i32
    %shift_right_logical3A_329 = vector.broadcast %shift_right_logical3A_328 : i32 to vector<16xi32>
    %shift_right_logical3A_330 = arith.shrui %get3A_327, %shift_right_logical3A_329 : vector<16xi32>
    %swap3A_331 = arith.constant 3 : i32
    %swap3A_332 = arith.index_cast %swap3A_331 : i32 to index
    %swap3A_333 = arith.constant 48 : index
    %swap3A_334 = tpu.vector_load %arg6[%swap3A_332, %swap3A_333] {strides = array<i32>} : memref<4x128xi32, #tpu.memory_space<vmem>>, vector<16xi32>,
    tpu.vector_store %arg6[%swap3A_332, %swap3A_333], %shift_right_logical3A_330 {strides = array<i32>} : memref<4x128xi32, #tpu.memory_space<vmem>>, vector<16xi32>,
    %get3A_335 = arith.constant 3 : i32
    %get3A_336 = arith.index_cast %get3A_335 : i32 to index
    %get3A_337 = arith.constant 64 : index
    %get3A_338 = tpu.vector_load %arg5[%get3A_336, %get3A_337] {strides = array<i32>} : memref<200x128xi32, #tpu.memory_space<vmem>>, vector<16xi32>,
    %shift_right_logical3A_339 = arith.constant 1 : i32
    %shift_right_logical3A_340 = vector.broadcast %shift_right_logical3A_339 : i32 to vector<16xi32>
    %shift_right_logical3A_341 = arith.shrui %get3A_338, %shift_right_logical3A_340 : vector<16xi32>
    %swap3A_342 = arith.constant 3 : i32
    %swap3A_343 = arith.index_cast %swap3A_342 : i32 to index
    %swap3A_344 = arith.constant 64 : index
    %swap3A_345 = tpu.vector_load %arg6[%swap3A_343, %swap3A_344] {strides = array<i32>} : memref<4x128xi32, #tpu.memory_space<vmem>>, vector<16xi32>,
    tpu.vector_store %arg6[%swap3A_343, %swap3A_344], %shift_right_logical3A_341 {strides = array<i32>} : memref<4x128xi32, #tpu.memory_space<vmem>>, vector<16xi32>,
    %get3A_346 = arith.constant 3 : i32
    %get3A_347 = arith.index_cast %get3A_346 : i32 to index
    %get3A_348 = arith.constant 80 : index
    %get3A_349 = tpu.vector_load %arg5[%get3A_347, %get3A_348] {strides = array<i32>} : memref<200x128xi32, #tpu.memory_space<vmem>>, vector<16xi32>,
    %shift_right_logical3A_350 = arith.constant 1 : i32
    %shift_right_logical3A_351 = vector.broadcast %shift_right_logical3A_350 : i32 to vector<16xi32>
    %shift_right_logical3A_352 = arith.shrui %get3A_349, %shift_right_logical3A_351 : vector<16xi32>
    %swap3A_353 = arith.constant 3 : i32
    %swap3A_354 = arith.index_cast %swap3A_353 : i32 to index
    %swap3A_355 = arith.constant 80 : index
    %swap3A_356 = tpu.vector_load %arg6[%swap3A_354, %swap3A_355] {strides = array<i32>} : memref<4x128xi32, #tpu.memory_space<vmem>>, vector<16xi32>,
    tpu.vector_store %arg6[%swap3A_354, %swap3A_355], %shift_right_logical3A_352 {strides = array<i32>} : memref<4x128xi32, #tpu.memory_space<vmem>>, vector<16xi32>,
    %get3A_357 = arith.constant 3 : i32
    %get3A_358 = arith.index_cast %get3A_357 : i32 to index
    %get3A_359 = arith.constant 96 : index
    %get3A_360 = tpu.vector_load %arg5[%get3A_358, %get3A_359] {strides = array<i32>} : memref<200x128xi32, #tpu.memory_space<vmem>>, vector<16xi32>,
    %shift_right_logical3A_361 = arith.constant 1 : i32
    %shift_right_logical3A_362 = vector.broadcast %shift_right_logical3A_361 : i32 to vector<16xi32>
    %shift_right_logical3A_363 = arith.shrui %get3A_360, %shift_right_logical3A_362 : vector<16xi32>
    %swap3A_364 = arith.constant 3 : i32
    %swap3A_365 = arith.index_cast %swap3A_364 : i32 to index
    %swap3A_366 = arith.constant 96 : index
    %swap3A_367 = tpu.vector_load %arg6[%swap3A_365, %swap3A_366] {strides = array<i32>} : memref<4x128xi32, #tpu.memory_space<vmem>>, vector<16xi32>,
    tpu.vector_store %arg6[%swap3A_365, %swap3A_366], %shift_right_logical3A_363 {strides = array<i32>} : memref<4x128xi32, #tpu.memory_space<vmem>>, vector<16xi32>,
    %get3A_368 = arith.constant 3 : i32
    %get3A_369 = arith.index_cast %get3A_368 : i32 to index
    %get3A_370 = arith.constant 112 : index
    %get3A_371 = tpu.vector_load %arg5[%get3A_369, %get3A_370] {strides = array<i32>} : memref<200x128xi32, #tpu.memory_space<vmem>>, vector<16xi32>,
    %shift_right_logical3A_372 = arith.constant 1 : i32
    %shift_right_logical3A_373 = vector.broadcast %shift_right_logical3A_372 : i32 to vector<16xi32>
    %shift_right_logical3A_374 = arith.shrui %get3A_371, %shift_right_logical3A_373 : vector<16xi32>
    %swap3A_375 = arith.constant 3 : i32
    %swap3A_376 = arith.index_cast %swap3A_375 : i32 to index
    %swap3A_377 = arith.constant 112 : index
    %swap3A_378 = tpu.vector_load %arg6[%swap3A_376, %swap3A_377] {strides = array<i32>} : memref<4x128xi32, #tpu.memory_space<vmem>>, vector<16xi32>,
    tpu.vector_store %arg6[%swap3A_376, %swap3A_377], %shift_right_logical3A_374 {strides = array<i32>} : memref<4x128xi32, #tpu.memory_space<vmem>>, vector<16xi32>,
    %dma_start3A_379 = arith.constant 3 : i32
    %dma_start3A_380 = arith.constant 0 : i32
    %dma_start3A_381 = tpu.memref_slice %arg6[%dma_start3A_379, %dma_start3A_380] : memref<4x128xi32, #tpu.memory_space<vmem>> -> memref<1x128xi32, #tpu.memory_space<vmem>>
    %dma_start3A_382 = tpu.memref_squeeze %dma_start3A_381 : memref<1x128xi32, #tpu.memory_space<vmem>> -> memref<128xi32, #tpu.memory_space<vmem>>
    %dma_start3A_383 = arith.constant 0 : i32
    %dma_start3A_384 = arith.constant 0 : i32
    %dma_start3A_385 = tpu.memref_slice %arg3[%dma_start3A_383, %dma_start3A_384] : memref<500000x128xf32, #tpu.memory_space<hbm>> -> memref<500000x128xf32, #tpu.memory_space<hbm>>
    tpu.enqueue_indirect_dma source(%dma_start3A_385 : memref<500000x128xf32, #tpu.memory_space<hbm>>) target(%arg10 : memref<128x128xf32, #tpu.memory_space<vmem>>) offsets(%dma_start3A_382 : memref<128xi32, #tpu.memory_space<vmem>>) semaphore(%arg16 : memref<!tpu.dma_semaphore, #tpu.memory_space<semaphore_mem>>)
    %scan3A = arith.constant 0 : i32
    %scan3A_386 = arith.constant 0 : i32
    %scan3A_387 = arith.constant 50 : i32
    %scan3A_388 = arith.addi %scan3A_386, %scan3A_387 : i32
    %scan3A_389 = arith.constant 1 : i32
    scf.for %scan3A_408 = %scan3A_386 to %scan3A_388 step %scan3A_389  : i32 {
      %mul3A_409 = arith.constant 4 : i32
      %mul3A_410 = arith.muli %scan3A_408, %mul3A_409 : i32
      %add3A_411 = arith.constant 0 : i32
      %add3A_412 = arith.addi %mul3A_410, %add3A_411 : i32
      %dma_wait3A_413 = arith.constant 0 : i32
      %dma_wait3A_414 = arith.constant 0 : i32
      %dma_wait3A_415 = tpu.memref_slice %arg6[%dma_wait3A_413, %dma_wait3A_414] : memref<4x128xi32, #tpu.memory_space<vmem>> -> memref<1x128xi32, #tpu.memory_space<vmem>>
      %dma_wait3A_416 = tpu.memref_squeeze %dma_wait3A_415 : memref<1x128xi32, #tpu.memory_space<vmem>> -> memref<128xi32, #tpu.memory_space<vmem>>
      %dma_wait3A_417 = arith.constant 0 : i32
      %dma_wait3A_418 = arith.constant 0 : i32
      %dma_wait3A_419 = tpu.memref_slice %arg3[%dma_wait3A_417, %dma_wait3A_418] : memref<500000x128xf32, #tpu.memory_space<hbm>> -> memref<500000x128xf32, #tpu.memory_space<hbm>>
      tpu.wait_indirect_dma semaphore(%arg13 : memref<!tpu.dma_semaphore, #tpu.memory_space<semaphore_mem>>) src(%dma_wait3A_419 : memref<500000x128xf32, #tpu.memory_space<hbm>>) dst(%arg7 : memref<128x128xf32, #tpu.memory_space<vmem>>)
      %ge3A = arith.constant 2 : i32
      %ge3A_420 = arith.cmpi sge, %add3A_412, %ge3A : i32
      %convert_element_type3A = arith.extui %ge3A_420 : i1 to i32
      %cond3A = arith.constant 0 : i32
      %cond3A_421 = arith.cmpi ne, %convert_element_type3A, %cond3A : i32
      scf.if %cond3A_421 {
        %sub3A = arith.constant 2 : i32
        %sub3A_841 = arith.subi %add3A_412, %sub3A : i32
        %mul3A_842 = arith.constant 128 : i32
        %mul3A_843 = arith.muli %add3A, %mul3A_842 : i32
        %dma_wait3A_844 = arith.constant 0 : i32
        %dma_wait3A_845 = tpu.memref_slice %arg4[%sub3A_841, %dma_wait3A_844, %mul3A_843] : memref<200x64x4096xf32, #tpu.memory_space<hbm>> -> memref<1x64x128xf32, #tpu.memory_space<hbm>>
        %dma_wait3A_846 = tpu.memref_squeeze %dma_wait3A_845 : memref<1x64x128xf32, #tpu.memory_space<hbm>> -> memref<64x128xf32, #tpu.memory_space<hbm>>
        %dma_wait3A_847 = arith.constant 0 : i32
        %dma_wait3A_848 = tpu.memref_slice %arg4[%sub3A_841, %dma_wait3A_847, %mul3A_843] : memref<200x64x4096xf32, #tpu.memory_space<hbm>> -> memref<1x64x128xf32, #tpu.memory_space<hbm>>
        %dma_wait3A_849 = tpu.memref_squeeze %dma_wait3A_848 : memref<1x64x128xf32, #tpu.memory_space<hbm>> -> memref<64x128xf32, #tpu.memory_space<hbm>>
        tpu.wait_dma2 semaphore(%arg17 : memref<!tpu.dma_semaphore, #tpu.memory_space<semaphore_mem>>) src(%arg11 : memref<64x128xf32, #tpu.memory_space<vmem>>) dst(%dma_wait3A_849 : memref<64x128xf32, #tpu.memory_space<hbm>>)
      } else {
      }
      %get3A_422 = arith.index_cast %add3A_412 : i32 to index
      %get3A_423 = arith.constant 0 : index
      %get3A_424 = tpu.vector_load %arg5[%get3A_422, %get3A_423] {strides = array<i32>} : memref<200x128xi32, #tpu.memory_space<vmem>>, vector<16xi32>,
      %and3A_425 = arith.constant 1 : i32
      %and3A_426 = vector.broadcast %and3A_425 : i32 to vector<16xi32>
      %and3A_427 = arith.andi %get3A_424, %and3A_426 : vector<16xi32>
      %shift_left3A_428 = arith.constant 6 : i32
      %shift_left3A_429 = vector.broadcast %shift_left3A_428 : i32 to vector<16xi32>
      %shift_left3A_430 = arith.shli %and3A_427, %shift_left3A_429 : vector<16xi32>
      %get3A_431 = arith.index_cast %add3A_412 : i32 to index
      %get3A_432 = arith.constant 16 : index
      %get3A_433 = tpu.vector_load %arg5[%get3A_431, %get3A_432] {strides = array<i32>} : memref<200x128xi32, #tpu.memory_space<vmem>>, vector<16xi32>,
      %and3A_434 = arith.constant 1 : i32
      %and3A_435 = vector.broadcast %and3A_434 : i32 to vector<16xi32>
      %and3A_436 = arith.andi %get3A_433, %and3A_435 : vector<16xi32>
      %shift_left3A_437 = arith.constant 6 : i32
      %shift_left3A_438 = vector.broadcast %shift_left3A_437 : i32 to vector<16xi32>
      %shift_left3A_439 = arith.shli %and3A_436, %shift_left3A_438 : vector<16xi32>
      %get3A_440 = arith.index_cast %add3A_412 : i32 to index
      %get3A_441 = arith.constant 32 : index
      %get3A_442 = tpu.vector_load %arg5[%get3A_440, %get3A_441] {strides = array<i32>} : memref<200x128xi32, #tpu.memory_space<vmem>>, vector<16xi32>,
      %and3A_443 = arith.constant 1 : i32
      %and3A_444 = vector.broadcast %and3A_443 : i32 to vector<16xi32>
      %and3A_445 = arith.andi %get3A_442, %and3A_444 : vector<16xi32>
      %shift_left3A_446 = arith.constant 6 : i32
      %shift_left3A_447 = vector.broadcast %shift_left3A_446 : i32 to vector<16xi32>
      %shift_left3A_448 = arith.shli %and3A_445, %shift_left3A_447 : vector<16xi32>
      %get3A_449 = arith.index_cast %add3A_412 : i32 to index
      %get3A_450 = arith.constant 48 : index
      %get3A_451 = tpu.vector_load %arg5[%get3A_449, %get3A_450] {strides = array<i32>} : memref<200x128xi32, #tpu.memory_space<vmem>>, vector<16xi32>,
      %and3A_452 = arith.constant 1 : i32
      %and3A_453 = vector.broadcast %and3A_452 : i32 to vector<16xi32>
      %and3A_454 = arith.andi %get3A_451, %and3A_453 : vector<16xi32>
      %shift_left3A_455 = arith.constant 6 : i32
      %shift_left3A_456 = vector.broadcast %shift_left3A_455 : i32 to vector<16xi32>
      %shift_left3A_457 = arith.shli %and3A_454, %shift_left3A_456 : vector<16xi32>
      %get3A_458 = arith.index_cast %add3A_412 : i32 to index
      %get3A_459 = arith.constant 64 : index
      %get3A_460 = tpu.vector_load %arg5[%get3A_458, %get3A_459] {strides = array<i32>} : memref<200x128xi32, #tpu.memory_space<vmem>>, vector<16xi32>,
      %and3A_461 = arith.constant 1 : i32
      %and3A_462 = vector.broadcast %and3A_461 : i32 to vector<16xi32>
      %and3A_463 = arith.andi %get3A_460, %and3A_462 : vector<16xi32>
      %shift_left3A_464 = arith.constant 6 : i32
      %shift_left3A_465 = vector.broadcast %shift_left3A_464 : i32 to vector<16xi32>
      %shift_left3A_466 = arith.shli %and3A_463, %shift_left3A_465 : vector<16xi32>
      %get3A_467 = arith.index_cast %add3A_412 : i32 to index
      %get3A_468 = arith.constant 80 : index
      %get3A_469 = tpu.vector_load %arg5[%get3A_467, %get3A_468] {strides = array<i32>} : memref<200x128xi32, #tpu.memory_space<vmem>>, vector<16xi32>,
      %and3A_470 = arith.constant 1 : i32
      %and3A_471 = vector.broadcast %and3A_470 : i32 to vector<16xi32>
      %and3A_472 = arith.andi %get3A_469, %and3A_471 : vector<16xi32>
      %shift_left3A_473 = arith.constant 6 : i32
      %shift_left3A_474 = vector.broadcast %shift_left3A_473 : i32 to vector<16xi32>
      %shift_left3A_475 = arith.shli %and3A_472, %shift_left3A_474 : vector<16xi32>
      %get3A_476 = arith.index_cast %add3A_412 : i32 to index
      %get3A_477 = arith.constant 96 : index
      %get3A_478 = tpu.vector_load %arg5[%get3A_476, %get3A_477] {strides = array<i32>} : memref<200x128xi32, #tpu.memory_space<vmem>>, vector<16xi32>,
      %and3A_479 = arith.constant 1 : i32
      %and3A_480 = vector.broadcast %and3A_479 : i32 to vector<16xi32>
      %and3A_481 = arith.andi %get3A_478, %and3A_480 : vector<16xi32>
      %shift_left3A_482 = arith.constant 6 : i32
      %shift_left3A_483 = vector.broadcast %shift_left3A_482 : i32 to vector<16xi32>
      %shift_left3A_484 = arith.shli %and3A_481, %shift_left3A_483 : vector<16xi32>
      %get3A_485 = arith.index_cast %add3A_412 : i32 to index
      %get3A_486 = arith.constant 112 : index
      %get3A_487 = tpu.vector_load %arg5[%get3A_485, %get3A_486] {strides = array<i32>} : memref<200x128xi32, #tpu.memory_space<vmem>>, vector<16xi32>,
      %and3A_488 = arith.constant 1 : i32
      %and3A_489 = vector.broadcast %and3A_488 : i32 to vector<16xi32>
      %and3A_490 = arith.andi %get3A_487, %and3A_489 : vector<16xi32>
      %shift_left3A_491 = arith.constant 6 : i32
      %shift_left3A_492 = vector.broadcast %shift_left3A_491 : i32 to vector<16xi32>
      %shift_left3A_493 = arith.shli %and3A_490, %shift_left3A_492 : vector<16xi32>
      %scan3A_494 = arith.constant 0 : i32
      %scan3A_495 = arith.constant 0 : i32
      %scan3A_496 = arith.constant 16 : i32
      %scan3A_497 = arith.addi %scan3A_495, %scan3A_496 : i32
      %scan3A_498 = arith.constant 1 : i32
      scf.for %scan3A_841 = %scan3A_495 to %scan3A_497 step %scan3A_498  : i32 {
        %add3A_842 = vector.broadcast %scan3A_841 : i32 to vector<16xi32>
        %add3A_843 = arith.addi %iota3A, %add3A_842 : vector<16xi32>
        %and3A_844 = arith.constant 15 : i32
        %and3A_845 = vector.broadcast %and3A_844 : i32 to vector<16xi32>
        %and3A_846 = arith.andi %add3A_843, %and3A_845 : vector<16xi32>
        %add3A_847 = arith.constant 0 : i32
        %add3A_848 = vector.broadcast %add3A_847 : i32 to vector<16xi32>
        %add3A_849 = arith.addi %add3A_848, %iota3A : vector<16xi32>
        %add3A_850 = arith.constant 0 : i32
        %add3A_851 = vector.broadcast %add3A_850 : i32 to vector<16xi32>
        %add3A_852 = arith.addi %add3A_851, %and3A_846 : vector<16xi32>
        %add3A_853 = arith.addi %shift_left3A_430, %add3A_852 : vector<16xi32>
        %gather3A = tpu.vector_load_idx %arg7[%add3A_849, %add3A_853] : memref<128x128xf32, #tpu.memory_space<vmem>>[vector<16xi32>, vector<16xi32>], vector<16xf32>,
        %add3A_854 = arith.constant 0 : i32
        %add3A_855 = vector.broadcast %add3A_854 : i32 to vector<16xi32>
        %add3A_856 = arith.addi %add3A_855, %and3A_846 : vector<16xi32>
        tpu.vector_store_idx %arg11[%add3A_856, %add3A_849], %gather3A : memref<64x128xf32, #tpu.memory_space<vmem>>[vector<16xi32>, vector<16xi32>], vector<16xf32>,
        %add3A_857 = arith.constant 16 : i32
        %add3A_858 = vector.broadcast %add3A_857 : i32 to vector<16xi32>
        %add3A_859 = arith.addi %add3A_858, %and3A_846 : vector<16xi32>
        %add3A_860 = arith.addi %shift_left3A_430, %add3A_859 : vector<16xi32>
        %gather3A_861 = tpu.vector_load_idx %arg7[%add3A_849, %add3A_860] : memref<128x128xf32, #tpu.memory_space<vmem>>[vector<16xi32>, vector<16xi32>], vector<16xf32>,
        %add3A_862 = arith.constant 16 : i32
        %add3A_863 = vector.broadcast %add3A_862 : i32 to vector<16xi32>
        %add3A_864 = arith.addi %add3A_863, %and3A_846 : vector<16xi32>
        tpu.vector_store_idx %arg11[%add3A_864, %add3A_849], %gather3A_861 : memref<64x128xf32, #tpu.memory_space<vmem>>[vector<16xi32>, vector<16xi32>], vector<16xf32>,
        %add3A_865 = arith.constant 32 : i32
        %add3A_866 = vector.broadcast %add3A_865 : i32 to vector<16xi32>
        %add3A_867 = arith.addi %add3A_866, %and3A_846 : vector<16xi32>
        %add3A_868 = arith.addi %shift_left3A_430, %add3A_867 : vector<16xi32>
        %gather3A_869 = tpu.vector_load_idx %arg7[%add3A_849, %add3A_868] : memref<128x128xf32, #tpu.memory_space<vmem>>[vector<16xi32>, vector<16xi32>], vector<16xf32>,
        %add3A_870 = arith.constant 32 : i32
        %add3A_871 = vector.broadcast %add3A_870 : i32 to vector<16xi32>
        %add3A_872 = arith.addi %add3A_871, %and3A_846 : vector<16xi32>
        tpu.vector_store_idx %arg11[%add3A_872, %add3A_849], %gather3A_869 : memref<64x128xf32, #tpu.memory_space<vmem>>[vector<16xi32>, vector<16xi32>], vector<16xf32>,
        %add3A_873 = arith.constant 48 : i32
        %add3A_874 = vector.broadcast %add3A_873 : i32 to vector<16xi32>
        %add3A_875 = arith.addi %add3A_874, %and3A_846 : vector<16xi32>
        %add3A_876 = arith.addi %shift_left3A_430, %add3A_875 : vector<16xi32>
        %gather3A_877 = tpu.vector_load_idx %arg7[%add3A_849, %add3A_876] : memref<128x128xf32, #tpu.memory_space<vmem>>[vector<16xi32>, vector<16xi32>], vector<16xf32>,
        %add3A_878 = arith.constant 48 : i32
        %add3A_879 = vector.broadcast %add3A_878 : i32 to vector<16xi32>
        %add3A_880 = arith.addi %add3A_879, %and3A_846 : vector<16xi32>
        tpu.vector_store_idx %arg11[%add3A_880, %add3A_849], %gather3A_877 : memref<64x128xf32, #tpu.memory_space<vmem>>[vector<16xi32>, vector<16xi32>], vector<16xf32>,
        %add3A_881 = arith.constant 16 : i32
        %add3A_882 = vector.broadcast %add3A_881 : i32 to vector<16xi32>
        %add3A_883 = arith.addi %add3A_882, %iota3A : vector<16xi32>
        %add3A_884 = arith.constant 0 : i32
        %add3A_885 = vector.broadcast %add3A_884 : i32 to vector<16xi32>
        %add3A_886 = arith.addi %add3A_885, %and3A_846 : vector<16xi32>
        %add3A_887 = arith.addi %shift_left3A_439, %add3A_886 : vector<16xi32>
        %gather3A_888 = tpu.vector_load_idx %arg7[%add3A_883, %add3A_887] : memref<128x128xf32, #tpu.memory_space<vmem>>[vector<16xi32>, vector<16xi32>], vector<16xf32>,
        %add3A_889 = arith.constant 0 : i32
        %add3A_890 = vector.broadcast %add3A_889 : i32 to vector<16xi32>
        %add3A_891 = arith.addi %add3A_890, %and3A_846 : vector<16xi32>
        tpu.vector_store_idx %arg11[%add3A_891, %add3A_883], %gather3A_888 : memref<64x128xf32, #tpu.memory_space<vmem>>[vector<16xi32>, vector<16xi32>], vector<16xf32>,
        %add3A_892 = arith.constant 16 : i32
        %add3A_893 = vector.broadcast %add3A_892 : i32 to vector<16xi32>
        %add3A_894 = arith.addi %add3A_893, %and3A_846 : vector<16xi32>
        %add3A_895 = arith.addi %shift_left3A_439, %add3A_894 : vector<16xi32>
        %gather3A_896 = tpu.vector_load_idx %arg7[%add3A_883, %add3A_895] : memref<128x128xf32, #tpu.memory_space<vmem>>[vector<16xi32>, vector<16xi32>], vector<16xf32>,
        %add3A_897 = arith.constant 16 : i32
        %add3A_898 = vector.broadcast %add3A_897 : i32 to vector<16xi32>
        %add3A_899 = arith.addi %add3A_898, %and3A_846 : vector<16xi32>
        tpu.vector_store_idx %arg11[%add3A_899, %add3A_883], %gather3A_896 : memref<64x128xf32, #tpu.memory_space<vmem>>[vector<16xi32>, vector<16xi32>], vector<16xf32>,
        %add3A_900 = arith.constant 32 : i32
        %add3A_901 = vector.broadcast %add3A_900 : i32 to vector<16xi32>
        %add3A_902 = arith.addi %add3A_901, %and3A_846 : vector<16xi32>
        %add3A_903 = arith.addi %shift_left3A_439, %add3A_902 : vector<16xi32>
        %gather3A_904 = tpu.vector_load_idx %arg7[%add3A_883, %add3A_903] : memref<128x128xf32, #tpu.memory_space<vmem>>[vector<16xi32>, vector<16xi32>], vector<16xf32>,
        %add3A_905 = arith.constant 32 : i32
        %add3A_906 = vector.broadcast %add3A_905 : i32 to vector<16xi32>
        %add3A_907 = arith.addi %add3A_906, %and3A_846 : vector<16xi32>
        tpu.vector_store_idx %arg11[%add3A_907, %add3A_883], %gather3A_904 : memref<64x128xf32, #tpu.memory_space<vmem>>[vector<16xi32>, vector<16xi32>], vector<16xf32>,
        %add3A_908 = arith.constant 48 : i32
        %add3A_909 = vector.broadcast %add3A_908 : i32 to vector<16xi32>
        %add3A_910 = arith.addi %add3A_909, %and3A_846 : vector<16xi32>
        %add3A_911 = arith.addi %shift_left3A_439, %add3A_910 : vector<16xi32>
        %gather3A_912 = tpu.vector_load_idx %arg7[%add3A_883, %add3A_911] : memref<128x128xf32, #tpu.memory_space<vmem>>[vector<16xi32>, vector<16xi32>], vector<16xf32>,
        %add3A_913 = arith.constant 48 : i32
        %add3A_914 = vector.broadcast %add3A_913 : i32 to vector<16xi32>
        %add3A_915 = arith.addi %add3A_914, %and3A_846 : vector<16xi32>
        tpu.vector_store_idx %arg11[%add3A_915, %add3A_883], %gather3A_912 : memref<64x128xf32, #tpu.memory_space<vmem>>[vector<16xi32>, vector<16xi32>], vector<16xf32>,
        %add3A_916 = arith.constant 32 : i32
        %add3A_917 = vector.broadcast %add3A_916 : i32 to vector<16xi32>
        %add3A_918 = arith.addi %add3A_917, %iota3A : vector<16xi32>
        %add3A_919 = arith.constant 0 : i32
        %add3A_920 = vector.broadcast %add3A_919 : i32 to vector<16xi32>
        %add3A_921 = arith.addi %add3A_920, %and3A_846 : vector<16xi32>
        %add3A_922 = arith.addi %shift_left3A_448, %add3A_921 : vector<16xi32>
        %gather3A_923 = tpu.vector_load_idx %arg7[%add3A_918, %add3A_922] : memref<128x128xf32, #tpu.memory_space<vmem>>[vector<16xi32>, vector<16xi32>], vector<16xf32>,
        %add3A_924 = arith.constant 0 : i32
        %add3A_925 = vector.broadcast %add3A_924 : i32 to vector<16xi32>
        %add3A_926 = arith.addi %add3A_925, %and3A_846 : vector<16xi32>
        tpu.vector_store_idx %arg11[%add3A_926, %add3A_918], %gather3A_923 : memref<64x128xf32, #tpu.memory_space<vmem>>[vector<16xi32>, vector<16xi32>], vector<16xf32>,
        %add3A_927 = arith.constant 16 : i32
        %add3A_928 = vector.broadcast %add3A_927 : i32 to vector<16xi32>
        %add3A_929 = arith.addi %add3A_928, %and3A_846 : vector<16xi32>
        %add3A_930 = arith.addi %shift_left3A_448, %add3A_929 : vector<16xi32>
        %gather3A_931 = tpu.vector_load_idx %arg7[%add3A_918, %add3A_930] : memref<128x128xf32, #tpu.memory_space<vmem>>[vector<16xi32>, vector<16xi32>], vector<16xf32>,
        %add3A_932 = arith.constant 16 : i32
        %add3A_933 = vector.broadcast %add3A_932 : i32 to vector<16xi32>
        %add3A_934 = arith.addi %add3A_933, %and3A_846 : vector<16xi32>
        tpu.vector_store_idx %arg11[%add3A_934, %add3A_918], %gather3A_931 : memref<64x128xf32, #tpu.memory_space<vmem>>[vector<16xi32>, vector<16xi32>], vector<16xf32>,
        %add3A_935 = arith.constant 32 : i32
        %add3A_936 = vector.broadcast %add3A_935 : i32 to vector<16xi32>
        %add3A_937 = arith.addi %add3A_936, %and3A_846 : vector<16xi32>
        %add3A_938 = arith.addi %shift_left3A_448, %add3A_937 : vector<16xi32>
        %gather3A_939 = tpu.vector_load_idx %arg7[%add3A_918, %add3A_938] : memref<128x128xf32, #tpu.memory_space<vmem>>[vector<16xi32>, vector<16xi32>], vector<16xf32>,
        %add3A_940 = arith.constant 32 : i32
        %add3A_941 = vector.broadcast %add3A_940 : i32 to vector<16xi32>
        %add3A_942 = arith.addi %add3A_941, %and3A_846 : vector<16xi32>
        tpu.vector_store_idx %arg11[%add3A_942, %add3A_918], %gather3A_939 : memref<64x128xf32, #tpu.memory_space<vmem>>[vector<16xi32>, vector<16xi32>], vector<16xf32>,
        %add3A_943 = arith.constant 48 : i32
        %add3A_944 = vector.broadcast %add3A_943 : i32 to vector<16xi32>
        %add3A_945 = arith.addi %add3A_944, %and3A_846 : vector<16xi32>
        %add3A_946 = arith.addi %shift_left3A_448, %add3A_945 : vector<16xi32>
        %gather3A_947 = tpu.vector_load_idx %arg7[%add3A_918, %add3A_946] : memref<128x128xf32, #tpu.memory_space<vmem>>[vector<16xi32>, vector<16xi32>], vector<16xf32>,
        %add3A_948 = arith.constant 48 : i32
        %add3A_949 = vector.broadcast %add3A_948 : i32 to vector<16xi32>
        %add3A_950 = arith.addi %add3A_949, %and3A_846 : vector<16xi32>
        tpu.vector_store_idx %arg11[%add3A_950, %add3A_918], %gather3A_947 : memref<64x128xf32, #tpu.memory_space<vmem>>[vector<16xi32>, vector<16xi32>], vector<16xf32>,
        %add3A_951 = arith.constant 48 : i32
        %add3A_952 = vector.broadcast %add3A_951 : i32 to vector<16xi32>
        %add3A_953 = arith.addi %add3A_952, %iota3A : vector<16xi32>
        %add3A_954 = arith.constant 0 : i32
        %add3A_955 = vector.broadcast %add3A_954 : i32 to vector<16xi32>
        %add3A_956 = arith.addi %add3A_955, %and3A_846 : vector<16xi32>
        %add3A_957 = arith.addi %shift_left3A_457, %add3A_956 : vector<16xi32>
        %gather3A_958 = tpu.vector_load_idx %arg7[%add3A_953, %add3A_957] : memref<128x128xf32, #tpu.memory_space<vmem>>[vector<16xi32>, vector<16xi32>], vector<16xf32>,
        %add3A_959 = arith.constant 0 : i32
        %add3A_960 = vector.broadcast %add3A_959 : i32 to vector<16xi32>
        %add3A_961 = arith.addi %add3A_960, %and3A_846 : vector<16xi32>
        tpu.vector_store_idx %arg11[%add3A_961, %add3A_953], %gather3A_958 : memref<64x128xf32, #tpu.memory_space<vmem>>[vector<16xi32>, vector<16xi32>], vector<16xf32>,
        %add3A_962 = arith.constant 16 : i32
        %add3A_963 = vector.broadcast %add3A_962 : i32 to vector<16xi32>
        %add3A_964 = arith.addi %add3A_963, %and3A_846 : vector<16xi32>
        %add3A_965 = arith.addi %shift_left3A_457, %add3A_964 : vector<16xi32>
        %gather3A_966 = tpu.vector_load_idx %arg7[%add3A_953, %add3A_965] : memref<128x128xf32, #tpu.memory_space<vmem>>[vector<16xi32>, vector<16xi32>], vector<16xf32>,
        %add3A_967 = arith.constant 16 : i32
        %add3A_968 = vector.broadcast %add3A_967 : i32 to vector<16xi32>
        %add3A_969 = arith.addi %add3A_968, %and3A_846 : vector<16xi32>
        tpu.vector_store_idx %arg11[%add3A_969, %add3A_953], %gather3A_966 : memref<64x128xf32, #tpu.memory_space<vmem>>[vector<16xi32>, vector<16xi32>], vector<16xf32>,
        %add3A_970 = arith.constant 32 : i32
        %add3A_971 = vector.broadcast %add3A_970 : i32 to vector<16xi32>
        %add3A_972 = arith.addi %add3A_971, %and3A_846 : vector<16xi32>
        %add3A_973 = arith.addi %shift_left3A_457, %add3A_972 : vector<16xi32>
        %gather3A_974 = tpu.vector_load_idx %arg7[%add3A_953, %add3A_973] : memref<128x128xf32, #tpu.memory_space<vmem>>[vector<16xi32>, vector<16xi32>], vector<16xf32>,
        %add3A_975 = arith.constant 32 : i32
        %add3A_976 = vector.broadcast %add3A_975 : i32 to vector<16xi32>
        %add3A_977 = arith.addi %add3A_976, %and3A_846 : vector<16xi32>
        tpu.vector_store_idx %arg11[%add3A_977, %add3A_953], %gather3A_974 : memref<64x128xf32, #tpu.memory_space<vmem>>[vector<16xi32>, vector<16xi32>], vector<16xf32>,
        %add3A_978 = arith.constant 48 : i32
        %add3A_979 = vector.broadcast %add3A_978 : i32 to vector<16xi32>
        %add3A_980 = arith.addi %add3A_979, %and3A_846 : vector<16xi32>
        %add3A_981 = arith.addi %shift_left3A_457, %add3A_980 : vector<16xi32>
        %gather3A_982 = tpu.vector_load_idx %arg7[%add3A_953, %add3A_981] : memref<128x128xf32, #tpu.memory_space<vmem>>[vector<16xi32>, vector<16xi32>], vector<16xf32>,
        %add3A_983 = arith.constant 48 : i32
        %add3A_984 = vector.broadcast %add3A_983 : i32 to vector<16xi32>
        %add3A_985 = arith.addi %add3A_984, %and3A_846 : vector<16xi32>
        tpu.vector_store_idx %arg11[%add3A_985, %add3A_953], %gather3A_982 : memref<64x128xf32, #tpu.memory_space<vmem>>[vector<16xi32>, vector<16xi32>], vector<16xf32>,
        %add3A_986 = arith.constant 64 : i32
        %add3A_987 = vector.broadcast %add3A_986 : i32 to vector<16xi32>
        %add3A_988 = arith.addi %add3A_987, %iota3A : vector<16xi32>
        %add3A_989 = arith.constant 0 : i32
        %add3A_990 = vector.broadcast %add3A_989 : i32 to vector<16xi32>
        %add3A_991 = arith.addi %add3A_990, %and3A_846 : vector<16xi32>
        %add3A_992 = arith.addi %shift_left3A_466, %add3A_991 : vector<16xi32>
        %gather3A_993 = tpu.vector_load_idx %arg7[%add3A_988, %add3A_992] : memref<128x128xf32, #tpu.memory_space<vmem>>[vector<16xi32>, vector<16xi32>], vector<16xf32>,
        %add3A_994 = arith.constant 0 : i32
        %add3A_995 = vector.broadcast %add3A_994 : i32 to vector<16xi32>
        %add3A_996 = arith.addi %add3A_995, %and3A_846 : vector<16xi32>
        tpu.vector_store_idx %arg11[%add3A_996, %add3A_988], %gather3A_993 : memref<64x128xf32, #tpu.memory_space<vmem>>[vector<16xi32>, vector<16xi32>], vector<16xf32>,
        %add3A_997 = arith.constant 16 : i32
        %add3A_998 = vector.broadcast %add3A_997 : i32 to vector<16xi32>
        %add3A_999 = arith.addi %add3A_998, %and3A_846 : vector<16xi32>
        %add3A_1000 = arith.addi %shift_left3A_466, %add3A_999 : vector<16xi32>
        %gather3A_1001 = tpu.vector_load_idx %arg7[%add3A_988, %add3A_1000] : memref<128x128xf32, #tpu.memory_space<vmem>>[vector<16xi32>, vector<16xi32>], vector<16xf32>,
        %add3A_1002 = arith.constant 16 : i32
        %add3A_1003 = vector.broadcast %add3A_1002 : i32 to vector<16xi32>
        %add3A_1004 = arith.addi %add3A_1003, %and3A_846 : vector<16xi32>
        tpu.vector_store_idx %arg11[%add3A_1004, %add3A_988], %gather3A_1001 : memref<64x128xf32, #tpu.memory_space<vmem>>[vector<16xi32>, vector<16xi32>], vector<16xf32>,
        %add3A_1005 = arith.constant 32 : i32
        %add3A_1006 = vector.broadcast %add3A_1005 : i32 to vector<16xi32>
        %add3A_1007 = arith.addi %add3A_1006, %and3A_846 : vector<16xi32>
        %add3A_1008 = arith.addi %shift_left3A_466, %add3A_1007 : vector<16xi32>
        %gather3A_1009 = tpu.vector_load_idx %arg7[%add3A_988, %add3A_1008] : memref<128x128xf32, #tpu.memory_space<vmem>>[vector<16xi32>, vector<16xi32>], vector<16xf32>,
        %add3A_1010 = arith.constant 32 : i32
        %add3A_1011 = vector.broadcast %add3A_1010 : i32 to vector<16xi32>
        %add3A_1012 = arith.addi %add3A_1011, %and3A_846 : vector<16xi32>
        tpu.vector_store_idx %arg11[%add3A_1012, %add3A_988], %gather3A_1009 : memref<64x128xf32, #tpu.memory_space<vmem>>[vector<16xi32>, vector<16xi32>], vector<16xf32>,
        %add3A_1013 = arith.constant 48 : i32
        %add3A_1014 = vector.broadcast %add3A_1013 : i32 to vector<16xi32>
        %add3A_1015 = arith.addi %add3A_1014, %and3A_846 : vector<16xi32>
        %add3A_1016 = arith.addi %shift_left3A_466, %add3A_1015 : vector<16xi32>
        %gather3A_1017 = tpu.vector_load_idx %arg7[%add3A_988, %add3A_1016] : memref<128x128xf32, #tpu.memory_space<vmem>>[vector<16xi32>, vector<16xi32>], vector<16xf32>,
        %add3A_1018 = arith.constant 48 : i32
        %add3A_1019 = vector.broadcast %add3A_1018 : i32 to vector<16xi32>
        %add3A_1020 = arith.addi %add3A_1019, %and3A_846 : vector<16xi32>
        tpu.vector_store_idx %arg11[%add3A_1020, %add3A_988], %gather3A_1017 : memref<64x128xf32, #tpu.memory_space<vmem>>[vector<16xi32>, vector<16xi32>], vector<16xf32>,
        %add3A_1021 = arith.constant 80 : i32
        %add3A_1022 = vector.broadcast %add3A_1021 : i32 to vector<16xi32>
        %add3A_1023 = arith.addi %add3A_1022, %iota3A : vector<16xi32>
        %add3A_1024 = arith.constant 0 : i32
        %add3A_1025 = vector.broadcast %add3A_1024 : i32 to vector<16xi32>
        %add3A_1026 = arith.addi %add3A_1025, %and3A_846 : vector<16xi32>
        %add3A_1027 = arith.addi %shift_left3A_475, %add3A_1026 : vector<16xi32>
        %gather3A_1028 = tpu.vector_load_idx %arg7[%add3A_1023, %add3A_1027] : memref<128x128xf32, #tpu.memory_space<vmem>>[vector<16xi32>, vector<16xi32>], vector<16xf32>,
        %add3A_1029 = arith.constant 0 : i32
        %add3A_1030 = vector.broadcast %add3A_1029 : i32 to vector<16xi32>
        %add3A_1031 = arith.addi %add3A_1030, %and3A_846 : vector<16xi32>
        tpu.vector_store_idx %arg11[%add3A_1031, %add3A_1023], %gather3A_1028 : memref<64x128xf32, #tpu.memory_space<vmem>>[vector<16xi32>, vector<16xi32>], vector<16xf32>,
        %add3A_1032 = arith.constant 16 : i32
        %add3A_1033 = vector.broadcast %add3A_1032 : i32 to vector<16xi32>
        %add3A_1034 = arith.addi %add3A_1033, %and3A_846 : vector<16xi32>
        %add3A_1035 = arith.addi %shift_left3A_475, %add3A_1034 : vector<16xi32>
        %gather3A_1036 = tpu.vector_load_idx %arg7[%add3A_1023, %add3A_1035] : memref<128x128xf32, #tpu.memory_space<vmem>>[vector<16xi32>, vector<16xi32>], vector<16xf32>,
        %add3A_1037 = arith.constant 16 : i32
        %add3A_1038 = vector.broadcast %add3A_1037 : i32 to vector<16xi32>
        %add3A_1039 = arith.addi %add3A_1038, %and3A_846 : vector<16xi32>
        tpu.vector_store_idx %arg11[%add3A_1039, %add3A_1023], %gather3A_1036 : memref<64x128xf32, #tpu.memory_space<vmem>>[vector<16xi32>, vector<16xi32>], vector<16xf32>,
        %add3A_1040 = arith.constant 32 : i32
        %add3A_1041 = vector.broadcast %add3A_1040 : i32 to vector<16xi32>
        %add3A_1042 = arith.addi %add3A_1041, %and3A_846 : vector<16xi32>
        %add3A_1043 = arith.addi %shift_left3A_475, %add3A_1042 : vector<16xi32>
        %gather3A_1044 = tpu.vector_load_idx %arg7[%add3A_1023, %add3A_1043] : memref<128x128xf32, #tpu.memory_space<vmem>>[vector<16xi32>, vector<16xi32>], vector<16xf32>,
        %add3A_1045 = arith.constant 32 : i32
        %add3A_1046 = vector.broadcast %add3A_1045 : i32 to vector<16xi32>
        %add3A_1047 = arith.addi %add3A_1046, %and3A_846 : vector<16xi32>
        tpu.vector_store_idx %arg11[%add3A_1047, %add3A_1023], %gather3A_1044 : memref<64x128xf32, #tpu.memory_space<vmem>>[vector<16xi32>, vector<16xi32>], vector<16xf32>,
        %add3A_1048 = arith.constant 48 : i32
        %add3A_1049 = vector.broadcast %add3A_1048 : i32 to vector<16xi32>
        %add3A_1050 = arith.addi %add3A_1049, %and3A_846 : vector<16xi32>
        %add3A_1051 = arith.addi %shift_left3A_475, %add3A_1050 : vector<16xi32>
        %gather3A_1052 = tpu.vector_load_idx %arg7[%add3A_1023, %add3A_1051] : memref<128x128xf32, #tpu.memory_space<vmem>>[vector<16xi32>, vector<16xi32>], vector<16xf32>,
        %add3A_1053 = arith.constant 48 : i32
        %add3A_1054 = vector.broadcast %add3A_1053 : i32 to vector<16xi32>
        %add3A_1055 = arith.addi %add3A_1054, %and3A_846 : vector<16xi32>
        tpu.vector_store_idx %arg11[%add3A_1055, %add3A_1023], %gather3A_1052 : memref<64x128xf32, #tpu.memory_space<vmem>>[vector<16xi32>, vector<16xi32>], vector<16xf32>,
        %add3A_1056 = arith.constant 96 : i32
        %add3A_1057 = vector.broadcast %add3A_1056 : i32 to vector<16xi32>
        %add3A_1058 = arith.addi %add3A_1057, %iota3A : vector<16xi32>
        %add3A_1059 = arith.constant 0 : i32
        %add3A_1060 = vector.broadcast %add3A_1059 : i32 to vector<16xi32>
        %add3A_1061 = arith.addi %add3A_1060, %and3A_846 : vector<16xi32>
        %add3A_1062 = arith.addi %shift_left3A_484, %add3A_1061 : vector<16xi32>
        %gather3A_1063 = tpu.vector_load_idx %arg7[%add3A_1058, %add3A_1062] : memref<128x128xf32, #tpu.memory_space<vmem>>[vector<16xi32>, vector<16xi32>], vector<16xf32>,
        %add3A_1064 = arith.constant 0 : i32
        %add3A_1065 = vector.broadcast %add3A_1064 : i32 to vector<16xi32>
        %add3A_1066 = arith.addi %add3A_1065, %and3A_846 : vector<16xi32>
        tpu.vector_store_idx %arg11[%add3A_1066, %add3A_1058], %gather3A_1063 : memref<64x128xf32, #tpu.memory_space<vmem>>[vector<16xi32>, vector<16xi32>], vector<16xf32>,
        %add3A_1067 = arith.constant 16 : i32
        %add3A_1068 = vector.broadcast %add3A_1067 : i32 to vector<16xi32>
        %add3A_1069 = arith.addi %add3A_1068, %and3A_846 : vector<16xi32>
        %add3A_1070 = arith.addi %shift_left3A_484, %add3A_1069 : vector<16xi32>
        %gather3A_1071 = tpu.vector_load_idx %arg7[%add3A_1058, %add3A_1070] : memref<128x128xf32, #tpu.memory_space<vmem>>[vector<16xi32>, vector<16xi32>], vector<16xf32>,
        %add3A_1072 = arith.constant 16 : i32
        %add3A_1073 = vector.broadcast %add3A_1072 : i32 to vector<16xi32>
        %add3A_1074 = arith.addi %add3A_1073, %and3A_846 : vector<16xi32>
        tpu.vector_store_idx %arg11[%add3A_1074, %add3A_1058], %gather3A_1071 : memref<64x128xf32, #tpu.memory_space<vmem>>[vector<16xi32>, vector<16xi32>], vector<16xf32>,
        %add3A_1075 = arith.constant 32 : i32
        %add3A_1076 = vector.broadcast %add3A_1075 : i32 to vector<16xi32>
        %add3A_1077 = arith.addi %add3A_1076, %and3A_846 : vector<16xi32>
        %add3A_1078 = arith.addi %shift_left3A_484, %add3A_1077 : vector<16xi32>
        %gather3A_1079 = tpu.vector_load_idx %arg7[%add3A_1058, %add3A_1078] : memref<128x128xf32, #tpu.memory_space<vmem>>[vector<16xi32>, vector<16xi32>], vector<16xf32>,
        %add3A_1080 = arith.constant 32 : i32
        %add3A_1081 = vector.broadcast %add3A_1080 : i32 to vector<16xi32>
        %add3A_1082 = arith.addi %add3A_1081, %and3A_846 : vector<16xi32>
        tpu.vector_store_idx %arg11[%add3A_1082, %add3A_1058], %gather3A_1079 : memref<64x128xf32, #tpu.memory_space<vmem>>[vector<16xi32>, vector<16xi32>], vector<16xf32>,
        %add3A_1083 = arith.constant 48 : i32
        %add3A_1084 = vector.broadcast %add3A_1083 : i32 to vector<16xi32>
        %add3A_1085 = arith.addi %add3A_1084, %and3A_846 : vector<16xi32>
        %add3A_1086 = arith.addi %shift_left3A_484, %add3A_1085 : vector<16xi32>
        %gather3A_1087 = tpu.vector_load_idx %arg7[%add3A_1058, %add3A_1086] : memref<128x128xf32, #tpu.memory_space<vmem>>[vector<16xi32>, vector<16xi32>], vector<16xf32>,
        %add3A_1088 = arith.constant 48 : i32
        %add3A_1089 = vector.broadcast %add3A_1088 : i32 to vector<16xi32>
        %add3A_1090 = arith.addi %add3A_1089, %and3A_846 : vector<16xi32>
        tpu.vector_store_idx %arg11[%add3A_1090, %add3A_1058], %gather3A_1087 : memref<64x128xf32, #tpu.memory_space<vmem>>[vector<16xi32>, vector<16xi32>], vector<16xf32>,
        %add3A_1091 = arith.constant 112 : i32
        %add3A_1092 = vector.broadcast %add3A_1091 : i32 to vector<16xi32>
        %add3A_1093 = arith.addi %add3A_1092, %iota3A : vector<16xi32>
        %add3A_1094 = arith.constant 0 : i32
        %add3A_1095 = vector.broadcast %add3A_1094 : i32 to vector<16xi32>
        %add3A_1096 = arith.addi %add3A_1095, %and3A_846 : vector<16xi32>
        %add3A_1097 = arith.addi %shift_left3A_493, %add3A_1096 : vector<16xi32>
        %gather3A_1098 = tpu.vector_load_idx %arg7[%add3A_1093, %add3A_1097] : memref<128x128xf32, #tpu.memory_space<vmem>>[vector<16xi32>, vector<16xi32>], vector<16xf32>,
        %add3A_1099 = arith.constant 0 : i32
        %add3A_1100 = vector.broadcast %add3A_1099 : i32 to vector<16xi32>
        %add3A_1101 = arith.addi %add3A_1100, %and3A_846 : vector<16xi32>
        tpu.vector_store_idx %arg11[%add3A_1101, %add3A_1093], %gather3A_1098 : memref<64x128xf32, #tpu.memory_space<vmem>>[vector<16xi32>, vector<16xi32>], vector<16xf32>,
        %add3A_1102 = arith.constant 16 : i32
        %add3A_1103 = vector.broadcast %add3A_1102 : i32 to vector<16xi32>
        %add3A_1104 = arith.addi %add3A_1103, %and3A_846 : vector<16xi32>
        %add3A_1105 = arith.addi %shift_left3A_493, %add3A_1104 : vector<16xi32>
        %gather3A_1106 = tpu.vector_load_idx %arg7[%add3A_1093, %add3A_1105] : memref<128x128xf32, #tpu.memory_space<vmem>>[vector<16xi32>, vector<16xi32>], vector<16xf32>,
        %add3A_1107 = arith.constant 16 : i32
        %add3A_1108 = vector.broadcast %add3A_1107 : i32 to vector<16xi32>
        %add3A_1109 = arith.addi %add3A_1108, %and3A_846 : vector<16xi32>
        tpu.vector_store_idx %arg11[%add3A_1109, %add3A_1093], %gather3A_1106 : memref<64x128xf32, #tpu.memory_space<vmem>>[vector<16xi32>, vector<16xi32>], vector<16xf32>,
        %add3A_1110 = arith.constant 32 : i32
        %add3A_1111 = vector.broadcast %add3A_1110 : i32 to vector<16xi32>
        %add3A_1112 = arith.addi %add3A_1111, %and3A_846 : vector<16xi32>
        %add3A_1113 = arith.addi %shift_left3A_493, %add3A_1112 : vector<16xi32>
        %gather3A_1114 = tpu.vector_load_idx %arg7[%add3A_1093, %add3A_1113] : memref<128x128xf32, #tpu.memory_space<vmem>>[vector<16xi32>, vector<16xi32>], vector<16xf32>,
        %add3A_1115 = arith.constant 32 : i32
        %add3A_1116 = vector.broadcast %add3A_1115 : i32 to vector<16xi32>
        %add3A_1117 = arith.addi %add3A_1116, %and3A_846 : vector<16xi32>
        tpu.vector_store_idx %arg11[%add3A_1117, %add3A_1093], %gather3A_1114 : memref<64x128xf32, #tpu.memory_space<vmem>>[vector<16xi32>, vector<16xi32>], vector<16xf32>,
        %add3A_1118 = arith.constant 48 : i32
        %add3A_1119 = vector.broadcast %add3A_1118 : i32 to vector<16xi32>
        %add3A_1120 = arith.addi %add3A_1119, %and3A_846 : vector<16xi32>
        %add3A_1121 = arith.addi %shift_left3A_493, %add3A_1120 : vector<16xi32>
        %gather3A_1122 = tpu.vector_load_idx %arg7[%add3A_1093, %add3A_1121] : memref<128x128xf32, #tpu.memory_space<vmem>>[vector<16xi32>, vector<16xi32>], vector<16xf32>,
        %add3A_1123 = arith.constant 48 : i32
        %add3A_1124 = vector.broadcast %add3A_1123 : i32 to vector<16xi32>
        %add3A_1125 = arith.addi %add3A_1124, %and3A_846 : vector<16xi32>
        tpu.vector_store_idx %arg11[%add3A_1125, %add3A_1093], %gather3A_1122 : memref<64x128xf32, #tpu.memory_space<vmem>>[vector<16xi32>, vector<16xi32>], vector<16xf32>,
      }
      %scan3A_499 = arith.constant 16 : i32
      %mul3A_500 = arith.constant 128 : i32
      %mul3A_501 = arith.muli %add3A, %mul3A_500 : i32
      %dma_start3A_502 = arith.constant 0 : i32
      %dma_start3A_503 = tpu.memref_slice %arg4[%add3A_412, %dma_start3A_502, %mul3A_501] : memref<200x64x4096xf32, #tpu.memory_space<hbm>> -> memref<1x64x128xf32, #tpu.memory_space<hbm>>
      %dma_start3A_504 = tpu.memref_squeeze %dma_start3A_503 : memref<1x64x128xf32, #tpu.memory_space<hbm>> -> memref<64x128xf32, #tpu.memory_space<hbm>>
      %dma_start3A_505 = arith.constant 0 : i32
      %dma_start3A_506 = tpu.memref_slice %arg4[%add3A_412, %dma_start3A_505, %mul3A_501] : memref<200x64x4096xf32, #tpu.memory_space<hbm>> -> memref<1x64x128xf32, #tpu.memory_space<hbm>>
      %dma_start3A_507 = tpu.memref_squeeze %dma_start3A_506 : memref<1x64x128xf32, #tpu.memory_space<hbm>> -> memref<64x128xf32, #tpu.memory_space<hbm>>
      tpu.enqueue_dma source(%arg11 : memref<64x128xf32, #tpu.memory_space<vmem>>) target(%dma_start3A_507 : memref<64x128xf32, #tpu.memory_space<hbm>>) target_semaphore(%arg17 : memref<!tpu.dma_semaphore, #tpu.memory_space<semaphore_mem>>)
      %add3A_508 = arith.constant 4 : i32
      %add3A_509 = arith.addi %add3A_412, %add3A_508 : i32
      %lt3A = arith.constant 200 : i32
      %lt3A_510 = arith.cmpi slt, %add3A_509, %lt3A : i32
      %convert_element_type3A_511 = arith.extui %lt3A_510 : i1 to i32
      %cond3A_512 = arith.constant 0 : i32
      %cond3A_513 = arith.cmpi ne, %convert_element_type3A_511, %cond3A_512 : i32
      scf.if %cond3A_513 {
        %add3A_841 = arith.constant 4 : i32
        %add3A_842 = arith.addi %add3A_412, %add3A_841 : i32
        %get3A_843 = arith.index_cast %add3A_842 : i32 to index
        %get3A_844 = arith.constant 0 : index
        %get3A_845 = tpu.vector_load %arg5[%get3A_843, %get3A_844] {strides = array<i32>} : memref<200x128xi32, #tpu.memory_space<vmem>>, vector<16xi32>,
        %shift_right_logical3A_846 = arith.constant 1 : i32
        %shift_right_logical3A_847 = vector.broadcast %shift_right_logical3A_846 : i32 to vector<16xi32>
        %shift_right_logical3A_848 = arith.shrui %get3A_845, %shift_right_logical3A_847 : vector<16xi32>
        %swap3A_849 = arith.constant 0 : i32
        %swap3A_850 = arith.index_cast %swap3A_849 : i32 to index
        %swap3A_851 = arith.constant 0 : index
        %swap3A_852 = tpu.vector_load %arg6[%swap3A_850, %swap3A_851] {strides = array<i32>} : memref<4x128xi32, #tpu.memory_space<vmem>>, vector<16xi32>,
        tpu.vector_store %arg6[%swap3A_850, %swap3A_851], %shift_right_logical3A_848 {strides = array<i32>} : memref<4x128xi32, #tpu.memory_space<vmem>>, vector<16xi32>,
        %get3A_853 = arith.index_cast %add3A_842 : i32 to index
        %get3A_854 = arith.constant 16 : index
        %get3A_855 = tpu.vector_load %arg5[%get3A_853, %get3A_854] {strides = array<i32>} : memref<200x128xi32, #tpu.memory_space<vmem>>, vector<16xi32>,
        %shift_right_logical3A_856 = arith.constant 1 : i32
        %shift_right_logical3A_857 = vector.broadcast %shift_right_logical3A_856 : i32 to vector<16xi32>
        %shift_right_logical3A_858 = arith.shrui %get3A_855, %shift_right_logical3A_857 : vector<16xi32>
        %swap3A_859 = arith.constant 0 : i32
        %swap3A_860 = arith.index_cast %swap3A_859 : i32 to index
        %swap3A_861 = arith.constant 16 : index
        %swap3A_862 = tpu.vector_load %arg6[%swap3A_860, %swap3A_861] {strides = array<i32>} : memref<4x128xi32, #tpu.memory_space<vmem>>, vector<16xi32>,
        tpu.vector_store %arg6[%swap3A_860, %swap3A_861], %shift_right_logical3A_858 {strides = array<i32>} : memref<4x128xi32, #tpu.memory_space<vmem>>, vector<16xi32>,
        %get3A_863 = arith.index_cast %add3A_842 : i32 to index
        %get3A_864 = arith.constant 32 : index
        %get3A_865 = tpu.vector_load %arg5[%get3A_863, %get3A_864] {strides = array<i32>} : memref<200x128xi32, #tpu.memory_space<vmem>>, vector<16xi32>,
        %shift_right_logical3A_866 = arith.constant 1 : i32
        %shift_right_logical3A_867 = vector.broadcast %shift_right_logical3A_866 : i32 to vector<16xi32>
        %shift_right_logical3A_868 = arith.shrui %get3A_865, %shift_right_logical3A_867 : vector<16xi32>
        %swap3A_869 = arith.constant 0 : i32
        %swap3A_870 = arith.index_cast %swap3A_869 : i32 to index
        %swap3A_871 = arith.constant 32 : index
        %swap3A_872 = tpu.vector_load %arg6[%swap3A_870, %swap3A_871] {strides = array<i32>} : memref<4x128xi32, #tpu.memory_space<vmem>>, vector<16xi32>,
        tpu.vector_store %arg6[%swap3A_870, %swap3A_871], %shift_right_logical3A_868 {strides = array<i32>} : memref<4x128xi32, #tpu.memory_space<vmem>>, vector<16xi32>,
        %get3A_873 = arith.index_cast %add3A_842 : i32 to index
        %get3A_874 = arith.constant 48 : index
        %get3A_875 = tpu.vector_load %arg5[%get3A_873, %get3A_874] {strides = array<i32>} : memref<200x128xi32, #tpu.memory_space<vmem>>, vector<16xi32>,
        %shift_right_logical3A_876 = arith.constant 1 : i32
        %shift_right_logical3A_877 = vector.broadcast %shift_right_logical3A_876 : i32 to vector<16xi32>
        %shift_right_logical3A_878 = arith.shrui %get3A_875, %shift_right_logical3A_877 : vector<16xi32>
        %swap3A_879 = arith.constant 0 : i32
        %swap3A_880 = arith.index_cast %swap3A_879 : i32 to index
        %swap3A_881 = arith.constant 48 : index
        %swap3A_882 = tpu.vector_load %arg6[%swap3A_880, %swap3A_881] {strides = array<i32>} : memref<4x128xi32, #tpu.memory_space<vmem>>, vector<16xi32>,
        tpu.vector_store %arg6[%swap3A_880, %swap3A_881], %shift_right_logical3A_878 {strides = array<i32>} : memref<4x128xi32, #tpu.memory_space<vmem>>, vector<16xi32>,
        %get3A_883 = arith.index_cast %add3A_842 : i32 to index
        %get3A_884 = arith.constant 64 : index
        %get3A_885 = tpu.vector_load %arg5[%get3A_883, %get3A_884] {strides = array<i32>} : memref<200x128xi32, #tpu.memory_space<vmem>>, vector<16xi32>,
        %shift_right_logical3A_886 = arith.constant 1 : i32
        %shift_right_logical3A_887 = vector.broadcast %shift_right_logical3A_886 : i32 to vector<16xi32>
        %shift_right_logical3A_888 = arith.shrui %get3A_885, %shift_right_logical3A_887 : vector<16xi32>
        %swap3A_889 = arith.constant 0 : i32
        %swap3A_890 = arith.index_cast %swap3A_889 : i32 to index
        %swap3A_891 = arith.constant 64 : index
        %swap3A_892 = tpu.vector_load %arg6[%swap3A_890, %swap3A_891] {strides = array<i32>} : memref<4x128xi32, #tpu.memory_space<vmem>>, vector<16xi32>,
        tpu.vector_store %arg6[%swap3A_890, %swap3A_891], %shift_right_logical3A_888 {strides = array<i32>} : memref<4x128xi32, #tpu.memory_space<vmem>>, vector<16xi32>,
        %get3A_893 = arith.index_cast %add3A_842 : i32 to index
        %get3A_894 = arith.constant 80 : index
        %get3A_895 = tpu.vector_load %arg5[%get3A_893, %get3A_894] {strides = array<i32>} : memref<200x128xi32, #tpu.memory_space<vmem>>, vector<16xi32>,
        %shift_right_logical3A_896 = arith.constant 1 : i32
        %shift_right_logical3A_897 = vector.broadcast %shift_right_logical3A_896 : i32 to vector<16xi32>
        %shift_right_logical3A_898 = arith.shrui %get3A_895, %shift_right_logical3A_897 : vector<16xi32>
        %swap3A_899 = arith.constant 0 : i32
        %swap3A_900 = arith.index_cast %swap3A_899 : i32 to index
        %swap3A_901 = arith.constant 80 : index
        %swap3A_902 = tpu.vector_load %arg6[%swap3A_900, %swap3A_901] {strides = array<i32>} : memref<4x128xi32, #tpu.memory_space<vmem>>, vector<16xi32>,
        tpu.vector_store %arg6[%swap3A_900, %swap3A_901], %shift_right_logical3A_898 {strides = array<i32>} : memref<4x128xi32, #tpu.memory_space<vmem>>, vector<16xi32>,
        %get3A_903 = arith.index_cast %add3A_842 : i32 to index
        %get3A_904 = arith.constant 96 : index
        %get3A_905 = tpu.vector_load %arg5[%get3A_903, %get3A_904] {strides = array<i32>} : memref<200x128xi32, #tpu.memory_space<vmem>>, vector<16xi32>,
        %shift_right_logical3A_906 = arith.constant 1 : i32
        %shift_right_logical3A_907 = vector.broadcast %shift_right_logical3A_906 : i32 to vector<16xi32>
        %shift_right_logical3A_908 = arith.shrui %get3A_905, %shift_right_logical3A_907 : vector<16xi32>
        %swap3A_909 = arith.constant 0 : i32
        %swap3A_910 = arith.index_cast %swap3A_909 : i32 to index
        %swap3A_911 = arith.constant 96 : index
        %swap3A_912 = tpu.vector_load %arg6[%swap3A_910, %swap3A_911] {strides = array<i32>} : memref<4x128xi32, #tpu.memory_space<vmem>>, vector<16xi32>,
        tpu.vector_store %arg6[%swap3A_910, %swap3A_911], %shift_right_logical3A_908 {strides = array<i32>} : memref<4x128xi32, #tpu.memory_space<vmem>>, vector<16xi32>,
        %get3A_913 = arith.index_cast %add3A_842 : i32 to index
        %get3A_914 = arith.constant 112 : index
        %get3A_915 = tpu.vector_load %arg5[%get3A_913, %get3A_914] {strides = array<i32>} : memref<200x128xi32, #tpu.memory_space<vmem>>, vector<16xi32>,
        %shift_right_logical3A_916 = arith.constant 1 : i32
        %shift_right_logical3A_917 = vector.broadcast %shift_right_logical3A_916 : i32 to vector<16xi32>
        %shift_right_logical3A_918 = arith.shrui %get3A_915, %shift_right_logical3A_917 : vector<16xi32>
        %swap3A_919 = arith.constant 0 : i32
        %swap3A_920 = arith.index_cast %swap3A_919 : i32 to index
        %swap3A_921 = arith.constant 112 : index
        %swap3A_922 = tpu.vector_load %arg6[%swap3A_920, %swap3A_921] {strides = array<i32>} : memref<4x128xi32, #tpu.memory_space<vmem>>, vector<16xi32>,
        tpu.vector_store %arg6[%swap3A_920, %swap3A_921], %shift_right_logical3A_918 {strides = array<i32>} : memref<4x128xi32, #tpu.memory_space<vmem>>, vector<16xi32>,
        %dma_start3A_923 = arith.constant 0 : i32
        %dma_start3A_924 = arith.constant 0 : i32
        %dma_start3A_925 = tpu.memref_slice %arg6[%dma_start3A_923, %dma_start3A_924] : memref<4x128xi32, #tpu.memory_space<vmem>> -> memref<1x128xi32, #tpu.memory_space<vmem>>
        %dma_start3A_926 = tpu.memref_squeeze %dma_start3A_925 : memref<1x128xi32, #tpu.memory_space<vmem>> -> memref<128xi32, #tpu.memory_space<vmem>>
        %dma_start3A_927 = arith.constant 0 : i32
        %dma_start3A_928 = arith.constant 0 : i32
        %dma_start3A_929 = tpu.memref_slice %arg3[%dma_start3A_927, %dma_start3A_928] : memref<500000x128xf32, #tpu.memory_space<hbm>> -> memref<500000x128xf32, #tpu.memory_space<hbm>>
        tpu.enqueue_indirect_dma source(%dma_start3A_929 : memref<500000x128xf32, #tpu.memory_space<hbm>>) target(%arg7 : memref<128x128xf32, #tpu.memory_space<vmem>>) offsets(%dma_start3A_926 : memref<128xi32, #tpu.memory_space<vmem>>) semaphore(%arg13 : memref<!tpu.dma_semaphore, #tpu.memory_space<semaphore_mem>>)
      } else {
      }
      %mul3A_514 = arith.constant 4 : i32
      %mul3A_515 = arith.muli %scan3A_408, %mul3A_514 : i32
      %add3A_516 = arith.constant 1 : i32
      %add3A_517 = arith.addi %mul3A_515, %add3A_516 : i32
      %dma_wait3A_518 = arith.constant 1 : i32
      %dma_wait3A_519 = arith.constant 0 : i32
      %dma_wait3A_520 = tpu.memref_slice %arg6[%dma_wait3A_518, %dma_wait3A_519] : memref<4x128xi32, #tpu.memory_space<vmem>> -> memref<1x128xi32, #tpu.memory_space<vmem>>
      %dma_wait3A_521 = tpu.memref_squeeze %dma_wait3A_520 : memref<1x128xi32, #tpu.memory_space<vmem>> -> memref<128xi32, #tpu.memory_space<vmem>>
      %dma_wait3A_522 = arith.constant 0 : i32
      %dma_wait3A_523 = arith.constant 0 : i32
      %dma_wait3A_524 = tpu.memref_slice %arg3[%dma_wait3A_522, %dma_wait3A_523] : memref<500000x128xf32, #tpu.memory_space<hbm>> -> memref<500000x128xf32, #tpu.memory_space<hbm>>
      tpu.wait_indirect_dma semaphore(%arg14 : memref<!tpu.dma_semaphore, #tpu.memory_space<semaphore_mem>>) src(%dma_wait3A_524 : memref<500000x128xf32, #tpu.memory_space<hbm>>) dst(%arg8 : memref<128x128xf32, #tpu.memory_space<vmem>>)
      %ge3A_525 = arith.constant 2 : i32
      %ge3A_526 = arith.cmpi sge, %add3A_517, %ge3A_525 : i32
      %convert_element_type3A_527 = arith.extui %ge3A_526 : i1 to i32
      %cond3A_528 = arith.constant 0 : i32
      %cond3A_529 = arith.cmpi ne, %convert_element_type3A_527, %cond3A_528 : i32
      scf.if %cond3A_529 {
        %sub3A = arith.constant 2 : i32
        %sub3A_841 = arith.subi %add3A_517, %sub3A : i32
        %mul3A_842 = arith.constant 128 : i32
        %mul3A_843 = arith.muli %add3A, %mul3A_842 : i32
        %dma_wait3A_844 = arith.constant 0 : i32
        %dma_wait3A_845 = tpu.memref_slice %arg4[%sub3A_841, %dma_wait3A_844, %mul3A_843] : memref<200x64x4096xf32, #tpu.memory_space<hbm>> -> memref<1x64x128xf32, #tpu.memory_space<hbm>>
        %dma_wait3A_846 = tpu.memref_squeeze %dma_wait3A_845 : memref<1x64x128xf32, #tpu.memory_space<hbm>> -> memref<64x128xf32, #tpu.memory_space<hbm>>
        %dma_wait3A_847 = arith.constant 0 : i32
        %dma_wait3A_848 = tpu.memref_slice %arg4[%sub3A_841, %dma_wait3A_847, %mul3A_843] : memref<200x64x4096xf32, #tpu.memory_space<hbm>> -> memref<1x64x128xf32, #tpu.memory_space<hbm>>
        %dma_wait3A_849 = tpu.memref_squeeze %dma_wait3A_848 : memref<1x64x128xf32, #tpu.memory_space<hbm>> -> memref<64x128xf32, #tpu.memory_space<hbm>>
        tpu.wait_dma2 semaphore(%arg18 : memref<!tpu.dma_semaphore, #tpu.memory_space<semaphore_mem>>) src(%arg12 : memref<64x128xf32, #tpu.memory_space<vmem>>) dst(%dma_wait3A_849 : memref<64x128xf32, #tpu.memory_space<hbm>>)
      } else {
      }
      %get3A_530 = arith.index_cast %add3A_517 : i32 to index
      %get3A_531 = arith.constant 0 : index
      %get3A_532 = tpu.vector_load %arg5[%get3A_530, %get3A_531] {strides = array<i32>} : memref<200x128xi32, #tpu.memory_space<vmem>>, vector<16xi32>,
      %and3A_533 = arith.constant 1 : i32
      %and3A_534 = vector.broadcast %and3A_533 : i32 to vector<16xi32>
      %and3A_535 = arith.andi %get3A_532, %and3A_534 : vector<16xi32>
      %shift_left3A_536 = arith.constant 6 : i32
      %shift_left3A_537 = vector.broadcast %shift_left3A_536 : i32 to vector<16xi32>
      %shift_left3A_538 = arith.shli %and3A_535, %shift_left3A_537 : vector<16xi32>
      %get3A_539 = arith.index_cast %add3A_517 : i32 to index
      %get3A_540 = arith.constant 16 : index
      %get3A_541 = tpu.vector_load %arg5[%get3A_539, %get3A_540] {strides = array<i32>} : memref<200x128xi32, #tpu.memory_space<vmem>>, vector<16xi32>,
      %and3A_542 = arith.constant 1 : i32
      %and3A_543 = vector.broadcast %and3A_542 : i32 to vector<16xi32>
      %and3A_544 = arith.andi %get3A_541, %and3A_543 : vector<16xi32>
      %shift_left3A_545 = arith.constant 6 : i32
      %shift_left3A_546 = vector.broadcast %shift_left3A_545 : i32 to vector<16xi32>
      %shift_left3A_547 = arith.shli %and3A_544, %shift_left3A_546 : vector<16xi32>
      %get3A_548 = arith.index_cast %add3A_517 : i32 to index
      %get3A_549 = arith.constant 32 : index
      %get3A_550 = tpu.vector_load %arg5[%get3A_548, %get3A_549] {strides = array<i32>} : memref<200x128xi32, #tpu.memory_space<vmem>>, vector<16xi32>,
      %and3A_551 = arith.constant 1 : i32
      %and3A_552 = vector.broadcast %and3A_551 : i32 to vector<16xi32>
      %and3A_553 = arith.andi %get3A_550, %and3A_552 : vector<16xi32>
      %shift_left3A_554 = arith.constant 6 : i32
      %shift_left3A_555 = vector.broadcast %shift_left3A_554 : i32 to vector<16xi32>
      %shift_left3A_556 = arith.shli %and3A_553, %shift_left3A_555 : vector<16xi32>
      %get3A_557 = arith.index_cast %add3A_517 : i32 to index
      %get3A_558 = arith.constant 48 : index
      %get3A_559 = tpu.vector_load %arg5[%get3A_557, %get3A_558] {strides = array<i32>} : memref<200x128xi32, #tpu.memory_space<vmem>>, vector<16xi32>,
      %and3A_560 = arith.constant 1 : i32
      %and3A_561 = vector.broadcast %and3A_560 : i32 to vector<16xi32>
      %and3A_562 = arith.andi %get3A_559, %and3A_561 : vector<16xi32>
      %shift_left3A_563 = arith.constant 6 : i32
      %shift_left3A_564 = vector.broadcast %shift_left3A_563 : i32 to vector<16xi32>
      %shift_left3A_565 = arith.shli %and3A_562, %shift_left3A_564 : vector<16xi32>
      %get3A_566 = arith.index_cast %add3A_517 : i32 to index
      %get3A_567 = arith.constant 64 : index
      %get3A_568 = tpu.vector_load %arg5[%get3A_566, %get3A_567] {strides = array<i32>} : memref<200x128xi32, #tpu.memory_space<vmem>>, vector<16xi32>,
      %and3A_569 = arith.constant 1 : i32
      %and3A_570 = vector.broadcast %and3A_569 : i32 to vector<16xi32>
      %and3A_571 = arith.andi %get3A_568, %and3A_570 : vector<16xi32>
      %shift_left3A_572 = arith.constant 6 : i32
      %shift_left3A_573 = vector.broadcast %shift_left3A_572 : i32 to vector<16xi32>
      %shift_left3A_574 = arith.shli %and3A_571, %shift_left3A_573 : vector<16xi32>
      %get3A_575 = arith.index_cast %add3A_517 : i32 to index
      %get3A_576 = arith.constant 80 : index
      %get3A_577 = tpu.vector_load %arg5[%get3A_575, %get3A_576] {strides = array<i32>} : memref<200x128xi32, #tpu.memory_space<vmem>>, vector<16xi32>,
      %and3A_578 = arith.constant 1 : i32
      %and3A_579 = vector.broadcast %and3A_578 : i32 to vector<16xi32>
      %and3A_580 = arith.andi %get3A_577, %and3A_579 : vector<16xi32>
      %shift_left3A_581 = arith.constant 6 : i32
      %shift_left3A_582 = vector.broadcast %shift_left3A_581 : i32 to vector<16xi32>
      %shift_left3A_583 = arith.shli %and3A_580, %shift_left3A_582 : vector<16xi32>
      %get3A_584 = arith.index_cast %add3A_517 : i32 to index
      %get3A_585 = arith.constant 96 : index
      %get3A_586 = tpu.vector_load %arg5[%get3A_584, %get3A_585] {strides = array<i32>} : memref<200x128xi32, #tpu.memory_space<vmem>>, vector<16xi32>,
      %and3A_587 = arith.constant 1 : i32
      %and3A_588 = vector.broadcast %and3A_587 : i32 to vector<16xi32>
      %and3A_589 = arith.andi %get3A_586, %and3A_588 : vector<16xi32>
      %shift_left3A_590 = arith.constant 6 : i32
      %shift_left3A_591 = vector.broadcast %shift_left3A_590 : i32 to vector<16xi32>
      %shift_left3A_592 = arith.shli %and3A_589, %shift_left3A_591 : vector<16xi32>
      %get3A_593 = arith.index_cast %add3A_517 : i32 to index
      %get3A_594 = arith.constant 112 : index
      %get3A_595 = tpu.vector_load %arg5[%get3A_593, %get3A_594] {strides = array<i32>} : memref<200x128xi32, #tpu.memory_space<vmem>>, vector<16xi32>,
      %and3A_596 = arith.constant 1 : i32
      %and3A_597 = vector.broadcast %and3A_596 : i32 to vector<16xi32>
      %and3A_598 = arith.andi %get3A_595, %and3A_597 : vector<16xi32>
      %shift_left3A_599 = arith.constant 6 : i32
      %shift_left3A_600 = vector.broadcast %shift_left3A_599 : i32 to vector<16xi32>
      %shift_left3A_601 = arith.shli %and3A_598, %shift_left3A_600 : vector<16xi32>
      %scan3A_602 = arith.constant 0 : i32
      %scan3A_603 = arith.constant 0 : i32
      %scan3A_604 = arith.constant 16 : i32
      %scan3A_605 = arith.addi %scan3A_603, %scan3A_604 : i32
      %scan3A_606 = arith.constant 1 : i32
      scf.for %scan3A_841 = %scan3A_603 to %scan3A_605 step %scan3A_606  : i32 {
        %add3A_842 = vector.broadcast %scan3A_841 : i32 to vector<16xi32>
        %add3A_843 = arith.addi %iota3A, %add3A_842 : vector<16xi32>
        %and3A_844 = arith.constant 15 : i32
        %and3A_845 = vector.broadcast %and3A_844 : i32 to vector<16xi32>
        %and3A_846 = arith.andi %add3A_843, %and3A_845 : vector<16xi32>
        %add3A_847 = arith.constant 0 : i32
        %add3A_848 = vector.broadcast %add3A_847 : i32 to vector<16xi32>
        %add3A_849 = arith.addi %add3A_848, %iota3A : vector<16xi32>
        %add3A_850 = arith.constant 0 : i32
        %add3A_851 = vector.broadcast %add3A_850 : i32 to vector<16xi32>
        %add3A_852 = arith.addi %add3A_851, %and3A_846 : vector<16xi32>
        %add3A_853 = arith.addi %shift_left3A_538, %add3A_852 : vector<16xi32>
        %gather3A = tpu.vector_load_idx %arg8[%add3A_849, %add3A_853] : memref<128x128xf32, #tpu.memory_space<vmem>>[vector<16xi32>, vector<16xi32>], vector<16xf32>,
        %add3A_854 = arith.constant 0 : i32
        %add3A_855 = vector.broadcast %add3A_854 : i32 to vector<16xi32>
        %add3A_856 = arith.addi %add3A_855, %and3A_846 : vector<16xi32>
        tpu.vector_store_idx %arg12[%add3A_856, %add3A_849], %gather3A : memref<64x128xf32, #tpu.memory_space<vmem>>[vector<16xi32>, vector<16xi32>], vector<16xf32>,
        %add3A_857 = arith.constant 16 : i32
        %add3A_858 = vector.broadcast %add3A_857 : i32 to vector<16xi32>
        %add3A_859 = arith.addi %add3A_858, %and3A_846 : vector<16xi32>
        %add3A_860 = arith.addi %shift_left3A_538, %add3A_859 : vector<16xi32>
        %gather3A_861 = tpu.vector_load_idx %arg8[%add3A_849, %add3A_860] : memref<128x128xf32, #tpu.memory_space<vmem>>[vector<16xi32>, vector<16xi32>], vector<16xf32>,
        %add3A_862 = arith.constant 16 : i32
        %add3A_863 = vector.broadcast %add3A_862 : i32 to vector<16xi32>
        %add3A_864 = arith.addi %add3A_863, %and3A_846 : vector<16xi32>
        tpu.vector_store_idx %arg12[%add3A_864, %add3A_849], %gather3A_861 : memref<64x128xf32, #tpu.memory_space<vmem>>[vector<16xi32>, vector<16xi32>], vector<16xf32>,
        %add3A_865 = arith.constant 32 : i32
        %add3A_866 = vector.broadcast %add3A_865 : i32 to vector<16xi32>
        %add3A_867 = arith.addi %add3A_866, %and3A_846 : vector<16xi32>
        %add3A_868 = arith.addi %shift_left3A_538, %add3A_867 : vector<16xi32>
        %gather3A_869 = tpu.vector_load_idx %arg8[%add3A_849, %add3A_868] : memref<128x128xf32, #tpu.memory_space<vmem>>[vector<16xi32>, vector<16xi32>], vector<16xf32>,
        %add3A_870 = arith.constant 32 : i32
        %add3A_871 = vector.broadcast %add3A_870 : i32 to vector<16xi32>
        %add3A_872 = arith.addi %add3A_871, %and3A_846 : vector<16xi32>
        tpu.vector_store_idx %arg12[%add3A_872, %add3A_849], %gather3A_869 : memref<64x128xf32, #tpu.memory_space<vmem>>[vector<16xi32>, vector<16xi32>], vector<16xf32>,
        %add3A_873 = arith.constant 48 : i32
        %add3A_874 = vector.broadcast %add3A_873 : i32 to vector<16xi32>
        %add3A_875 = arith.addi %add3A_874, %and3A_846 : vector<16xi32>
        %add3A_876 = arith.addi %shift_left3A_538, %add3A_875 : vector<16xi32>
        %gather3A_877 = tpu.vector_load_idx %arg8[%add3A_849, %add3A_876] : memref<128x128xf32, #tpu.memory_space<vmem>>[vector<16xi32>, vector<16xi32>], vector<16xf32>,
        %add3A_878 = arith.constant 48 : i32
        %add3A_879 = vector.broadcast %add3A_878 : i32 to vector<16xi32>
        %add3A_880 = arith.addi %add3A_879, %and3A_846 : vector<16xi32>
        tpu.vector_store_idx %arg12[%add3A_880, %add3A_849], %gather3A_877 : memref<64x128xf32, #tpu.memory_space<vmem>>[vector<16xi32>, vector<16xi32>], vector<16xf32>,
        %add3A_881 = arith.constant 16 : i32
        %add3A_882 = vector.broadcast %add3A_881 : i32 to vector<16xi32>
        %add3A_883 = arith.addi %add3A_882, %iota3A : vector<16xi32>
        %add3A_884 = arith.constant 0 : i32
        %add3A_885 = vector.broadcast %add3A_884 : i32 to vector<16xi32>
        %add3A_886 = arith.addi %add3A_885, %and3A_846 : vector<16xi32>
        %add3A_887 = arith.addi %shift_left3A_547, %add3A_886 : vector<16xi32>
        %gather3A_888 = tpu.vector_load_idx %arg8[%add3A_883, %add3A_887] : memref<128x128xf32, #tpu.memory_space<vmem>>[vector<16xi32>, vector<16xi32>], vector<16xf32>,
        %add3A_889 = arith.constant 0 : i32
        %add3A_890 = vector.broadcast %add3A_889 : i32 to vector<16xi32>
        %add3A_891 = arith.addi %add3A_890, %and3A_846 : vector<16xi32>
        tpu.vector_store_idx %arg12[%add3A_891, %add3A_883], %gather3A_888 : memref<64x128xf32, #tpu.memory_space<vmem>>[vector<16xi32>, vector<16xi32>], vector<16xf32>,
        %add3A_892 = arith.constant 16 : i32
        %add3A_893 = vector.broadcast %add3A_892 : i32 to vector<16xi32>
        %add3A_894 = arith.addi %add3A_893, %and3A_846 : vector<16xi32>
        %add3A_895 = arith.addi %shift_left3A_547, %add3A_894 : vector<16xi32>
        %gather3A_896 = tpu.vector_load_idx %arg8[%add3A_883, %add3A_895] : memref<128x128xf32, #tpu.memory_space<vmem>>[vector<16xi32>, vector<16xi32>], vector<16xf32>,
        %add3A_897 = arith.constant 16 : i32
        %add3A_898 = vector.broadcast %add3A_897 : i32 to vector<16xi32>
        %add3A_899 = arith.addi %add3A_898, %and3A_846 : vector<16xi32>
        tpu.vector_store_idx %arg12[%add3A_899, %add3A_883], %gather3A_896 : memref<64x128xf32, #tpu.memory_space<vmem>>[vector<16xi32>, vector<16xi32>], vector<16xf32>,
        %add3A_900 = arith.constant 32 : i32
        %add3A_901 = vector.broadcast %add3A_900 : i32 to vector<16xi32>
        %add3A_902 = arith.addi %add3A_901, %and3A_846 : vector<16xi32>
        %add3A_903 = arith.addi %shift_left3A_547, %add3A_902 : vector<16xi32>
        %gather3A_904 = tpu.vector_load_idx %arg8[%add3A_883, %add3A_903] : memref<128x128xf32, #tpu.memory_space<vmem>>[vector<16xi32>, vector<16xi32>], vector<16xf32>,
        %add3A_905 = arith.constant 32 : i32
        %add3A_906 = vector.broadcast %add3A_905 : i32 to vector<16xi32>
        %add3A_907 = arith.addi %add3A_906, %and3A_846 : vector<16xi32>
        tpu.vector_store_idx %arg12[%add3A_907, %add3A_883], %gather3A_904 : memref<64x128xf32, #tpu.memory_space<vmem>>[vector<16xi32>, vector<16xi32>], vector<16xf32>,
        %add3A_908 = arith.constant 48 : i32
        %add3A_909 = vector.broadcast %add3A_908 : i32 to vector<16xi32>
        %add3A_910 = arith.addi %add3A_909, %and3A_846 : vector<16xi32>
        %add3A_911 = arith.addi %shift_left3A_547, %add3A_910 : vector<16xi32>
        %gather3A_912 = tpu.vector_load_idx %arg8[%add3A_883, %add3A_911] : memref<128x128xf32, #tpu.memory_space<vmem>>[vector<16xi32>, vector<16xi32>], vector<16xf32>,
        %add3A_913 = arith.constant 48 : i32
        %add3A_914 = vector.broadcast %add3A_913 : i32 to vector<16xi32>
        %add3A_915 = arith.addi %add3A_914, %and3A_846 : vector<16xi32>
        tpu.vector_store_idx %arg12[%add3A_915, %add3A_883], %gather3A_912 : memref<64x128xf32, #tpu.memory_space<vmem>>[vector<16xi32>, vector<16xi32>], vector<16xf32>,
        %add3A_916 = arith.constant 32 : i32
        %add3A_917 = vector.broadcast %add3A_916 : i32 to vector<16xi32>
        %add3A_918 = arith.addi %add3A_917, %iota3A : vector<16xi32>
        %add3A_919 = arith.constant 0 : i32
        %add3A_920 = vector.broadcast %add3A_919 : i32 to vector<16xi32>
        %add3A_921 = arith.addi %add3A_920, %and3A_846 : vector<16xi32>
        %add3A_922 = arith.addi %shift_left3A_556, %add3A_921 : vector<16xi32>
        %gather3A_923 = tpu.vector_load_idx %arg8[%add3A_918, %add3A_922] : memref<128x128xf32, #tpu.memory_space<vmem>>[vector<16xi32>, vector<16xi32>], vector<16xf32>,
        %add3A_924 = arith.constant 0 : i32
        %add3A_925 = vector.broadcast %add3A_924 : i32 to vector<16xi32>
        %add3A_926 = arith.addi %add3A_925, %and3A_846 : vector<16xi32>
        tpu.vector_store_idx %arg12[%add3A_926, %add3A_918], %gather3A_923 : memref<64x128xf32, #tpu.memory_space<vmem>>[vector<16xi32>, vector<16xi32>], vector<16xf32>,
        %add3A_927 = arith.constant 16 : i32
        %add3A_928 = vector.broadcast %add3A_927 : i32 to vector<16xi32>
        %add3A_929 = arith.addi %add3A_928, %and3A_846 : vector<16xi32>
        %add3A_930 = arith.addi %shift_left3A_556, %add3A_929 : vector<16xi32>
        %gather3A_931 = tpu.vector_load_idx %arg8[%add3A_918, %add3A_930] : memref<128x128xf32, #tpu.memory_space<vmem>>[vector<16xi32>, vector<16xi32>], vector<16xf32>,
        %add3A_932 = arith.constant 16 : i32
        %add3A_933 = vector.broadcast %add3A_932 : i32 to vector<16xi32>
        %add3A_934 = arith.addi %add3A_933, %and3A_846 : vector<16xi32>
        tpu.vector_store_idx %arg12[%add3A_934, %add3A_918], %gather3A_931 : memref<64x128xf32, #tpu.memory_space<vmem>>[vector<16xi32>, vector<16xi32>], vector<16xf32>,
        %add3A_935 = arith.constant 32 : i32
        %add3A_936 = vector.broadcast %add3A_935 : i32 to vector<16xi32>
        %add3A_937 = arith.addi %add3A_936, %and3A_846 : vector<16xi32>
        %add3A_938 = arith.addi %shift_left3A_556, %add3A_937 : vector<16xi32>
        %gather3A_939 = tpu.vector_load_idx %arg8[%add3A_918, %add3A_938] : memref<128x128xf32, #tpu.memory_space<vmem>>[vector<16xi32>, vector<16xi32>], vector<16xf32>,
        %add3A_940 = arith.constant 32 : i32
        %add3A_941 = vector.broadcast %add3A_940 : i32 to vector<16xi32>
        %add3A_942 = arith.addi %add3A_941, %and3A_846 : vector<16xi32>
        tpu.vector_store_idx %arg12[%add3A_942, %add3A_918], %gather3A_939 : memref<64x128xf32, #tpu.memory_space<vmem>>[vector<16xi32>, vector<16xi32>], vector<16xf32>,
        %add3A_943 = arith.constant 48 : i32
        %add3A_944 = vector.broadcast %add3A_943 : i32 to vector<16xi32>
        %add3A_945 = arith.addi %add3A_944, %and3A_846 : vector<16xi32>
        %add3A_946 = arith.addi %shift_left3A_556, %add3A_945 : vector<16xi32>
        %gather3A_947 = tpu.vector_load_idx %arg8[%add3A_918, %add3A_946] : memref<128x128xf32, #tpu.memory_space<vmem>>[vector<16xi32>, vector<16xi32>], vector<16xf32>,
        %add3A_948 = arith.constant 48 : i32
        %add3A_949 = vector.broadcast %add3A_948 : i32 to vector<16xi32>
        %add3A_950 = arith.addi %add3A_949, %and3A_846 : vector<16xi32>
        tpu.vector_store_idx %arg12[%add3A_950, %add3A_918], %gather3A_947 : memref<64x128xf32, #tpu.memory_space<vmem>>[vector<16xi32>, vector<16xi32>], vector<16xf32>,
        %add3A_951 = arith.constant 48 : i32
        %add3A_952 = vector.broadcast %add3A_951 : i32 to vector<16xi32>
        %add3A_953 = arith.addi %add3A_952, %iota3A : vector<16xi32>
        %add3A_954 = arith.constant 0 : i32
        %add3A_955 = vector.broadcast %add3A_954 : i32 to vector<16xi32>
        %add3A_956 = arith.addi %add3A_955, %and3A_846 : vector<16xi32>
        %add3A_957 = arith.addi %shift_left3A_565, %add3A_956 : vector<16xi32>
        %gather3A_958 = tpu.vector_load_idx %arg8[%add3A_953, %add3A_957] : memref<128x128xf32, #tpu.memory_space<vmem>>[vector<16xi32>, vector<16xi32>], vector<16xf32>,
        %add3A_959 = arith.constant 0 : i32
        %add3A_960 = vector.broadcast %add3A_959 : i32 to vector<16xi32>
        %add3A_961 = arith.addi %add3A_960, %and3A_846 : vector<16xi32>
        tpu.vector_store_idx %arg12[%add3A_961, %add3A_953], %gather3A_958 : memref<64x128xf32, #tpu.memory_space<vmem>>[vector<16xi32>, vector<16xi32>], vector<16xf32>,
        %add3A_962 = arith.constant 16 : i32
        %add3A_963 = vector.broadcast %add3A_962 : i32 to vector<16xi32>
        %add3A_964 = arith.addi %add3A_963, %and3A_846 : vector<16xi32>
        %add3A_965 = arith.addi %shift_left3A_565, %add3A_964 : vector<16xi32>
        %gather3A_966 = tpu.vector_load_idx %arg8[%add3A_953, %add3A_965] : memref<128x128xf32, #tpu.memory_space<vmem>>[vector<16xi32>, vector<16xi32>], vector<16xf32>,
        %add3A_967 = arith.constant 16 : i32
        %add3A_968 = vector.broadcast %add3A_967 : i32 to vector<16xi32>
        %add3A_969 = arith.addi %add3A_968, %and3A_846 : vector<16xi32>
        tpu.vector_store_idx %arg12[%add3A_969, %add3A_953], %gather3A_966 : memref<64x128xf32, #tpu.memory_space<vmem>>[vector<16xi32>, vector<16xi32>], vector<16xf32>,
        %add3A_970 = arith.constant 32 : i32
        %add3A_971 = vector.broadcast %add3A_970 : i32 to vector<16xi32>
        %add3A_972 = arith.addi %add3A_971, %and3A_846 : vector<16xi32>
        %add3A_973 = arith.addi %shift_left3A_565, %add3A_972 : vector<16xi32>
        %gather3A_974 = tpu.vector_load_idx %arg8[%add3A_953, %add3A_973] : memref<128x128xf32, #tpu.memory_space<vmem>>[vector<16xi32>, vector<16xi32>], vector<16xf32>,
        %add3A_975 = arith.constant 32 : i32
        %add3A_976 = vector.broadcast %add3A_975 : i32 to vector<16xi32>
        %add3A_977 = arith.addi %add3A_976, %and3A_846 : vector<16xi32>
        tpu.vector_store_idx %arg12[%add3A_977, %add3A_953], %gather3A_974 : memref<64x128xf32, #tpu.memory_space<vmem>>[vector<16xi32>, vector<16xi32>], vector<16xf32>,
        %add3A_978 = arith.constant 48 : i32
        %add3A_979 = vector.broadcast %add3A_978 : i32 to vector<16xi32>
        %add3A_980 = arith.addi %add3A_979, %and3A_846 : vector<16xi32>
        %add3A_981 = arith.addi %shift_left3A_565, %add3A_980 : vector<16xi32>
        %gather3A_982 = tpu.vector_load_idx %arg8[%add3A_953, %add3A_981] : memref<128x128xf32, #tpu.memory_space<vmem>>[vector<16xi32>, vector<16xi32>], vector<16xf32>,
        %add3A_983 = arith.constant 48 : i32
        %add3A_984 = vector.broadcast %add3A_983 : i32 to vector<16xi32>
        %add3A_985 = arith.addi %add3A_984, %and3A_846 : vector<16xi32>
        tpu.vector_store_idx %arg12[%add3A_985, %add3A_953], %gather3A_982 : memref<64x128xf32, #tpu.memory_space<vmem>>[vector<16xi32>, vector<16xi32>], vector<16xf32>,
        %add3A_986 = arith.constant 64 : i32
        %add3A_987 = vector.broadcast %add3A_986 : i32 to vector<16xi32>
        %add3A_988 = arith.addi %add3A_987, %iota3A : vector<16xi32>
        %add3A_989 = arith.constant 0 : i32
        %add3A_990 = vector.broadcast %add3A_989 : i32 to vector<16xi32>
        %add3A_991 = arith.addi %add3A_990, %and3A_846 : vector<16xi32>
        %add3A_992 = arith.addi %shift_left3A_574, %add3A_991 : vector<16xi32>
        %gather3A_993 = tpu.vector_load_idx %arg8[%add3A_988, %add3A_992] : memref<128x128xf32, #tpu.memory_space<vmem>>[vector<16xi32>, vector<16xi32>], vector<16xf32>,
        %add3A_994 = arith.constant 0 : i32
        %add3A_995 = vector.broadcast %add3A_994 : i32 to vector<16xi32>
        %add3A_996 = arith.addi %add3A_995, %and3A_846 : vector<16xi32>
        tpu.vector_store_idx %arg12[%add3A_996, %add3A_988], %gather3A_993 : memref<64x128xf32, #tpu.memory_space<vmem>>[vector<16xi32>, vector<16xi32>], vector<16xf32>,
        %add3A_997 = arith.constant 16 : i32
        %add3A_998 = vector.broadcast %add3A_997 : i32 to vector<16xi32>
        %add3A_999 = arith.addi %add3A_998, %and3A_846 : vector<16xi32>
        %add3A_1000 = arith.addi %shift_left3A_574, %add3A_999 : vector<16xi32>
        %gather3A_1001 = tpu.vector_load_idx %arg8[%add3A_988, %add3A_1000] : memref<128x128xf32, #tpu.memory_space<vmem>>[vector<16xi32>, vector<16xi32>], vector<16xf32>,
        %add3A_1002 = arith.constant 16 : i32
        %add3A_1003 = vector.broadcast %add3A_1002 : i32 to vector<16xi32>
        %add3A_1004 = arith.addi %add3A_1003, %and3A_846 : vector<16xi32>
        tpu.vector_store_idx %arg12[%add3A_1004, %add3A_988], %gather3A_1001 : memref<64x128xf32, #tpu.memory_space<vmem>>[vector<16xi32>, vector<16xi32>], vector<16xf32>,
        %add3A_1005 = arith.constant 32 : i32
        %add3A_1006 = vector.broadcast %add3A_1005 : i32 to vector<16xi32>
        %add3A_1007 = arith.addi %add3A_1006, %and3A_846 : vector<16xi32>
        %add3A_1008 = arith.addi %shift_left3A_574, %add3A_1007 : vector<16xi32>
        %gather3A_1009 = tpu.vector_load_idx %arg8[%add3A_988, %add3A_1008] : memref<128x128xf32, #tpu.memory_space<vmem>>[vector<16xi32>, vector<16xi32>], vector<16xf32>,
        %add3A_1010 = arith.constant 32 : i32
        %add3A_1011 = vector.broadcast %add3A_1010 : i32 to vector<16xi32>
        %add3A_1012 = arith.addi %add3A_1011, %and3A_846 : vector<16xi32>
        tpu.vector_store_idx %arg12[%add3A_1012, %add3A_988], %gather3A_1009 : memref<64x128xf32, #tpu.memory_space<vmem>>[vector<16xi32>, vector<16xi32>], vector<16xf32>,
        %add3A_1013 = arith.constant 48 : i32
        %add3A_1014 = vector.broadcast %add3A_1013 : i32 to vector<16xi32>
        %add3A_1015 = arith.addi %add3A_1014, %and3A_846 : vector<16xi32>
        %add3A_1016 = arith.addi %shift_left3A_574, %add3A_1015 : vector<16xi32>
        %gather3A_1017 = tpu.vector_load_idx %arg8[%add3A_988, %add3A_1016] : memref<128x128xf32, #tpu.memory_space<vmem>>[vector<16xi32>, vector<16xi32>], vector<16xf32>,
        %add3A_1018 = arith.constant 48 : i32
        %add3A_1019 = vector.broadcast %add3A_1018 : i32 to vector<16xi32>
        %add3A_1020 = arith.addi %add3A_1019, %and3A_846 : vector<16xi32>
        tpu.vector_store_idx %arg12[%add3A_1020, %add3A_988], %gather3A_1017 : memref<64x128xf32, #tpu.memory_space<vmem>>[vector<16xi32>, vector<16xi32>], vector<16xf32>,
        %add3A_1021 = arith.constant 80 : i32
        %add3A_1022 = vector.broadcast %add3A_1021 : i32 to vector<16xi32>
        %add3A_1023 = arith.addi %add3A_1022, %iota3A : vector<16xi32>
        %add3A_1024 = arith.constant 0 : i32
        %add3A_1025 = vector.broadcast %add3A_1024 : i32 to vector<16xi32>
        %add3A_1026 = arith.addi %add3A_1025, %and3A_846 : vector<16xi32>
        %add3A_1027 = arith.addi %shift_left3A_583, %add3A_1026 : vector<16xi32>
        %gather3A_1028 = tpu.vector_load_idx %arg8[%add3A_1023, %add3A_1027] : memref<128x128xf32, #tpu.memory_space<vmem>>[vector<16xi32>, vector<16xi32>], vector<16xf32>,
        %add3A_1029 = arith.constant 0 : i32
        %add3A_1030 = vector.broadcast %add3A_1029 : i32 to vector<16xi32>
        %add3A_1031 = arith.addi %add3A_1030, %and3A_846 : vector<16xi32>
        tpu.vector_store_idx %arg12[%add3A_1031, %add3A_1023], %gather3A_1028 : memref<64x128xf32, #tpu.memory_space<vmem>>[vector<16xi32>, vector<16xi32>], vector<16xf32>,
        %add3A_1032 = arith.constant 16 : i32
        %add3A_1033 = vector.broadcast %add3A_1032 : i32 to vector<16xi32>
        %add3A_1034 = arith.addi %add3A_1033, %and3A_846 : vector<16xi32>
        %add3A_1035 = arith.addi %shift_left3A_583, %add3A_1034 : vector<16xi32>
        %gather3A_1036 = tpu.vector_load_idx %arg8[%add3A_1023, %add3A_1035] : memref<128x128xf32, #tpu.memory_space<vmem>>[vector<16xi32>, vector<16xi32>], vector<16xf32>,
        %add3A_1037 = arith.constant 16 : i32
        %add3A_1038 = vector.broadcast %add3A_1037 : i32 to vector<16xi32>
        %add3A_1039 = arith.addi %add3A_1038, %and3A_846 : vector<16xi32>
        tpu.vector_store_idx %arg12[%add3A_1039, %add3A_1023], %gather3A_1036 : memref<64x128xf32, #tpu.memory_space<vmem>>[vector<16xi32>, vector<16xi32>], vector<16xf32>,
        %add3A_1040 = arith.constant 32 : i32
        %add3A_1041 = vector.broadcast %add3A_1040 : i32 to vector<16xi32>
        %add3A_1042 = arith.addi %add3A_1041, %and3A_846 : vector<16xi32>
        %add3A_1043 = arith.addi %shift_left3A_583, %add3A_1042 : vector<16xi32>
        %gather3A_1044 = tpu.vector_load_idx %arg8[%add3A_1023, %add3A_1043] : memref<128x128xf32, #tpu.memory_space<vmem>>[vector<16xi32>, vector<16xi32>], vector<16xf32>,
        %add3A_1045 = arith.constant 32 : i32
        %add3A_1046 = vector.broadcast %add3A_1045 : i32 to vector<16xi32>
        %add3A_1047 = arith.addi %add3A_1046, %and3A_846 : vector<16xi32>
        tpu.vector_store_idx %arg12[%add3A_1047, %add3A_1023], %gather3A_1044 : memref<64x128xf32, #tpu.memory_space<vmem>>[vector<16xi32>, vector<16xi32>], vector<16xf32>,
        %add3A_1048 = arith.constant 48 : i32
        %add3A_1049 = vector.broadcast %add3A_1048 : i32 to vector<16xi32>
        %add3A_1050 = arith.addi %add3A_1049, %and3A_846 : vector<16xi32>
        %add3A_1051 = arith.addi %shift_left3A_583, %add3A_1050 : vector<16xi32>
        %gather3A_1052 = tpu.vector_load_idx %arg8[%add3A_1023, %add3A_1051] : memref<128x128xf32, #tpu.memory_space<vmem>>[vector<16xi32>, vector<16xi32>], vector<16xf32>,
        %add3A_1053 = arith.constant 48 : i32
        %add3A_1054 = vector.broadcast %add3A_1053 : i32 to vector<16xi32>
        %add3A_1055 = arith.addi %add3A_1054, %and3A_846 : vector<16xi32>
        tpu.vector_store_idx %arg12[%add3A_1055, %add3A_1023], %gather3A_1052 : memref<64x128xf32, #tpu.memory_space<vmem>>[vector<16xi32>, vector<16xi32>], vector<16xf32>,
        %add3A_1056 = arith.constant 96 : i32
        %add3A_1057 = vector.broadcast %add3A_1056 : i32 to vector<16xi32>
        %add3A_1058 = arith.addi %add3A_1057, %iota3A : vector<16xi32>
        %add3A_1059 = arith.constant 0 : i32
        %add3A_1060 = vector.broadcast %add3A_1059 : i32 to vector<16xi32>
        %add3A_1061 = arith.addi %add3A_1060, %and3A_846 : vector<16xi32>
        %add3A_1062 = arith.addi %shift_left3A_592, %add3A_1061 : vector<16xi32>
        %gather3A_1063 = tpu.vector_load_idx %arg8[%add3A_1058, %add3A_1062] : memref<128x128xf32, #tpu.memory_space<vmem>>[vector<16xi32>, vector<16xi32>], vector<16xf32>,
        %add3A_1064 = arith.constant 0 : i32
        %add3A_1065 = vector.broadcast %add3A_1064 : i32 to vector<16xi32>
        %add3A_1066 = arith.addi %add3A_1065, %and3A_846 : vector<16xi32>
        tpu.vector_store_idx %arg12[%add3A_1066, %add3A_1058], %gather3A_1063 : memref<64x128xf32, #tpu.memory_space<vmem>>[vector<16xi32>, vector<16xi32>], vector<16xf32>,
        %add3A_1067 = arith.constant 16 : i32
        %add3A_1068 = vector.broadcast %add3A_1067 : i32 to vector<16xi32>
        %add3A_1069 = arith.addi %add3A_1068, %and3A_846 : vector<16xi32>
        %add3A_1070 = arith.addi %shift_left3A_592, %add3A_1069 : vector<16xi32>
        %gather3A_1071 = tpu.vector_load_idx %arg8[%add3A_1058, %add3A_1070] : memref<128x128xf32, #tpu.memory_space<vmem>>[vector<16xi32>, vector<16xi32>], vector<16xf32>,
        %add3A_1072 = arith.constant 16 : i32
        %add3A_1073 = vector.broadcast %add3A_1072 : i32 to vector<16xi32>
        %add3A_1074 = arith.addi %add3A_1073, %and3A_846 : vector<16xi32>
        tpu.vector_store_idx %arg12[%add3A_1074, %add3A_1058], %gather3A_1071 : memref<64x128xf32, #tpu.memory_space<vmem>>[vector<16xi32>, vector<16xi32>], vector<16xf32>,
        %add3A_1075 = arith.constant 32 : i32
        %add3A_1076 = vector.broadcast %add3A_1075 : i32 to vector<16xi32>
        %add3A_1077 = arith.addi %add3A_1076, %and3A_846 : vector<16xi32>
        %add3A_1078 = arith.addi %shift_left3A_592, %add3A_1077 : vector<16xi32>
        %gather3A_1079 = tpu.vector_load_idx %arg8[%add3A_1058, %add3A_1078] : memref<128x128xf32, #tpu.memory_space<vmem>>[vector<16xi32>, vector<16xi32>], vector<16xf32>,
        %add3A_1080 = arith.constant 32 : i32
        %add3A_1081 = vector.broadcast %add3A_1080 : i32 to vector<16xi32>
        %add3A_1082 = arith.addi %add3A_1081, %and3A_846 : vector<16xi32>
        tpu.vector_store_idx %arg12[%add3A_1082, %add3A_1058], %gather3A_1079 : memref<64x128xf32, #tpu.memory_space<vmem>>[vector<16xi32>, vector<16xi32>], vector<16xf32>,
        %add3A_1083 = arith.constant 48 : i32
        %add3A_1084 = vector.broadcast %add3A_1083 : i32 to vector<16xi32>
        %add3A_1085 = arith.addi %add3A_1084, %and3A_846 : vector<16xi32>
        %add3A_1086 = arith.addi %shift_left3A_592, %add3A_1085 : vector<16xi32>
        %gather3A_1087 = tpu.vector_load_idx %arg8[%add3A_1058, %add3A_1086] : memref<128x128xf32, #tpu.memory_space<vmem>>[vector<16xi32>, vector<16xi32>], vector<16xf32>,
        %add3A_1088 = arith.constant 48 : i32
        %add3A_1089 = vector.broadcast %add3A_1088 : i32 to vector<16xi32>
        %add3A_1090 = arith.addi %add3A_1089, %and3A_846 : vector<16xi32>
        tpu.vector_store_idx %arg12[%add3A_1090, %add3A_1058], %gather3A_1087 : memref<64x128xf32, #tpu.memory_space<vmem>>[vector<16xi32>, vector<16xi32>], vector<16xf32>,
        %add3A_1091 = arith.constant 112 : i32
        %add3A_1092 = vector.broadcast %add3A_1091 : i32 to vector<16xi32>
        %add3A_1093 = arith.addi %add3A_1092, %iota3A : vector<16xi32>
        %add3A_1094 = arith.constant 0 : i32
        %add3A_1095 = vector.broadcast %add3A_1094 : i32 to vector<16xi32>
        %add3A_1096 = arith.addi %add3A_1095, %and3A_846 : vector<16xi32>
        %add3A_1097 = arith.addi %shift_left3A_601, %add3A_1096 : vector<16xi32>
        %gather3A_1098 = tpu.vector_load_idx %arg8[%add3A_1093, %add3A_1097] : memref<128x128xf32, #tpu.memory_space<vmem>>[vector<16xi32>, vector<16xi32>], vector<16xf32>,
        %add3A_1099 = arith.constant 0 : i32
        %add3A_1100 = vector.broadcast %add3A_1099 : i32 to vector<16xi32>
        %add3A_1101 = arith.addi %add3A_1100, %and3A_846 : vector<16xi32>
        tpu.vector_store_idx %arg12[%add3A_1101, %add3A_1093], %gather3A_1098 : memref<64x128xf32, #tpu.memory_space<vmem>>[vector<16xi32>, vector<16xi32>], vector<16xf32>,
        %add3A_1102 = arith.constant 16 : i32
        %add3A_1103 = vector.broadcast %add3A_1102 : i32 to vector<16xi32>
        %add3A_1104 = arith.addi %add3A_1103, %and3A_846 : vector<16xi32>
        %add3A_1105 = arith.addi %shift_left3A_601, %add3A_1104 : vector<16xi32>
        %gather3A_1106 = tpu.vector_load_idx %arg8[%add3A_1093, %add3A_1105] : memref<128x128xf32, #tpu.memory_space<vmem>>[vector<16xi32>, vector<16xi32>], vector<16xf32>,
        %add3A_1107 = arith.constant 16 : i32
        %add3A_1108 = vector.broadcast %add3A_1107 : i32 to vector<16xi32>
        %add3A_1109 = arith.addi %add3A_1108, %and3A_846 : vector<16xi32>
        tpu.vector_store_idx %arg12[%add3A_1109, %add3A_1093], %gather3A_1106 : memref<64x128xf32, #tpu.memory_space<vmem>>[vector<16xi32>, vector<16xi32>], vector<16xf32>,
        %add3A_1110 = arith.constant 32 : i32
        %add3A_1111 = vector.broadcast %add3A_1110 : i32 to vector<16xi32>
        %add3A_1112 = arith.addi %add3A_1111, %and3A_846 : vector<16xi32>
        %add3A_1113 = arith.addi %shift_left3A_601, %add3A_1112 : vector<16xi32>
        %gather3A_1114 = tpu.vector_load_idx %arg8[%add3A_1093, %add3A_1113] : memref<128x128xf32, #tpu.memory_space<vmem>>[vector<16xi32>, vector<16xi32>], vector<16xf32>,
        %add3A_1115 = arith.constant 32 : i32
        %add3A_1116 = vector.broadcast %add3A_1115 : i32 to vector<16xi32>
        %add3A_1117 = arith.addi %add3A_1116, %and3A_846 : vector<16xi32>
        tpu.vector_store_idx %arg12[%add3A_1117, %add3A_1093], %gather3A_1114 : memref<64x128xf32, #tpu.memory_space<vmem>>[vector<16xi32>, vector<16xi32>], vector<16xf32>,
        %add3A_1118 = arith.constant 48 : i32
        %add3A_1119 = vector.broadcast %add3A_1118 : i32 to vector<16xi32>
        %add3A_1120 = arith.addi %add3A_1119, %and3A_846 : vector<16xi32>
        %add3A_1121 = arith.addi %shift_left3A_601, %add3A_1120 : vector<16xi32>
        %gather3A_1122 = tpu.vector_load_idx %arg8[%add3A_1093, %add3A_1121] : memref<128x128xf32, #tpu.memory_space<vmem>>[vector<16xi32>, vector<16xi32>], vector<16xf32>,
        %add3A_1123 = arith.constant 48 : i32
        %add3A_1124 = vector.broadcast %add3A_1123 : i32 to vector<16xi32>
        %add3A_1125 = arith.addi %add3A_1124, %and3A_846 : vector<16xi32>
        tpu.vector_store_idx %arg12[%add3A_1125, %add3A_1093], %gather3A_1122 : memref<64x128xf32, #tpu.memory_space<vmem>>[vector<16xi32>, vector<16xi32>], vector<16xf32>,
      }
      %scan3A_607 = arith.constant 16 : i32
      %mul3A_608 = arith.constant 128 : i32
      %mul3A_609 = arith.muli %add3A, %mul3A_608 : i32
      %dma_start3A_610 = arith.constant 0 : i32
      %dma_start3A_611 = tpu.memref_slice %arg4[%add3A_517, %dma_start3A_610, %mul3A_609] : memref<200x64x4096xf32, #tpu.memory_space<hbm>> -> memref<1x64x128xf32, #tpu.memory_space<hbm>>
      %dma_start3A_612 = tpu.memref_squeeze %dma_start3A_611 : memref<1x64x128xf32, #tpu.memory_space<hbm>> -> memref<64x128xf32, #tpu.memory_space<hbm>>
      %dma_start3A_613 = arith.constant 0 : i32
      %dma_start3A_614 = tpu.memref_slice %arg4[%add3A_517, %dma_start3A_613, %mul3A_609] : memref<200x64x4096xf32, #tpu.memory_space<hbm>> -> memref<1x64x128xf32, #tpu.memory_space<hbm>>
      %dma_start3A_615 = tpu.memref_squeeze %dma_start3A_614 : memref<1x64x128xf32, #tpu.memory_space<hbm>> -> memref<64x128xf32, #tpu.memory_space<hbm>>
      tpu.enqueue_dma source(%arg12 : memref<64x128xf32, #tpu.memory_space<vmem>>) target(%dma_start3A_615 : memref<64x128xf32, #tpu.memory_space<hbm>>) target_semaphore(%arg18 : memref<!tpu.dma_semaphore, #tpu.memory_space<semaphore_mem>>)
      %add3A_616 = arith.constant 4 : i32
      %add3A_617 = arith.addi %add3A_517, %add3A_616 : i32
      %lt3A_618 = arith.constant 200 : i32
      %lt3A_619 = arith.cmpi slt, %add3A_617, %lt3A_618 : i32
      %convert_element_type3A_620 = arith.extui %lt3A_619 : i1 to i32
      %cond3A_621 = arith.constant 0 : i32
      %cond3A_622 = arith.cmpi ne, %convert_element_type3A_620, %cond3A_621 : i32
      scf.if %cond3A_622 {
        %add3A_841 = arith.constant 4 : i32
        %add3A_842 = arith.addi %add3A_517, %add3A_841 : i32
        %get3A_843 = arith.index_cast %add3A_842 : i32 to index
        %get3A_844 = arith.constant 0 : index
        %get3A_845 = tpu.vector_load %arg5[%get3A_843, %get3A_844] {strides = array<i32>} : memref<200x128xi32, #tpu.memory_space<vmem>>, vector<16xi32>,
        %shift_right_logical3A_846 = arith.constant 1 : i32
        %shift_right_logical3A_847 = vector.broadcast %shift_right_logical3A_846 : i32 to vector<16xi32>
        %shift_right_logical3A_848 = arith.shrui %get3A_845, %shift_right_logical3A_847 : vector<16xi32>
        %swap3A_849 = arith.constant 1 : i32
        %swap3A_850 = arith.index_cast %swap3A_849 : i32 to index
        %swap3A_851 = arith.constant 0 : index
        %swap3A_852 = tpu.vector_load %arg6[%swap3A_850, %swap3A_851] {strides = array<i32>} : memref<4x128xi32, #tpu.memory_space<vmem>>, vector<16xi32>,
        tpu.vector_store %arg6[%swap3A_850, %swap3A_851], %shift_right_logical3A_848 {strides = array<i32>} : memref<4x128xi32, #tpu.memory_space<vmem>>, vector<16xi32>,
        %get3A_853 = arith.index_cast %add3A_842 : i32 to index
        %get3A_854 = arith.constant 16 : index
        %get3A_855 = tpu.vector_load %arg5[%get3A_853, %get3A_854] {strides = array<i32>} : memref<200x128xi32, #tpu.memory_space<vmem>>, vector<16xi32>,
        %shift_right_logical3A_856 = arith.constant 1 : i32
        %shift_right_logical3A_857 = vector.broadcast %shift_right_logical3A_856 : i32 to vector<16xi32>
        %shift_right_logical3A_858 = arith.shrui %get3A_855, %shift_right_logical3A_857 : vector<16xi32>
        %swap3A_859 = arith.constant 1 : i32
        %swap3A_860 = arith.index_cast %swap3A_859 : i32 to index
        %swap3A_861 = arith.constant 16 : index
        %swap3A_862 = tpu.vector_load %arg6[%swap3A_860, %swap3A_861] {strides = array<i32>} : memref<4x128xi32, #tpu.memory_space<vmem>>, vector<16xi32>,
        tpu.vector_store %arg6[%swap3A_860, %swap3A_861], %shift_right_logical3A_858 {strides = array<i32>} : memref<4x128xi32, #tpu.memory_space<vmem>>, vector<16xi32>,
        %get3A_863 = arith.index_cast %add3A_842 : i32 to index
        %get3A_864 = arith.constant 32 : index
        %get3A_865 = tpu.vector_load %arg5[%get3A_863, %get3A_864] {strides = array<i32>} : memref<200x128xi32, #tpu.memory_space<vmem>>, vector<16xi32>,
        %shift_right_logical3A_866 = arith.constant 1 : i32
        %shift_right_logical3A_867 = vector.broadcast %shift_right_logical3A_866 : i32 to vector<16xi32>
        %shift_right_logical3A_868 = arith.shrui %get3A_865, %shift_right_logical3A_867 : vector<16xi32>
        %swap3A_869 = arith.constant 1 : i32
        %swap3A_870 = arith.index_cast %swap3A_869 : i32 to index
        %swap3A_871 = arith.constant 32 : index
        %swap3A_872 = tpu.vector_load %arg6[%swap3A_870, %swap3A_871] {strides = array<i32>} : memref<4x128xi32, #tpu.memory_space<vmem>>, vector<16xi32>,
        tpu.vector_store %arg6[%swap3A_870, %swap3A_871], %shift_right_logical3A_868 {strides = array<i32>} : memref<4x128xi32, #tpu.memory_space<vmem>>, vector<16xi32>,
        %get3A_873 = arith.index_cast %add3A_842 : i32 to index
        %get3A_874 = arith.constant 48 : index
        %get3A_875 = tpu.vector_load %arg5[%get3A_873, %get3A_874] {strides = array<i32>} : memref<200x128xi32, #tpu.memory_space<vmem>>, vector<16xi32>,
        %shift_right_logical3A_876 = arith.constant 1 : i32
        %shift_right_logical3A_877 = vector.broadcast %shift_right_logical3A_876 : i32 to vector<16xi32>
        %shift_right_logical3A_878 = arith.shrui %get3A_875, %shift_right_logical3A_877 : vector<16xi32>
        %swap3A_879 = arith.constant 1 : i32
        %swap3A_880 = arith.index_cast %swap3A_879 : i32 to index
        %swap3A_881 = arith.constant 48 : index
        %swap3A_882 = tpu.vector_load %arg6[%swap3A_880, %swap3A_881] {strides = array<i32>} : memref<4x128xi32, #tpu.memory_space<vmem>>, vector<16xi32>,
        tpu.vector_store %arg6[%swap3A_880, %swap3A_881], %shift_right_logical3A_878 {strides = array<i32>} : memref<4x128xi32, #tpu.memory_space<vmem>>, vector<16xi32>,
        %get3A_883 = arith.index_cast %add3A_842 : i32 to index
        %get3A_884 = arith.constant 64 : index
        %get3A_885 = tpu.vector_load %arg5[%get3A_883, %get3A_884] {strides = array<i32>} : memref<200x128xi32, #tpu.memory_space<vmem>>, vector<16xi32>,
        %shift_right_logical3A_886 = arith.constant 1 : i32
        %shift_right_logical3A_887 = vector.broadcast %shift_right_logical3A_886 : i32 to vector<16xi32>
        %shift_right_logical3A_888 = arith.shrui %get3A_885, %shift_right_logical3A_887 : vector<16xi32>
        %swap3A_889 = arith.constant 1 : i32
        %swap3A_890 = arith.index_cast %swap3A_889 : i32 to index
        %swap3A_891 = arith.constant 64 : index
        %swap3A_892 = tpu.vector_load %arg6[%swap3A_890, %swap3A_891] {strides = array<i32>} : memref<4x128xi32, #tpu.memory_space<vmem>>, vector<16xi32>,
        tpu.vector_store %arg6[%swap3A_890, %swap3A_891], %shift_right_logical3A_888 {strides = array<i32>} : memref<4x128xi32, #tpu.memory_space<vmem>>, vector<16xi32>,
        %get3A_893 = arith.index_cast %add3A_842 : i32 to index
        %get3A_894 = arith.constant 80 : index
        %get3A_895 = tpu.vector_load %arg5[%get3A_893, %get3A_894] {strides = array<i32>} : memref<200x128xi32, #tpu.memory_space<vmem>>, vector<16xi32>,
        %shift_right_logical3A_896 = arith.constant 1 : i32
        %shift_right_logical3A_897 = vector.broadcast %shift_right_logical3A_896 : i32 to vector<16xi32>
        %shift_right_logical3A_898 = arith.shrui %get3A_895, %shift_right_logical3A_897 : vector<16xi32>
        %swap3A_899 = arith.constant 1 : i32
        %swap3A_900 = arith.index_cast %swap3A_899 : i32 to index
        %swap3A_901 = arith.constant 80 : index
        %swap3A_902 = tpu.vector_load %arg6[%swap3A_900, %swap3A_901] {strides = array<i32>} : memref<4x128xi32, #tpu.memory_space<vmem>>, vector<16xi32>,
        tpu.vector_store %arg6[%swap3A_900, %swap3A_901], %shift_right_logical3A_898 {strides = array<i32>} : memref<4x128xi32, #tpu.memory_space<vmem>>, vector<16xi32>,
        %get3A_903 = arith.index_cast %add3A_842 : i32 to index
        %get3A_904 = arith.constant 96 : index
        %get3A_905 = tpu.vector_load %arg5[%get3A_903, %get3A_904] {strides = array<i32>} : memref<200x128xi32, #tpu.memory_space<vmem>>, vector<16xi32>,
        %shift_right_logical3A_906 = arith.constant 1 : i32
        %shift_right_logical3A_907 = vector.broadcast %shift_right_logical3A_906 : i32 to vector<16xi32>
        %shift_right_logical3A_908 = arith.shrui %get3A_905, %shift_right_logical3A_907 : vector<16xi32>
        %swap3A_909 = arith.constant 1 : i32
        %swap3A_910 = arith.index_cast %swap3A_909 : i32 to index
        %swap3A_911 = arith.constant 96 : index
        %swap3A_912 = tpu.vector_load %arg6[%swap3A_910, %swap3A_911] {strides = array<i32>} : memref<4x128xi32, #tpu.memory_space<vmem>>, vector<16xi32>,
        tpu.vector_store %arg6[%swap3A_910, %swap3A_911], %shift_right_logical3A_908 {strides = array<i32>} : memref<4x128xi32, #tpu.memory_space<vmem>>, vector<16xi32>,
        %get3A_913 = arith.index_cast %add3A_842 : i32 to index
        %get3A_914 = arith.constant 112 : index
        %get3A_915 = tpu.vector_load %arg5[%get3A_913, %get3A_914] {strides = array<i32>} : memref<200x128xi32, #tpu.memory_space<vmem>>, vector<16xi32>,
        %shift_right_logical3A_916 = arith.constant 1 : i32
        %shift_right_logical3A_917 = vector.broadcast %shift_right_logical3A_916 : i32 to vector<16xi32>
        %shift_right_logical3A_918 = arith.shrui %get3A_915, %shift_right_logical3A_917 : vector<16xi32>
        %swap3A_919 = arith.constant 1 : i32
        %swap3A_920 = arith.index_cast %swap3A_919 : i32 to index
        %swap3A_921 = arith.constant 112 : index
        %swap3A_922 = tpu.vector_load %arg6[%swap3A_920, %swap3A_921] {strides = array<i32>} : memref<4x128xi32, #tpu.memory_space<vmem>>, vector<16xi32>,
        tpu.vector_store %arg6[%swap3A_920, %swap3A_921], %shift_right_logical3A_918 {strides = array<i32>} : memref<4x128xi32, #tpu.memory_space<vmem>>, vector<16xi32>,
        %dma_start3A_923 = arith.constant 1 : i32
        %dma_start3A_924 = arith.constant 0 : i32
        %dma_start3A_925 = tpu.memref_slice %arg6[%dma_start3A_923, %dma_start3A_924] : memref<4x128xi32, #tpu.memory_space<vmem>> -> memref<1x128xi32, #tpu.memory_space<vmem>>
        %dma_start3A_926 = tpu.memref_squeeze %dma_start3A_925 : memref<1x128xi32, #tpu.memory_space<vmem>> -> memref<128xi32, #tpu.memory_space<vmem>>
        %dma_start3A_927 = arith.constant 0 : i32
        %dma_start3A_928 = arith.constant 0 : i32
        %dma_start3A_929 = tpu.memref_slice %arg3[%dma_start3A_927, %dma_start3A_928] : memref<500000x128xf32, #tpu.memory_space<hbm>> -> memref<500000x128xf32, #tpu.memory_space<hbm>>
        tpu.enqueue_indirect_dma source(%dma_start3A_929 : memref<500000x128xf32, #tpu.memory_space<hbm>>) target(%arg8 : memref<128x128xf32, #tpu.memory_space<vmem>>) offsets(%dma_start3A_926 : memref<128xi32, #tpu.memory_space<vmem>>) semaphore(%arg14 : memref<!tpu.dma_semaphore, #tpu.memory_space<semaphore_mem>>)
      } else {
      }
      %mul3A_623 = arith.constant 4 : i32
      %mul3A_624 = arith.muli %scan3A_408, %mul3A_623 : i32
      %add3A_625 = arith.constant 2 : i32
      %add3A_626 = arith.addi %mul3A_624, %add3A_625 : i32
      %dma_wait3A_627 = arith.constant 2 : i32
      %dma_wait3A_628 = arith.constant 0 : i32
      %dma_wait3A_629 = tpu.memref_slice %arg6[%dma_wait3A_627, %dma_wait3A_628] : memref<4x128xi32, #tpu.memory_space<vmem>> -> memref<1x128xi32, #tpu.memory_space<vmem>>
      %dma_wait3A_630 = tpu.memref_squeeze %dma_wait3A_629 : memref<1x128xi32, #tpu.memory_space<vmem>> -> memref<128xi32, #tpu.memory_space<vmem>>
      %dma_wait3A_631 = arith.constant 0 : i32
      %dma_wait3A_632 = arith.constant 0 : i32
      %dma_wait3A_633 = tpu.memref_slice %arg3[%dma_wait3A_631, %dma_wait3A_632] : memref<500000x128xf32, #tpu.memory_space<hbm>> -> memref<500000x128xf32, #tpu.memory_space<hbm>>
      tpu.wait_indirect_dma semaphore(%arg15 : memref<!tpu.dma_semaphore, #tpu.memory_space<semaphore_mem>>) src(%dma_wait3A_633 : memref<500000x128xf32, #tpu.memory_space<hbm>>) dst(%arg9 : memref<128x128xf32, #tpu.memory_space<vmem>>)
      %ge3A_634 = arith.constant 2 : i32
      %ge3A_635 = arith.cmpi sge, %add3A_626, %ge3A_634 : i32
      %convert_element_type3A_636 = arith.extui %ge3A_635 : i1 to i32
      %cond3A_637 = arith.constant 0 : i32
      %cond3A_638 = arith.cmpi ne, %convert_element_type3A_636, %cond3A_637 : i32
      scf.if %cond3A_638 {
        %sub3A = arith.constant 2 : i32
        %sub3A_841 = arith.subi %add3A_626, %sub3A : i32
        %mul3A_842 = arith.constant 128 : i32
        %mul3A_843 = arith.muli %add3A, %mul3A_842 : i32
        %dma_wait3A_844 = arith.constant 0 : i32
        %dma_wait3A_845 = tpu.memref_slice %arg4[%sub3A_841, %dma_wait3A_844, %mul3A_843] : memref<200x64x4096xf32, #tpu.memory_space<hbm>> -> memref<1x64x128xf32, #tpu.memory_space<hbm>>
        %dma_wait3A_846 = tpu.memref_squeeze %dma_wait3A_845 : memref<1x64x128xf32, #tpu.memory_space<hbm>> -> memref<64x128xf32, #tpu.memory_space<hbm>>
        %dma_wait3A_847 = arith.constant 0 : i32
        %dma_wait3A_848 = tpu.memref_slice %arg4[%sub3A_841, %dma_wait3A_847, %mul3A_843] : memref<200x64x4096xf32, #tpu.memory_space<hbm>> -> memref<1x64x128xf32, #tpu.memory_space<hbm>>
        %dma_wait3A_849 = tpu.memref_squeeze %dma_wait3A_848 : memref<1x64x128xf32, #tpu.memory_space<hbm>> -> memref<64x128xf32, #tpu.memory_space<hbm>>
        tpu.wait_dma2 semaphore(%arg17 : memref<!tpu.dma_semaphore, #tpu.memory_space<semaphore_mem>>) src(%arg11 : memref<64x128xf32, #tpu.memory_space<vmem>>) dst(%dma_wait3A_849 : memref<64x128xf32, #tpu.memory_space<hbm>>)
      } else {
      }
      %get3A_639 = arith.index_cast %add3A_626 : i32 to index
      %get3A_640 = arith.constant 0 : index
      %get3A_641 = tpu.vector_load %arg5[%get3A_639, %get3A_640] {strides = array<i32>} : memref<200x128xi32, #tpu.memory_space<vmem>>, vector<16xi32>,
      %and3A_642 = arith.constant 1 : i32
      %and3A_643 = vector.broadcast %and3A_642 : i32 to vector<16xi32>
      %and3A_644 = arith.andi %get3A_641, %and3A_643 : vector<16xi32>
      %shift_left3A_645 = arith.constant 6 : i32
      %shift_left3A_646 = vector.broadcast %shift_left3A_645 : i32 to vector<16xi32>
      %shift_left3A_647 = arith.shli %and3A_644, %shift_left3A_646 : vector<16xi32>
      %get3A_648 = arith.index_cast %add3A_626 : i32 to index
      %get3A_649 = arith.constant 16 : index
      %get3A_650 = tpu.vector_load %arg5[%get3A_648, %get3A_649] {strides = array<i32>} : memref<200x128xi32, #tpu.memory_space<vmem>>, vector<16xi32>,
      %and3A_651 = arith.constant 1 : i32
      %and3A_652 = vector.broadcast %and3A_651 : i32 to vector<16xi32>
      %and3A_653 = arith.andi %get3A_650, %and3A_652 : vector<16xi32>
      %shift_left3A_654 = arith.constant 6 : i32
      %shift_left3A_655 = vector.broadcast %shift_left3A_654 : i32 to vector<16xi32>
      %shift_left3A_656 = arith.shli %and3A_653, %shift_left3A_655 : vector<16xi32>
      %get3A_657 = arith.index_cast %add3A_626 : i32 to index
      %get3A_658 = arith.constant 32 : index
      %get3A_659 = tpu.vector_load %arg5[%get3A_657, %get3A_658] {strides = array<i32>} : memref<200x128xi32, #tpu.memory_space<vmem>>, vector<16xi32>,
      %and3A_660 = arith.constant 1 : i32
      %and3A_661 = vector.broadcast %and3A_660 : i32 to vector<16xi32>
      %and3A_662 = arith.andi %get3A_659, %and3A_661 : vector<16xi32>
      %shift_left3A_663 = arith.constant 6 : i32
      %shift_left3A_664 = vector.broadcast %shift_left3A_663 : i32 to vector<16xi32>
      %shift_left3A_665 = arith.shli %and3A_662, %shift_left3A_664 : vector<16xi32>
      %get3A_666 = arith.index_cast %add3A_626 : i32 to index
      %get3A_667 = arith.constant 48 : index
      %get3A_668 = tpu.vector_load %arg5[%get3A_666, %get3A_667] {strides = array<i32>} : memref<200x128xi32, #tpu.memory_space<vmem>>, vector<16xi32>,
      %and3A_669 = arith.constant 1 : i32
      %and3A_670 = vector.broadcast %and3A_669 : i32 to vector<16xi32>
      %and3A_671 = arith.andi %get3A_668, %and3A_670 : vector<16xi32>
      %shift_left3A_672 = arith.constant 6 : i32
      %shift_left3A_673 = vector.broadcast %shift_left3A_672 : i32 to vector<16xi32>
      %shift_left3A_674 = arith.shli %and3A_671, %shift_left3A_673 : vector<16xi32>
      %get3A_675 = arith.index_cast %add3A_626 : i32 to index
      %get3A_676 = arith.constant 64 : index
      %get3A_677 = tpu.vector_load %arg5[%get3A_675, %get3A_676] {strides = array<i32>} : memref<200x128xi32, #tpu.memory_space<vmem>>, vector<16xi32>,
      %and3A_678 = arith.constant 1 : i32
      %and3A_679 = vector.broadcast %and3A_678 : i32 to vector<16xi32>
      %and3A_680 = arith.andi %get3A_677, %and3A_679 : vector<16xi32>
      %shift_left3A_681 = arith.constant 6 : i32
      %shift_left3A_682 = vector.broadcast %shift_left3A_681 : i32 to vector<16xi32>
      %shift_left3A_683 = arith.shli %and3A_680, %shift_left3A_682 : vector<16xi32>
      %get3A_684 = arith.index_cast %add3A_626 : i32 to index
      %get3A_685 = arith.constant 80 : index
      %get3A_686 = tpu.vector_load %arg5[%get3A_684, %get3A_685] {strides = array<i32>} : memref<200x128xi32, #tpu.memory_space<vmem>>, vector<16xi32>,
      %and3A_687 = arith.constant 1 : i32
      %and3A_688 = vector.broadcast %and3A_687 : i32 to vector<16xi32>
      %and3A_689 = arith.andi %get3A_686, %and3A_688 : vector<16xi32>
      %shift_left3A_690 = arith.constant 6 : i32
      %shift_left3A_691 = vector.broadcast %shift_left3A_690 : i32 to vector<16xi32>
      %shift_left3A_692 = arith.shli %and3A_689, %shift_left3A_691 : vector<16xi32>
      %get3A_693 = arith.index_cast %add3A_626 : i32 to index
      %get3A_694 = arith.constant 96 : index
      %get3A_695 = tpu.vector_load %arg5[%get3A_693, %get3A_694] {strides = array<i32>} : memref<200x128xi32, #tpu.memory_space<vmem>>, vector<16xi32>,
      %and3A_696 = arith.constant 1 : i32
      %and3A_697 = vector.broadcast %and3A_696 : i32 to vector<16xi32>
      %and3A_698 = arith.andi %get3A_695, %and3A_697 : vector<16xi32>
      %shift_left3A_699 = arith.constant 6 : i32
      %shift_left3A_700 = vector.broadcast %shift_left3A_699 : i32 to vector<16xi32>
      %shift_left3A_701 = arith.shli %and3A_698, %shift_left3A_700 : vector<16xi32>
      %get3A_702 = arith.index_cast %add3A_626 : i32 to index
      %get3A_703 = arith.constant 112 : index
      %get3A_704 = tpu.vector_load %arg5[%get3A_702, %get3A_703] {strides = array<i32>} : memref<200x128xi32, #tpu.memory_space<vmem>>, vector<16xi32>,
      %and3A_705 = arith.constant 1 : i32
      %and3A_706 = vector.broadcast %and3A_705 : i32 to vector<16xi32>
      %and3A_707 = arith.andi %get3A_704, %and3A_706 : vector<16xi32>
      %shift_left3A_708 = arith.constant 6 : i32
      %shift_left3A_709 = vector.broadcast %shift_left3A_708 : i32 to vector<16xi32>
      %shift_left3A_710 = arith.shli %and3A_707, %shift_left3A_709 : vector<16xi32>
      %scan3A_711 = arith.constant 0 : i32
      %scan3A_712 = arith.constant 0 : i32
      %scan3A_713 = arith.constant 16 : i32
      %scan3A_714 = arith.addi %scan3A_712, %scan3A_713 : i32
      %scan3A_715 = arith.constant 1 : i32
      scf.for %scan3A_841 = %scan3A_712 to %scan3A_714 step %scan3A_715  : i32 {
        %add3A_842 = vector.broadcast %scan3A_841 : i32 to vector<16xi32>
        %add3A_843 = arith.addi %iota3A, %add3A_842 : vector<16xi32>
        %and3A_844 = arith.constant 15 : i32
        %and3A_845 = vector.broadcast %and3A_844 : i32 to vector<16xi32>
        %and3A_846 = arith.andi %add3A_843, %and3A_845 : vector<16xi32>
        %add3A_847 = arith.constant 0 : i32
        %add3A_848 = vector.broadcast %add3A_847 : i32 to vector<16xi32>
        %add3A_849 = arith.addi %add3A_848, %iota3A : vector<16xi32>
        %add3A_850 = arith.constant 0 : i32
        %add3A_851 = vector.broadcast %add3A_850 : i32 to vector<16xi32>
        %add3A_852 = arith.addi %add3A_851, %and3A_846 : vector<16xi32>
        %add3A_853 = arith.addi %shift_left3A_647, %add3A_852 : vector<16xi32>
        %gather3A = tpu.vector_load_idx %arg9[%add3A_849, %add3A_853] : memref<128x128xf32, #tpu.memory_space<vmem>>[vector<16xi32>, vector<16xi32>], vector<16xf32>,
        %add3A_854 = arith.constant 0 : i32
        %add3A_855 = vector.broadcast %add3A_854 : i32 to vector<16xi32>
        %add3A_856 = arith.addi %add3A_855, %and3A_846 : vector<16xi32>
        tpu.vector_store_idx %arg11[%add3A_856, %add3A_849], %gather3A : memref<64x128xf32, #tpu.memory_space<vmem>>[vector<16xi32>, vector<16xi32>], vector<16xf32>,
        %add3A_857 = arith.constant 16 : i32
        %add3A_858 = vector.broadcast %add3A_857 : i32 to vector<16xi32>
        %add3A_859 = arith.addi %add3A_858, %and3A_846 : vector<16xi32>
        %add3A_860 = arith.addi %shift_left3A_647, %add3A_859 : vector<16xi32>
        %gather3A_861 = tpu.vector_load_idx %arg9[%add3A_849, %add3A_860] : memref<128x128xf32, #tpu.memory_space<vmem>>[vector<16xi32>, vector<16xi32>], vector<16xf32>,
        %add3A_862 = arith.constant 16 : i32
        %add3A_863 = vector.broadcast %add3A_862 : i32 to vector<16xi32>
        %add3A_864 = arith.addi %add3A_863, %and3A_846 : vector<16xi32>
        tpu.vector_store_idx %arg11[%add3A_864, %add3A_849], %gather3A_861 : memref<64x128xf32, #tpu.memory_space<vmem>>[vector<16xi32>, vector<16xi32>], vector<16xf32>,
        %add3A_865 = arith.constant 32 : i32
        %add3A_866 = vector.broadcast %add3A_865 : i32 to vector<16xi32>
        %add3A_867 = arith.addi %add3A_866, %and3A_846 : vector<16xi32>
        %add3A_868 = arith.addi %shift_left3A_647, %add3A_867 : vector<16xi32>
        %gather3A_869 = tpu.vector_load_idx %arg9[%add3A_849, %add3A_868] : memref<128x128xf32, #tpu.memory_space<vmem>>[vector<16xi32>, vector<16xi32>], vector<16xf32>,
        %add3A_870 = arith.constant 32 : i32
        %add3A_871 = vector.broadcast %add3A_870 : i32 to vector<16xi32>
        %add3A_872 = arith.addi %add3A_871, %and3A_846 : vector<16xi32>
        tpu.vector_store_idx %arg11[%add3A_872, %add3A_849], %gather3A_869 : memref<64x128xf32, #tpu.memory_space<vmem>>[vector<16xi32>, vector<16xi32>], vector<16xf32>,
        %add3A_873 = arith.constant 48 : i32
        %add3A_874 = vector.broadcast %add3A_873 : i32 to vector<16xi32>
        %add3A_875 = arith.addi %add3A_874, %and3A_846 : vector<16xi32>
        %add3A_876 = arith.addi %shift_left3A_647, %add3A_875 : vector<16xi32>
        %gather3A_877 = tpu.vector_load_idx %arg9[%add3A_849, %add3A_876] : memref<128x128xf32, #tpu.memory_space<vmem>>[vector<16xi32>, vector<16xi32>], vector<16xf32>,
        %add3A_878 = arith.constant 48 : i32
        %add3A_879 = vector.broadcast %add3A_878 : i32 to vector<16xi32>
        %add3A_880 = arith.addi %add3A_879, %and3A_846 : vector<16xi32>
        tpu.vector_store_idx %arg11[%add3A_880, %add3A_849], %gather3A_877 : memref<64x128xf32, #tpu.memory_space<vmem>>[vector<16xi32>, vector<16xi32>], vector<16xf32>,
        %add3A_881 = arith.constant 16 : i32
        %add3A_882 = vector.broadcast %add3A_881 : i32 to vector<16xi32>
        %add3A_883 = arith.addi %add3A_882, %iota3A : vector<16xi32>
        %add3A_884 = arith.constant 0 : i32
        %add3A_885 = vector.broadcast %add3A_884 : i32 to vector<16xi32>
        %add3A_886 = arith.addi %add3A_885, %and3A_846 : vector<16xi32>
        %add3A_887 = arith.addi %shift_left3A_656, %add3A_886 : vector<16xi32>
        %gather3A_888 = tpu.vector_load_idx %arg9[%add3A_883, %add3A_887] : memref<128x128xf32, #tpu.memory_space<vmem>>[vector<16xi32>, vector<16xi32>], vector<16xf32>,
        %add3A_889 = arith.constant 0 : i32
        %add3A_890 = vector.broadcast %add3A_889 : i32 to vector<16xi32>
        %add3A_891 = arith.addi %add3A_890, %and3A_846 : vector<16xi32>
        tpu.vector_store_idx %arg11[%add3A_891, %add3A_883], %gather3A_888 : memref<64x128xf32, #tpu.memory_space<vmem>>[vector<16xi32>, vector<16xi32>], vector<16xf32>,
        %add3A_892 = arith.constant 16 : i32
        %add3A_893 = vector.broadcast %add3A_892 : i32 to vector<16xi32>
        %add3A_894 = arith.addi %add3A_893, %and3A_846 : vector<16xi32>
        %add3A_895 = arith.addi %shift_left3A_656, %add3A_894 : vector<16xi32>
        %gather3A_896 = tpu.vector_load_idx %arg9[%add3A_883, %add3A_895] : memref<128x128xf32, #tpu.memory_space<vmem>>[vector<16xi32>, vector<16xi32>], vector<16xf32>,
        %add3A_897 = arith.constant 16 : i32
        %add3A_898 = vector.broadcast %add3A_897 : i32 to vector<16xi32>
        %add3A_899 = arith.addi %add3A_898, %and3A_846 : vector<16xi32>
        tpu.vector_store_idx %arg11[%add3A_899, %add3A_883], %gather3A_896 : memref<64x128xf32, #tpu.memory_space<vmem>>[vector<16xi32>, vector<16xi32>], vector<16xf32>,
        %add3A_900 = arith.constant 32 : i32
        %add3A_901 = vector.broadcast %add3A_900 : i32 to vector<16xi32>
        %add3A_902 = arith.addi %add3A_901, %and3A_846 : vector<16xi32>
        %add3A_903 = arith.addi %shift_left3A_656, %add3A_902 : vector<16xi32>
        %gather3A_904 = tpu.vector_load_idx %arg9[%add3A_883, %add3A_903] : memref<128x128xf32, #tpu.memory_space<vmem>>[vector<16xi32>, vector<16xi32>], vector<16xf32>,
        %add3A_905 = arith.constant 32 : i32
        %add3A_906 = vector.broadcast %add3A_905 : i32 to vector<16xi32>
        %add3A_907 = arith.addi %add3A_906, %and3A_846 : vector<16xi32>
        tpu.vector_store_idx %arg11[%add3A_907, %add3A_883], %gather3A_904 : memref<64x128xf32, #tpu.memory_space<vmem>>[vector<16xi32>, vector<16xi32>], vector<16xf32>,
        %add3A_908 = arith.constant 48 : i32
        %add3A_909 = vector.broadcast %add3A_908 : i32 to vector<16xi32>
        %add3A_910 = arith.addi %add3A_909, %and3A_846 : vector<16xi32>
        %add3A_911 = arith.addi %shift_left3A_656, %add3A_910 : vector<16xi32>
        %gather3A_912 = tpu.vector_load_idx %arg9[%add3A_883, %add3A_911] : memref<128x128xf32, #tpu.memory_space<vmem>>[vector<16xi32>, vector<16xi32>], vector<16xf32>,
        %add3A_913 = arith.constant 48 : i32
        %add3A_914 = vector.broadcast %add3A_913 : i32 to vector<16xi32>
        %add3A_915 = arith.addi %add3A_914, %and3A_846 : vector<16xi32>
        tpu.vector_store_idx %arg11[%add3A_915, %add3A_883], %gather3A_912 : memref<64x128xf32, #tpu.memory_space<vmem>>[vector<16xi32>, vector<16xi32>], vector<16xf32>,
        %add3A_916 = arith.constant 32 : i32
        %add3A_917 = vector.broadcast %add3A_916 : i32 to vector<16xi32>
        %add3A_918 = arith.addi %add3A_917, %iota3A : vector<16xi32>
        %add3A_919 = arith.constant 0 : i32
        %add3A_920 = vector.broadcast %add3A_919 : i32 to vector<16xi32>
        %add3A_921 = arith.addi %add3A_920, %and3A_846 : vector<16xi32>
        %add3A_922 = arith.addi %shift_left3A_665, %add3A_921 : vector<16xi32>
        %gather3A_923 = tpu.vector_load_idx %arg9[%add3A_918, %add3A_922] : memref<128x128xf32, #tpu.memory_space<vmem>>[vector<16xi32>, vector<16xi32>], vector<16xf32>,
        %add3A_924 = arith.constant 0 : i32
        %add3A_925 = vector.broadcast %add3A_924 : i32 to vector<16xi32>
        %add3A_926 = arith.addi %add3A_925, %and3A_846 : vector<16xi32>
        tpu.vector_store_idx %arg11[%add3A_926, %add3A_918], %gather3A_923 : memref<64x128xf32, #tpu.memory_space<vmem>>[vector<16xi32>, vector<16xi32>], vector<16xf32>,
        %add3A_927 = arith.constant 16 : i32
        %add3A_928 = vector.broadcast %add3A_927 : i32 to vector<16xi32>
        %add3A_929 = arith.addi %add3A_928, %and3A_846 : vector<16xi32>
        %add3A_930 = arith.addi %shift_left3A_665, %add3A_929 : vector<16xi32>
        %gather3A_931 = tpu.vector_load_idx %arg9[%add3A_918, %add3A_930] : memref<128x128xf32, #tpu.memory_space<vmem>>[vector<16xi32>, vector<16xi32>], vector<16xf32>,
        %add3A_932 = arith.constant 16 : i32
        %add3A_933 = vector.broadcast %add3A_932 : i32 to vector<16xi32>
        %add3A_934 = arith.addi %add3A_933, %and3A_846 : vector<16xi32>
        tpu.vector_store_idx %arg11[%add3A_934, %add3A_918], %gather3A_931 : memref<64x128xf32, #tpu.memory_space<vmem>>[vector<16xi32>, vector<16xi32>], vector<16xf32>,
        %add3A_935 = arith.constant 32 : i32
        %add3A_936 = vector.broadcast %add3A_935 : i32 to vector<16xi32>
        %add3A_937 = arith.addi %add3A_936, %and3A_846 : vector<16xi32>
        %add3A_938 = arith.addi %shift_left3A_665, %add3A_937 : vector<16xi32>
        %gather3A_939 = tpu.vector_load_idx %arg9[%add3A_918, %add3A_938] : memref<128x128xf32, #tpu.memory_space<vmem>>[vector<16xi32>, vector<16xi32>], vector<16xf32>,
        %add3A_940 = arith.constant 32 : i32
        %add3A_941 = vector.broadcast %add3A_940 : i32 to vector<16xi32>
        %add3A_942 = arith.addi %add3A_941, %and3A_846 : vector<16xi32>
        tpu.vector_store_idx %arg11[%add3A_942, %add3A_918], %gather3A_939 : memref<64x128xf32, #tpu.memory_space<vmem>>[vector<16xi32>, vector<16xi32>], vector<16xf32>,
        %add3A_943 = arith.constant 48 : i32
        %add3A_944 = vector.broadcast %add3A_943 : i32 to vector<16xi32>
        %add3A_945 = arith.addi %add3A_944, %and3A_846 : vector<16xi32>
        %add3A_946 = arith.addi %shift_left3A_665, %add3A_945 : vector<16xi32>
        %gather3A_947 = tpu.vector_load_idx %arg9[%add3A_918, %add3A_946] : memref<128x128xf32, #tpu.memory_space<vmem>>[vector<16xi32>, vector<16xi32>], vector<16xf32>,
        %add3A_948 = arith.constant 48 : i32
        %add3A_949 = vector.broadcast %add3A_948 : i32 to vector<16xi32>
        %add3A_950 = arith.addi %add3A_949, %and3A_846 : vector<16xi32>
        tpu.vector_store_idx %arg11[%add3A_950, %add3A_918], %gather3A_947 : memref<64x128xf32, #tpu.memory_space<vmem>>[vector<16xi32>, vector<16xi32>], vector<16xf32>,
        %add3A_951 = arith.constant 48 : i32
        %add3A_952 = vector.broadcast %add3A_951 : i32 to vector<16xi32>
        %add3A_953 = arith.addi %add3A_952, %iota3A : vector<16xi32>
        %add3A_954 = arith.constant 0 : i32
        %add3A_955 = vector.broadcast %add3A_954 : i32 to vector<16xi32>
        %add3A_956 = arith.addi %add3A_955, %and3A_846 : vector<16xi32>
        %add3A_957 = arith.addi %shift_left3A_674, %add3A_956 : vector<16xi32>
        %gather3A_958 = tpu.vector_load_idx %arg9[%add3A_953, %add3A_957] : memref<128x128xf32, #tpu.memory_space<vmem>>[vector<16xi32>, vector<16xi32>], vector<16xf32>,
        %add3A_959 = arith.constant 0 : i32
        %add3A_960 = vector.broadcast %add3A_959 : i32 to vector<16xi32>
        %add3A_961 = arith.addi %add3A_960, %and3A_846 : vector<16xi32>
        tpu.vector_store_idx %arg11[%add3A_961, %add3A_953], %gather3A_958 : memref<64x128xf32, #tpu.memory_space<vmem>>[vector<16xi32>, vector<16xi32>], vector<16xf32>,
        %add3A_962 = arith.constant 16 : i32
        %add3A_963 = vector.broadcast %add3A_962 : i32 to vector<16xi32>
        %add3A_964 = arith.addi %add3A_963, %and3A_846 : vector<16xi32>
        %add3A_965 = arith.addi %shift_left3A_674, %add3A_964 : vector<16xi32>
        %gather3A_966 = tpu.vector_load_idx %arg9[%add3A_953, %add3A_965] : memref<128x128xf32, #tpu.memory_space<vmem>>[vector<16xi32>, vector<16xi32>], vector<16xf32>,
        %add3A_967 = arith.constant 16 : i32
        %add3A_968 = vector.broadcast %add3A_967 : i32 to vector<16xi32>
        %add3A_969 = arith.addi %add3A_968, %and3A_846 : vector<16xi32>
        tpu.vector_store_idx %arg11[%add3A_969, %add3A_953], %gather3A_966 : memref<64x128xf32, #tpu.memory_space<vmem>>[vector<16xi32>, vector<16xi32>], vector<16xf32>,
        %add3A_970 = arith.constant 32 : i32
        %add3A_971 = vector.broadcast %add3A_970 : i32 to vector<16xi32>
        %add3A_972 = arith.addi %add3A_971, %and3A_846 : vector<16xi32>
        %add3A_973 = arith.addi %shift_left3A_674, %add3A_972 : vector<16xi32>
        %gather3A_974 = tpu.vector_load_idx %arg9[%add3A_953, %add3A_973] : memref<128x128xf32, #tpu.memory_space<vmem>>[vector<16xi32>, vector<16xi32>], vector<16xf32>,
        %add3A_975 = arith.constant 32 : i32
        %add3A_976 = vector.broadcast %add3A_975 : i32 to vector<16xi32>
        %add3A_977 = arith.addi %add3A_976, %and3A_846 : vector<16xi32>
        tpu.vector_store_idx %arg11[%add3A_977, %add3A_953], %gather3A_974 : memref<64x128xf32, #tpu.memory_space<vmem>>[vector<16xi32>, vector<16xi32>], vector<16xf32>,
        %add3A_978 = arith.constant 48 : i32
        %add3A_979 = vector.broadcast %add3A_978 : i32 to vector<16xi32>
        %add3A_980 = arith.addi %add3A_979, %and3A_846 : vector<16xi32>
        %add3A_981 = arith.addi %shift_left3A_674, %add3A_980 : vector<16xi32>
        %gather3A_982 = tpu.vector_load_idx %arg9[%add3A_953, %add3A_981] : memref<128x128xf32, #tpu.memory_space<vmem>>[vector<16xi32>, vector<16xi32>], vector<16xf32>,
        %add3A_983 = arith.constant 48 : i32
        %add3A_984 = vector.broadcast %add3A_983 : i32 to vector<16xi32>
        %add3A_985 = arith.addi %add3A_984, %and3A_846 : vector<16xi32>
        tpu.vector_store_idx %arg11[%add3A_985, %add3A_953], %gather3A_982 : memref<64x128xf32, #tpu.memory_space<vmem>>[vector<16xi32>, vector<16xi32>], vector<16xf32>,
        %add3A_986 = arith.constant 64 : i32
        %add3A_987 = vector.broadcast %add3A_986 : i32 to vector<16xi32>
        %add3A_988 = arith.addi %add3A_987, %iota3A : vector<16xi32>
        %add3A_989 = arith.constant 0 : i32
        %add3A_990 = vector.broadcast %add3A_989 : i32 to vector<16xi32>
        %add3A_991 = arith.addi %add3A_990, %and3A_846 : vector<16xi32>
        %add3A_992 = arith.addi %shift_left3A_683, %add3A_991 : vector<16xi32>
        %gather3A_993 = tpu.vector_load_idx %arg9[%add3A_988, %add3A_992] : memref<128x128xf32, #tpu.memory_space<vmem>>[vector<16xi32>, vector<16xi32>], vector<16xf32>,
        %add3A_994 = arith.constant 0 : i32
        %add3A_995 = vector.broadcast %add3A_994 : i32 to vector<16xi32>
        %add3A_996 = arith.addi %add3A_995, %and3A_846 : vector<16xi32>
        tpu.vector_store_idx %arg11[%add3A_996, %add3A_988], %gather3A_993 : memref<64x128xf32, #tpu.memory_space<vmem>>[vector<16xi32>, vector<16xi32>], vector<16xf32>,
        %add3A_997 = arith.constant 16 : i32
        %add3A_998 = vector.broadcast %add3A_997 : i32 to vector<16xi32>
        %add3A_999 = arith.addi %add3A_998, %and3A_846 : vector<16xi32>
        %add3A_1000 = arith.addi %shift_left3A_683, %add3A_999 : vector<16xi32>
        %gather3A_1001 = tpu.vector_load_idx %arg9[%add3A_988, %add3A_1000] : memref<128x128xf32, #tpu.memory_space<vmem>>[vector<16xi32>, vector<16xi32>], vector<16xf32>,
        %add3A_1002 = arith.constant 16 : i32
        %add3A_1003 = vector.broadcast %add3A_1002 : i32 to vector<16xi32>
        %add3A_1004 = arith.addi %add3A_1003, %and3A_846 : vector<16xi32>
        tpu.vector_store_idx %arg11[%add3A_1004, %add3A_988], %gather3A_1001 : memref<64x128xf32, #tpu.memory_space<vmem>>[vector<16xi32>, vector<16xi32>], vector<16xf32>,
        %add3A_1005 = arith.constant 32 : i32
        %add3A_1006 = vector.broadcast %add3A_1005 : i32 to vector<16xi32>
        %add3A_1007 = arith.addi %add3A_1006, %and3A_846 : vector<16xi32>
        %add3A_1008 = arith.addi %shift_left3A_683, %add3A_1007 : vector<16xi32>
        %gather3A_1009 = tpu.vector_load_idx %arg9[%add3A_988, %add3A_1008] : memref<128x128xf32, #tpu.memory_space<vmem>>[vector<16xi32>, vector<16xi32>], vector<16xf32>,
        %add3A_1010 = arith.constant 32 : i32
        %add3A_1011 = vector.broadcast %add3A_1010 : i32 to vector<16xi32>
        %add3A_1012 = arith.addi %add3A_1011, %and3A_846 : vector<16xi32>
        tpu.vector_store_idx %arg11[%add3A_1012, %add3A_988], %gather3A_1009 : memref<64x128xf32, #tpu.memory_space<vmem>>[vector<16xi32>, vector<16xi32>], vector<16xf32>,
        %add3A_1013 = arith.constant 48 : i32
        %add3A_1014 = vector.broadcast %add3A_1013 : i32 to vector<16xi32>
        %add3A_1015 = arith.addi %add3A_1014, %and3A_846 : vector<16xi32>
        %add3A_1016 = arith.addi %shift_left3A_683, %add3A_1015 : vector<16xi32>
        %gather3A_1017 = tpu.vector_load_idx %arg9[%add3A_988, %add3A_1016] : memref<128x128xf32, #tpu.memory_space<vmem>>[vector<16xi32>, vector<16xi32>], vector<16xf32>,
        %add3A_1018 = arith.constant 48 : i32
        %add3A_1019 = vector.broadcast %add3A_1018 : i32 to vector<16xi32>
        %add3A_1020 = arith.addi %add3A_1019, %and3A_846 : vector<16xi32>
        tpu.vector_store_idx %arg11[%add3A_1020, %add3A_988], %gather3A_1017 : memref<64x128xf32, #tpu.memory_space<vmem>>[vector<16xi32>, vector<16xi32>], vector<16xf32>,
        %add3A_1021 = arith.constant 80 : i32
        %add3A_1022 = vector.broadcast %add3A_1021 : i32 to vector<16xi32>
        %add3A_1023 = arith.addi %add3A_1022, %iota3A : vector<16xi32>
        %add3A_1024 = arith.constant 0 : i32
        %add3A_1025 = vector.broadcast %add3A_1024 : i32 to vector<16xi32>
        %add3A_1026 = arith.addi %add3A_1025, %and3A_846 : vector<16xi32>
        %add3A_1027 = arith.addi %shift_left3A_692, %add3A_1026 : vector<16xi32>
        %gather3A_1028 = tpu.vector_load_idx %arg9[%add3A_1023, %add3A_1027] : memref<128x128xf32, #tpu.memory_space<vmem>>[vector<16xi32>, vector<16xi32>], vector<16xf32>,
        %add3A_1029 = arith.constant 0 : i32
        %add3A_1030 = vector.broadcast %add3A_1029 : i32 to vector<16xi32>
        %add3A_1031 = arith.addi %add3A_1030, %and3A_846 : vector<16xi32>
        tpu.vector_store_idx %arg11[%add3A_1031, %add3A_1023], %gather3A_1028 : memref<64x128xf32, #tpu.memory_space<vmem>>[vector<16xi32>, vector<16xi32>], vector<16xf32>,
        %add3A_1032 = arith.constant 16 : i32
        %add3A_1033 = vector.broadcast %add3A_1032 : i32 to vector<16xi32>
        %add3A_1034 = arith.addi %add3A_1033, %and3A_846 : vector<16xi32>
        %add3A_1035 = arith.addi %shift_left3A_692, %add3A_1034 : vector<16xi32>
        %gather3A_1036 = tpu.vector_load_idx %arg9[%add3A_1023, %add3A_1035] : memref<128x128xf32, #tpu.memory_space<vmem>>[vector<16xi32>, vector<16xi32>], vector<16xf32>,
        %add3A_1037 = arith.constant 16 : i32
        %add3A_1038 = vector.broadcast %add3A_1037 : i32 to vector<16xi32>
        %add3A_1039 = arith.addi %add3A_1038, %and3A_846 : vector<16xi32>
        tpu.vector_store_idx %arg11[%add3A_1039, %add3A_1023], %gather3A_1036 : memref<64x128xf32, #tpu.memory_space<vmem>>[vector<16xi32>, vector<16xi32>], vector<16xf32>,
        %add3A_1040 = arith.constant 32 : i32
        %add3A_1041 = vector.broadcast %add3A_1040 : i32 to vector<16xi32>
        %add3A_1042 = arith.addi %add3A_1041, %and3A_846 : vector<16xi32>
        %add3A_1043 = arith.addi %shift_left3A_692, %add3A_1042 : vector<16xi32>
        %gather3A_1044 = tpu.vector_load_idx %arg9[%add3A_1023, %add3A_1043] : memref<128x128xf32, #tpu.memory_space<vmem>>[vector<16xi32>, vector<16xi32>], vector<16xf32>,
        %add3A_1045 = arith.constant 32 : i32
        %add3A_1046 = vector.broadcast %add3A_1045 : i32 to vector<16xi32>
        %add3A_1047 = arith.addi %add3A_1046, %and3A_846 : vector<16xi32>
        tpu.vector_store_idx %arg11[%add3A_1047, %add3A_1023], %gather3A_1044 : memref<64x128xf32, #tpu.memory_space<vmem>>[vector<16xi32>, vector<16xi32>], vector<16xf32>,
        %add3A_1048 = arith.constant 48 : i32
        %add3A_1049 = vector.broadcast %add3A_1048 : i32 to vector<16xi32>
        %add3A_1050 = arith.addi %add3A_1049, %and3A_846 : vector<16xi32>
        %add3A_1051 = arith.addi %shift_left3A_692, %add3A_1050 : vector<16xi32>
        %gather3A_1052 = tpu.vector_load_idx %arg9[%add3A_1023, %add3A_1051] : memref<128x128xf32, #tpu.memory_space<vmem>>[vector<16xi32>, vector<16xi32>], vector<16xf32>,
        %add3A_1053 = arith.constant 48 : i32
        %add3A_1054 = vector.broadcast %add3A_1053 : i32 to vector<16xi32>
        %add3A_1055 = arith.addi %add3A_1054, %and3A_846 : vector<16xi32>
        tpu.vector_store_idx %arg11[%add3A_1055, %add3A_1023], %gather3A_1052 : memref<64x128xf32, #tpu.memory_space<vmem>>[vector<16xi32>, vector<16xi32>], vector<16xf32>,
        %add3A_1056 = arith.constant 96 : i32
        %add3A_1057 = vector.broadcast %add3A_1056 : i32 to vector<16xi32>
        %add3A_1058 = arith.addi %add3A_1057, %iota3A : vector<16xi32>
        %add3A_1059 = arith.constant 0 : i32
        %add3A_1060 = vector.broadcast %add3A_1059 : i32 to vector<16xi32>
        %add3A_1061 = arith.addi %add3A_1060, %and3A_846 : vector<16xi32>
        %add3A_1062 = arith.addi %shift_left3A_701, %add3A_1061 : vector<16xi32>
        %gather3A_1063 = tpu.vector_load_idx %arg9[%add3A_1058, %add3A_1062] : memref<128x128xf32, #tpu.memory_space<vmem>>[vector<16xi32>, vector<16xi32>], vector<16xf32>,
        %add3A_1064 = arith.constant 0 : i32
        %add3A_1065 = vector.broadcast %add3A_1064 : i32 to vector<16xi32>
        %add3A_1066 = arith.addi %add3A_1065, %and3A_846 : vector<16xi32>
        tpu.vector_store_idx %arg11[%add3A_1066, %add3A_1058], %gather3A_1063 : memref<64x128xf32, #tpu.memory_space<vmem>>[vector<16xi32>, vector<16xi32>], vector<16xf32>,
        %add3A_1067 = arith.constant 16 : i32
        %add3A_1068 = vector.broadcast %add3A_1067 : i32 to vector<16xi32>
        %add3A_1069 = arith.addi %add3A_1068, %and3A_846 : vector<16xi32>
        %add3A_1070 = arith.addi %shift_left3A_701, %add3A_1069 : vector<16xi32>
        %gather3A_1071 = tpu.vector_load_idx %arg9[%add3A_1058, %add3A_1070] : memref<128x128xf32, #tpu.memory_space<vmem>>[vector<16xi32>, vector<16xi32>], vector<16xf32>,
        %add3A_1072 = arith.constant 16 : i32
        %add3A_1073 = vector.broadcast %add3A_1072 : i32 to vector<16xi32>
        %add3A_1074 = arith.addi %add3A_1073, %and3A_846 : vector<16xi32>
        tpu.vector_store_idx %arg11[%add3A_1074, %add3A_1058], %gather3A_1071 : memref<64x128xf32, #tpu.memory_space<vmem>>[vector<16xi32>, vector<16xi32>], vector<16xf32>,
        %add3A_1075 = arith.constant 32 : i32
        %add3A_1076 = vector.broadcast %add3A_1075 : i32 to vector<16xi32>
        %add3A_1077 = arith.addi %add3A_1076, %and3A_846 : vector<16xi32>
        %add3A_1078 = arith.addi %shift_left3A_701, %add3A_1077 : vector<16xi32>
        %gather3A_1079 = tpu.vector_load_idx %arg9[%add3A_1058, %add3A_1078] : memref<128x128xf32, #tpu.memory_space<vmem>>[vector<16xi32>, vector<16xi32>], vector<16xf32>,
        %add3A_1080 = arith.constant 32 : i32
        %add3A_1081 = vector.broadcast %add3A_1080 : i32 to vector<16xi32>
        %add3A_1082 = arith.addi %add3A_1081, %and3A_846 : vector<16xi32>
        tpu.vector_store_idx %arg11[%add3A_1082, %add3A_1058], %gather3A_1079 : memref<64x128xf32, #tpu.memory_space<vmem>>[vector<16xi32>, vector<16xi32>], vector<16xf32>,
        %add3A_1083 = arith.constant 48 : i32
        %add3A_1084 = vector.broadcast %add3A_1083 : i32 to vector<16xi32>
        %add3A_1085 = arith.addi %add3A_1084, %and3A_846 : vector<16xi32>
        %add3A_1086 = arith.addi %shift_left3A_701, %add3A_1085 : vector<16xi32>
        %gather3A_1087 = tpu.vector_load_idx %arg9[%add3A_1058, %add3A_1086] : memref<128x128xf32, #tpu.memory_space<vmem>>[vector<16xi32>, vector<16xi32>], vector<16xf32>,
        %add3A_1088 = arith.constant 48 : i32
        %add3A_1089 = vector.broadcast %add3A_1088 : i32 to vector<16xi32>
        %add3A_1090 = arith.addi %add3A_1089, %and3A_846 : vector<16xi32>
        tpu.vector_store_idx %arg11[%add3A_1090, %add3A_1058], %gather3A_1087 : memref<64x128xf32, #tpu.memory_space<vmem>>[vector<16xi32>, vector<16xi32>], vector<16xf32>,
        %add3A_1091 = arith.constant 112 : i32
        %add3A_1092 = vector.broadcast %add3A_1091 : i32 to vector<16xi32>
        %add3A_1093 = arith.addi %add3A_1092, %iota3A : vector<16xi32>
        %add3A_1094 = arith.constant 0 : i32
        %add3A_1095 = vector.broadcast %add3A_1094 : i32 to vector<16xi32>
        %add3A_1096 = arith.addi %add3A_1095, %and3A_846 : vector<16xi32>
        %add3A_1097 = arith.addi %shift_left3A_710, %add3A_1096 : vector<16xi32>
        %gather3A_1098 = tpu.vector_load_idx %arg9[%add3A_1093, %add3A_1097] : memref<128x128xf32, #tpu.memory_space<vmem>>[vector<16xi32>, vector<16xi32>], vector<16xf32>,
        %add3A_1099 = arith.constant 0 : i32
        %add3A_1100 = vector.broadcast %add3A_1099 : i32 to vector<16xi32>
        %add3A_1101 = arith.addi %add3A_1100, %and3A_846 : vector<16xi32>
        tpu.vector_store_idx %arg11[%add3A_1101, %add3A_1093], %gather3A_1098 : memref<64x128xf32, #tpu.memory_space<vmem>>[vector<16xi32>, vector<16xi32>], vector<16xf32>,
        %add3A_1102 = arith.constant 16 : i32
        %add3A_1103 = vector.broadcast %add3A_1102 : i32 to vector<16xi32>
        %add3A_1104 = arith.addi %add3A_1103, %and3A_846 : vector<16xi32>
        %add3A_1105 = arith.addi %shift_left3A_710, %add3A_1104 : vector<16xi32>
        %gather3A_1106 = tpu.vector_load_idx %arg9[%add3A_1093, %add3A_1105] : memref<128x128xf32, #tpu.memory_space<vmem>>[vector<16xi32>, vector<16xi32>], vector<16xf32>,
        %add3A_1107 = arith.constant 16 : i32
        %add3A_1108 = vector.broadcast %add3A_1107 : i32 to vector<16xi32>
        %add3A_1109 = arith.addi %add3A_1108, %and3A_846 : vector<16xi32>
        tpu.vector_store_idx %arg11[%add3A_1109, %add3A_1093], %gather3A_1106 : memref<64x128xf32, #tpu.memory_space<vmem>>[vector<16xi32>, vector<16xi32>], vector<16xf32>,
        %add3A_1110 = arith.constant 32 : i32
        %add3A_1111 = vector.broadcast %add3A_1110 : i32 to vector<16xi32>
        %add3A_1112 = arith.addi %add3A_1111, %and3A_846 : vector<16xi32>
        %add3A_1113 = arith.addi %shift_left3A_710, %add3A_1112 : vector<16xi32>
        %gather3A_1114 = tpu.vector_load_idx %arg9[%add3A_1093, %add3A_1113] : memref<128x128xf32, #tpu.memory_space<vmem>>[vector<16xi32>, vector<16xi32>], vector<16xf32>,
        %add3A_1115 = arith.constant 32 : i32
        %add3A_1116 = vector.broadcast %add3A_1115 : i32 to vector<16xi32>
        %add3A_1117 = arith.addi %add3A_1116, %and3A_846 : vector<16xi32>
        tpu.vector_store_idx %arg11[%add3A_1117, %add3A_1093], %gather3A_1114 : memref<64x128xf32, #tpu.memory_space<vmem>>[vector<16xi32>, vector<16xi32>], vector<16xf32>,
        %add3A_1118 = arith.constant 48 : i32
        %add3A_1119 = vector.broadcast %add3A_1118 : i32 to vector<16xi32>
        %add3A_1120 = arith.addi %add3A_1119, %and3A_846 : vector<16xi32>
        %add3A_1121 = arith.addi %shift_left3A_710, %add3A_1120 : vector<16xi32>
        %gather3A_1122 = tpu.vector_load_idx %arg9[%add3A_1093, %add3A_1121] : memref<128x128xf32, #tpu.memory_space<vmem>>[vector<16xi32>, vector<16xi32>], vector<16xf32>,
        %add3A_1123 = arith.constant 48 : i32
        %add3A_1124 = vector.broadcast %add3A_1123 : i32 to vector<16xi32>
        %add3A_1125 = arith.addi %add3A_1124, %and3A_846 : vector<16xi32>
        tpu.vector_store_idx %arg11[%add3A_1125, %add3A_1093], %gather3A_1122 : memref<64x128xf32, #tpu.memory_space<vmem>>[vector<16xi32>, vector<16xi32>], vector<16xf32>,
      }
      %scan3A_716 = arith.constant 16 : i32
      %mul3A_717 = arith.constant 128 : i32
      %mul3A_718 = arith.muli %add3A, %mul3A_717 : i32
      %dma_start3A_719 = arith.constant 0 : i32
      %dma_start3A_720 = tpu.memref_slice %arg4[%add3A_626, %dma_start3A_719, %mul3A_718] : memref<200x64x4096xf32, #tpu.memory_space<hbm>> -> memref<1x64x128xf32, #tpu.memory_space<hbm>>
      %dma_start3A_721 = tpu.memref_squeeze %dma_start3A_720 : memref<1x64x128xf32, #tpu.memory_space<hbm>> -> memref<64x128xf32, #tpu.memory_space<hbm>>
      %dma_start3A_722 = arith.constant 0 : i32
      %dma_start3A_723 = tpu.memref_slice %arg4[%add3A_626, %dma_start3A_722, %mul3A_718] : memref<200x64x4096xf32, #tpu.memory_space<hbm>> -> memref<1x64x128xf32, #tpu.memory_space<hbm>>
      %dma_start3A_724 = tpu.memref_squeeze %dma_start3A_723 : memref<1x64x128xf32, #tpu.memory_space<hbm>> -> memref<64x128xf32, #tpu.memory_space<hbm>>
      tpu.enqueue_dma source(%arg11 : memref<64x128xf32, #tpu.memory_space<vmem>>) target(%dma_start3A_724 : memref<64x128xf32, #tpu.memory_space<hbm>>) target_semaphore(%arg17 : memref<!tpu.dma_semaphore, #tpu.memory_space<semaphore_mem>>)
      %add3A_725 = arith.constant 4 : i32
      %add3A_726 = arith.addi %add3A_626, %add3A_725 : i32
      %lt3A_727 = arith.constant 200 : i32
      %lt3A_728 = arith.cmpi slt, %add3A_726, %lt3A_727 : i32
      %convert_element_type3A_729 = arith.extui %lt3A_728 : i1 to i32
      %cond3A_730 = arith.constant 0 : i32
      %cond3A_731 = arith.cmpi ne, %convert_element_type3A_729, %cond3A_730 : i32
      scf.if %cond3A_731 {
        %add3A_841 = arith.constant 4 : i32
        %add3A_842 = arith.addi %add3A_626, %add3A_841 : i32
        %get3A_843 = arith.index_cast %add3A_842 : i32 to index
        %get3A_844 = arith.constant 0 : index
        %get3A_845 = tpu.vector_load %arg5[%get3A_843, %get3A_844] {strides = array<i32>} : memref<200x128xi32, #tpu.memory_space<vmem>>, vector<16xi32>,
        %shift_right_logical3A_846 = arith.constant 1 : i32
        %shift_right_logical3A_847 = vector.broadcast %shift_right_logical3A_846 : i32 to vector<16xi32>
        %shift_right_logical3A_848 = arith.shrui %get3A_845, %shift_right_logical3A_847 : vector<16xi32>
        %swap3A_849 = arith.constant 2 : i32
        %swap3A_850 = arith.index_cast %swap3A_849 : i32 to index
        %swap3A_851 = arith.constant 0 : index
        %swap3A_852 = tpu.vector_load %arg6[%swap3A_850, %swap3A_851] {strides = array<i32>} : memref<4x128xi32, #tpu.memory_space<vmem>>, vector<16xi32>,
        tpu.vector_store %arg6[%swap3A_850, %swap3A_851], %shift_right_logical3A_848 {strides = array<i32>} : memref<4x128xi32, #tpu.memory_space<vmem>>, vector<16xi32>,
        %get3A_853 = arith.index_cast %add3A_842 : i32 to index
        %get3A_854 = arith.constant 16 : index
        %get3A_855 = tpu.vector_load %arg5[%get3A_853, %get3A_854] {strides = array<i32>} : memref<200x128xi32, #tpu.memory_space<vmem>>, vector<16xi32>,
        %shift_right_logical3A_856 = arith.constant 1 : i32
        %shift_right_logical3A_857 = vector.broadcast %shift_right_logical3A_856 : i32 to vector<16xi32>
        %shift_right_logical3A_858 = arith.shrui %get3A_855, %shift_right_logical3A_857 : vector<16xi32>
        %swap3A_859 = arith.constant 2 : i32
        %swap3A_860 = arith.index_cast %swap3A_859 : i32 to index
        %swap3A_861 = arith.constant 16 : index
        %swap3A_862 = tpu.vector_load %arg6[%swap3A_860, %swap3A_861] {strides = array<i32>} : memref<4x128xi32, #tpu.memory_space<vmem>>, vector<16xi32>,
        tpu.vector_store %arg6[%swap3A_860, %swap3A_861], %shift_right_logical3A_858 {strides = array<i32>} : memref<4x128xi32, #tpu.memory_space<vmem>>, vector<16xi32>,
        %get3A_863 = arith.index_cast %add3A_842 : i32 to index
        %get3A_864 = arith.constant 32 : index
        %get3A_865 = tpu.vector_load %arg5[%get3A_863, %get3A_864] {strides = array<i32>} : memref<200x128xi32, #tpu.memory_space<vmem>>, vector<16xi32>,
        %shift_right_logical3A_866 = arith.constant 1 : i32
        %shift_right_logical3A_867 = vector.broadcast %shift_right_logical3A_866 : i32 to vector<16xi32>
        %shift_right_logical3A_868 = arith.shrui %get3A_865, %shift_right_logical3A_867 : vector<16xi32>
        %swap3A_869 = arith.constant 2 : i32
        %swap3A_870 = arith.index_cast %swap3A_869 : i32 to index
        %swap3A_871 = arith.constant 32 : index
        %swap3A_872 = tpu.vector_load %arg6[%swap3A_870, %swap3A_871] {strides = array<i32>} : memref<4x128xi32, #tpu.memory_space<vmem>>, vector<16xi32>,
        tpu.vector_store %arg6[%swap3A_870, %swap3A_871], %shift_right_logical3A_868 {strides = array<i32>} : memref<4x128xi32, #tpu.memory_space<vmem>>, vector<16xi32>,
        %get3A_873 = arith.index_cast %add3A_842 : i32 to index
        %get3A_874 = arith.constant 48 : index
        %get3A_875 = tpu.vector_load %arg5[%get3A_873, %get3A_874] {strides = array<i32>} : memref<200x128xi32, #tpu.memory_space<vmem>>, vector<16xi32>,
        %shift_right_logical3A_876 = arith.constant 1 : i32
        %shift_right_logical3A_877 = vector.broadcast %shift_right_logical3A_876 : i32 to vector<16xi32>
        %shift_right_logical3A_878 = arith.shrui %get3A_875, %shift_right_logical3A_877 : vector<16xi32>
        %swap3A_879 = arith.constant 2 : i32
        %swap3A_880 = arith.index_cast %swap3A_879 : i32 to index
        %swap3A_881 = arith.constant 48 : index
        %swap3A_882 = tpu.vector_load %arg6[%swap3A_880, %swap3A_881] {strides = array<i32>} : memref<4x128xi32, #tpu.memory_space<vmem>>, vector<16xi32>,
        tpu.vector_store %arg6[%swap3A_880, %swap3A_881], %shift_right_logical3A_878 {strides = array<i32>} : memref<4x128xi32, #tpu.memory_space<vmem>>, vector<16xi32>,
        %get3A_883 = arith.index_cast %add3A_842 : i32 to index
        %get3A_884 = arith.constant 64 : index
        %get3A_885 = tpu.vector_load %arg5[%get3A_883, %get3A_884] {strides = array<i32>} : memref<200x128xi32, #tpu.memory_space<vmem>>, vector<16xi32>,
        %shift_right_logical3A_886 = arith.constant 1 : i32
        %shift_right_logical3A_887 = vector.broadcast %shift_right_logical3A_886 : i32 to vector<16xi32>
        %shift_right_logical3A_888 = arith.shrui %get3A_885, %shift_right_logical3A_887 : vector<16xi32>
        %swap3A_889 = arith.constant 2 : i32
        %swap3A_890 = arith.index_cast %swap3A_889 : i32 to index
        %swap3A_891 = arith.constant 64 : index
        %swap3A_892 = tpu.vector_load %arg6[%swap3A_890, %swap3A_891] {strides = array<i32>} : memref<4x128xi32, #tpu.memory_space<vmem>>, vector<16xi32>,
        tpu.vector_store %arg6[%swap3A_890, %swap3A_891], %shift_right_logical3A_888 {strides = array<i32>} : memref<4x128xi32, #tpu.memory_space<vmem>>, vector<16xi32>,
        %get3A_893 = arith.index_cast %add3A_842 : i32 to index
        %get3A_894 = arith.constant 80 : index
        %get3A_895 = tpu.vector_load %arg5[%get3A_893, %get3A_894] {strides = array<i32>} : memref<200x128xi32, #tpu.memory_space<vmem>>, vector<16xi32>,
        %shift_right_logical3A_896 = arith.constant 1 : i32
        %shift_right_logical3A_897 = vector.broadcast %shift_right_logical3A_896 : i32 to vector<16xi32>
        %shift_right_logical3A_898 = arith.shrui %get3A_895, %shift_right_logical3A_897 : vector<16xi32>
        %swap3A_899 = arith.constant 2 : i32
        %swap3A_900 = arith.index_cast %swap3A_899 : i32 to index
        %swap3A_901 = arith.constant 80 : index
        %swap3A_902 = tpu.vector_load %arg6[%swap3A_900, %swap3A_901] {strides = array<i32>} : memref<4x128xi32, #tpu.memory_space<vmem>>, vector<16xi32>,
        tpu.vector_store %arg6[%swap3A_900, %swap3A_901], %shift_right_logical3A_898 {strides = array<i32>} : memref<4x128xi32, #tpu.memory_space<vmem>>, vector<16xi32>,
        %get3A_903 = arith.index_cast %add3A_842 : i32 to index
        %get3A_904 = arith.constant 96 : index
        %get3A_905 = tpu.vector_load %arg5[%get3A_903, %get3A_904] {strides = array<i32>} : memref<200x128xi32, #tpu.memory_space<vmem>>, vector<16xi32>,
        %shift_right_logical3A_906 = arith.constant 1 : i32
        %shift_right_logical3A_907 = vector.broadcast %shift_right_logical3A_906 : i32 to vector<16xi32>
        %shift_right_logical3A_908 = arith.shrui %get3A_905, %shift_right_logical3A_907 : vector<16xi32>
        %swap3A_909 = arith.constant 2 : i32
        %swap3A_910 = arith.index_cast %swap3A_909 : i32 to index
        %swap3A_911 = arith.constant 96 : index
        %swap3A_912 = tpu.vector_load %arg6[%swap3A_910, %swap3A_911] {strides = array<i32>} : memref<4x128xi32, #tpu.memory_space<vmem>>, vector<16xi32>,
        tpu.vector_store %arg6[%swap3A_910, %swap3A_911], %shift_right_logical3A_908 {strides = array<i32>} : memref<4x128xi32, #tpu.memory_space<vmem>>, vector<16xi32>,
        %get3A_913 = arith.index_cast %add3A_842 : i32 to index
        %get3A_914 = arith.constant 112 : index
        %get3A_915 = tpu.vector_load %arg5[%get3A_913, %get3A_914] {strides = array<i32>} : memref<200x128xi32, #tpu.memory_space<vmem>>, vector<16xi32>,
        %shift_right_logical3A_916 = arith.constant 1 : i32
        %shift_right_logical3A_917 = vector.broadcast %shift_right_logical3A_916 : i32 to vector<16xi32>
        %shift_right_logical3A_918 = arith.shrui %get3A_915, %shift_right_logical3A_917 : vector<16xi32>
        %swap3A_919 = arith.constant 2 : i32
        %swap3A_920 = arith.index_cast %swap3A_919 : i32 to index
        %swap3A_921 = arith.constant 112 : index
        %swap3A_922 = tpu.vector_load %arg6[%swap3A_920, %swap3A_921] {strides = array<i32>} : memref<4x128xi32, #tpu.memory_space<vmem>>, vector<16xi32>,
        tpu.vector_store %arg6[%swap3A_920, %swap3A_921], %shift_right_logical3A_918 {strides = array<i32>} : memref<4x128xi32, #tpu.memory_space<vmem>>, vector<16xi32>,
        %dma_start3A_923 = arith.constant 2 : i32
        %dma_start3A_924 = arith.constant 0 : i32
        %dma_start3A_925 = tpu.memref_slice %arg6[%dma_start3A_923, %dma_start3A_924] : memref<4x128xi32, #tpu.memory_space<vmem>> -> memref<1x128xi32, #tpu.memory_space<vmem>>
        %dma_start3A_926 = tpu.memref_squeeze %dma_start3A_925 : memref<1x128xi32, #tpu.memory_space<vmem>> -> memref<128xi32, #tpu.memory_space<vmem>>
        %dma_start3A_927 = arith.constant 0 : i32
        %dma_start3A_928 = arith.constant 0 : i32
        %dma_start3A_929 = tpu.memref_slice %arg3[%dma_start3A_927, %dma_start3A_928] : memref<500000x128xf32, #tpu.memory_space<hbm>> -> memref<500000x128xf32, #tpu.memory_space<hbm>>
        tpu.enqueue_indirect_dma source(%dma_start3A_929 : memref<500000x128xf32, #tpu.memory_space<hbm>>) target(%arg9 : memref<128x128xf32, #tpu.memory_space<vmem>>) offsets(%dma_start3A_926 : memref<128xi32, #tpu.memory_space<vmem>>) semaphore(%arg15 : memref<!tpu.dma_semaphore, #tpu.memory_space<semaphore_mem>>)
      } else {
      }
      %mul3A_732 = arith.constant 4 : i32
      %mul3A_733 = arith.muli %scan3A_408, %mul3A_732 : i32
      %add3A_734 = arith.constant 3 : i32
      %add3A_735 = arith.addi %mul3A_733, %add3A_734 : i32
      %dma_wait3A_736 = arith.constant 3 : i32
      %dma_wait3A_737 = arith.constant 0 : i32
      %dma_wait3A_738 = tpu.memref_slice %arg6[%dma_wait3A_736, %dma_wait3A_737] : memref<4x128xi32, #tpu.memory_space<vmem>> -> memref<1x128xi32, #tpu.memory_space<vmem>>
      %dma_wait3A_739 = tpu.memref_squeeze %dma_wait3A_738 : memref<1x128xi32, #tpu.memory_space<vmem>> -> memref<128xi32, #tpu.memory_space<vmem>>
      %dma_wait3A_740 = arith.constant 0 : i32
      %dma_wait3A_741 = arith.constant 0 : i32
      %dma_wait3A_742 = tpu.memref_slice %arg3[%dma_wait3A_740, %dma_wait3A_741] : memref<500000x128xf32, #tpu.memory_space<hbm>> -> memref<500000x128xf32, #tpu.memory_space<hbm>>
      tpu.wait_indirect_dma semaphore(%arg16 : memref<!tpu.dma_semaphore, #tpu.memory_space<semaphore_mem>>) src(%dma_wait3A_742 : memref<500000x128xf32, #tpu.memory_space<hbm>>) dst(%arg10 : memref<128x128xf32, #tpu.memory_space<vmem>>)
      %ge3A_743 = arith.constant 2 : i32
      %ge3A_744 = arith.cmpi sge, %add3A_735, %ge3A_743 : i32
      %convert_element_type3A_745 = arith.extui %ge3A_744 : i1 to i32
      %cond3A_746 = arith.constant 0 : i32
      %cond3A_747 = arith.cmpi ne, %convert_element_type3A_745, %cond3A_746 : i32
      scf.if %cond3A_747 {
        %sub3A = arith.constant 2 : i32
        %sub3A_841 = arith.subi %add3A_735, %sub3A : i32
        %mul3A_842 = arith.constant 128 : i32
        %mul3A_843 = arith.muli %add3A, %mul3A_842 : i32
        %dma_wait3A_844 = arith.constant 0 : i32
        %dma_wait3A_845 = tpu.memref_slice %arg4[%sub3A_841, %dma_wait3A_844, %mul3A_843] : memref<200x64x4096xf32, #tpu.memory_space<hbm>> -> memref<1x64x128xf32, #tpu.memory_space<hbm>>
        %dma_wait3A_846 = tpu.memref_squeeze %dma_wait3A_845 : memref<1x64x128xf32, #tpu.memory_space<hbm>> -> memref<64x128xf32, #tpu.memory_space<hbm>>
        %dma_wait3A_847 = arith.constant 0 : i32
        %dma_wait3A_848 = tpu.memref_slice %arg4[%sub3A_841, %dma_wait3A_847, %mul3A_843] : memref<200x64x4096xf32, #tpu.memory_space<hbm>> -> memref<1x64x128xf32, #tpu.memory_space<hbm>>
        %dma_wait3A_849 = tpu.memref_squeeze %dma_wait3A_848 : memref<1x64x128xf32, #tpu.memory_space<hbm>> -> memref<64x128xf32, #tpu.memory_space<hbm>>
        tpu.wait_dma2 semaphore(%arg18 : memref<!tpu.dma_semaphore, #tpu.memory_space<semaphore_mem>>) src(%arg12 : memref<64x128xf32, #tpu.memory_space<vmem>>) dst(%dma_wait3A_849 : memref<64x128xf32, #tpu.memory_space<hbm>>)
      } else {
      }
      %get3A_748 = arith.index_cast %add3A_735 : i32 to index
      %get3A_749 = arith.constant 0 : index
      %get3A_750 = tpu.vector_load %arg5[%get3A_748, %get3A_749] {strides = array<i32>} : memref<200x128xi32, #tpu.memory_space<vmem>>, vector<16xi32>,
      %and3A_751 = arith.constant 1 : i32
      %and3A_752 = vector.broadcast %and3A_751 : i32 to vector<16xi32>
      %and3A_753 = arith.andi %get3A_750, %and3A_752 : vector<16xi32>
      %shift_left3A_754 = arith.constant 6 : i32
      %shift_left3A_755 = vector.broadcast %shift_left3A_754 : i32 to vector<16xi32>
      %shift_left3A_756 = arith.shli %and3A_753, %shift_left3A_755 : vector<16xi32>
      %get3A_757 = arith.index_cast %add3A_735 : i32 to index
      %get3A_758 = arith.constant 16 : index
      %get3A_759 = tpu.vector_load %arg5[%get3A_757, %get3A_758] {strides = array<i32>} : memref<200x128xi32, #tpu.memory_space<vmem>>, vector<16xi32>,
      %and3A_760 = arith.constant 1 : i32
      %and3A_761 = vector.broadcast %and3A_760 : i32 to vector<16xi32>
      %and3A_762 = arith.andi %get3A_759, %and3A_761 : vector<16xi32>
      %shift_left3A_763 = arith.constant 6 : i32
      %shift_left3A_764 = vector.broadcast %shift_left3A_763 : i32 to vector<16xi32>
      %shift_left3A_765 = arith.shli %and3A_762, %shift_left3A_764 : vector<16xi32>
      %get3A_766 = arith.index_cast %add3A_735 : i32 to index
      %get3A_767 = arith.constant 32 : index
      %get3A_768 = tpu.vector_load %arg5[%get3A_766, %get3A_767] {strides = array<i32>} : memref<200x128xi32, #tpu.memory_space<vmem>>, vector<16xi32>,
      %and3A_769 = arith.constant 1 : i32
      %and3A_770 = vector.broadcast %and3A_769 : i32 to vector<16xi32>
      %and3A_771 = arith.andi %get3A_768, %and3A_770 : vector<16xi32>
      %shift_left3A_772 = arith.constant 6 : i32
      %shift_left3A_773 = vector.broadcast %shift_left3A_772 : i32 to vector<16xi32>
      %shift_left3A_774 = arith.shli %and3A_771, %shift_left3A_773 : vector<16xi32>
      %get3A_775 = arith.index_cast %add3A_735 : i32 to index
      %get3A_776 = arith.constant 48 : index
      %get3A_777 = tpu.vector_load %arg5[%get3A_775, %get3A_776] {strides = array<i32>} : memref<200x128xi32, #tpu.memory_space<vmem>>, vector<16xi32>,
      %and3A_778 = arith.constant 1 : i32
      %and3A_779 = vector.broadcast %and3A_778 : i32 to vector<16xi32>
      %and3A_780 = arith.andi %get3A_777, %and3A_779 : vector<16xi32>
      %shift_left3A_781 = arith.constant 6 : i32
      %shift_left3A_782 = vector.broadcast %shift_left3A_781 : i32 to vector<16xi32>
      %shift_left3A_783 = arith.shli %and3A_780, %shift_left3A_782 : vector<16xi32>
      %get3A_784 = arith.index_cast %add3A_735 : i32 to index
      %get3A_785 = arith.constant 64 : index
      %get3A_786 = tpu.vector_load %arg5[%get3A_784, %get3A_785] {strides = array<i32>} : memref<200x128xi32, #tpu.memory_space<vmem>>, vector<16xi32>,
      %and3A_787 = arith.constant 1 : i32
      %and3A_788 = vector.broadcast %and3A_787 : i32 to vector<16xi32>
      %and3A_789 = arith.andi %get3A_786, %and3A_788 : vector<16xi32>
      %shift_left3A_790 = arith.constant 6 : i32
      %shift_left3A_791 = vector.broadcast %shift_left3A_790 : i32 to vector<16xi32>
      %shift_left3A_792 = arith.shli %and3A_789, %shift_left3A_791 : vector<16xi32>
      %get3A_793 = arith.index_cast %add3A_735 : i32 to index
      %get3A_794 = arith.constant 80 : index
      %get3A_795 = tpu.vector_load %arg5[%get3A_793, %get3A_794] {strides = array<i32>} : memref<200x128xi32, #tpu.memory_space<vmem>>, vector<16xi32>,
      %and3A_796 = arith.constant 1 : i32
      %and3A_797 = vector.broadcast %and3A_796 : i32 to vector<16xi32>
      %and3A_798 = arith.andi %get3A_795, %and3A_797 : vector<16xi32>
      %shift_left3A_799 = arith.constant 6 : i32
      %shift_left3A_800 = vector.broadcast %shift_left3A_799 : i32 to vector<16xi32>
      %shift_left3A_801 = arith.shli %and3A_798, %shift_left3A_800 : vector<16xi32>
      %get3A_802 = arith.index_cast %add3A_735 : i32 to index
      %get3A_803 = arith.constant 96 : index
      %get3A_804 = tpu.vector_load %arg5[%get3A_802, %get3A_803] {strides = array<i32>} : memref<200x128xi32, #tpu.memory_space<vmem>>, vector<16xi32>,
      %and3A_805 = arith.constant 1 : i32
      %and3A_806 = vector.broadcast %and3A_805 : i32 to vector<16xi32>
      %and3A_807 = arith.andi %get3A_804, %and3A_806 : vector<16xi32>
      %shift_left3A_808 = arith.constant 6 : i32
      %shift_left3A_809 = vector.broadcast %shift_left3A_808 : i32 to vector<16xi32>
      %shift_left3A_810 = arith.shli %and3A_807, %shift_left3A_809 : vector<16xi32>
      %get3A_811 = arith.index_cast %add3A_735 : i32 to index
      %get3A_812 = arith.constant 112 : index
      %get3A_813 = tpu.vector_load %arg5[%get3A_811, %get3A_812] {strides = array<i32>} : memref<200x128xi32, #tpu.memory_space<vmem>>, vector<16xi32>,
      %and3A_814 = arith.constant 1 : i32
      %and3A_815 = vector.broadcast %and3A_814 : i32 to vector<16xi32>
      %and3A_816 = arith.andi %get3A_813, %and3A_815 : vector<16xi32>
      %shift_left3A_817 = arith.constant 6 : i32
      %shift_left3A_818 = vector.broadcast %shift_left3A_817 : i32 to vector<16xi32>
      %shift_left3A_819 = arith.shli %and3A_816, %shift_left3A_818 : vector<16xi32>
      %scan3A_820 = arith.constant 0 : i32
      %scan3A_821 = arith.constant 0 : i32
      %scan3A_822 = arith.constant 16 : i32
      %scan3A_823 = arith.addi %scan3A_821, %scan3A_822 : i32
      %scan3A_824 = arith.constant 1 : i32
      scf.for %scan3A_841 = %scan3A_821 to %scan3A_823 step %scan3A_824  : i32 {
        %add3A_842 = vector.broadcast %scan3A_841 : i32 to vector<16xi32>
        %add3A_843 = arith.addi %iota3A, %add3A_842 : vector<16xi32>
        %and3A_844 = arith.constant 15 : i32
        %and3A_845 = vector.broadcast %and3A_844 : i32 to vector<16xi32>
        %and3A_846 = arith.andi %add3A_843, %and3A_845 : vector<16xi32>
        %add3A_847 = arith.constant 0 : i32
        %add3A_848 = vector.broadcast %add3A_847 : i32 to vector<16xi32>
        %add3A_849 = arith.addi %add3A_848, %iota3A : vector<16xi32>
        %add3A_850 = arith.constant 0 : i32
        %add3A_851 = vector.broadcast %add3A_850 : i32 to vector<16xi32>
        %add3A_852 = arith.addi %add3A_851, %and3A_846 : vector<16xi32>
        %add3A_853 = arith.addi %shift_left3A_756, %add3A_852 : vector<16xi32>
        %gather3A = tpu.vector_load_idx %arg10[%add3A_849, %add3A_853] : memref<128x128xf32, #tpu.memory_space<vmem>>[vector<16xi32>, vector<16xi32>], vector<16xf32>,
        %add3A_854 = arith.constant 0 : i32
        %add3A_855 = vector.broadcast %add3A_854 : i32 to vector<16xi32>
        %add3A_856 = arith.addi %add3A_855, %and3A_846 : vector<16xi32>
        tpu.vector_store_idx %arg12[%add3A_856, %add3A_849], %gather3A : memref<64x128xf32, #tpu.memory_space<vmem>>[vector<16xi32>, vector<16xi32>], vector<16xf32>,
        %add3A_857 = arith.constant 16 : i32
        %add3A_858 = vector.broadcast %add3A_857 : i32 to vector<16xi32>
        %add3A_859 = arith.addi %add3A_858, %and3A_846 : vector<16xi32>
        %add3A_860 = arith.addi %shift_left3A_756, %add3A_859 : vector<16xi32>
        %gather3A_861 = tpu.vector_load_idx %arg10[%add3A_849, %add3A_860] : memref<128x128xf32, #tpu.memory_space<vmem>>[vector<16xi32>, vector<16xi32>], vector<16xf32>,
        %add3A_862 = arith.constant 16 : i32
        %add3A_863 = vector.broadcast %add3A_862 : i32 to vector<16xi32>
        %add3A_864 = arith.addi %add3A_863, %and3A_846 : vector<16xi32>
        tpu.vector_store_idx %arg12[%add3A_864, %add3A_849], %gather3A_861 : memref<64x128xf32, #tpu.memory_space<vmem>>[vector<16xi32>, vector<16xi32>], vector<16xf32>,
        %add3A_865 = arith.constant 32 : i32
        %add3A_866 = vector.broadcast %add3A_865 : i32 to vector<16xi32>
        %add3A_867 = arith.addi %add3A_866, %and3A_846 : vector<16xi32>
        %add3A_868 = arith.addi %shift_left3A_756, %add3A_867 : vector<16xi32>
        %gather3A_869 = tpu.vector_load_idx %arg10[%add3A_849, %add3A_868] : memref<128x128xf32, #tpu.memory_space<vmem>>[vector<16xi32>, vector<16xi32>], vector<16xf32>,
        %add3A_870 = arith.constant 32 : i32
        %add3A_871 = vector.broadcast %add3A_870 : i32 to vector<16xi32>
        %add3A_872 = arith.addi %add3A_871, %and3A_846 : vector<16xi32>
        tpu.vector_store_idx %arg12[%add3A_872, %add3A_849], %gather3A_869 : memref<64x128xf32, #tpu.memory_space<vmem>>[vector<16xi32>, vector<16xi32>], vector<16xf32>,
        %add3A_873 = arith.constant 48 : i32
        %add3A_874 = vector.broadcast %add3A_873 : i32 to vector<16xi32>
        %add3A_875 = arith.addi %add3A_874, %and3A_846 : vector<16xi32>
        %add3A_876 = arith.addi %shift_left3A_756, %add3A_875 : vector<16xi32>
        %gather3A_877 = tpu.vector_load_idx %arg10[%add3A_849, %add3A_876] : memref<128x128xf32, #tpu.memory_space<vmem>>[vector<16xi32>, vector<16xi32>], vector<16xf32>,
        %add3A_878 = arith.constant 48 : i32
        %add3A_879 = vector.broadcast %add3A_878 : i32 to vector<16xi32>
        %add3A_880 = arith.addi %add3A_879, %and3A_846 : vector<16xi32>
        tpu.vector_store_idx %arg12[%add3A_880, %add3A_849], %gather3A_877 : memref<64x128xf32, #tpu.memory_space<vmem>>[vector<16xi32>, vector<16xi32>], vector<16xf32>,
        %add3A_881 = arith.constant 16 : i32
        %add3A_882 = vector.broadcast %add3A_881 : i32 to vector<16xi32>
        %add3A_883 = arith.addi %add3A_882, %iota3A : vector<16xi32>
        %add3A_884 = arith.constant 0 : i32
        %add3A_885 = vector.broadcast %add3A_884 : i32 to vector<16xi32>
        %add3A_886 = arith.addi %add3A_885, %and3A_846 : vector<16xi32>
        %add3A_887 = arith.addi %shift_left3A_765, %add3A_886 : vector<16xi32>
        %gather3A_888 = tpu.vector_load_idx %arg10[%add3A_883, %add3A_887] : memref<128x128xf32, #tpu.memory_space<vmem>>[vector<16xi32>, vector<16xi32>], vector<16xf32>,
        %add3A_889 = arith.constant 0 : i32
        %add3A_890 = vector.broadcast %add3A_889 : i32 to vector<16xi32>
        %add3A_891 = arith.addi %add3A_890, %and3A_846 : vector<16xi32>
        tpu.vector_store_idx %arg12[%add3A_891, %add3A_883], %gather3A_888 : memref<64x128xf32, #tpu.memory_space<vmem>>[vector<16xi32>, vector<16xi32>], vector<16xf32>,
        %add3A_892 = arith.constant 16 : i32
        %add3A_893 = vector.broadcast %add3A_892 : i32 to vector<16xi32>
        %add3A_894 = arith.addi %add3A_893, %and3A_846 : vector<16xi32>
        %add3A_895 = arith.addi %shift_left3A_765, %add3A_894 : vector<16xi32>
        %gather3A_896 = tpu.vector_load_idx %arg10[%add3A_883, %add3A_895] : memref<128x128xf32, #tpu.memory_space<vmem>>[vector<16xi32>, vector<16xi32>], vector<16xf32>,
        %add3A_897 = arith.constant 16 : i32
        %add3A_898 = vector.broadcast %add3A_897 : i32 to vector<16xi32>
        %add3A_899 = arith.addi %add3A_898, %and3A_846 : vector<16xi32>
        tpu.vector_store_idx %arg12[%add3A_899, %add3A_883], %gather3A_896 : memref<64x128xf32, #tpu.memory_space<vmem>>[vector<16xi32>, vector<16xi32>], vector<16xf32>,
        %add3A_900 = arith.constant 32 : i32
        %add3A_901 = vector.broadcast %add3A_900 : i32 to vector<16xi32>
        %add3A_902 = arith.addi %add3A_901, %and3A_846 : vector<16xi32>
        %add3A_903 = arith.addi %shift_left3A_765, %add3A_902 : vector<16xi32>
        %gather3A_904 = tpu.vector_load_idx %arg10[%add3A_883, %add3A_903] : memref<128x128xf32, #tpu.memory_space<vmem>>[vector<16xi32>, vector<16xi32>], vector<16xf32>,
        %add3A_905 = arith.constant 32 : i32
        %add3A_906 = vector.broadcast %add3A_905 : i32 to vector<16xi32>
        %add3A_907 = arith.addi %add3A_906, %and3A_846 : vector<16xi32>
        tpu.vector_store_idx %arg12[%add3A_907, %add3A_883], %gather3A_904 : memref<64x128xf32, #tpu.memory_space<vmem>>[vector<16xi32>, vector<16xi32>], vector<16xf32>,
        %add3A_908 = arith.constant 48 : i32
        %add3A_909 = vector.broadcast %add3A_908 : i32 to vector<16xi32>
        %add3A_910 = arith.addi %add3A_909, %and3A_846 : vector<16xi32>
        %add3A_911 = arith.addi %shift_left3A_765, %add3A_910 : vector<16xi32>
        %gather3A_912 = tpu.vector_load_idx %arg10[%add3A_883, %add3A_911] : memref<128x128xf32, #tpu.memory_space<vmem>>[vector<16xi32>, vector<16xi32>], vector<16xf32>,
        %add3A_913 = arith.constant 48 : i32
        %add3A_914 = vector.broadcast %add3A_913 : i32 to vector<16xi32>
        %add3A_915 = arith.addi %add3A_914, %and3A_846 : vector<16xi32>
        tpu.vector_store_idx %arg12[%add3A_915, %add3A_883], %gather3A_912 : memref<64x128xf32, #tpu.memory_space<vmem>>[vector<16xi32>, vector<16xi32>], vector<16xf32>,
        %add3A_916 = arith.constant 32 : i32
        %add3A_917 = vector.broadcast %add3A_916 : i32 to vector<16xi32>
        %add3A_918 = arith.addi %add3A_917, %iota3A : vector<16xi32>
        %add3A_919 = arith.constant 0 : i32
        %add3A_920 = vector.broadcast %add3A_919 : i32 to vector<16xi32>
        %add3A_921 = arith.addi %add3A_920, %and3A_846 : vector<16xi32>
        %add3A_922 = arith.addi %shift_left3A_774, %add3A_921 : vector<16xi32>
        %gather3A_923 = tpu.vector_load_idx %arg10[%add3A_918, %add3A_922] : memref<128x128xf32, #tpu.memory_space<vmem>>[vector<16xi32>, vector<16xi32>], vector<16xf32>,
        %add3A_924 = arith.constant 0 : i32
        %add3A_925 = vector.broadcast %add3A_924 : i32 to vector<16xi32>
        %add3A_926 = arith.addi %add3A_925, %and3A_846 : vector<16xi32>
        tpu.vector_store_idx %arg12[%add3A_926, %add3A_918], %gather3A_923 : memref<64x128xf32, #tpu.memory_space<vmem>>[vector<16xi32>, vector<16xi32>], vector<16xf32>,
        %add3A_927 = arith.constant 16 : i32
        %add3A_928 = vector.broadcast %add3A_927 : i32 to vector<16xi32>
        %add3A_929 = arith.addi %add3A_928, %and3A_846 : vector<16xi32>
        %add3A_930 = arith.addi %shift_left3A_774, %add3A_929 : vector<16xi32>
        %gather3A_931 = tpu.vector_load_idx %arg10[%add3A_918, %add3A_930] : memref<128x128xf32, #tpu.memory_space<vmem>>[vector<16xi32>, vector<16xi32>], vector<16xf32>,
        %add3A_932 = arith.constant 16 : i32
        %add3A_933 = vector.broadcast %add3A_932 : i32 to vector<16xi32>
        %add3A_934 = arith.addi %add3A_933, %and3A_846 : vector<16xi32>
        tpu.vector_store_idx %arg12[%add3A_934, %add3A_918], %gather3A_931 : memref<64x128xf32, #tpu.memory_space<vmem>>[vector<16xi32>, vector<16xi32>], vector<16xf32>,
        %add3A_935 = arith.constant 32 : i32
        %add3A_936 = vector.broadcast %add3A_935 : i32 to vector<16xi32>
        %add3A_937 = arith.addi %add3A_936, %and3A_846 : vector<16xi32>
        %add3A_938 = arith.addi %shift_left3A_774, %add3A_937 : vector<16xi32>
        %gather3A_939 = tpu.vector_load_idx %arg10[%add3A_918, %add3A_938] : memref<128x128xf32, #tpu.memory_space<vmem>>[vector<16xi32>, vector<16xi32>], vector<16xf32>,
        %add3A_940 = arith.constant 32 : i32
        %add3A_941 = vector.broadcast %add3A_940 : i32 to vector<16xi32>
        %add3A_942 = arith.addi %add3A_941, %and3A_846 : vector<16xi32>
        tpu.vector_store_idx %arg12[%add3A_942, %add3A_918], %gather3A_939 : memref<64x128xf32, #tpu.memory_space<vmem>>[vector<16xi32>, vector<16xi32>], vector<16xf32>,
        %add3A_943 = arith.constant 48 : i32
        %add3A_944 = vector.broadcast %add3A_943 : i32 to vector<16xi32>
        %add3A_945 = arith.addi %add3A_944, %and3A_846 : vector<16xi32>
        %add3A_946 = arith.addi %shift_left3A_774, %add3A_945 : vector<16xi32>
        %gather3A_947 = tpu.vector_load_idx %arg10[%add3A_918, %add3A_946] : memref<128x128xf32, #tpu.memory_space<vmem>>[vector<16xi32>, vector<16xi32>], vector<16xf32>,
        %add3A_948 = arith.constant 48 : i32
        %add3A_949 = vector.broadcast %add3A_948 : i32 to vector<16xi32>
        %add3A_950 = arith.addi %add3A_949, %and3A_846 : vector<16xi32>
        tpu.vector_store_idx %arg12[%add3A_950, %add3A_918], %gather3A_947 : memref<64x128xf32, #tpu.memory_space<vmem>>[vector<16xi32>, vector<16xi32>], vector<16xf32>,
        %add3A_951 = arith.constant 48 : i32
        %add3A_952 = vector.broadcast %add3A_951 : i32 to vector<16xi32>
        %add3A_953 = arith.addi %add3A_952, %iota3A : vector<16xi32>
        %add3A_954 = arith.constant 0 : i32
        %add3A_955 = vector.broadcast %add3A_954 : i32 to vector<16xi32>
        %add3A_956 = arith.addi %add3A_955, %and3A_846 : vector<16xi32>
        %add3A_957 = arith.addi %shift_left3A_783, %add3A_956 : vector<16xi32>
        %gather3A_958 = tpu.vector_load_idx %arg10[%add3A_953, %add3A_957] : memref<128x128xf32, #tpu.memory_space<vmem>>[vector<16xi32>, vector<16xi32>], vector<16xf32>,
        %add3A_959 = arith.constant 0 : i32
        %add3A_960 = vector.broadcast %add3A_959 : i32 to vector<16xi32>
        %add3A_961 = arith.addi %add3A_960, %and3A_846 : vector<16xi32>
        tpu.vector_store_idx %arg12[%add3A_961, %add3A_953], %gather3A_958 : memref<64x128xf32, #tpu.memory_space<vmem>>[vector<16xi32>, vector<16xi32>], vector<16xf32>,
        %add3A_962 = arith.constant 16 : i32
        %add3A_963 = vector.broadcast %add3A_962 : i32 to vector<16xi32>
        %add3A_964 = arith.addi %add3A_963, %and3A_846 : vector<16xi32>
        %add3A_965 = arith.addi %shift_left3A_783, %add3A_964 : vector<16xi32>
        %gather3A_966 = tpu.vector_load_idx %arg10[%add3A_953, %add3A_965] : memref<128x128xf32, #tpu.memory_space<vmem>>[vector<16xi32>, vector<16xi32>], vector<16xf32>,
        %add3A_967 = arith.constant 16 : i32
        %add3A_968 = vector.broadcast %add3A_967 : i32 to vector<16xi32>
        %add3A_969 = arith.addi %add3A_968, %and3A_846 : vector<16xi32>
        tpu.vector_store_idx %arg12[%add3A_969, %add3A_953], %gather3A_966 : memref<64x128xf32, #tpu.memory_space<vmem>>[vector<16xi32>, vector<16xi32>], vector<16xf32>,
        %add3A_970 = arith.constant 32 : i32
        %add3A_971 = vector.broadcast %add3A_970 : i32 to vector<16xi32>
        %add3A_972 = arith.addi %add3A_971, %and3A_846 : vector<16xi32>
        %add3A_973 = arith.addi %shift_left3A_783, %add3A_972 : vector<16xi32>
        %gather3A_974 = tpu.vector_load_idx %arg10[%add3A_953, %add3A_973] : memref<128x128xf32, #tpu.memory_space<vmem>>[vector<16xi32>, vector<16xi32>], vector<16xf32>,
        %add3A_975 = arith.constant 32 : i32
        %add3A_976 = vector.broadcast %add3A_975 : i32 to vector<16xi32>
        %add3A_977 = arith.addi %add3A_976, %and3A_846 : vector<16xi32>
        tpu.vector_store_idx %arg12[%add3A_977, %add3A_953], %gather3A_974 : memref<64x128xf32, #tpu.memory_space<vmem>>[vector<16xi32>, vector<16xi32>], vector<16xf32>,
        %add3A_978 = arith.constant 48 : i32
        %add3A_979 = vector.broadcast %add3A_978 : i32 to vector<16xi32>
        %add3A_980 = arith.addi %add3A_979, %and3A_846 : vector<16xi32>
        %add3A_981 = arith.addi %shift_left3A_783, %add3A_980 : vector<16xi32>
        %gather3A_982 = tpu.vector_load_idx %arg10[%add3A_953, %add3A_981] : memref<128x128xf32, #tpu.memory_space<vmem>>[vector<16xi32>, vector<16xi32>], vector<16xf32>,
        %add3A_983 = arith.constant 48 : i32
        %add3A_984 = vector.broadcast %add3A_983 : i32 to vector<16xi32>
        %add3A_985 = arith.addi %add3A_984, %and3A_846 : vector<16xi32>
        tpu.vector_store_idx %arg12[%add3A_985, %add3A_953], %gather3A_982 : memref<64x128xf32, #tpu.memory_space<vmem>>[vector<16xi32>, vector<16xi32>], vector<16xf32>,
        %add3A_986 = arith.constant 64 : i32
        %add3A_987 = vector.broadcast %add3A_986 : i32 to vector<16xi32>
        %add3A_988 = arith.addi %add3A_987, %iota3A : vector<16xi32>
        %add3A_989 = arith.constant 0 : i32
        %add3A_990 = vector.broadcast %add3A_989 : i32 to vector<16xi32>
        %add3A_991 = arith.addi %add3A_990, %and3A_846 : vector<16xi32>
        %add3A_992 = arith.addi %shift_left3A_792, %add3A_991 : vector<16xi32>
        %gather3A_993 = tpu.vector_load_idx %arg10[%add3A_988, %add3A_992] : memref<128x128xf32, #tpu.memory_space<vmem>>[vector<16xi32>, vector<16xi32>], vector<16xf32>,
        %add3A_994 = arith.constant 0 : i32
        %add3A_995 = vector.broadcast %add3A_994 : i32 to vector<16xi32>
        %add3A_996 = arith.addi %add3A_995, %and3A_846 : vector<16xi32>
        tpu.vector_store_idx %arg12[%add3A_996, %add3A_988], %gather3A_993 : memref<64x128xf32, #tpu.memory_space<vmem>>[vector<16xi32>, vector<16xi32>], vector<16xf32>,
        %add3A_997 = arith.constant 16 : i32
        %add3A_998 = vector.broadcast %add3A_997 : i32 to vector<16xi32>
        %add3A_999 = arith.addi %add3A_998, %and3A_846 : vector<16xi32>
        %add3A_1000 = arith.addi %shift_left3A_792, %add3A_999 : vector<16xi32>
        %gather3A_1001 = tpu.vector_load_idx %arg10[%add3A_988, %add3A_1000] : memref<128x128xf32, #tpu.memory_space<vmem>>[vector<16xi32>, vector<16xi32>], vector<16xf32>,
        %add3A_1002 = arith.constant 16 : i32
        %add3A_1003 = vector.broadcast %add3A_1002 : i32 to vector<16xi32>
        %add3A_1004 = arith.addi %add3A_1003, %and3A_846 : vector<16xi32>
        tpu.vector_store_idx %arg12[%add3A_1004, %add3A_988], %gather3A_1001 : memref<64x128xf32, #tpu.memory_space<vmem>>[vector<16xi32>, vector<16xi32>], vector<16xf32>,
        %add3A_1005 = arith.constant 32 : i32
        %add3A_1006 = vector.broadcast %add3A_1005 : i32 to vector<16xi32>
        %add3A_1007 = arith.addi %add3A_1006, %and3A_846 : vector<16xi32>
        %add3A_1008 = arith.addi %shift_left3A_792, %add3A_1007 : vector<16xi32>
        %gather3A_1009 = tpu.vector_load_idx %arg10[%add3A_988, %add3A_1008] : memref<128x128xf32, #tpu.memory_space<vmem>>[vector<16xi32>, vector<16xi32>], vector<16xf32>,
        %add3A_1010 = arith.constant 32 : i32
        %add3A_1011 = vector.broadcast %add3A_1010 : i32 to vector<16xi32>
        %add3A_1012 = arith.addi %add3A_1011, %and3A_846 : vector<16xi32>
        tpu.vector_store_idx %arg12[%add3A_1012, %add3A_988], %gather3A_1009 : memref<64x128xf32, #tpu.memory_space<vmem>>[vector<16xi32>, vector<16xi32>], vector<16xf32>,
        %add3A_1013 = arith.constant 48 : i32
        %add3A_1014 = vector.broadcast %add3A_1013 : i32 to vector<16xi32>
        %add3A_1015 = arith.addi %add3A_1014, %and3A_846 : vector<16xi32>
        %add3A_1016 = arith.addi %shift_left3A_792, %add3A_1015 : vector<16xi32>
        %gather3A_1017 = tpu.vector_load_idx %arg10[%add3A_988, %add3A_1016] : memref<128x128xf32, #tpu.memory_space<vmem>>[vector<16xi32>, vector<16xi32>], vector<16xf32>,
        %add3A_1018 = arith.constant 48 : i32
        %add3A_1019 = vector.broadcast %add3A_1018 : i32 to vector<16xi32>
        %add3A_1020 = arith.addi %add3A_1019, %and3A_846 : vector<16xi32>
        tpu.vector_store_idx %arg12[%add3A_1020, %add3A_988], %gather3A_1017 : memref<64x128xf32, #tpu.memory_space<vmem>>[vector<16xi32>, vector<16xi32>], vector<16xf32>,
        %add3A_1021 = arith.constant 80 : i32
        %add3A_1022 = vector.broadcast %add3A_1021 : i32 to vector<16xi32>
        %add3A_1023 = arith.addi %add3A_1022, %iota3A : vector<16xi32>
        %add3A_1024 = arith.constant 0 : i32
        %add3A_1025 = vector.broadcast %add3A_1024 : i32 to vector<16xi32>
        %add3A_1026 = arith.addi %add3A_1025, %and3A_846 : vector<16xi32>
        %add3A_1027 = arith.addi %shift_left3A_801, %add3A_1026 : vector<16xi32>
        %gather3A_1028 = tpu.vector_load_idx %arg10[%add3A_1023, %add3A_1027] : memref<128x128xf32, #tpu.memory_space<vmem>>[vector<16xi32>, vector<16xi32>], vector<16xf32>,
        %add3A_1029 = arith.constant 0 : i32
        %add3A_1030 = vector.broadcast %add3A_1029 : i32 to vector<16xi32>
        %add3A_1031 = arith.addi %add3A_1030, %and3A_846 : vector<16xi32>
        tpu.vector_store_idx %arg12[%add3A_1031, %add3A_1023], %gather3A_1028 : memref<64x128xf32, #tpu.memory_space<vmem>>[vector<16xi32>, vector<16xi32>], vector<16xf32>,
        %add3A_1032 = arith.constant 16 : i32
        %add3A_1033 = vector.broadcast %add3A_1032 : i32 to vector<16xi32>
        %add3A_1034 = arith.addi %add3A_1033, %and3A_846 : vector<16xi32>
        %add3A_1035 = arith.addi %shift_left3A_801, %add3A_1034 : vector<16xi32>
        %gather3A_1036 = tpu.vector_load_idx %arg10[%add3A_1023, %add3A_1035] : memref<128x128xf32, #tpu.memory_space<vmem>>[vector<16xi32>, vector<16xi32>], vector<16xf32>,
        %add3A_1037 = arith.constant 16 : i32
        %add3A_1038 = vector.broadcast %add3A_1037 : i32 to vector<16xi32>
        %add3A_1039 = arith.addi %add3A_1038, %and3A_846 : vector<16xi32>
        tpu.vector_store_idx %arg12[%add3A_1039, %add3A_1023], %gather3A_1036 : memref<64x128xf32, #tpu.memory_space<vmem>>[vector<16xi32>, vector<16xi32>], vector<16xf32>,
        %add3A_1040 = arith.constant 32 : i32
        %add3A_1041 = vector.broadcast %add3A_1040 : i32 to vector<16xi32>
        %add3A_1042 = arith.addi %add3A_1041, %and3A_846 : vector<16xi32>
        %add3A_1043 = arith.addi %shift_left3A_801, %add3A_1042 : vector<16xi32>
        %gather3A_1044 = tpu.vector_load_idx %arg10[%add3A_1023, %add3A_1043] : memref<128x128xf32, #tpu.memory_space<vmem>>[vector<16xi32>, vector<16xi32>], vector<16xf32>,
        %add3A_1045 = arith.constant 32 : i32
        %add3A_1046 = vector.broadcast %add3A_1045 : i32 to vector<16xi32>
        %add3A_1047 = arith.addi %add3A_1046, %and3A_846 : vector<16xi32>
        tpu.vector_store_idx %arg12[%add3A_1047, %add3A_1023], %gather3A_1044 : memref<64x128xf32, #tpu.memory_space<vmem>>[vector<16xi32>, vector<16xi32>], vector<16xf32>,
        %add3A_1048 = arith.constant 48 : i32
        %add3A_1049 = vector.broadcast %add3A_1048 : i32 to vector<16xi32>
        %add3A_1050 = arith.addi %add3A_1049, %and3A_846 : vector<16xi32>
        %add3A_1051 = arith.addi %shift_left3A_801, %add3A_1050 : vector<16xi32>
        %gather3A_1052 = tpu.vector_load_idx %arg10[%add3A_1023, %add3A_1051] : memref<128x128xf32, #tpu.memory_space<vmem>>[vector<16xi32>, vector<16xi32>], vector<16xf32>,
        %add3A_1053 = arith.constant 48 : i32
        %add3A_1054 = vector.broadcast %add3A_1053 : i32 to vector<16xi32>
        %add3A_1055 = arith.addi %add3A_1054, %and3A_846 : vector<16xi32>
        tpu.vector_store_idx %arg12[%add3A_1055, %add3A_1023], %gather3A_1052 : memref<64x128xf32, #tpu.memory_space<vmem>>[vector<16xi32>, vector<16xi32>], vector<16xf32>,
        %add3A_1056 = arith.constant 96 : i32
        %add3A_1057 = vector.broadcast %add3A_1056 : i32 to vector<16xi32>
        %add3A_1058 = arith.addi %add3A_1057, %iota3A : vector<16xi32>
        %add3A_1059 = arith.constant 0 : i32
        %add3A_1060 = vector.broadcast %add3A_1059 : i32 to vector<16xi32>
        %add3A_1061 = arith.addi %add3A_1060, %and3A_846 : vector<16xi32>
        %add3A_1062 = arith.addi %shift_left3A_810, %add3A_1061 : vector<16xi32>
        %gather3A_1063 = tpu.vector_load_idx %arg10[%add3A_1058, %add3A_1062] : memref<128x128xf32, #tpu.memory_space<vmem>>[vector<16xi32>, vector<16xi32>], vector<16xf32>,
        %add3A_1064 = arith.constant 0 : i32
        %add3A_1065 = vector.broadcast %add3A_1064 : i32 to vector<16xi32>
        %add3A_1066 = arith.addi %add3A_1065, %and3A_846 : vector<16xi32>
        tpu.vector_store_idx %arg12[%add3A_1066, %add3A_1058], %gather3A_1063 : memref<64x128xf32, #tpu.memory_space<vmem>>[vector<16xi32>, vector<16xi32>], vector<16xf32>,
        %add3A_1067 = arith.constant 16 : i32
        %add3A_1068 = vector.broadcast %add3A_1067 : i32 to vector<16xi32>
        %add3A_1069 = arith.addi %add3A_1068, %and3A_846 : vector<16xi32>
        %add3A_1070 = arith.addi %shift_left3A_810, %add3A_1069 : vector<16xi32>
        %gather3A_1071 = tpu.vector_load_idx %arg10[%add3A_1058, %add3A_1070] : memref<128x128xf32, #tpu.memory_space<vmem>>[vector<16xi32>, vector<16xi32>], vector<16xf32>,
        %add3A_1072 = arith.constant 16 : i32
        %add3A_1073 = vector.broadcast %add3A_1072 : i32 to vector<16xi32>
        %add3A_1074 = arith.addi %add3A_1073, %and3A_846 : vector<16xi32>
        tpu.vector_store_idx %arg12[%add3A_1074, %add3A_1058], %gather3A_1071 : memref<64x128xf32, #tpu.memory_space<vmem>>[vector<16xi32>, vector<16xi32>], vector<16xf32>,
        %add3A_1075 = arith.constant 32 : i32
        %add3A_1076 = vector.broadcast %add3A_1075 : i32 to vector<16xi32>
        %add3A_1077 = arith.addi %add3A_1076, %and3A_846 : vector<16xi32>
        %add3A_1078 = arith.addi %shift_left3A_810, %add3A_1077 : vector<16xi32>
        %gather3A_1079 = tpu.vector_load_idx %arg10[%add3A_1058, %add3A_1078] : memref<128x128xf32, #tpu.memory_space<vmem>>[vector<16xi32>, vector<16xi32>], vector<16xf32>,
        %add3A_1080 = arith.constant 32 : i32
        %add3A_1081 = vector.broadcast %add3A_1080 : i32 to vector<16xi32>
        %add3A_1082 = arith.addi %add3A_1081, %and3A_846 : vector<16xi32>
        tpu.vector_store_idx %arg12[%add3A_1082, %add3A_1058], %gather3A_1079 : memref<64x128xf32, #tpu.memory_space<vmem>>[vector<16xi32>, vector<16xi32>], vector<16xf32>,
        %add3A_1083 = arith.constant 48 : i32
        %add3A_1084 = vector.broadcast %add3A_1083 : i32 to vector<16xi32>
        %add3A_1085 = arith.addi %add3A_1084, %and3A_846 : vector<16xi32>
        %add3A_1086 = arith.addi %shift_left3A_810, %add3A_1085 : vector<16xi32>
        %gather3A_1087 = tpu.vector_load_idx %arg10[%add3A_1058, %add3A_1086] : memref<128x128xf32, #tpu.memory_space<vmem>>[vector<16xi32>, vector<16xi32>], vector<16xf32>,
        %add3A_1088 = arith.constant 48 : i32
        %add3A_1089 = vector.broadcast %add3A_1088 : i32 to vector<16xi32>
        %add3A_1090 = arith.addi %add3A_1089, %and3A_846 : vector<16xi32>
        tpu.vector_store_idx %arg12[%add3A_1090, %add3A_1058], %gather3A_1087 : memref<64x128xf32, #tpu.memory_space<vmem>>[vector<16xi32>, vector<16xi32>], vector<16xf32>,
        %add3A_1091 = arith.constant 112 : i32
        %add3A_1092 = vector.broadcast %add3A_1091 : i32 to vector<16xi32>
        %add3A_1093 = arith.addi %add3A_1092, %iota3A : vector<16xi32>
        %add3A_1094 = arith.constant 0 : i32
        %add3A_1095 = vector.broadcast %add3A_1094 : i32 to vector<16xi32>
        %add3A_1096 = arith.addi %add3A_1095, %and3A_846 : vector<16xi32>
        %add3A_1097 = arith.addi %shift_left3A_819, %add3A_1096 : vector<16xi32>
        %gather3A_1098 = tpu.vector_load_idx %arg10[%add3A_1093, %add3A_1097] : memref<128x128xf32, #tpu.memory_space<vmem>>[vector<16xi32>, vector<16xi32>], vector<16xf32>,
        %add3A_1099 = arith.constant 0 : i32
        %add3A_1100 = vector.broadcast %add3A_1099 : i32 to vector<16xi32>
        %add3A_1101 = arith.addi %add3A_1100, %and3A_846 : vector<16xi32>
        tpu.vector_store_idx %arg12[%add3A_1101, %add3A_1093], %gather3A_1098 : memref<64x128xf32, #tpu.memory_space<vmem>>[vector<16xi32>, vector<16xi32>], vector<16xf32>,
        %add3A_1102 = arith.constant 16 : i32
        %add3A_1103 = vector.broadcast %add3A_1102 : i32 to vector<16xi32>
        %add3A_1104 = arith.addi %add3A_1103, %and3A_846 : vector<16xi32>
        %add3A_1105 = arith.addi %shift_left3A_819, %add3A_1104 : vector<16xi32>
        %gather3A_1106 = tpu.vector_load_idx %arg10[%add3A_1093, %add3A_1105] : memref<128x128xf32, #tpu.memory_space<vmem>>[vector<16xi32>, vector<16xi32>], vector<16xf32>,
        %add3A_1107 = arith.constant 16 : i32
        %add3A_1108 = vector.broadcast %add3A_1107 : i32 to vector<16xi32>
        %add3A_1109 = arith.addi %add3A_1108, %and3A_846 : vector<16xi32>
        tpu.vector_store_idx %arg12[%add3A_1109, %add3A_1093], %gather3A_1106 : memref<64x128xf32, #tpu.memory_space<vmem>>[vector<16xi32>, vector<16xi32>], vector<16xf32>,
        %add3A_1110 = arith.constant 32 : i32
        %add3A_1111 = vector.broadcast %add3A_1110 : i32 to vector<16xi32>
        %add3A_1112 = arith.addi %add3A_1111, %and3A_846 : vector<16xi32>
        %add3A_1113 = arith.addi %shift_left3A_819, %add3A_1112 : vector<16xi32>
        %gather3A_1114 = tpu.vector_load_idx %arg10[%add3A_1093, %add3A_1113] : memref<128x128xf32, #tpu.memory_space<vmem>>[vector<16xi32>, vector<16xi32>], vector<16xf32>,
        %add3A_1115 = arith.constant 32 : i32
        %add3A_1116 = vector.broadcast %add3A_1115 : i32 to vector<16xi32>
        %add3A_1117 = arith.addi %add3A_1116, %and3A_846 : vector<16xi32>
        tpu.vector_store_idx %arg12[%add3A_1117, %add3A_1093], %gather3A_1114 : memref<64x128xf32, #tpu.memory_space<vmem>>[vector<16xi32>, vector<16xi32>], vector<16xf32>,
        %add3A_1118 = arith.constant 48 : i32
        %add3A_1119 = vector.broadcast %add3A_1118 : i32 to vector<16xi32>
        %add3A_1120 = arith.addi %add3A_1119, %and3A_846 : vector<16xi32>
        %add3A_1121 = arith.addi %shift_left3A_819, %add3A_1120 : vector<16xi32>
        %gather3A_1122 = tpu.vector_load_idx %arg10[%add3A_1093, %add3A_1121] : memref<128x128xf32, #tpu.memory_space<vmem>>[vector<16xi32>, vector<16xi32>], vector<16xf32>,
        %add3A_1123 = arith.constant 48 : i32
        %add3A_1124 = vector.broadcast %add3A_1123 : i32 to vector<16xi32>
        %add3A_1125 = arith.addi %add3A_1124, %and3A_846 : vector<16xi32>
        tpu.vector_store_idx %arg12[%add3A_1125, %add3A_1093], %gather3A_1122 : memref<64x128xf32, #tpu.memory_space<vmem>>[vector<16xi32>, vector<16xi32>], vector<16xf32>,
      }
      %scan3A_825 = arith.constant 16 : i32
      %mul3A_826 = arith.constant 128 : i32
      %mul3A_827 = arith.muli %add3A, %mul3A_826 : i32
      %dma_start3A_828 = arith.constant 0 : i32
      %dma_start3A_829 = tpu.memref_slice %arg4[%add3A_735, %dma_start3A_828, %mul3A_827] : memref<200x64x4096xf32, #tpu.memory_space<hbm>> -> memref<1x64x128xf32, #tpu.memory_space<hbm>>
      %dma_start3A_830 = tpu.memref_squeeze %dma_start3A_829 : memref<1x64x128xf32, #tpu.memory_space<hbm>> -> memref<64x128xf32, #tpu.memory_space<hbm>>
      %dma_start3A_831 = arith.constant 0 : i32
      %dma_start3A_832 = tpu.memref_slice %arg4[%add3A_735, %dma_start3A_831, %mul3A_827] : memref<200x64x4096xf32, #tpu.memory_space<hbm>> -> memref<1x64x128xf32, #tpu.memory_space<hbm>>
      %dma_start3A_833 = tpu.memref_squeeze %dma_start3A_832 : memref<1x64x128xf32, #tpu.memory_space<hbm>> -> memref<64x128xf32, #tpu.memory_space<hbm>>
      tpu.enqueue_dma source(%arg12 : memref<64x128xf32, #tpu.memory_space<vmem>>) target(%dma_start3A_833 : memref<64x128xf32, #tpu.memory_space<hbm>>) target_semaphore(%arg18 : memref<!tpu.dma_semaphore, #tpu.memory_space<semaphore_mem>>)
      %add3A_834 = arith.constant 4 : i32
      %add3A_835 = arith.addi %add3A_735, %add3A_834 : i32
      %lt3A_836 = arith.constant 200 : i32
      %lt3A_837 = arith.cmpi slt, %add3A_835, %lt3A_836 : i32
      %convert_element_type3A_838 = arith.extui %lt3A_837 : i1 to i32
      %cond3A_839 = arith.constant 0 : i32
      %cond3A_840 = arith.cmpi ne, %convert_element_type3A_838, %cond3A_839 : i32
      scf.if %cond3A_840 {
        %add3A_841 = arith.constant 4 : i32
        %add3A_842 = arith.addi %add3A_735, %add3A_841 : i32
        %get3A_843 = arith.index_cast %add3A_842 : i32 to index
        %get3A_844 = arith.constant 0 : index
        %get3A_845 = tpu.vector_load %arg5[%get3A_843, %get3A_844] {strides = array<i32>} : memref<200x128xi32, #tpu.memory_space<vmem>>, vector<16xi32>,
        %shift_right_logical3A_846 = arith.constant 1 : i32
        %shift_right_logical3A_847 = vector.broadcast %shift_right_logical3A_846 : i32 to vector<16xi32>
        %shift_right_logical3A_848 = arith.shrui %get3A_845, %shift_right_logical3A_847 : vector<16xi32>
        %swap3A_849 = arith.constant 3 : i32
        %swap3A_850 = arith.index_cast %swap3A_849 : i32 to index
        %swap3A_851 = arith.constant 0 : index
        %swap3A_852 = tpu.vector_load %arg6[%swap3A_850, %swap3A_851] {strides = array<i32>} : memref<4x128xi32, #tpu.memory_space<vmem>>, vector<16xi32>,
        tpu.vector_store %arg6[%swap3A_850, %swap3A_851], %shift_right_logical3A_848 {strides = array<i32>} : memref<4x128xi32, #tpu.memory_space<vmem>>, vector<16xi32>,
        %get3A_853 = arith.index_cast %add3A_842 : i32 to index
        %get3A_854 = arith.constant 16 : index
        %get3A_855 = tpu.vector_load %arg5[%get3A_853, %get3A_854] {strides = array<i32>} : memref<200x128xi32, #tpu.memory_space<vmem>>, vector<16xi32>,
        %shift_right_logical3A_856 = arith.constant 1 : i32
        %shift_right_logical3A_857 = vector.broadcast %shift_right_logical3A_856 : i32 to vector<16xi32>
        %shift_right_logical3A_858 = arith.shrui %get3A_855, %shift_right_logical3A_857 : vector<16xi32>
        %swap3A_859 = arith.constant 3 : i32
        %swap3A_860 = arith.index_cast %swap3A_859 : i32 to index
        %swap3A_861 = arith.constant 16 : index
        %swap3A_862 = tpu.vector_load %arg6[%swap3A_860, %swap3A_861] {strides = array<i32>} : memref<4x128xi32, #tpu.memory_space<vmem>>, vector<16xi32>,
        tpu.vector_store %arg6[%swap3A_860, %swap3A_861], %shift_right_logical3A_858 {strides = array<i32>} : memref<4x128xi32, #tpu.memory_space<vmem>>, vector<16xi32>,
        %get3A_863 = arith.index_cast %add3A_842 : i32 to index
        %get3A_864 = arith.constant 32 : index
        %get3A_865 = tpu.vector_load %arg5[%get3A_863, %get3A_864] {strides = array<i32>} : memref<200x128xi32, #tpu.memory_space<vmem>>, vector<16xi32>,
        %shift_right_logical3A_866 = arith.constant 1 : i32
        %shift_right_logical3A_867 = vector.broadcast %shift_right_logical3A_866 : i32 to vector<16xi32>
        %shift_right_logical3A_868 = arith.shrui %get3A_865, %shift_right_logical3A_867 : vector<16xi32>
        %swap3A_869 = arith.constant 3 : i32
        %swap3A_870 = arith.index_cast %swap3A_869 : i32 to index
        %swap3A_871 = arith.constant 32 : index
        %swap3A_872 = tpu.vector_load %arg6[%swap3A_870, %swap3A_871] {strides = array<i32>} : memref<4x128xi32, #tpu.memory_space<vmem>>, vector<16xi32>,
        tpu.vector_store %arg6[%swap3A_870, %swap3A_871], %shift_right_logical3A_868 {strides = array<i32>} : memref<4x128xi32, #tpu.memory_space<vmem>>, vector<16xi32>,
        %get3A_873 = arith.index_cast %add3A_842 : i32 to index
        %get3A_874 = arith.constant 48 : index
        %get3A_875 = tpu.vector_load %arg5[%get3A_873, %get3A_874] {strides = array<i32>} : memref<200x128xi32, #tpu.memory_space<vmem>>, vector<16xi32>,
        %shift_right_logical3A_876 = arith.constant 1 : i32
        %shift_right_logical3A_877 = vector.broadcast %shift_right_logical3A_876 : i32 to vector<16xi32>
        %shift_right_logical3A_878 = arith.shrui %get3A_875, %shift_right_logical3A_877 : vector<16xi32>
        %swap3A_879 = arith.constant 3 : i32
        %swap3A_880 = arith.index_cast %swap3A_879 : i32 to index
        %swap3A_881 = arith.constant 48 : index
        %swap3A_882 = tpu.vector_load %arg6[%swap3A_880, %swap3A_881] {strides = array<i32>} : memref<4x128xi32, #tpu.memory_space<vmem>>, vector<16xi32>,
        tpu.vector_store %arg6[%swap3A_880, %swap3A_881], %shift_right_logical3A_878 {strides = array<i32>} : memref<4x128xi32, #tpu.memory_space<vmem>>, vector<16xi32>,
        %get3A_883 = arith.index_cast %add3A_842 : i32 to index
        %get3A_884 = arith.constant 64 : index
        %get3A_885 = tpu.vector_load %arg5[%get3A_883, %get3A_884] {strides = array<i32>} : memref<200x128xi32, #tpu.memory_space<vmem>>, vector<16xi32>,
        %shift_right_logical3A_886 = arith.constant 1 : i32
        %shift_right_logical3A_887 = vector.broadcast %shift_right_logical3A_886 : i32 to vector<16xi32>
        %shift_right_logical3A_888 = arith.shrui %get3A_885, %shift_right_logical3A_887 : vector<16xi32>
        %swap3A_889 = arith.constant 3 : i32
        %swap3A_890 = arith.index_cast %swap3A_889 : i32 to index
        %swap3A_891 = arith.constant 64 : index
        %swap3A_892 = tpu.vector_load %arg6[%swap3A_890, %swap3A_891] {strides = array<i32>} : memref<4x128xi32, #tpu.memory_space<vmem>>, vector<16xi32>,
        tpu.vector_store %arg6[%swap3A_890, %swap3A_891], %shift_right_logical3A_888 {strides = array<i32>} : memref<4x128xi32, #tpu.memory_space<vmem>>, vector<16xi32>,
        %get3A_893 = arith.index_cast %add3A_842 : i32 to index
        %get3A_894 = arith.constant 80 : index
        %get3A_895 = tpu.vector_load %arg5[%get3A_893, %get3A_894] {strides = array<i32>} : memref<200x128xi32, #tpu.memory_space<vmem>>, vector<16xi32>,
        %shift_right_logical3A_896 = arith.constant 1 : i32
        %shift_right_logical3A_897 = vector.broadcast %shift_right_logical3A_896 : i32 to vector<16xi32>
        %shift_right_logical3A_898 = arith.shrui %get3A_895, %shift_right_logical3A_897 : vector<16xi32>
        %swap3A_899 = arith.constant 3 : i32
        %swap3A_900 = arith.index_cast %swap3A_899 : i32 to index
        %swap3A_901 = arith.constant 80 : index
        %swap3A_902 = tpu.vector_load %arg6[%swap3A_900, %swap3A_901] {strides = array<i32>} : memref<4x128xi32, #tpu.memory_space<vmem>>, vector<16xi32>,
        tpu.vector_store %arg6[%swap3A_900, %swap3A_901], %shift_right_logical3A_898 {strides = array<i32>} : memref<4x128xi32, #tpu.memory_space<vmem>>, vector<16xi32>,
        %get3A_903 = arith.index_cast %add3A_842 : i32 to index
        %get3A_904 = arith.constant 96 : index
        %get3A_905 = tpu.vector_load %arg5[%get3A_903, %get3A_904] {strides = array<i32>} : memref<200x128xi32, #tpu.memory_space<vmem>>, vector<16xi32>,
        %shift_right_logical3A_906 = arith.constant 1 : i32
        %shift_right_logical3A_907 = vector.broadcast %shift_right_logical3A_906 : i32 to vector<16xi32>
        %shift_right_logical3A_908 = arith.shrui %get3A_905, %shift_right_logical3A_907 : vector<16xi32>
        %swap3A_909 = arith.constant 3 : i32
        %swap3A_910 = arith.index_cast %swap3A_909 : i32 to index
        %swap3A_911 = arith.constant 96 : index
        %swap3A_912 = tpu.vector_load %arg6[%swap3A_910, %swap3A_911] {strides = array<i32>} : memref<4x128xi32, #tpu.memory_space<vmem>>, vector<16xi32>,
        tpu.vector_store %arg6[%swap3A_910, %swap3A_911], %shift_right_logical3A_908 {strides = array<i32>} : memref<4x128xi32, #tpu.memory_space<vmem>>, vector<16xi32>,
        %get3A_913 = arith.index_cast %add3A_842 : i32 to index
        %get3A_914 = arith.constant 112 : index
        %get3A_915 = tpu.vector_load %arg5[%get3A_913, %get3A_914] {strides = array<i32>} : memref<200x128xi32, #tpu.memory_space<vmem>>, vector<16xi32>,
        %shift_right_logical3A_916 = arith.constant 1 : i32
        %shift_right_logical3A_917 = vector.broadcast %shift_right_logical3A_916 : i32 to vector<16xi32>
        %shift_right_logical3A_918 = arith.shrui %get3A_915, %shift_right_logical3A_917 : vector<16xi32>
        %swap3A_919 = arith.constant 3 : i32
        %swap3A_920 = arith.index_cast %swap3A_919 : i32 to index
        %swap3A_921 = arith.constant 112 : index
        %swap3A_922 = tpu.vector_load %arg6[%swap3A_920, %swap3A_921] {strides = array<i32>} : memref<4x128xi32, #tpu.memory_space<vmem>>, vector<16xi32>,
        tpu.vector_store %arg6[%swap3A_920, %swap3A_921], %shift_right_logical3A_918 {strides = array<i32>} : memref<4x128xi32, #tpu.memory_space<vmem>>, vector<16xi32>,
        %dma_start3A_923 = arith.constant 3 : i32
        %dma_start3A_924 = arith.constant 0 : i32
        %dma_start3A_925 = tpu.memref_slice %arg6[%dma_start3A_923, %dma_start3A_924] : memref<4x128xi32, #tpu.memory_space<vmem>> -> memref<1x128xi32, #tpu.memory_space<vmem>>
        %dma_start3A_926 = tpu.memref_squeeze %dma_start3A_925 : memref<1x128xi32, #tpu.memory_space<vmem>> -> memref<128xi32, #tpu.memory_space<vmem>>
        %dma_start3A_927 = arith.constant 0 : i32
        %dma_start3A_928 = arith.constant 0 : i32
        %dma_start3A_929 = tpu.memref_slice %arg3[%dma_start3A_927, %dma_start3A_928] : memref<500000x128xf32, #tpu.memory_space<hbm>> -> memref<500000x128xf32, #tpu.memory_space<hbm>>
        tpu.enqueue_indirect_dma source(%dma_start3A_929 : memref<500000x128xf32, #tpu.memory_space<hbm>>) target(%arg10 : memref<128x128xf32, #tpu.memory_space<vmem>>) offsets(%dma_start3A_926 : memref<128xi32, #tpu.memory_space<vmem>>) semaphore(%arg16 : memref<!tpu.dma_semaphore, #tpu.memory_space<semaphore_mem>>)
      } else {
      }
    }
    %scan3A_390 = arith.constant 50 : i32
    %mul3A_391 = arith.constant 128 : i32
    %mul3A_392 = arith.muli %add3A, %mul3A_391 : i32
    %dma_wait3A = arith.constant 198 : i32
    %dma_wait3A_393 = arith.constant 0 : i32
    %dma_wait3A_394 = tpu.memref_slice %arg4[%dma_wait3A, %dma_wait3A_393, %mul3A_392] : memref<200x64x4096xf32, #tpu.memory_space<hbm>> -> memref<1x64x128xf32, #tpu.memory_space<hbm>>
    %dma_wait3A_395 = tpu.memref_squeeze %dma_wait3A_394 : memref<1x64x128xf32, #tpu.memory_space<hbm>> -> memref<64x128xf32, #tpu.memory_space<hbm>>
    %dma_wait3A_396 = arith.constant 0 : i32
    %dma_wait3A_397 = tpu.memref_slice %arg4[%dma_wait3A, %dma_wait3A_396, %mul3A_392] : memref<200x64x4096xf32, #tpu.memory_space<hbm>> -> memref<1x64x128xf32, #tpu.memory_space<hbm>>
    %dma_wait3A_398 = tpu.memref_squeeze %dma_wait3A_397 : memref<1x64x128xf32, #tpu.memory_space<hbm>> -> memref<64x128xf32, #tpu.memory_space<hbm>>
    tpu.wait_dma2 semaphore(%arg17 : memref<!tpu.dma_semaphore, #tpu.memory_space<semaphore_mem>>) src(%arg11 : memref<64x128xf32, #tpu.memory_space<vmem>>) dst(%dma_wait3A_398 : memref<64x128xf32, #tpu.memory_space<hbm>>)
    %mul3A_399 = arith.constant 128 : i32
    %mul3A_400 = arith.muli %add3A, %mul3A_399 : i32
    %dma_wait3A_401 = arith.constant 199 : i32
    %dma_wait3A_402 = arith.constant 0 : i32
    %dma_wait3A_403 = tpu.memref_slice %arg4[%dma_wait3A_401, %dma_wait3A_402, %mul3A_400] : memref<200x64x4096xf32, #tpu.memory_space<hbm>> -> memref<1x64x128xf32, #tpu.memory_space<hbm>>
    %dma_wait3A_404 = tpu.memref_squeeze %dma_wait3A_403 : memref<1x64x128xf32, #tpu.memory_space<hbm>> -> memref<64x128xf32, #tpu.memory_space<hbm>>
    %dma_wait3A_405 = arith.constant 0 : i32
    %dma_wait3A_406 = tpu.memref_slice %arg4[%dma_wait3A_401, %dma_wait3A_405, %mul3A_400] : memref<200x64x4096xf32, #tpu.memory_space<hbm>> -> memref<1x64x128xf32, #tpu.memory_space<hbm>>
    %dma_wait3A_407 = tpu.memref_squeeze %dma_wait3A_406 : memref<1x64x128xf32, #tpu.memory_space<hbm>> -> memref<64x128xf32, #tpu.memory_space<hbm>>
    tpu.wait_dma2 semaphore(%arg18 : memref<!tpu.dma_semaphore, #tpu.memory_space<semaphore_mem>>) src(%arg12 : memref<64x128xf32, #tpu.memory_space<vmem>>) dst(%dma_wait3A_407 : memref<64x128xf32, #tpu.memory_space<hbm>>)
    return
  }
}

</mosaic_0001>

<sc_bundles>
// kernel: kernel.3.cloned.1.call-start
scs
__scs_entry_jumppad:
0x0: {  	(pc) =	sbr.rel $0x88, $3  }
0x1: {  	(tag) =	ssettag $0x0;
	lr =	simm.s32 $0x1  }
0x2: {  	[smem:$0x3F9F] =	sst lr;
	_ =	strace $0xD0000000  }
0x3: {  	_ = 	snop  }
0x4: {  	_ = 	snop  }
0x5: {  	_ = 	snop  }
0x6: {  	_ = 	snop  }
0x7: {  	_ = 	snop  }
__scs_overlays_trampoline_lowered:
0x8: {  	[smem:$0x3FAE] =	sst s0  }
0x9: {  	[smem:$0x3FAF] =	sst s1  }
0xa: {  	[smem:$0x3FB0] =	sst s2  }
0xb: {  	[smem:$0x3FB1] =	sst s3  }
0xc: {  	[smem:$0x3FB2] =	sst s4  }
0xd: {  	[smem:$0x3FB3] =	sst s5  }
0xe: {  	[smem:$0x3FB4] =	sst s6  }
0xf: {  	[smem:$0x3FB5] =	sst s7  }
0x10: {  	[smem:$0x3FB6] =	sst s8  }
0x11: {  	[smem:$0x3FB7] =	sst s9;
	s0 =	simm.s32 @!p0 $0x0  }
0x12: {  	s1 =	sld [smem:$0x3F9D];
	s0 =	simm.s32 @p0 $0x1  }
0x13: {  	[smem:$0x3FB8] =	sst s0;
	s0 =	simm.s32 @!p1 $0x0  }
0x14: {  	s2 =	sld [smem:$0x3F9C];
	s0 =	simm.s32 @p1 $0x1  }
0x15: {  	[smem:$0x3FB9] =	sst s0;
	s0 =	simm.s32 @!p2 $0x0  }
0x16: {  	s3 =	sld [smem:$0x3FDB];
	s0 =	simm.s32 @p2 $0x1  }
0x17: {  	s4 =	simm.s32 $0x1BF5;
	[smem:$0x3FBB] =	sst s0  }
0x18: {  	s0 =	sld [smem:$0x3F9E];
	_ =	swait.ge [sflag:s4], $0x0  }
0x19: {  	s7 =	sld [smem:$0x3F9F]  }
0x1a: {  	s8 =	sadd.s32 $0xFFFFE003, lr  }
0x1b: {  	s9 =	sadd.s32 $0xFFFFFEF7, lr;
	s5 =	simm.s32 $0xFFFFFFFF;
	p2 =	slt.u32 s8, $0xFFFFF086  }
0x1c: {  	p1 =	slt.u32 s9, $0xF7A;
	s5 =	simm.s32 @!p2 $0x0  }
0x1d: {  	s5 =	simm.s32 @p1 $0x1;
	p0 =	seq.s32 s7, s2  }
0x1e: {  	s7 =	smul.u32 @!p0 $0xF7A, s2;
	p2 =	seq.s32 @!p0 s5, $0x0  }
0x1f: {  	s9 =	smul.u32 $0xF7A, s1;
	s8 =	simm.s32 @!p0 $0x1BF5;
	p2 =	por !p2, p0  }
0x20: {  	[sflag:s8] =	ssyncset.s32 @!p0 $0xFFFFF086;
	s6 =	sadd.s32 @!p0 s3, s7;
	s7 =	simm.s32 @!p0 $0x108  }
0x21: {  	s3 =	sadd.s32 s3, s9;
	s6 =	sadd.s32 @!p0 $0x88, s6;
	s7 =	simm.s32 @p2 $0x1082  }
0x22: {  	[simem:s7], [sflag:s8] =	dma.local @!p0 [hbm:s6], $0xF7A  }
0x23: {  	s9 =	sor.u32 $0xD0000000, s2;
	s6 =	simm.s32 $0x108;
	_ =	swait.ge @!p0 [sflag:s8], $0x0  }
0x24: {  	s3 =	sadd.s32 $0x88, s3;
	s6 =	simm.s32 @!p1 $0x1082;
	[sflag:s4] =	ssyncset.s32 $0xFFFFF086  }
0x25: {  	[simem:s6], [sflag:s4] =	dma.local [hbm:s3], $0xF7A  }
0x26: {  	[smem:$0x3F9F] =	sst s1;
	(tag) =	ssettag s2;
	_ =	strace s9  }
0x27: {  	s1 =	sld [smem:$0x3FAF]  }
0x28: {  	s2 =	sld [smem:$0x3FB0]  }
0x29: {  	s4 =	sld [smem:$0x3FB2]  }
0x2a: {  	p0 =	seq.s32 s5, $0x0;
	s5 =	sld [smem:$0x3FB3]  }
0x2b: {  	s6 =	sld [smem:$0x3FB4]  }
0x2c: {  	s7 =	sld [smem:$0x3FB5]  }
0x2d: {  	s3 =	simm.s32 $0x108;
	s8 =	sld [smem:$0x3FB6]  }
0x2e: {  	s3 =	simm.s32 @!p0 $0x1082;
	s9 =	sld [smem:$0x3FB7]  }
0x2f: {  	lr =	sadd.s32 s0, s3;
	s0 =	sld [smem:$0x3FAE]  }
0x30: {  	s3 =	sld [smem:$0x3FB1]  }
0x31: {  	[smem:$0x3FBA] =	sst s10  }
0x32: {  	s10 =	sld [smem:$0x3FB8];
	_ =	sdelay $0x3  }
0x33: {  	p0 =	seq.s32 s10, $0x1;
	s10 =	sld [smem:$0x3FBA];
	_ =	sdelay $0x3  }
0x34: {  	[smem:$0x3FBA] =	sst s10  }
0x35: {  	s10 =	sld [smem:$0x3FB9];
	_ =	sdelay $0x3  }
0x36: {  	p1 =	seq.s32 s10, $0x1;
	s10 =	sld [smem:$0x3FBA];
	_ =	sdelay $0x3  }
0x37: {  	[smem:$0x3FBA] =	sst s10  }
0x38: {  	s10 =	sld [smem:$0x3FBB]  }
0x39: {  	_ = 	snop;
	(pc) =	sbr.ind lr, $3  }
0x3a: {  	_ = 	snop  }
0x3b: {  	_ = 	snop  }
0x3c: {  	p2 =	seq.s32 s10, $0x1;
	s10 =	sld [smem:$0x3FBA]  }
0x3d: {  	_ =	shalt  }
0x3e: {  	_ =	shalt  }
0x3f: {  	_ =	shalt  }
0x40: {  	_ =	shalt  }
0x41: {  	_ =	shalt  }
0x42: {  	_ =	shalt  }
0x43: {  	_ =	shalt  }
0x44: {  	_ =	shalt  }
0x45: {  	_ =	shalt  }
0x46: {  	_ =	shalt  }
0x47: {  	_ =	shalt  }
0x48: {  	_ =	shalt  }
0x49: {  	_ =	shalt  }
0x4a: {  	_ =	shalt  }
0x4b: {  	_ =	shalt  }
0x4c: {  	_ =	shalt  }
0x4d: {  	_ =	shalt  }
0x4e: {  	_ =	shalt  }
0x4f: {  	_ =	shalt  }
0x50: {  	_ =	shalt  }
0x51: {  	_ =	shalt  }
0x52: {  	_ =	shalt  }
0x53: {  	_ =	shalt  }
0x54: {  	_ =	shalt  }
0x55: {  	_ =	shalt  }
0x56: {  	_ =	shalt  }
0x57: {  	_ =	shalt  }
0x58: {  	_ =	shalt  }
0x59: {  	_ =	shalt  }
0x5a: {  	_ =	shalt  }
0x5b: {  	_ =	shalt  }
0x5c: {  	_ =	shalt  }
0x5d: {  	_ =	shalt  }
0x5e: {  	_ =	shalt  }
0x5f: {  	_ =	shalt  }
0x60: {  	_ =	shalt  }
0x61: {  	_ =	shalt  }
0x62: {  	_ =	shalt  }
0x63: {  	_ =	shalt  }
0x64: {  	_ =	shalt  }
0x65: {  	_ =	shalt  }
0x66: {  	_ =	shalt  }
0x67: {  	_ =	shalt  }
0x68: {  	_ =	shalt  }
0x69: {  	_ =	shalt  }
0x6a: {  	_ =	shalt  }
0x6b: {  	_ =	shalt  }
0x6c: {  	_ =	shalt  }
0x6d: {  	_ =	shalt  }
0x6e: {  	_ =	shalt  }
0x6f: {  	_ =	shalt  }
0x70: {  	_ =	shalt  }
0x71: {  	_ =	shalt  }
0x72: {  	_ =	shalt  }
0x73: {  	_ =	shalt  }
0x74: {  	_ =	shalt  }
0x75: {  	_ =	shalt  }
0x76: {  	_ =	shalt  }
0x77: {  	_ =	shalt  }
0x78: {  	_ =	shalt  }
0x79: {  	_ =	shalt  }
0x7a: {  	_ =	shalt  }
0x7b: {  	_ =	shalt  }
0x7c: {  	_ =	shalt  }
0x7d: {  	_ =	shalt  }
0x7e: {  	_ =	shalt  }
0x7f: {  	_ =	shalt  }
0x80: {  	_ =	shalt  }
0x81: {  	_ =	shalt  }
0x82: {  	_ =	shalt  }
0x83: {  	_ =	shalt  }
0x84: {  	_ =	shalt  }
0x85: {  	_ =	shalt  }
0x86: {  	_ =	shalt  }
0x87: {  	_ =	shalt  }
.Lfunc_end0:
.L_simem_size_0:
called_computation_lowered:
.L_overlay_start_0:
0x88: {  	s2 =	sld [smem:$0x3FD9]  }
0x89: {  	s3 =	sld [smem:$0x3FFE];
	_ =	sdelay $0x1  }
0x8a: {  	s1 =	srdreg.scid  }
0x8b: {  	s0 =	sand.u32 $0x1, s1  }
0x8c: {  	s17 =	sshll.u32 s0, $0xA;
	s2 =	sadd.s32 s3, s2  }
0x8d: {  	s2 =	sadd.s32 s2, s17  }
0x8e: {  	[smem:$0x3FC6] =	sst s2  }
0x8f: {  	_ = 	snop  }
0x90: {  	s2 =	sld [smem:$0x3FC9]  }
0x91: {  	s18 =	sld [smem:$0x3FD0];
	(tm) =	ssettm $0x1  }
0x92: {  	s4 =	sld [smem:$0x3FFB];
	_ =	sdelay $0x3  }
0x93: {  	_ =	strace s4  }
0x94: {  	s4 =	sld [smem:$0x3FFC];
	_ =	sdelay $0x3  }
0x95: {  	_ =	strace s4  }
0x96: {  	s4 =	sld [smem:$0x3FFD];
	_ =	sdelay $0x3  }
0x97: {  	_ =	strace s4  }
0x98: {  	_ =	strace $0x8FFFFFFF  }
0x99: {  	s19 =	sld [smem:$0x3FDB];
	_ =	sdelay $0x1  }
0x9a: {  	s5 =	simm.s32 $_scs_section_size  }
0x9b: {  	s6 =	simm.s32 $_size__tile_overlayer_lowered;
	s7 =	simm.s32 $_tile_overlayer_lowered  }
0x9c: {  	s22 =	simm.s32 $0x1BFF;
	s21 =	sshll.u32 s7, $0x1;
	s4 =	sadd.s32 s5, s19  }
0x9d: {  	s8 =	simm.s32 $0x0;
	s20 =	sshll.u32 s6, $0x1;
	s6 =	sadd.s32 s21, s4  }
0x9e: {  	[timem:s8], [sflag:s22] =	dma.local [hbm:s6], s20  }
0x9f: {  	_ =	swait.ge [sflag:s22], s20  }
0xa0: {  	s5 =	ssub.s32 $0x0, s20;
	[sflag:s22] =	ssyncset.done $0x0  }
0xa1: {  	[sflag:s22] =	ssyncadd.s32 s5;
	_ =	sdelay $0x1  }
0xa2: {  	s23 =	simm.s32 $0x1B8B  }
0xa3: {  	_ =	swait.ge [sflag:s23], $0x1  }
0xa4: {  	[sflag:s23] =	ssyncset.done $0x0  }
0xa5: {  	s25 =	simm.s32 $0x1B8E;
	s24 =	sld [smem:$0x3FFE];
	[sflag:s23] =	ssyncadd.s32 $0xFFFFFFFF  }
0xa6: {  	s26 =	simm.s32 $execute0_lowered;
	[smem:$0x3FD2] =	sst s25  }
0xa7: {  	s6 =	sshll.u32 s26, $0x1;
	_ =	strace $0x80000046;
	[dreg:$0x1] =	wrdreg $0xFFFFFFFF  }
0xa8: {  	s28 =	simm.s32 $_size_execute0_lowered;
	s4 =	sadd.s32 s4, s6;
	[dreg:$0x0] =	wrdreg $0x0  }
0xa9: {  	s6 =	sshll.u32 s28, $0x1;
	[dreg:$0x2] =	wrdreg s4  }
0xaa: {  	[dreg:$0x3] =	wrdreg s6  }
0xab: {  	[dreg:$0x4] =	wrdreg $0xC0  }
0xac: {  	_ =	task [dreg:s8], $0x5FFFF  }
0xad: {  	[dreg:$0x1] =	wrdreg $0xFFFFFFFF  }
0xae: {  	[dreg:$0x0] =	wrdreg $0x60  }
0xaf: {  	[dreg:$0x2] =	wrdreg s2  }
0xb0: {  	[dreg:$0x3] =	wrdreg s24  }
0xb1: {  	[dreg:$0x4] =	wrdreg s18  }
0xb2: {  	[dreg:$0x5] =	wrdreg $0x9  }
0xb3: {  	_ =	task.clear_ibuf [dreg:s8], $0x6FFFF;
	_ =	strace $0x90000046  }
0xb4: {  	s29 =	simm.s32 $0x9;
	_ =	strace $0x80000048  }
0xb5: {  	_ =	swait.ge [sflag:s29], $0x1  }
0xb6: {  	[sflag:s29] =	ssyncadd.s32 $0xFFFFFFFF  }
0xb7: {  	_ =	strace $0x90000048  }
0xb8: {  	_ =	sfence  }
0xb9: {  	s30 =	sld [smem:$0x0];
	_ =	sdelay $0x2  }
0xba: {  	s31 =	sshll.u32 s1, $0xD;
	s1 =	sshrl.u32 s1, $0x2  }
0xbb: {  	s3 =	sand.u32 $0x4000, s31;
	s1 =	sadd.s32 s1, s30  }
0xbc: {  	s0 =	sor.u32 s3, s0;
	s1 =	sshll.u32 s1, $0x11  }
0xbd: {  	s0 =	sor.u32 s1, s0  }
0xbe: {  	s0 =	sadd.s32 $0x8F2B, s0  }
0xbf: {  	[sflag:s0] =	ssyncadd.remote.s32 $0x1  }
0xc0: {  	_ =	sfence.sel $0xFFFF  }
0xc1: {  	[dreg:$0x0] =	wrdreg $0xFFFFFFFF;
	(pc) =	sbr.abs _section_cstart, $3  }
0xc2: {  	[dreg:$0x1] =	wrdreg $0xFFFFFFFF  }
0xc3: {  	_ =	task.clear_ibuf [dreg:s8], $0x2FFFF;
	_ =	strace $0x9FFFFFFF  }
0xc4: {  	(tm) =	ssettm $0x7FFFFFFF  }
0xc5: {  	_ =	shalt  }
tec
execute0_lowered:
.L_overlay_start_1:
0x0: {  	(tag) =	ssettag $0x1  }
0x1: {  	s0 =	rddreg [dreg:$0x0]  }
0x2: {  	s1 =	rddreg [dreg:$0x1]  }
0x3: {  	s2 =	rddreg [dreg:$0x2]  }
0x4: {  	s4 =	srdreg.scid;
	s3 =	simm.s32 $0x0;
	s6 =	stileid.u32  }
0x5: {  	s8 =	simm.s32 $0x400;
	s9 =	simm.s32 $0x8000;
	s10 =	simm.s32 $0x7  }
0x6: {  	s11 =	simm.s32 $0x80;
	s13 =	simm.s32 $0x6600;
	s15 =	simm.s32 $0xA600  }
0x7: {  	s16 =	simm.s32 $0x6500;
	s17 =	simm.s32 $0xE600;
	s18 =	simm.s32 $0x6580  }
0x8: {  	s19 =	simm.s32 $0x12600;
	s20 =	simm.s32 $0x1;
	s21 =	simm.s32 $0x16600  }
0x9: {  	s22 =	simm.s32 $0x2;
	s23 =	simm.s32 $0x18600;
	s24 =	simm.s32 $0x3  }
0xa: {  	v0 =	vlaneseq.u32;
	s25 =	simm.s32 $0x5;
	s26 =	simm.s32 $0x4;
	s28 =	simm.s32 $0x6  }
.Ltmp0:
0xb: {  	s29 =	simm.s32 $0x0;
	s4 =	sand.u32 $0x1, s4;
	v1 =	vmul.u32 $0x80, v0;
	v9 =	vor.u32 $0x10, v0;
	v10 =	vor.u32 $0x20, v0;
	(pc) =	sbr.rel .LBB2_1-.Ltmp0, $4  }
0xc: {  	s6 =	sshll.u32 s6, $0xB;
	v11 =	vor.u32 $0x30, v0;
	v12 =	vor.u32 $0x40, v0;
	v13 =	vor.u32 $0x50, v0;
	s5 =	ssub.s32 $0x2, s4;
	s4 =	sshll.u32 s4, $0xA  }
0xd: {  	[smem:$0x7FF] =	sst s3;
	v14 =	vor.u32 $0x60, v0;
	v15 =	vor.u32 $0x70, v0;
	s7 =	sshrl.u32 s5, $0x1;
	s4 =	sor.u32 s4, s6;
	v2 =	vor.u32 $0x800, v1  }
0xe: {  	_ =	strace $0x80000047;
	v3 =	vor.u32 $0x1000, v1;
	v4 =	vor.u32 $0x1800, v1;
	v5 =	vor.u32 $0x2000, v1;
	s7 =	ssub.s32 s5, s7;
	s6 =	sshrl.u32 s4, $0x3  }
0xf: {  	v6 =	vor.u32 $0x2800, v1;
	v7 =	vor.u32 $0x3000, v1;
	v8 =	vor.u32 $0x3800, v1;
	s5 =	sadd.s32 $0xF42800, s1;
	s6 =	sadd.s32 s0, s6;
	s7 =	smax.u32 s7, $0x1  }
.LBB2_12:
0x10: {  	s29 =	sadd.s32 $0x1, s29  }
0x11: {  	_ =	swait.ge [sflag:s25], $0x2000;
	p0 =	sne.s32 s29, s7  }
.Ltmp1:
0x12: {  	[sflag:s25] =	ssyncset.done $0x0;
	(pc) =	sbr.rel @!p0 .LBB2_13-.Ltmp1, $4  }
0x13: {  	[sflag:s25] =	ssyncadd.s32 $0xFFFFE000  }
0x14: {  	_ =	swait.ge [sflag:s28], $0x2000  }
0x15: {  	[sflag:s28] =	ssyncset.done $0x0  }
0x16: {  	[sflag:s28] =	ssyncadd.s32 $0xFFFFE000  }
.LBB2_1:
0x17: {  	[tilespmem:s3], [sflag:$0x7] =	stream.strided.gather [hbm4b:s6+s8], $0x6400, s9, s8, $0x38;
	[tilespmem:$0x1A600] =	vst v63  }
0x18: {  	_ =	swait.ge [sflag:s10], $0x6400  }
0x19: {  	[sflag:s10] =	ssyncset.done $0x0  }
0x1a: {  	[sflag:s10] =	ssyncadd.s32 $0xFFFF9C00  }
0x1b: {  	v16 =	vld [tilespmem:$0x0]  }
0x1c: {  	v17 =	vld [tilespmem:$0x10]  }
0x1d: {  	v18 =	vld [tilespmem:$0x20]  }
0x1e: {  	v19 =	vld [tilespmem:$0x30]  }
0x1f: {  	v20 =	vld [tilespmem:$0x40]  }
0x20: {  	v21 =	vld [tilespmem:$0x50];
	v16 =	vshrl.u32 v16, $0x1  }
0x21: {  	[tilespmem:$0x6400] =	vst v16;
	v16 =	vshrl.u32 v17, $0x1;
	v17 =	vld [tilespmem:$0x60]  }
0x22: {  	v48 =	vld [tilespmem:$0x70];
	[tilespmem:$0x6410] =	vst v16;
	v16 =	vshrl.u32 v18, $0x1  }
0x23: {  	[tilespmem:$0x6420] =	vst v16;
	v16 =	vshrl.u32 v19, $0x1  }
0x24: {  	[tilespmem:$0x6430] =	vst v16;
	v16 =	vshrl.u32 v20, $0x1  }
0x25: {  	[tilespmem:$0x6440] =	vst v16;
	v16 =	vshrl.u32 v21, $0x1  }
0x26: {  	[tilespmem:$0x6450] =	vst v16;
	v16 =	vshrl.u32 v17, $0x1  }
0x27: {  	[tilespmem:$0x6460] =	vst v16;
	v16 =	vshrl.u32 v48, $0x1  }
0x28: {  	s0 =	simm.s32 $0x6400;
	[tilespmem:$0x6470] =	vst v16  }
0x29: {  	[tilespmem:s13], [sflag:$0x1] =	stream.indirect.gather [hbm4b:s5+s11], $0x80, s0, s11, $0xb8;
	[tilespmem:$0x1A600] =	vst v63  }
0x2a: {  	v16 =	vld [tilespmem:$0x80]  }
0x2b: {  	v17 =	vld [tilespmem:$0x90]  }
0x2c: {  	v49 =	vld [tilespmem:$0xA0]  }
0x2d: {  	v50 =	vld [tilespmem:$0xB0]  }
0x2e: {  	v51 =	vld [tilespmem:$0xC0]  }
0x2f: {  	v52 =	vld [tilespmem:$0xD0];
	v16 =	vshrl.u32 v16, $0x1  }
0x30: {  	[tilespmem:$0x6480] =	vst v16;
	v16 =	vshrl.u32 v17, $0x1;
	v17 =	vld [tilespmem:$0xE0]  }
0x31: {  	v53 =	vld [tilespmem:$0xF0];
	[tilespmem:$0x6490] =	vst v16;
	v16 =	vshrl.u32 v49, $0x1  }
0x32: {  	[tilespmem:$0x64A0] =	vst v16;
	v16 =	vshrl.u32 v50, $0x1  }
0x33: {  	[tilespmem:$0x64B0] =	vst v16;
	v16 =	vshrl.u32 v51, $0x1  }
0x34: {  	[tilespmem:$0x64C0] =	vst v16;
	v16 =	vshrl.u32 v52, $0x1  }
0x35: {  	[tilespmem:$0x64D0] =	vst v16;
	v16 =	vshrl.u32 v17, $0x1  }
0x36: {  	[tilespmem:$0x64E0] =	vst v16;
	v16 =	vshrl.u32 v53, $0x1  }
0x37: {  	s31 =	simm.s32 $0x6480;
	[tilespmem:$0x64F0] =	vst v16  }
0x38: {  	[tilespmem:s15], [sflag:$0x2] =	stream.indirect.gather [hbm4b:s5+s11], $0x80, s31, s11, $0xb8;
	[tilespmem:$0x1A600] =	vst v63  }
0x39: {  	v16 =	vld [tilespmem:$0x100]  }
0x3a: {  	v17 =	vld [tilespmem:$0x110]  }
0x3b: {  	v54 =	vld [tilespmem:$0x120]  }
0x3c: {  	v55 =	vld [tilespmem:$0x130]  }
0x3d: {  	v56 =	vld [tilespmem:$0x140]  }
0x3e: {  	v57 =	vld [tilespmem:$0x150];
	v16 =	vshrl.u32 v16, $0x1  }
0x3f: {  	[tilespmem:$0x6500] =	vst v16;
	v16 =	vshrl.u32 v17, $0x1;
	v17 =	vld [tilespmem:$0x160]  }
0x40: {  	v58 =	vld [tilespmem:$0x170];
	[tilespmem:$0x6510] =	vst v16;
	v16 =	vshrl.u32 v54, $0x1  }
0x41: {  	[tilespmem:$0x6520] =	vst v16;
	v16 =	vshrl.u32 v55, $0x1  }
0x42: {  	[tilespmem:$0x6530] =	vst v16;
	v16 =	vshrl.u32 v56, $0x1  }
0x43: {  	[tilespmem:$0x6540] =	vst v16;
	v16 =	vshrl.u32 v57, $0x1  }
0x44: {  	[tilespmem:$0x6550] =	vst v16;
	v16 =	vshrl.u32 v17, $0x1  }
0x45: {  	[tilespmem:$0x6560] =	vst v16;
	v16 =	vshrl.u32 v58, $0x1  }
0x46: {  	[tilespmem:$0x6570] =	vst v16  }
0x47: {  	[tilespmem:s17], [sflag:$0x3] =	stream.indirect.gather [hbm4b:s5+s11], $0x80, s16, s11, $0xb8;
	[tilespmem:$0x1A600] =	vst v63  }
0x48: {  	v16 =	vld [tilespmem:$0x180]  }
0x49: {  	v17 =	vld [tilespmem:$0x190]  }
0x4a: {  	v59 =	vld [tilespmem:$0x1A0]  }
0x4b: {  	v60 =	vld [tilespmem:$0x1B0]  }
0x4c: {  	v61 =	vld [tilespmem:$0x1C0]  }
0x4d: {  	v62 =	vld [tilespmem:$0x1D0];
	v16 =	vshrl.u32 v16, $0x1  }
0x4e: {  	[tilespmem:$0x6580] =	vst v16;
	v16 =	vshrl.u32 v17, $0x1;
	v17 =	vld [tilespmem:$0x1E0]  }
0x4f: {  	v63 =	vld [tilespmem:$0x1F0];
	[tilespmem:$0x6590] =	vst v16;
	v16 =	vshrl.u32 v59, $0x1  }
0x50: {  	[tilespmem:$0x65A0] =	vst v16;
	v16 =	vshrl.u32 v60, $0x1  }
0x51: {  	[tilespmem:$0x65B0] =	vst v16;
	v16 =	vshrl.u32 v61, $0x1  }
0x52: {  	[tilespmem:$0x65C0] =	vst v16;
	v16 =	vshrl.u32 v62, $0x1  }
0x53: {  	[tilespmem:$0x65D0] =	vst v16;
	v16 =	vshrl.u32 v17, $0x1  }
0x54: {  	[tilespmem:$0x65E0] =	vst v16;
	v16 =	vshrl.u32 v63, $0x1  }
0x55: {  	s30 =	simm.s32 $0x0;
	[tilespmem:$0x65F0] =	vst v16  }
0x56: {  	[tilespmem:s19], [sflag:$0x4] =	stream.indirect.gather [hbm4b:s5+s11], $0x80, s18, s11, $0xb8;
	[tilespmem:$0x1A600] =	vst v63  }
.LBB2_2:
0x57: {  	_ =	swait.ge [sflag:s20], $0x4000  }
0x58: {  	p1 =	seq.s32 s30, $0x0;
	[sflag:s20] =	ssyncset.done $0x0  }
0x59: {  	s0 =	simm.s32 @!p1 $0x5;
	[sflag:s20] =	ssyncadd.s32 $0xFFFFC000  }
0x5a: {  	_ =	swait.ge @!p1 [sflag:s0], $0x2000  }
0x5b: {  	s1 =	sshll.u32 s30, $0xB;
	[sflag:s0] =	ssyncset.done @!p1 $0x0  }
0x5c: {  	s31 =	sshra.s32 s1, $0x2;
	[sflag:s0] =	ssyncadd.s32 @!p1 $0xFFFFE000  }
0x5d: {  	v16 =	vld [tilespmem:s31+$0x0];
	_ =	sdelay $0x4  }
0x5e: {  	s12 =	simm.s32 $0x0;
	v16 =	vshll.u32 v16, $0x6  }
0x5f: {  	v17 =	vadd.s32 s12, v0;
	v16 =	vand.u32 $0x40, v16  }
0x60: {  	v25 =	vand.u32 $0xF, v17;
	v16 =	vor.u32 v1, v16  }
0x61: {  	v18 =	vor.u32 v25, v16;
	_ =	sdelay $0x2  }
0x62: {  	v19 =	vld [tilespmem:s31+$0x10]  }
0x63: {  	v26 =	vshll.u32 v25, $0x7;
	v20 =	vld [tilespmem:s31+$0x20]  }
0x64: {  	v27 =	vor.u32 $0x10, v17;
	v22 =	vor.u32 v0, v26;
	v18 =	vld.idx.msk [tilespmem:v18+s13+$0x0], $0xffff  }
0x65: {  	v21 =	vld [tilespmem:s31+$0x30];
	v24 =	vor.u32 v27, v16  }
0x66: {  	v23 =	vld [tilespmem:s31+$0x40]  }
0x67: {  	v32 =	vld [tilespmem:s31+$0x50]  }
0x68: {  	v33 =	vld [tilespmem:s31+$0x60]  }
0x69: {  	v28 =	vshll.u32 v27, $0x7;
	v34 =	vld [tilespmem:s31+$0x70];
	[tilespmem:v22+s21+$0x0] =	vst.idx.msk $0xffff, v18  }
0x6a: {  	v29 =	vor.u32 $0x20, v25;
	v22 =	vor.u32 v0, v28;
	v18 =	vld.idx.msk [tilespmem:v24+s13+$0x0], $0xffff  }
0x6b: {  	v24 =	vor.u32 v29, v16;
	_ =	sdelay $0x3  }
0x6c: {  	v30 =	vshll.u32 v29, $0x7;
	[tilespmem:v22+s21+$0x0] =	vst.idx.msk $0xffff, v18  }
0x6d: {  	v31 =	vor.u32 $0x30, v17;
	v22 =	vor.u32 v0, v30;
	v18 =	vld.idx.msk [tilespmem:v24+s13+$0x0], $0xffff  }
0x6e: {  	v35 =	vor.u32 v31, v16;
	_ =	sdelay $0x2  }
0x6f: {  	v17 =	vshll.u32 v19, $0x6  }
0x70: {  	v17 =	vand.u32 $0x40, v17;
	v24 =	vshll.u32 v31, $0x7;
	[tilespmem:v22+s21+$0x0] =	vst.idx.msk $0xffff, v18  }
0x71: {  	v17 =	vor.u32 v2, v17;
	v19 =	vor.u32 v0, v24;
	v18 =	vld.idx.msk [tilespmem:v35+s13+$0x0], $0xffff  }
0x72: {  	v22 =	vor.u32 v25, v17;
	_ =	sdelay $0x3  }
0x73: {  	[tilespmem:v19+s21+$0x0] =	vst.idx.msk $0xffff, v18  }
0x74: {  	v19 =	vor.u32 v9, v26;
	v18 =	vld.idx.msk [tilespmem:v22+s13+$0x0], $0xffff  }
0x75: {  	v22 =	vor.u32 v27, v17;
	_ =	sdelay $0x3  }
0x76: {  	[tilespmem:v19+s21+$0x0] =	vst.idx.msk $0xffff, v18  }
0x77: {  	v19 =	vor.u32 v9, v28;
	v18 =	vld.idx.msk [tilespmem:v22+s13+$0x0], $0xffff  }
0x78: {  	v22 =	vor.u32 v29, v17;
	_ =	sdelay $0x3  }
0x79: {  	[tilespmem:v19+s21+$0x0] =	vst.idx.msk $0xffff, v18  }
0x7a: {  	v19 =	vor.u32 v9, v30;
	v18 =	vld.idx.msk [tilespmem:v22+s13+$0x0], $0xffff  }
0x7b: {  	v22 =	vor.u32 v31, v17;
	_ =	sdelay $0x2  }
0x7c: {  	v20 =	vshll.u32 v20, $0x6  }
0x7d: {  	v20 =	vand.u32 $0x40, v20;
	[tilespmem:v19+s21+$0x0] =	vst.idx.msk $0xffff, v18  }
0x7e: {  	v18 =	vor.u32 v3, v20;
	v20 =	vor.u32 v9, v24;
	v19 =	vld.idx.msk [tilespmem:v22+s13+$0x0], $0xffff  }
0x7f: {  	v22 =	vor.u32 v25, v18;
	_ =	sdelay $0x3  }
0x80: {  	[tilespmem:v20+s21+$0x0] =	vst.idx.msk $0xffff, v19  }
0x81: {  	v20 =	vor.u32 v10, v26;
	v19 =	vld.idx.msk [tilespmem:v22+s13+$0x0], $0xffff  }
0x82: {  	v22 =	vor.u32 v27, v18;
	_ =	sdelay $0x3  }
0x83: {  	[tilespmem:v20+s21+$0x0] =	vst.idx.msk $0xffff, v19  }
0x84: {  	v20 =	vor.u32 v10, v28;
	v19 =	vld.idx.msk [tilespmem:v22+s13+$0x0], $0xffff  }
0x85: {  	v22 =	vor.u32 v29, v18;
	_ =	sdelay $0x3  }
0x86: {  	[tilespmem:v20+s21+$0x0] =	vst.idx.msk $0xffff, v19  }
0x87: {  	v20 =	vor.u32 v10, v30;
	v19 =	vld.idx.msk [tilespmem:v22+s13+$0x0], $0xffff  }
0x88: {  	v22 =	vor.u32 v31, v18;
	_ =	sdelay $0x2  }
0x89: {  	v21 =	vshll.u32 v21, $0x6  }
0x8a: {  	v21 =	vand.u32 $0x40, v21;
	[tilespmem:v20+s21+$0x0] =	vst.idx.msk $0xffff, v19  }
0x8b: {  	v19 =	vor.u32 v4, v21;
	v21 =	vor.u32 v10, v24;
	v20 =	vld.idx.msk [tilespmem:v22+s13+$0x0], $0xffff  }
0x8c: {  	v22 =	vor.u32 v25, v19;
	_ =	sdelay $0x3  }
0x8d: {  	[tilespmem:v21+s21+$0x0] =	vst.idx.msk $0xffff, v20  }
0x8e: {  	v21 =	vor.u32 v11, v26;
	v20 =	vld.idx.msk [tilespmem:v22+s13+$0x0], $0xffff  }
0x8f: {  	v22 =	vor.u32 v27, v19;
	_ =	sdelay $0x3  }
0x90: {  	[tilespmem:v21+s21+$0x0] =	vst.idx.msk $0xffff, v20  }
0x91: {  	v21 =	vor.u32 v11, v28;
	v20 =	vld.idx.msk [tilespmem:v22+s13+$0x0], $0xffff  }
0x92: {  	v22 =	vor.u32 v29, v19;
	_ =	sdelay $0x3  }
0x93: {  	[tilespmem:v21+s21+$0x0] =	vst.idx.msk $0xffff, v20  }
0x94: {  	v21 =	vor.u32 v11, v30;
	v20 =	vld.idx.msk [tilespmem:v22+s13+$0x0], $0xffff  }
0x95: {  	v22 =	vor.u32 v31, v19;
	_ =	sdelay $0x2  }
0x96: {  	v23 =	vshll.u32 v23, $0x6  }
0x97: {  	v23 =	vand.u32 $0x40, v23;
	[tilespmem:v21+s21+$0x0] =	vst.idx.msk $0xffff, v20  }
0x98: {  	v20 =	vor.u32 v5, v23;
	v21 =	vld.idx.msk [tilespmem:v22+s13+$0x0], $0xffff;
	v22 =	vor.u32 v11, v24  }
0x99: {  	v23 =	vor.u32 v25, v20;
	_ =	sdelay $0x3  }
0x9a: {  	[tilespmem:v22+s21+$0x0] =	vst.idx.msk $0xffff, v21  }
0x9b: {  	v22 =	vor.u32 v12, v26;
	v21 =	vld.idx.msk [tilespmem:v23+s13+$0x0], $0xffff  }
0x9c: {  	v23 =	vor.u32 v27, v20;
	_ =	sdelay $0x3  }
0x9d: {  	[tilespmem:v22+s21+$0x0] =	vst.idx.msk $0xffff, v21  }
0x9e: {  	v22 =	vor.u32 v12, v28;
	v21 =	vld.idx.msk [tilespmem:v23+s13+$0x0], $0xffff  }
0x9f: {  	v23 =	vor.u32 v29, v20;
	_ =	sdelay $0x3  }
0xa0: {  	[tilespmem:v22+s21+$0x0] =	vst.idx.msk $0xffff, v21  }
0xa1: {  	v22 =	vor.u32 v12, v30;
	v21 =	vld.idx.msk [tilespmem:v23+s13+$0x0], $0xffff  }
0xa2: {  	v23 =	vor.u32 v31, v20;
	_ =	sdelay $0x2  }
0xa3: {  	v32 =	vshll.u32 v32, $0x6  }
0xa4: {  	v32 =	vand.u32 $0x40, v32;
	[tilespmem:v22+s21+$0x0] =	vst.idx.msk $0xffff, v21  }
0xa5: {  	v21 =	vor.u32 v6, v32;
	v22 =	vld.idx.msk [tilespmem:v23+s13+$0x0], $0xffff;
	v23 =	vor.u32 v12, v24  }
0xa6: {  	v32 =	vor.u32 v25, v21;
	_ =	sdelay $0x3  }
0xa7: {  	[tilespmem:v23+s21+$0x0] =	vst.idx.msk $0xffff, v22  }
0xa8: {  	v23 =	vor.u32 v13, v26;
	v22 =	vld.idx.msk [tilespmem:v32+s13+$0x0], $0xffff  }
0xa9: {  	v53 =	vor.u32 v27, v21;
	_ =	sdelay $0x3  }
0xaa: {  	[tilespmem:v23+s21+$0x0] =	vst.idx.msk $0xffff, v22  }
0xab: {  	v23 =	vor.u32 v13, v28;
	v22 =	vld.idx.msk [tilespmem:v53+s13+$0x0], $0xffff  }
0xac: {  	v54 =	vor.u32 v29, v21;
	_ =	sdelay $0x3  }
0xad: {  	[tilespmem:v23+s21+$0x0] =	vst.idx.msk $0xffff, v22  }
0xae: {  	v23 =	vor.u32 v13, v30;
	v22 =	vld.idx.msk [tilespmem:v54+s13+$0x0], $0xffff  }
0xaf: {  	v55 =	vor.u32 v31, v21;
	_ =	sdelay $0x2  }
0xb0: {  	v33 =	vshll.u32 v33, $0x6  }
0xb1: {  	v33 =	vand.u32 $0x40, v33;
	[tilespmem:v23+s21+$0x0] =	vst.idx.msk $0xffff, v22  }
0xb2: {  	v56 =	vor.u32 v13, v24;
	v22 =	vor.u32 v7, v33;
	v23 =	vld.idx.msk [tilespmem:v55+s13+$0x0], $0xffff  }
0xb3: {  	v33 =	vor.u32 v25, v22;
	_ =	sdelay $0x3  }
0xb4: {  	[tilespmem:v56+s21+$0x0] =	vst.idx.msk $0xffff, v23  }
0xb5: {  	v57 =	vor.u32 v14, v26;
	v23 =	vld.idx.msk [tilespmem:v33+s13+$0x0], $0xffff  }
0xb6: {  	v58 =	vor.u32 v27, v22;
	_ =	sdelay $0x3  }
0xb7: {  	[tilespmem:v57+s21+$0x0] =	vst.idx.msk $0xffff, v23  }
0xb8: {  	v59 =	vor.u32 v14, v28;
	v23 =	vld.idx.msk [tilespmem:v58+s13+$0x0], $0xffff  }
0xb9: {  	v60 =	vor.u32 v29, v22;
	_ =	sdelay $0x3  }
0xba: {  	[tilespmem:v59+s21+$0x0] =	vst.idx.msk $0xffff, v23  }
0xbb: {  	v61 =	vor.u32 v14, v30;
	v23 =	vld.idx.msk [tilespmem:v60+s13+$0x0], $0xffff  }
0xbc: {  	v62 =	vor.u32 v31, v22;
	_ =	sdelay $0x2  }
0xbd: {  	v34 =	vshll.u32 v34, $0x6  }
0xbe: {  	v34 =	vand.u32 $0x40, v34;
	[tilespmem:v61+s21+$0x0] =	vst.idx.msk $0xffff, v23  }
0xbf: {  	v63 =	vor.u32 v14, v24;
	v23 =	vor.u32 v8, v34;
	v32 =	vld.idx.msk [tilespmem:v62+s13+$0x0], $0xffff  }
0xc0: {  	v25 =	vor.u32 v25, v23;
	_ =	sdelay $0x3  }
0xc1: {  	[tilespmem:v63+s21+$0x0] =	vst.idx.msk $0xffff, v32  }
0xc2: {  	v26 =	vor.u32 v15, v26;
	v25 =	vld.idx.msk [tilespmem:v25+s13+$0x0], $0xffff  }
0xc3: {  	v27 =	vor.u32 v27, v23;
	_ =	sdelay $0x3  }
0xc4: {  	[tilespmem:v26+s21+$0x0] =	vst.idx.msk $0xffff, v25  }
0xc5: {  	v26 =	vor.u32 v15, v28;
	v25 =	vld.idx.msk [tilespmem:v27+s13+$0x0], $0xffff  }
0xc6: {  	v27 =	vor.u32 v29, v23;
	_ =	sdelay $0x3  }
0xc7: {  	[tilespmem:v26+s21+$0x0] =	vst.idx.msk $0xffff, v25  }
0xc8: {  	v26 =	vor.u32 v15, v30;
	v25 =	vld.idx.msk [tilespmem:v27+s13+$0x0], $0xffff  }
0xc9: {  	v27 =	vor.u32 v31, v23;
	_ =	sdelay $0x3  }
0xca: {  	s14 =	simm.s32 $0x1;
	[tilespmem:v26+s21+$0x0] =	vst.idx.msk $0xffff, v25  }
0xcb: {  	s1 =	simm.s32 $0x2;
	s0 =	sshll.u32 s30, $0x2;
	v31 =	vadd.s32 s14, v0;
	v26 =	vld.idx.msk [tilespmem:v27+s13+$0x0], $0xffff  }
.LBB2_3:
0xcc: {  	p0 =	sne.s32 s1, $0xF;
	v25 =	vand.u32 $0xF, v31;
	v24 =	vor.u32 v15, v24  }
0xcd: {  	v27 =	vor.u32 v25, v16;
	_ =	sdelay $0x3  }
0xce: {  	[tilespmem:v24+s21+$0x0] =	vst.idx.msk $0xffff, v26  }
0xcf: {  	v26 =	vshll.u32 v25, $0x7;
	v24 =	vld.idx.msk [tilespmem:v27+s13+$0x0], $0xffff  }
0xd0: {  	v28 =	vor.u32 v0, v26;
	v27 =	vor.u32 $0x10, v31  }
0xd1: {  	v29 =	vor.u32 v27, v16;
	_ =	sdelay $0x3  }
0xd2: {  	[tilespmem:v28+s21+$0x0] =	vst.idx.msk $0xffff, v24  }
0xd3: {  	v28 =	vshll.u32 v27, $0x7;
	v24 =	vld.idx.msk [tilespmem:v29+s13+$0x0], $0xffff  }
0xd4: {  	v30 =	vor.u32 v0, v28;
	v29 =	vor.u32 $0x20, v25  }
0xd5: {  	v32 =	vor.u32 v29, v16;
	_ =	sdelay $0x3  }
0xd6: {  	[tilespmem:v30+s21+$0x0] =	vst.idx.msk $0xffff, v24  }
0xd7: {  	v30 =	vshll.u32 v29, $0x7;
	v24 =	vld.idx.msk [tilespmem:v32+s13+$0x0], $0xffff  }
0xd8: {  	v31 =	vor.u32 $0x30, v31;
	v32 =	vor.u32 v0, v30  }
0xd9: {  	v33 =	vor.u32 v31, v16;
	_ =	sdelay $0x3  }
0xda: {  	[tilespmem:v32+s21+$0x0] =	vst.idx.msk $0xffff, v24  }
0xdb: {  	v24 =	vshll.u32 v31, $0x7;
	v32 =	vld.idx.msk [tilespmem:v33+s13+$0x0], $0xffff  }
0xdc: {  	v33 =	vor.u32 v0, v24  }
0xdd: {  	v34 =	vor.u32 v25, v17;
	_ =	sdelay $0x3  }
0xde: {  	[tilespmem:v33+s21+$0x0] =	vst.idx.msk $0xffff, v32  }
0xdf: {  	v32 =	vld.idx.msk [tilespmem:v34+s13+$0x0], $0xffff  }
0xe0: {  	v33 =	vor.u32 v9, v26  }
0xe1: {  	v34 =	vor.u32 v27, v17;
	_ =	sdelay $0x3  }
0xe2: {  	[tilespmem:v33+s21+$0x0] =	vst.idx.msk $0xffff, v32  }
0xe3: {  	v32 =	vld.idx.msk [tilespmem:v34+s13+$0x0], $0xffff  }
0xe4: {  	v33 =	vor.u32 v9, v28  }
0xe5: {  	v34 =	vor.u32 v29, v17;
	_ =	sdelay $0x3  }
0xe6: {  	[tilespmem:v33+s21+$0x0] =	vst.idx.msk $0xffff, v32  }
0xe7: {  	v32 =	vld.idx.msk [tilespmem:v34+s13+$0x0], $0xffff  }
0xe8: {  	v33 =	vor.u32 v9, v30  }
0xe9: {  	v34 =	vor.u32 v31, v17;
	_ =	sdelay $0x3  }
0xea: {  	[tilespmem:v33+s21+$0x0] =	vst.idx.msk $0xffff, v32  }
0xeb: {  	v32 =	vld.idx.msk [tilespmem:v34+s13+$0x0], $0xffff  }
0xec: {  	v33 =	vor.u32 v9, v24  }
0xed: {  	v34 =	vor.u32 v25, v18;
	_ =	sdelay $0x3  }
0xee: {  	[tilespmem:v33+s21+$0x0] =	vst.idx.msk $0xffff, v32  }
0xef: {  	v32 =	vld.idx.msk [tilespmem:v34+s13+$0x0], $0xffff  }
0xf0: {  	v33 =	vor.u32 v10, v26  }
0xf1: {  	v34 =	vor.u32 v27, v18;
	_ =	sdelay $0x3  }
0xf2: {  	[tilespmem:v33+s21+$0x0] =	vst.idx.msk $0xffff, v32  }
0xf3: {  	v32 =	vld.idx.msk [tilespmem:v34+s13+$0x0], $0xffff  }
0xf4: {  	v33 =	vor.u32 v10, v28  }
0xf5: {  	v34 =	vor.u32 v29, v18;
	_ =	sdelay $0x3  }
0xf6: {  	[tilespmem:v33+s21+$0x0] =	vst.idx.msk $0xffff, v32  }
0xf7: {  	v32 =	vld.idx.msk [tilespmem:v34+s13+$0x0], $0xffff  }
0xf8: {  	v33 =	vor.u32 v10, v30  }
0xf9: {  	v34 =	vor.u32 v31, v18;
	_ =	sdelay $0x3  }
0xfa: {  	[tilespmem:v33+s21+$0x0] =	vst.idx.msk $0xffff, v32  }
0xfb: {  	v32 =	vld.idx.msk [tilespmem:v34+s13+$0x0], $0xffff  }
0xfc: {  	v33 =	vor.u32 v10, v24  }
0xfd: {  	v34 =	vor.u32 v25, v19;
	_ =	sdelay $0x3  }
0xfe: {  	[tilespmem:v33+s21+$0x0] =	vst.idx.msk $0xffff, v32  }
0xff: {  	v32 =	vld.idx.msk [tilespmem:v34+s13+$0x0], $0xffff  }
0x100: {  	v33 =	vor.u32 v11, v26  }
0x101: {  	v34 =	vor.u32 v27, v19;
	_ =	sdelay $0x3  }
0x102: {  	[tilespmem:v33+s21+$0x0] =	vst.idx.msk $0xffff, v32  }
0x103: {  	v32 =	vld.idx.msk [tilespmem:v34+s13+$0x0], $0xffff  }
0x104: {  	v33 =	vor.u32 v11, v28  }
0x105: {  	v34 =	vor.u32 v29, v19;
	_ =	sdelay $0x3  }
0x106: {  	[tilespmem:v33+s21+$0x0] =	vst.idx.msk $0xffff, v32  }
0x107: {  	v32 =	vld.idx.msk [tilespmem:v34+s13+$0x0], $0xffff  }
0x108: {  	v33 =	vor.u32 v11, v30  }
0x109: {  	v34 =	vor.u32 v31, v19;
	_ =	sdelay $0x3  }
0x10a: {  	[tilespmem:v33+s21+$0x0] =	vst.idx.msk $0xffff, v32  }
0x10b: {  	v32 =	vld.idx.msk [tilespmem:v34+s13+$0x0], $0xffff  }
0x10c: {  	v33 =	vor.u32 v11, v24  }
0x10d: {  	v34 =	vor.u32 v25, v20;
	_ =	sdelay $0x3  }
0x10e: {  	[tilespmem:v33+s21+$0x0] =	vst.idx.msk $0xffff, v32  }
0x10f: {  	v32 =	vld.idx.msk [tilespmem:v34+s13+$0x0], $0xffff  }
0x110: {  	v33 =	vor.u32 v12, v26  }
0x111: {  	v34 =	vor.u32 v27, v20;
	_ =	sdelay $0x3  }
0x112: {  	[tilespmem:v33+s21+$0x0] =	vst.idx.msk $0xffff, v32  }
0x113: {  	v32 =	vld.idx.msk [tilespmem:v34+s13+$0x0], $0xffff  }
0x114: {  	v33 =	vor.u32 v12, v28  }
0x115: {  	v34 =	vor.u32 v29, v20;
	_ =	sdelay $0x3  }
0x116: {  	[tilespmem:v33+s21+$0x0] =	vst.idx.msk $0xffff, v32  }
0x117: {  	v32 =	vld.idx.msk [tilespmem:v34+s13+$0x0], $0xffff  }
0x118: {  	v33 =	vor.u32 v12, v30  }
0x119: {  	v34 =	vor.u32 v31, v20;
	_ =	sdelay $0x3  }
0x11a: {  	[tilespmem:v33+s21+$0x0] =	vst.idx.msk $0xffff, v32  }
0x11b: {  	v32 =	vld.idx.msk [tilespmem:v34+s13+$0x0], $0xffff  }
0x11c: {  	v33 =	vor.u32 v12, v24  }
0x11d: {  	v34 =	vor.u32 v25, v21;
	_ =	sdelay $0x3  }
0x11e: {  	[tilespmem:v33+s21+$0x0] =	vst.idx.msk $0xffff, v32  }
0x11f: {  	v32 =	vld.idx.msk [tilespmem:v34+s13+$0x0], $0xffff  }
0x120: {  	v33 =	vor.u32 v13, v26  }
0x121: {  	v34 =	vor.u32 v27, v21;
	_ =	sdelay $0x3  }
0x122: {  	[tilespmem:v33+s21+$0x0] =	vst.idx.msk $0xffff, v32  }
0x123: {  	v32 =	vld.idx.msk [tilespmem:v34+s13+$0x0], $0xffff  }
0x124: {  	v33 =	vor.u32 v13, v28  }
0x125: {  	v34 =	vor.u32 v29, v21;
	_ =	sdelay $0x3  }
0x126: {  	[tilespmem:v33+s21+$0x0] =	vst.idx.msk $0xffff, v32  }
0x127: {  	v32 =	vld.idx.msk [tilespmem:v34+s13+$0x0], $0xffff  }
0x128: {  	v33 =	vor.u32 v13, v30  }
0x129: {  	v34 =	vor.u32 v31, v21;
	_ =	sdelay $0x3  }
0x12a: {  	[tilespmem:v33+s21+$0x0] =	vst.idx.msk $0xffff, v32  }
0x12b: {  	v32 =	vld.idx.msk [tilespmem:v34+s13+$0x0], $0xffff  }
0x12c: {  	v33 =	vor.u32 v13, v24  }
0x12d: {  	v34 =	vor.u32 v25, v22;
	_ =	sdelay $0x3  }
0x12e: {  	[tilespmem:v33+s21+$0x0] =	vst.idx.msk $0xffff, v32  }
0x12f: {  	v32 =	vld.idx.msk [tilespmem:v34+s13+$0x0], $0xffff  }
0x130: {  	v33 =	vor.u32 v14, v26  }
0x131: {  	v34 =	vor.u32 v27, v22;
	_ =	sdelay $0x3  }
0x132: {  	[tilespmem:v33+s21+$0x0] =	vst.idx.msk $0xffff, v32  }
0x133: {  	v32 =	vld.idx.msk [tilespmem:v34+s13+$0x0], $0xffff  }
0x134: {  	v33 =	vor.u32 v14, v28  }
0x135: {  	v34 =	vor.u32 v29, v22;
	_ =	sdelay $0x3  }
0x136: {  	[tilespmem:v33+s21+$0x0] =	vst.idx.msk $0xffff, v32  }
0x137: {  	v32 =	vld.idx.msk [tilespmem:v34+s13+$0x0], $0xffff  }
0x138: {  	v33 =	vor.u32 v14, v30  }
0x139: {  	v34 =	vor.u32 v31, v22;
	_ =	sdelay $0x3  }
0x13a: {  	[tilespmem:v33+s21+$0x0] =	vst.idx.msk $0xffff, v32  }
0x13b: {  	v32 =	vld.idx.msk [tilespmem:v34+s13+$0x0], $0xffff  }
0x13c: {  	v33 =	vor.u32 v14, v24  }
0x13d: {  	v25 =	vor.u32 v25, v23;
	_ =	sdelay $0x3  }
0x13e: {  	[tilespmem:v33+s21+$0x0] =	vst.idx.msk $0xffff, v32  }
0x13f: {  	v25 =	vld.idx.msk [tilespmem:v25+s13+$0x0], $0xffff  }
0x140: {  	v26 =	vor.u32 v15, v26  }
0x141: {  	v27 =	vor.u32 v27, v23;
	_ =	sdelay $0x3  }
0x142: {  	[tilespmem:v26+s21+$0x0] =	vst.idx.msk $0xffff, v25  }
0x143: {  	v25 =	vld.idx.msk [tilespmem:v27+s13+$0x0], $0xffff  }
0x144: {  	v26 =	vor.u32 v15, v28  }
0x145: {  	v27 =	vor.u32 v29, v23;
	_ =	sdelay $0x3  }
0x146: {  	[tilespmem:v26+s21+$0x0] =	vst.idx.msk $0xffff, v25  }
0x147: {  	v25 =	vld.idx.msk [tilespmem:v27+s13+$0x0], $0xffff  }
0x148: {  	v26 =	vor.u32 v15, v30  }
0x149: {  	v27 =	vor.u32 v31, v23  }
.Ltmp2:
0x14a: {  	(pc) =	sbr.rel @p0 .LBB2_3-.Ltmp2, $3  }
0x14b: {  	_ =	sdelay $0x1  }
0x14c: {  	[tilespmem:v26+s21+$0x0] =	vst.idx.msk $0xffff, v25  }
0x14d: {  	v31 =	vadd.s32 s1, v0;
	s1 =	sadd.s32 $0x1, s1;
	v26 =	vld.idx.msk [tilespmem:v27+s13+$0x0], $0xffff  }
0x14e: {  	v25 =	vand.u32 $0xF, v31;
	v24 =	vor.u32 v15, v24  }
0x14f: {  	v27 =	vor.u32 v25, v16;
	_ =	sdelay $0x3  }
0x150: {  	[tilespmem:v24+s21+$0x0] =	vst.idx.msk $0xffff, v26;
	v24 =	vshll.u32 v25, $0x7  }
0x151: {  	v28 =	vor.u32 $0x10, v31;
	v26 =	vld.idx.msk [tilespmem:v27+s13+$0x0], $0xffff;
	v27 =	vor.u32 v0, v24  }
0x152: {  	v29 =	vor.u32 v28, v16;
	_ =	sdelay $0x3  }
0x153: {  	[tilespmem:v27+s21+$0x0] =	vst.idx.msk $0xffff, v26;
	v26 =	vshll.u32 v28, $0x7  }
0x154: {  	v30 =	vor.u32 $0x20, v25;
	v27 =	vld.idx.msk [tilespmem:v29+s13+$0x0], $0xffff;
	v29 =	vor.u32 v0, v26  }
0x155: {  	v32 =	vor.u32 v30, v16;
	_ =	sdelay $0x3  }
0x156: {  	[tilespmem:v29+s21+$0x0] =	vst.idx.msk $0xffff, v27;
	v27 =	vshll.u32 v30, $0x7  }
0x157: {  	v31 =	vor.u32 $0x30, v31;
	v29 =	vld.idx.msk [tilespmem:v32+s13+$0x0], $0xffff;
	v41 =	vor.u32 v0, v27  }
0x158: {  	v16 =	vor.u32 v31, v16;
	_ =	sdelay $0x3  }
0x159: {  	[tilespmem:v41+s21+$0x0] =	vst.idx.msk $0xffff, v29;
	v29 =	vshll.u32 v31, $0x7  }
0x15a: {  	v16 =	vld.idx.msk [tilespmem:v16+s13+$0x0], $0xffff;
	v42 =	vor.u32 v0, v29  }
0x15b: {  	v33 =	vor.u32 v25, v17;
	_ =	sdelay $0x3  }
0x15c: {  	[tilespmem:v42+s21+$0x0] =	vst.idx.msk $0xffff, v16  }
0x15d: {  	v43 =	vor.u32 v9, v24;
	v16 =	vld.idx.msk [tilespmem:v33+s13+$0x0], $0xffff  }
0x15e: {  	v44 =	vor.u32 v28, v17;
	_ =	sdelay $0x3  }
0x15f: {  	[tilespmem:v43+s21+$0x0] =	vst.idx.msk $0xffff, v16  }
0x160: {  	v45 =	vor.u32 v9, v26;
	v16 =	vld.idx.msk [tilespmem:v44+s13+$0x0], $0xffff  }
0x161: {  	v46 =	vor.u32 v30, v17;
	_ =	sdelay $0x3  }
0x162: {  	[tilespmem:v45+s21+$0x0] =	vst.idx.msk $0xffff, v16  }
0x163: {  	v47 =	vor.u32 v9, v27;
	v16 =	vld.idx.msk [tilespmem:v46+s13+$0x0], $0xffff  }
0x164: {  	v17 =	vor.u32 v31, v17;
	_ =	sdelay $0x3  }
0x165: {  	[tilespmem:v47+s21+$0x0] =	vst.idx.msk $0xffff, v16  }
0x166: {  	v16 =	vld.idx.msk [tilespmem:v17+s13+$0x0], $0xffff;
	v17 =	vor.u32 v9, v29  }
0x167: {  	v48 =	vor.u32 v25, v18;
	_ =	sdelay $0x3  }
0x168: {  	[tilespmem:v17+s21+$0x0] =	vst.idx.msk $0xffff, v16  }
0x169: {  	v17 =	vor.u32 v10, v24;
	v16 =	vld.idx.msk [tilespmem:v48+s13+$0x0], $0xffff  }
0x16a: {  	v49 =	vor.u32 v28, v18;
	_ =	sdelay $0x3  }
0x16b: {  	[tilespmem:v17+s21+$0x0] =	vst.idx.msk $0xffff, v16  }
0x16c: {  	v17 =	vor.u32 v10, v26;
	v16 =	vld.idx.msk [tilespmem:v49+s13+$0x0], $0xffff  }
0x16d: {  	v50 =	vor.u32 v30, v18;
	_ =	sdelay $0x3  }
0x16e: {  	[tilespmem:v17+s21+$0x0] =	vst.idx.msk $0xffff, v16  }
0x16f: {  	v17 =	vor.u32 v10, v27;
	v16 =	vld.idx.msk [tilespmem:v50+s13+$0x0], $0xffff  }
0x170: {  	v18 =	vor.u32 v31, v18;
	_ =	sdelay $0x3  }
0x171: {  	[tilespmem:v17+s21+$0x0] =	vst.idx.msk $0xffff, v16  }
0x172: {  	v17 =	vor.u32 v10, v29;
	v16 =	vld.idx.msk [tilespmem:v18+s13+$0x0], $0xffff  }
0x173: {  	v18 =	vor.u32 v25, v19;
	_ =	sdelay $0x3  }
0x174: {  	[tilespmem:v17+s21+$0x0] =	vst.idx.msk $0xffff, v16  }
0x175: {  	v17 =	vor.u32 v11, v24;
	v16 =	vld.idx.msk [tilespmem:v18+s13+$0x0], $0xffff  }
0x176: {  	v18 =	vor.u32 v28, v19;
	_ =	sdelay $0x3  }
0x177: {  	[tilespmem:v17+s21+$0x0] =	vst.idx.msk $0xffff, v16  }
0x178: {  	v17 =	vor.u32 v11, v26;
	v16 =	vld.idx.msk [tilespmem:v18+s13+$0x0], $0xffff  }
0x179: {  	v18 =	vor.u32 v30, v19;
	_ =	sdelay $0x3  }
0x17a: {  	[tilespmem:v17+s21+$0x0] =	vst.idx.msk $0xffff, v16  }
0x17b: {  	v17 =	vor.u32 v11, v27;
	v16 =	vld.idx.msk [tilespmem:v18+s13+$0x0], $0xffff  }
0x17c: {  	v18 =	vor.u32 v31, v19;
	_ =	sdelay $0x3  }
0x17d: {  	[tilespmem:v17+s21+$0x0] =	vst.idx.msk $0xffff, v16  }
0x17e: {  	v17 =	vor.u32 v11, v29;
	v16 =	vld.idx.msk [tilespmem:v18+s13+$0x0], $0xffff  }
0x17f: {  	v18 =	vor.u32 v25, v20;
	_ =	sdelay $0x3  }
0x180: {  	[tilespmem:v17+s21+$0x0] =	vst.idx.msk $0xffff, v16  }
0x181: {  	v17 =	vor.u32 v12, v24;
	v16 =	vld.idx.msk [tilespmem:v18+s13+$0x0], $0xffff  }
0x182: {  	v18 =	vor.u32 v28, v20;
	_ =	sdelay $0x3  }
0x183: {  	[tilespmem:v17+s21+$0x0] =	vst.idx.msk $0xffff, v16  }
0x184: {  	v17 =	vor.u32 v12, v26;
	v16 =	vld.idx.msk [tilespmem:v18+s13+$0x0], $0xffff  }
0x185: {  	v18 =	vor.u32 v30, v20;
	_ =	sdelay $0x3  }
0x186: {  	[tilespmem:v17+s21+$0x0] =	vst.idx.msk $0xffff, v16  }
0x187: {  	v17 =	vor.u32 v12, v27;
	v16 =	vld.idx.msk [tilespmem:v18+s13+$0x0], $0xffff  }
0x188: {  	v18 =	vor.u32 v31, v20;
	_ =	sdelay $0x3  }
0x189: {  	[tilespmem:v17+s21+$0x0] =	vst.idx.msk $0xffff, v16  }
0x18a: {  	v17 =	vor.u32 v12, v29;
	v16 =	vld.idx.msk [tilespmem:v18+s13+$0x0], $0xffff  }
0x18b: {  	v18 =	vor.u32 v25, v21;
	_ =	sdelay $0x3  }
0x18c: {  	[tilespmem:v17+s21+$0x0] =	vst.idx.msk $0xffff, v16  }
0x18d: {  	v17 =	vor.u32 v13, v24;
	v16 =	vld.idx.msk [tilespmem:v18+s13+$0x0], $0xffff  }
0x18e: {  	v18 =	vor.u32 v28, v21;
	_ =	sdelay $0x3  }
0x18f: {  	[tilespmem:v17+s21+$0x0] =	vst.idx.msk $0xffff, v16  }
0x190: {  	v17 =	vor.u32 v13, v26;
	v16 =	vld.idx.msk [tilespmem:v18+s13+$0x0], $0xffff  }
0x191: {  	v18 =	vor.u32 v30, v21;
	_ =	sdelay $0x3  }
0x192: {  	[tilespmem:v17+s21+$0x0] =	vst.idx.msk $0xffff, v16  }
0x193: {  	v17 =	vor.u32 v13, v27;
	v16 =	vld.idx.msk [tilespmem:v18+s13+$0x0], $0xffff  }
0x194: {  	v18 =	vor.u32 v31, v21;
	_ =	sdelay $0x3  }
0x195: {  	[tilespmem:v17+s21+$0x0] =	vst.idx.msk $0xffff, v16  }
0x196: {  	v17 =	vor.u32 v13, v29;
	v16 =	vld.idx.msk [tilespmem:v18+s13+$0x0], $0xffff  }
0x197: {  	v18 =	vor.u32 v25, v22;
	_ =	sdelay $0x3  }
0x198: {  	[tilespmem:v17+s21+$0x0] =	vst.idx.msk $0xffff, v16  }
0x199: {  	v17 =	vor.u32 v14, v24;
	v16 =	vld.idx.msk [tilespmem:v18+s13+$0x0], $0xffff  }
0x19a: {  	v18 =	vor.u32 v28, v22;
	_ =	sdelay $0x3  }
0x19b: {  	[tilespmem:v17+s21+$0x0] =	vst.idx.msk $0xffff, v16  }
0x19c: {  	v17 =	vor.u32 v14, v26;
	v16 =	vld.idx.msk [tilespmem:v18+s13+$0x0], $0xffff  }
0x19d: {  	v18 =	vor.u32 v30, v22;
	_ =	sdelay $0x3  }
0x19e: {  	[tilespmem:v17+s21+$0x0] =	vst.idx.msk $0xffff, v16  }
0x19f: {  	v17 =	vor.u32 v14, v27;
	v16 =	vld.idx.msk [tilespmem:v18+s13+$0x0], $0xffff  }
0x1a0: {  	v18 =	vor.u32 v31, v22;
	_ =	sdelay $0x3  }
0x1a1: {  	[tilespmem:v17+s21+$0x0] =	vst.idx.msk $0xffff, v16  }
0x1a2: {  	v17 =	vor.u32 v14, v29;
	v16 =	vld.idx.msk [tilespmem:v18+s13+$0x0], $0xffff  }
0x1a3: {  	v18 =	vor.u32 v25, v23;
	_ =	sdelay $0x3  }
0x1a4: {  	[tilespmem:v17+s21+$0x0] =	vst.idx.msk $0xffff, v16  }
0x1a5: {  	v17 =	vor.u32 v15, v24;
	v16 =	vld.idx.msk [tilespmem:v18+s13+$0x0], $0xffff  }
0x1a6: {  	v18 =	vor.u32 v28, v23;
	_ =	sdelay $0x3  }
0x1a7: {  	[tilespmem:v17+s21+$0x0] =	vst.idx.msk $0xffff, v16  }
0x1a8: {  	v17 =	vor.u32 v15, v26;
	v16 =	vld.idx.msk [tilespmem:v18+s13+$0x0], $0xffff  }
0x1a9: {  	v18 =	vor.u32 v30, v23;
	_ =	sdelay $0x3  }
0x1aa: {  	[tilespmem:v17+s21+$0x0] =	vst.idx.msk $0xffff, v16  }
0x1ab: {  	v17 =	vor.u32 v15, v27;
	v16 =	vld.idx.msk [tilespmem:v18+s13+$0x0], $0xffff  }
0x1ac: {  	v18 =	vor.u32 v31, v23;
	_ =	sdelay $0x3  }
0x1ad: {  	[tilespmem:v17+s21+$0x0] =	vst.idx.msk $0xffff, v16  }
0x1ae: {  	v17 =	vor.u32 v15, v29;
	v16 =	vld.idx.msk [tilespmem:v18+s13+$0x0], $0xffff;
	_ =	sdelay $0x1  }
0x1af: {  	s1 =	sshll.u32 s30, $0x14  }
0x1b0: {  	s1 =	sor.u32 s4, s1  }
0x1b1: {  	s1 =	sshrl.u32 s1, $0x3  }
0x1b2: {  	p0 =	seq.s32 s30, $0x31;
	s1 =	sadd.s32 s2, s1;
	[tilespmem:v17+s21+$0x0] =	vst.idx.msk $0xffff, v16  }
0x1b3: {  	[hbm4b:s1+s8] =	stream.strided.scatter [tilespmem:s21], [sflag:$0x5], $0x2000, s9, s8, $0x38;
	[tilespmem:$0x1A600] =	vst v63  }
0x1b4: {  	v16 =	vld @!p0 [tilespmem:s31+$0x200];
	_ =	sdelay $0x4  }
0x1b5: {  	v16 =	vshrl.u32 @!p0 v16, $0x1  }
0x1b6: {  	[tilespmem:$0x6400] =	vst @!p0 v16  }
0x1b7: {  	v16 =	vld @!p0 [tilespmem:s31+$0x210];
	_ =	sdelay $0x4  }
0x1b8: {  	v16 =	vshrl.u32 @!p0 v16, $0x1  }
0x1b9: {  	[tilespmem:$0x6410] =	vst @!p0 v16  }
0x1ba: {  	v16 =	vld @!p0 [tilespmem:s31+$0x220];
	_ =	sdelay $0x4  }
0x1bb: {  	v16 =	vshrl.u32 @!p0 v16, $0x1  }
0x1bc: {  	[tilespmem:$0x6420] =	vst @!p0 v16  }
0x1bd: {  	v16 =	vld @!p0 [tilespmem:s31+$0x230];
	_ =	sdelay $0x4  }
0x1be: {  	v16 =	vshrl.u32 @!p0 v16, $0x1  }
0x1bf: {  	[tilespmem:$0x6430] =	vst @!p0 v16  }
0x1c0: {  	v16 =	vld @!p0 [tilespmem:s31+$0x240];
	_ =	sdelay $0x4  }
0x1c1: {  	v16 =	vshrl.u32 @!p0 v16, $0x1  }
0x1c2: {  	[tilespmem:$0x6440] =	vst @!p0 v16  }
0x1c3: {  	v16 =	vld @!p0 [tilespmem:s31+$0x250];
	_ =	sdelay $0x4  }
0x1c4: {  	v16 =	vshrl.u32 @!p0 v16, $0x1  }
0x1c5: {  	[tilespmem:$0x6450] =	vst @!p0 v16  }
0x1c6: {  	v16 =	vld @!p0 [tilespmem:s31+$0x260];
	_ =	sdelay $0x4  }
0x1c7: {  	v16 =	vshrl.u32 @!p0 v16, $0x1  }
0x1c8: {  	[tilespmem:$0x6460] =	vst @!p0 v16  }
0x1c9: {  	v16 =	vld @!p0 [tilespmem:s31+$0x270];
	_ =	sdelay $0x4  }
0x1ca: {  	v16 =	vshrl.u32 @!p0 v16, $0x1  }
0x1cb: {  	s12 =	simm.s32 @!p0 $0x6400;
	s14 =	simm.s32 @!p0 $0x6600;
	s1 =	simm.s32 @!p0 $0x80;
	[tilespmem:$0x6470] =	vst @!p0 v16  }
0x1cc: {  	[tilespmem:s14], [sflag:$0x1] =	stream.indirect.gather @!p0 [hbm4b:s5+s1], $0x80, s12, s1, $0xb8;
	[tilespmem:$0x1A600] =	vst v63  }
0x1cd: {  	_ =	swait.ge [sflag:s22], $0x4000  }
0x1ce: {  	[sflag:s22] =	ssyncset.done $0x0  }
0x1cf: {  	s12 =	simm.s32 @!p1 $0x6;
	[sflag:s22] =	ssyncadd.s32 $0xFFFFC000  }
0x1d0: {  	s1 =	sor.u32 $0x1, s0;
	_ =	swait.ge @!p1 [sflag:s12], $0x2000  }
0x1d1: {  	s14 =	sshll.u32 s1, $0x7;
	[sflag:s12] =	ssyncset.done @!p1 $0x0  }
0x1d2: {  	[sflag:s12] =	ssyncadd.s32 @!p1 $0xFFFFE000;
	s12 =	sand.u32 $0x3FFFFF80, s14  }
0x1d3: {  	v16 =	vld [tilespmem:s12+$0x0];
	_ =	sdelay $0x4  }
0x1d4: {  	s14 =	simm.s32 $0x0;
	v16 =	vshll.u32 v16, $0x6  }
0x1d5: {  	v17 =	vadd.s32 s14, v0;
	v16 =	vand.u32 $0x40, v16  }
0x1d6: {  	v25 =	vand.u32 $0xF, v17;
	v16 =	vor.u32 v1, v16  }
0x1d7: {  	v18 =	vor.u32 v25, v16;
	_ =	sdelay $0x2  }
0x1d8: {  	v19 =	vld [tilespmem:s12+$0x10]  }
0x1d9: {  	v20 =	vld [tilespmem:s12+$0x20];
	v26 =	vshll.u32 v25, $0x7  }
0x1da: {  	v27 =	vor.u32 $0x10, v17;
	v22 =	vor.u32 v0, v26;
	v18 =	vld.idx.msk [tilespmem:v18+s15+$0x0], $0xffff  }
0x1db: {  	v21 =	vld [tilespmem:s12+$0x30];
	v24 =	vor.u32 v27, v16  }
0x1dc: {  	v23 =	vld [tilespmem:s12+$0x40]  }
0x1dd: {  	v51 =	vld [tilespmem:s12+$0x50]  }
0x1de: {  	v52 =	vld [tilespmem:s12+$0x60]  }
0x1df: {  	v34 =	vld [tilespmem:s12+$0x70];
	v28 =	vshll.u32 v27, $0x7;
	[tilespmem:v22+s23+$0x0] =	vst.idx.msk $0xffff, v18  }
0x1e0: {  	v29 =	vor.u32 $0x20, v25;
	v22 =	vor.u32 v0, v28;
	v18 =	vld.idx.msk [tilespmem:v24+s15+$0x0], $0xffff  }
0x1e1: {  	v24 =	vor.u32 v29, v16;
	_ =	sdelay $0x3  }
0x1e2: {  	v30 =	vshll.u32 v29, $0x7;
	[tilespmem:v22+s23+$0x0] =	vst.idx.msk $0xffff, v18  }
0x1e3: {  	v31 =	vor.u32 $0x30, v17;
	v22 =	vor.u32 v0, v30;
	v18 =	vld.idx.msk [tilespmem:v24+s15+$0x0], $0xffff  }
0x1e4: {  	v35 =	vor.u32 v31, v16;
	_ =	sdelay $0x2  }
0x1e5: {  	v17 =	vshll.u32 v19, $0x6  }
0x1e6: {  	v17 =	vand.u32 $0x40, v17;
	v24 =	vshll.u32 v31, $0x7;
	[tilespmem:v22+s23+$0x0] =	vst.idx.msk $0xffff, v18  }
0x1e7: {  	v17 =	vor.u32 v2, v17;
	v19 =	vor.u32 v0, v24;
	v18 =	vld.idx.msk [tilespmem:v35+s15+$0x0], $0xffff  }
0x1e8: {  	v22 =	vor.u32 v25, v17;
	_ =	sdelay $0x3  }
0x1e9: {  	[tilespmem:v19+s23+$0x0] =	vst.idx.msk $0xffff, v18  }
0x1ea: {  	v19 =	vor.u32 v9, v26;
	v18 =	vld.idx.msk [tilespmem:v22+s15+$0x0], $0xffff  }
0x1eb: {  	v22 =	vor.u32 v27, v17;
	_ =	sdelay $0x3  }
0x1ec: {  	[tilespmem:v19+s23+$0x0] =	vst.idx.msk $0xffff, v18  }
0x1ed: {  	v19 =	vor.u32 v9, v28;
	v18 =	vld.idx.msk [tilespmem:v22+s15+$0x0], $0xffff  }
0x1ee: {  	v22 =	vor.u32 v29, v17;
	_ =	sdelay $0x3  }
0x1ef: {  	[tilespmem:v19+s23+$0x0] =	vst.idx.msk $0xffff, v18  }
0x1f0: {  	v19 =	vor.u32 v9, v30;
	v18 =	vld.idx.msk [tilespmem:v22+s15+$0x0], $0xffff  }
0x1f1: {  	v22 =	vor.u32 v31, v17;
	_ =	sdelay $0x2  }
0x1f2: {  	v20 =	vshll.u32 v20, $0x6  }
0x1f3: {  	v20 =	vand.u32 $0x40, v20;
	[tilespmem:v19+s23+$0x0] =	vst.idx.msk $0xffff, v18  }
0x1f4: {  	v18 =	vor.u32 v3, v20;
	v20 =	vor.u32 v9, v24;
	v19 =	vld.idx.msk [tilespmem:v22+s15+$0x0], $0xffff  }
0x1f5: {  	v22 =	vor.u32 v25, v18;
	_ =	sdelay $0x3  }
0x1f6: {  	[tilespmem:v20+s23+$0x0] =	vst.idx.msk $0xffff, v19  }
0x1f7: {  	v20 =	vor.u32 v10, v26;
	v19 =	vld.idx.msk [tilespmem:v22+s15+$0x0], $0xffff  }
0x1f8: {  	v22 =	vor.u32 v27, v18;
	_ =	sdelay $0x3  }
0x1f9: {  	[tilespmem:v20+s23+$0x0] =	vst.idx.msk $0xffff, v19  }
0x1fa: {  	v20 =	vor.u32 v10, v28;
	v19 =	vld.idx.msk [tilespmem:v22+s15+$0x0], $0xffff  }
0x1fb: {  	v22 =	vor.u32 v29, v18;
	_ =	sdelay $0x3  }
0x1fc: {  	[tilespmem:v20+s23+$0x0] =	vst.idx.msk $0xffff, v19  }
0x1fd: {  	v20 =	vor.u32 v10, v30;
	v19 =	vld.idx.msk [tilespmem:v22+s15+$0x0], $0xffff  }
0x1fe: {  	v22 =	vor.u32 v31, v18;
	_ =	sdelay $0x2  }
0x1ff: {  	v21 =	vshll.u32 v21, $0x6  }
0x200: {  	v21 =	vand.u32 $0x40, v21;
	[tilespmem:v20+s23+$0x0] =	vst.idx.msk $0xffff, v19  }
0x201: {  	v19 =	vor.u32 v4, v21;
	v21 =	vor.u32 v10, v24;
	v20 =	vld.idx.msk [tilespmem:v22+s15+$0x0], $0xffff  }
0x202: {  	v22 =	vor.u32 v25, v19;
	_ =	sdelay $0x3  }
0x203: {  	[tilespmem:v21+s23+$0x0] =	vst.idx.msk $0xffff, v20  }
0x204: {  	v21 =	vor.u32 v11, v26;
	v20 =	vld.idx.msk [tilespmem:v22+s15+$0x0], $0xffff  }
0x205: {  	v22 =	vor.u32 v27, v19;
	_ =	sdelay $0x3  }
0x206: {  	[tilespmem:v21+s23+$0x0] =	vst.idx.msk $0xffff, v20  }
0x207: {  	v21 =	vor.u32 v11, v28;
	v20 =	vld.idx.msk [tilespmem:v22+s15+$0x0], $0xffff  }
0x208: {  	v22 =	vor.u32 v29, v19;
	_ =	sdelay $0x3  }
0x209: {  	[tilespmem:v21+s23+$0x0] =	vst.idx.msk $0xffff, v20  }
0x20a: {  	v21 =	vor.u32 v11, v30;
	v20 =	vld.idx.msk [tilespmem:v22+s15+$0x0], $0xffff  }
0x20b: {  	v22 =	vor.u32 v31, v19;
	_ =	sdelay $0x2  }
0x20c: {  	v23 =	vshll.u32 v23, $0x6  }
0x20d: {  	v23 =	vand.u32 $0x40, v23;
	[tilespmem:v21+s23+$0x0] =	vst.idx.msk $0xffff, v20  }
0x20e: {  	v20 =	vor.u32 v5, v23;
	v21 =	vld.idx.msk [tilespmem:v22+s15+$0x0], $0xffff;
	v22 =	vor.u32 v11, v24  }
0x20f: {  	v23 =	vor.u32 v25, v20;
	_ =	sdelay $0x3  }
0x210: {  	[tilespmem:v22+s23+$0x0] =	vst.idx.msk $0xffff, v21  }
0x211: {  	v22 =	vor.u32 v12, v26;
	v21 =	vld.idx.msk [tilespmem:v23+s15+$0x0], $0xffff  }
0x212: {  	v23 =	vor.u32 v27, v20;
	_ =	sdelay $0x3  }
0x213: {  	[tilespmem:v22+s23+$0x0] =	vst.idx.msk $0xffff, v21  }
0x214: {  	v22 =	vor.u32 v12, v28;
	v21 =	vld.idx.msk [tilespmem:v23+s15+$0x0], $0xffff  }
0x215: {  	v23 =	vor.u32 v29, v20;
	_ =	sdelay $0x3  }
0x216: {  	[tilespmem:v22+s23+$0x0] =	vst.idx.msk $0xffff, v21  }
0x217: {  	v22 =	vor.u32 v12, v30;
	v21 =	vld.idx.msk [tilespmem:v23+s15+$0x0], $0xffff  }
0x218: {  	v23 =	vor.u32 v31, v20;
	_ =	sdelay $0x2  }
0x219: {  	v32 =	vshll.u32 v51, $0x6  }
0x21a: {  	v32 =	vand.u32 $0x40, v32;
	[tilespmem:v22+s23+$0x0] =	vst.idx.msk $0xffff, v21  }
0x21b: {  	v21 =	vor.u32 v6, v32;
	v22 =	vld.idx.msk [tilespmem:v23+s15+$0x0], $0xffff;
	v23 =	vor.u32 v12, v24  }
0x21c: {  	v32 =	vor.u32 v25, v21;
	_ =	sdelay $0x3  }
0x21d: {  	[tilespmem:v23+s23+$0x0] =	vst.idx.msk $0xffff, v22  }
0x21e: {  	v23 =	vor.u32 v13, v26;
	v22 =	vld.idx.msk [tilespmem:v32+s15+$0x0], $0xffff  }
0x21f: {  	v53 =	vor.u32 v27, v21;
	_ =	sdelay $0x3  }
0x220: {  	[tilespmem:v23+s23+$0x0] =	vst.idx.msk $0xffff, v22  }
0x221: {  	v23 =	vor.u32 v13, v28;
	v22 =	vld.idx.msk [tilespmem:v53+s15+$0x0], $0xffff  }
0x222: {  	v54 =	vor.u32 v29, v21;
	_ =	sdelay $0x3  }
0x223: {  	[tilespmem:v23+s23+$0x0] =	vst.idx.msk $0xffff, v22  }
0x224: {  	v23 =	vor.u32 v13, v30;
	v22 =	vld.idx.msk [tilespmem:v54+s15+$0x0], $0xffff  }
0x225: {  	v55 =	vor.u32 v31, v21;
	_ =	sdelay $0x2  }
0x226: {  	v33 =	vshll.u32 v52, $0x6  }
0x227: {  	v33 =	vand.u32 $0x40, v33;
	[tilespmem:v23+s23+$0x0] =	vst.idx.msk $0xffff, v22  }
0x228: {  	v56 =	vor.u32 v13, v24;
	v22 =	vor.u32 v7, v33;
	v23 =	vld.idx.msk [tilespmem:v55+s15+$0x0], $0xffff  }
0x229: {  	v33 =	vor.u32 v25, v22;
	_ =	sdelay $0x3  }
0x22a: {  	[tilespmem:v56+s23+$0x0] =	vst.idx.msk $0xffff, v23  }
0x22b: {  	v57 =	vor.u32 v14, v26;
	v23 =	vld.idx.msk [tilespmem:v33+s15+$0x0], $0xffff  }
0x22c: {  	v58 =	vor.u32 v27, v22;
	_ =	sdelay $0x3  }
0x22d: {  	[tilespmem:v57+s23+$0x0] =	vst.idx.msk $0xffff, v23  }
0x22e: {  	v59 =	vor.u32 v14, v28;
	v23 =	vld.idx.msk [tilespmem:v58+s15+$0x0], $0xffff  }
0x22f: {  	v60 =	vor.u32 v29, v22;
	_ =	sdelay $0x3  }
0x230: {  	[tilespmem:v59+s23+$0x0] =	vst.idx.msk $0xffff, v23  }
0x231: {  	v61 =	vor.u32 v14, v30;
	v23 =	vld.idx.msk [tilespmem:v60+s15+$0x0], $0xffff  }
0x232: {  	v62 =	vor.u32 v31, v22;
	_ =	sdelay $0x2  }
0x233: {  	v34 =	vshll.u32 v34, $0x6  }
0x234: {  	v34 =	vand.u32 $0x40, v34;
	[tilespmem:v61+s23+$0x0] =	vst.idx.msk $0xffff, v23  }
0x235: {  	v63 =	vor.u32 v14, v24;
	v23 =	vor.u32 v8, v34;
	v32 =	vld.idx.msk [tilespmem:v62+s15+$0x0], $0xffff  }
0x236: {  	v25 =	vor.u32 v25, v23;
	_ =	sdelay $0x3  }
0x237: {  	[tilespmem:v63+s23+$0x0] =	vst.idx.msk $0xffff, v32  }
0x238: {  	v26 =	vor.u32 v15, v26;
	v25 =	vld.idx.msk [tilespmem:v25+s15+$0x0], $0xffff  }
0x239: {  	v27 =	vor.u32 v27, v23;
	_ =	sdelay $0x3  }
0x23a: {  	[tilespmem:v26+s23+$0x0] =	vst.idx.msk $0xffff, v25  }
0x23b: {  	v26 =	vor.u32 v15, v28;
	v25 =	vld.idx.msk [tilespmem:v27+s15+$0x0], $0xffff  }
0x23c: {  	v27 =	vor.u32 v29, v23;
	_ =	sdelay $0x3  }
0x23d: {  	[tilespmem:v26+s23+$0x0] =	vst.idx.msk $0xffff, v25  }
0x23e: {  	v26 =	vor.u32 v15, v30;
	v25 =	vld.idx.msk [tilespmem:v27+s15+$0x0], $0xffff  }
0x23f: {  	v27 =	vor.u32 v31, v23;
	_ =	sdelay $0x3  }
0x240: {  	s14 =	simm.s32 $0x1;
	[tilespmem:v26+s23+$0x0] =	vst.idx.msk $0xffff, v25  }
0x241: {  	s12 =	simm.s32 $0x2;
	v31 =	vadd.s32 s14, v0;
	v26 =	vld.idx.msk [tilespmem:v27+s15+$0x0], $0xffff  }
.LBB2_5:
0x242: {  	p1 =	sne.s32 s12, $0xF;
	v25 =	vand.u32 $0xF, v31;
	v24 =	vor.u32 v15, v24  }
0x243: {  	v27 =	vor.u32 v25, v16;
	_ =	sdelay $0x3  }
0x244: {  	[tilespmem:v24+s23+$0x0] =	vst.idx.msk $0xffff, v26  }
0x245: {  	v26 =	vshll.u32 v25, $0x7;
	v24 =	vld.idx.msk [tilespmem:v27+s15+$0x0], $0xffff  }
0x246: {  	v28 =	vor.u32 v0, v26;
	v27 =	vor.u32 $0x10, v31  }
0x247: {  	v29 =	vor.u32 v27, v16;
	_ =	sdelay $0x3  }
0x248: {  	[tilespmem:v28+s23+$0x0] =	vst.idx.msk $0xffff, v24  }
0x249: {  	v28 =	vshll.u32 v27, $0x7;
	v24 =	vld.idx.msk [tilespmem:v29+s15+$0x0], $0xffff  }
0x24a: {  	v30 =	vor.u32 v0, v28;
	v29 =	vor.u32 $0x20, v25  }
0x24b: {  	v32 =	vor.u32 v29, v16;
	_ =	sdelay $0x3  }
0x24c: {  	[tilespmem:v30+s23+$0x0] =	vst.idx.msk $0xffff, v24  }
0x24d: {  	v30 =	vshll.u32 v29, $0x7;
	v24 =	vld.idx.msk [tilespmem:v32+s15+$0x0], $0xffff  }
0x24e: {  	v31 =	vor.u32 $0x30, v31;
	v32 =	vor.u32 v0, v30  }
0x24f: {  	v33 =	vor.u32 v31, v16;
	_ =	sdelay $0x3  }
0x250: {  	[tilespmem:v32+s23+$0x0] =	vst.idx.msk $0xffff, v24  }
0x251: {  	v24 =	vshll.u32 v31, $0x7;
	v32 =	vld.idx.msk [tilespmem:v33+s15+$0x0], $0xffff  }
0x252: {  	v33 =	vor.u32 v0, v24  }
0x253: {  	v34 =	vor.u32 v25, v17;
	_ =	sdelay $0x3  }
0x254: {  	[tilespmem:v33+s23+$0x0] =	vst.idx.msk $0xffff, v32  }
0x255: {  	v32 =	vld.idx.msk [tilespmem:v34+s15+$0x0], $0xffff  }
0x256: {  	v33 =	vor.u32 v9, v26  }
0x257: {  	v34 =	vor.u32 v27, v17;
	_ =	sdelay $0x3  }
0x258: {  	[tilespmem:v33+s23+$0x0] =	vst.idx.msk $0xffff, v32  }
0x259: {  	v32 =	vld.idx.msk [tilespmem:v34+s15+$0x0], $0xffff  }
0x25a: {  	v33 =	vor.u32 v9, v28  }
0x25b: {  	v34 =	vor.u32 v29, v17;
	_ =	sdelay $0x3  }
0x25c: {  	[tilespmem:v33+s23+$0x0] =	vst.idx.msk $0xffff, v32  }
0x25d: {  	v32 =	vld.idx.msk [tilespmem:v34+s15+$0x0], $0xffff  }
0x25e: {  	v33 =	vor.u32 v9, v30  }
0x25f: {  	v34 =	vor.u32 v31, v17;
	_ =	sdelay $0x3  }
0x260: {  	[tilespmem:v33+s23+$0x0] =	vst.idx.msk $0xffff, v32  }
0x261: {  	v32 =	vld.idx.msk [tilespmem:v34+s15+$0x0], $0xffff  }
0x262: {  	v33 =	vor.u32 v9, v24  }
0x263: {  	v34 =	vor.u32 v25, v18;
	_ =	sdelay $0x3  }
0x264: {  	[tilespmem:v33+s23+$0x0] =	vst.idx.msk $0xffff, v32  }
0x265: {  	v32 =	vld.idx.msk [tilespmem:v34+s15+$0x0], $0xffff  }
0x266: {  	v33 =	vor.u32 v10, v26  }
0x267: {  	v34 =	vor.u32 v27, v18;
	_ =	sdelay $0x3  }
0x268: {  	[tilespmem:v33+s23+$0x0] =	vst.idx.msk $0xffff, v32  }
0x269: {  	v32 =	vld.idx.msk [tilespmem:v34+s15+$0x0], $0xffff  }
0x26a: {  	v33 =	vor.u32 v10, v28  }
0x26b: {  	v34 =	vor.u32 v29, v18;
	_ =	sdelay $0x3  }
0x26c: {  	[tilespmem:v33+s23+$0x0] =	vst.idx.msk $0xffff, v32  }
0x26d: {  	v32 =	vld.idx.msk [tilespmem:v34+s15+$0x0], $0xffff  }
0x26e: {  	v33 =	vor.u32 v10, v30  }
0x26f: {  	v34 =	vor.u32 v31, v18;
	_ =	sdelay $0x3  }
0x270: {  	[tilespmem:v33+s23+$0x0] =	vst.idx.msk $0xffff, v32  }
0x271: {  	v32 =	vld.idx.msk [tilespmem:v34+s15+$0x0], $0xffff  }
0x272: {  	v33 =	vor.u32 v10, v24  }
0x273: {  	v34 =	vor.u32 v25, v19;
	_ =	sdelay $0x3  }
0x274: {  	[tilespmem:v33+s23+$0x0] =	vst.idx.msk $0xffff, v32  }
0x275: {  	v32 =	vld.idx.msk [tilespmem:v34+s15+$0x0], $0xffff  }
0x276: {  	v33 =	vor.u32 v11, v26  }
0x277: {  	v34 =	vor.u32 v27, v19;
	_ =	sdelay $0x3  }
0x278: {  	[tilespmem:v33+s23+$0x0] =	vst.idx.msk $0xffff, v32  }
0x279: {  	v32 =	vld.idx.msk [tilespmem:v34+s15+$0x0], $0xffff  }
0x27a: {  	v33 =	vor.u32 v11, v28  }
0x27b: {  	v34 =	vor.u32 v29, v19;
	_ =	sdelay $0x3  }
0x27c: {  	[tilespmem:v33+s23+$0x0] =	vst.idx.msk $0xffff, v32  }
0x27d: {  	v32 =	vld.idx.msk [tilespmem:v34+s15+$0x0], $0xffff  }
0x27e: {  	v33 =	vor.u32 v11, v30  }
0x27f: {  	v34 =	vor.u32 v31, v19;
	_ =	sdelay $0x3  }
0x280: {  	[tilespmem:v33+s23+$0x0] =	vst.idx.msk $0xffff, v32  }
0x281: {  	v32 =	vld.idx.msk [tilespmem:v34+s15+$0x0], $0xffff  }
0x282: {  	v33 =	vor.u32 v11, v24  }
0x283: {  	v34 =	vor.u32 v25, v20;
	_ =	sdelay $0x3  }
0x284: {  	[tilespmem:v33+s23+$0x0] =	vst.idx.msk $0xffff, v32  }
0x285: {  	v32 =	vld.idx.msk [tilespmem:v34+s15+$0x0], $0xffff  }
0x286: {  	v33 =	vor.u32 v12, v26  }
0x287: {  	v34 =	vor.u32 v27, v20;
	_ =	sdelay $0x3  }
0x288: {  	[tilespmem:v33+s23+$0x0] =	vst.idx.msk $0xffff, v32  }
0x289: {  	v32 =	vld.idx.msk [tilespmem:v34+s15+$0x0], $0xffff  }
0x28a: {  	v33 =	vor.u32 v12, v28  }
0x28b: {  	v34 =	vor.u32 v29, v20;
	_ =	sdelay $0x3  }
0x28c: {  	[tilespmem:v33+s23+$0x0] =	vst.idx.msk $0xffff, v32  }
0x28d: {  	v32 =	vld.idx.msk [tilespmem:v34+s15+$0x0], $0xffff  }
0x28e: {  	v33 =	vor.u32 v12, v30  }
0x28f: {  	v34 =	vor.u32 v31, v20;
	_ =	sdelay $0x3  }
0x290: {  	[tilespmem:v33+s23+$0x0] =	vst.idx.msk $0xffff, v32  }
0x291: {  	v32 =	vld.idx.msk [tilespmem:v34+s15+$0x0], $0xffff  }
0x292: {  	v33 =	vor.u32 v12, v24  }
0x293: {  	v34 =	vor.u32 v25, v21;
	_ =	sdelay $0x3  }
0x294: {  	[tilespmem:v33+s23+$0x0] =	vst.idx.msk $0xffff, v32  }
0x295: {  	v32 =	vld.idx.msk [tilespmem:v34+s15+$0x0], $0xffff  }
0x296: {  	v33 =	vor.u32 v13, v26  }
0x297: {  	v34 =	vor.u32 v27, v21;
	_ =	sdelay $0x3  }
0x298: {  	[tilespmem:v33+s23+$0x0] =	vst.idx.msk $0xffff, v32  }
0x299: {  	v32 =	vld.idx.msk [tilespmem:v34+s15+$0x0], $0xffff  }
0x29a: {  	v33 =	vor.u32 v13, v28  }
0x29b: {  	v34 =	vor.u32 v29, v21;
	_ =	sdelay $0x3  }
0x29c: {  	[tilespmem:v33+s23+$0x0] =	vst.idx.msk $0xffff, v32  }
0x29d: {  	v32 =	vld.idx.msk [tilespmem:v34+s15+$0x0], $0xffff  }
0x29e: {  	v33 =	vor.u32 v13, v30  }
0x29f: {  	v34 =	vor.u32 v31, v21;
	_ =	sdelay $0x3  }
0x2a0: {  	[tilespmem:v33+s23+$0x0] =	vst.idx.msk $0xffff, v32  }
0x2a1: {  	v32 =	vld.idx.msk [tilespmem:v34+s15+$0x0], $0xffff  }
0x2a2: {  	v33 =	vor.u32 v13, v24  }
0x2a3: {  	v34 =	vor.u32 v25, v22;
	_ =	sdelay $0x3  }
0x2a4: {  	[tilespmem:v33+s23+$0x0] =	vst.idx.msk $0xffff, v32  }
0x2a5: {  	v32 =	vld.idx.msk [tilespmem:v34+s15+$0x0], $0xffff  }
0x2a6: {  	v33 =	vor.u32 v14, v26  }
0x2a7: {  	v34 =	vor.u32 v27, v22;
	_ =	sdelay $0x3  }
0x2a8: {  	[tilespmem:v33+s23+$0x0] =	vst.idx.msk $0xffff, v32  }
0x2a9: {  	v32 =	vld.idx.msk [tilespmem:v34+s15+$0x0], $0xffff  }
0x2aa: {  	v33 =	vor.u32 v14, v28  }
0x2ab: {  	v34 =	vor.u32 v29, v22;
	_ =	sdelay $0x3  }
0x2ac: {  	[tilespmem:v33+s23+$0x0] =	vst.idx.msk $0xffff, v32  }
0x2ad: {  	v32 =	vld.idx.msk [tilespmem:v34+s15+$0x0], $0xffff  }
0x2ae: {  	v33 =	vor.u32 v14, v30  }
0x2af: {  	v34 =	vor.u32 v31, v22;
	_ =	sdelay $0x3  }
0x2b0: {  	[tilespmem:v33+s23+$0x0] =	vst.idx.msk $0xffff, v32  }
0x2b1: {  	v32 =	vld.idx.msk [tilespmem:v34+s15+$0x0], $0xffff  }
0x2b2: {  	v33 =	vor.u32 v14, v24  }
0x2b3: {  	v25 =	vor.u32 v25, v23;
	_ =	sdelay $0x3  }
0x2b4: {  	[tilespmem:v33+s23+$0x0] =	vst.idx.msk $0xffff, v32  }
0x2b5: {  	v25 =	vld.idx.msk [tilespmem:v25+s15+$0x0], $0xffff  }
0x2b6: {  	v26 =	vor.u32 v15, v26  }
0x2b7: {  	v27 =	vor.u32 v27, v23;
	_ =	sdelay $0x3  }
0x2b8: {  	[tilespmem:v26+s23+$0x0] =	vst.idx.msk $0xffff, v25  }
0x2b9: {  	v25 =	vld.idx.msk [tilespmem:v27+s15+$0x0], $0xffff  }
0x2ba: {  	v26 =	vor.u32 v15, v28  }
0x2bb: {  	v27 =	vor.u32 v29, v23;
	_ =	sdelay $0x3  }
0x2bc: {  	[tilespmem:v26+s23+$0x0] =	vst.idx.msk $0xffff, v25  }
0x2bd: {  	v25 =	vld.idx.msk [tilespmem:v27+s15+$0x0], $0xffff  }
0x2be: {  	v26 =	vor.u32 v15, v30  }
0x2bf: {  	v27 =	vor.u32 v31, v23  }
.Ltmp3:
0x2c0: {  	(pc) =	sbr.rel @p1 .LBB2_5-.Ltmp3, $3  }
0x2c1: {  	_ =	sdelay $0x1  }
0x2c2: {  	[tilespmem:v26+s23+$0x0] =	vst.idx.msk $0xffff, v25  }
0x2c3: {  	v31 =	vadd.s32 s12, v0;
	s12 =	sadd.s32 $0x1, s12;
	v26 =	vld.idx.msk [tilespmem:v27+s15+$0x0], $0xffff  }
0x2c4: {  	v25 =	vand.u32 $0xF, v31;
	v24 =	vor.u32 v15, v24  }
0x2c5: {  	v27 =	vor.u32 v25, v16;
	_ =	sdelay $0x3  }
0x2c6: {  	[tilespmem:v24+s23+$0x0] =	vst.idx.msk $0xffff, v26;
	v24 =	vshll.u32 v25, $0x7  }
0x2c7: {  	v28 =	vor.u32 $0x10, v31;
	v26 =	vld.idx.msk [tilespmem:v27+s15+$0x0], $0xffff;
	v27 =	vor.u32 v0, v24  }
0x2c8: {  	v29 =	vor.u32 v28, v16;
	_ =	sdelay $0x3  }
0x2c9: {  	[tilespmem:v27+s23+$0x0] =	vst.idx.msk $0xffff, v26;
	v26 =	vshll.u32 v28, $0x7  }
0x2ca: {  	v30 =	vor.u32 $0x20, v25;
	v27 =	vld.idx.msk [tilespmem:v29+s15+$0x0], $0xffff;
	v29 =	vor.u32 v0, v26  }
0x2cb: {  	v32 =	vor.u32 v30, v16;
	_ =	sdelay $0x3  }
0x2cc: {  	[tilespmem:v29+s23+$0x0] =	vst.idx.msk $0xffff, v27;
	v27 =	vshll.u32 v30, $0x7  }
0x2cd: {  	v31 =	vor.u32 $0x30, v31;
	v29 =	vld.idx.msk [tilespmem:v32+s15+$0x0], $0xffff;
	v41 =	vor.u32 v0, v27  }
0x2ce: {  	v16 =	vor.u32 v31, v16;
	_ =	sdelay $0x3  }
0x2cf: {  	[tilespmem:v41+s23+$0x0] =	vst.idx.msk $0xffff, v29;
	v29 =	vshll.u32 v31, $0x7  }
0x2d0: {  	v16 =	vld.idx.msk [tilespmem:v16+s15+$0x0], $0xffff;
	v42 =	vor.u32 v0, v29  }
0x2d1: {  	v33 =	vor.u32 v25, v17;
	_ =	sdelay $0x3  }
0x2d2: {  	[tilespmem:v42+s23+$0x0] =	vst.idx.msk $0xffff, v16  }
0x2d3: {  	v43 =	vor.u32 v9, v24;
	v16 =	vld.idx.msk [tilespmem:v33+s15+$0x0], $0xffff  }
0x2d4: {  	v44 =	vor.u32 v28, v17;
	_ =	sdelay $0x3  }
0x2d5: {  	[tilespmem:v43+s23+$0x0] =	vst.idx.msk $0xffff, v16  }
0x2d6: {  	v45 =	vor.u32 v9, v26;
	v16 =	vld.idx.msk [tilespmem:v44+s15+$0x0], $0xffff  }
0x2d7: {  	v46 =	vor.u32 v30, v17;
	_ =	sdelay $0x3  }
0x2d8: {  	[tilespmem:v45+s23+$0x0] =	vst.idx.msk $0xffff, v16  }
0x2d9: {  	v47 =	vor.u32 v9, v27;
	v16 =	vld.idx.msk [tilespmem:v46+s15+$0x0], $0xffff  }
0x2da: {  	v17 =	vor.u32 v31, v17;
	_ =	sdelay $0x3  }
0x2db: {  	[tilespmem:v47+s23+$0x0] =	vst.idx.msk $0xffff, v16  }
0x2dc: {  	v16 =	vld.idx.msk [tilespmem:v17+s15+$0x0], $0xffff;
	v17 =	vor.u32 v9, v29  }
0x2dd: {  	v48 =	vor.u32 v25, v18;
	_ =	sdelay $0x3  }
0x2de: {  	[tilespmem:v17+s23+$0x0] =	vst.idx.msk $0xffff, v16  }
0x2df: {  	v17 =	vor.u32 v10, v24;
	v16 =	vld.idx.msk [tilespmem:v48+s15+$0x0], $0xffff  }
0x2e0: {  	v49 =	vor.u32 v28, v18;
	_ =	sdelay $0x3  }
0x2e1: {  	[tilespmem:v17+s23+$0x0] =	vst.idx.msk $0xffff, v16  }
0x2e2: {  	v17 =	vor.u32 v10, v26;
	v16 =	vld.idx.msk [tilespmem:v49+s15+$0x0], $0xffff  }
0x2e3: {  	v50 =	vor.u32 v30, v18;
	_ =	sdelay $0x3  }
0x2e4: {  	[tilespmem:v17+s23+$0x0] =	vst.idx.msk $0xffff, v16  }
0x2e5: {  	v17 =	vor.u32 v10, v27;
	v16 =	vld.idx.msk [tilespmem:v50+s15+$0x0], $0xffff  }
0x2e6: {  	v18 =	vor.u32 v31, v18;
	_ =	sdelay $0x3  }
0x2e7: {  	[tilespmem:v17+s23+$0x0] =	vst.idx.msk $0xffff, v16  }
0x2e8: {  	v17 =	vor.u32 v10, v29;
	v16 =	vld.idx.msk [tilespmem:v18+s15+$0x0], $0xffff  }
0x2e9: {  	v18 =	vor.u32 v25, v19;
	_ =	sdelay $0x3  }
0x2ea: {  	[tilespmem:v17+s23+$0x0] =	vst.idx.msk $0xffff, v16  }
0x2eb: {  	v17 =	vor.u32 v11, v24;
	v16 =	vld.idx.msk [tilespmem:v18+s15+$0x0], $0xffff  }
0x2ec: {  	v18 =	vor.u32 v28, v19;
	_ =	sdelay $0x3  }
0x2ed: {  	[tilespmem:v17+s23+$0x0] =	vst.idx.msk $0xffff, v16  }
0x2ee: {  	v17 =	vor.u32 v11, v26;
	v16 =	vld.idx.msk [tilespmem:v18+s15+$0x0], $0xffff  }
0x2ef: {  	v18 =	vor.u32 v30, v19;
	_ =	sdelay $0x3  }
0x2f0: {  	[tilespmem:v17+s23+$0x0] =	vst.idx.msk $0xffff, v16  }
0x2f1: {  	v17 =	vor.u32 v11, v27;
	v16 =	vld.idx.msk [tilespmem:v18+s15+$0x0], $0xffff  }
0x2f2: {  	v18 =	vor.u32 v31, v19;
	_ =	sdelay $0x3  }
0x2f3: {  	[tilespmem:v17+s23+$0x0] =	vst.idx.msk $0xffff, v16  }
0x2f4: {  	v17 =	vor.u32 v11, v29;
	v16 =	vld.idx.msk [tilespmem:v18+s15+$0x0], $0xffff  }
0x2f5: {  	v18 =	vor.u32 v25, v20;
	_ =	sdelay $0x3  }
0x2f6: {  	[tilespmem:v17+s23+$0x0] =	vst.idx.msk $0xffff, v16  }
0x2f7: {  	v17 =	vor.u32 v12, v24;
	v16 =	vld.idx.msk [tilespmem:v18+s15+$0x0], $0xffff  }
0x2f8: {  	v18 =	vor.u32 v28, v20;
	_ =	sdelay $0x3  }
0x2f9: {  	[tilespmem:v17+s23+$0x0] =	vst.idx.msk $0xffff, v16  }
0x2fa: {  	v17 =	vor.u32 v12, v26;
	v16 =	vld.idx.msk [tilespmem:v18+s15+$0x0], $0xffff  }
0x2fb: {  	v18 =	vor.u32 v30, v20;
	_ =	sdelay $0x3  }
0x2fc: {  	[tilespmem:v17+s23+$0x0] =	vst.idx.msk $0xffff, v16  }
0x2fd: {  	v17 =	vor.u32 v12, v27;
	v16 =	vld.idx.msk [tilespmem:v18+s15+$0x0], $0xffff  }
0x2fe: {  	v18 =	vor.u32 v31, v20;
	_ =	sdelay $0x3  }
0x2ff: {  	[tilespmem:v17+s23+$0x0] =	vst.idx.msk $0xffff, v16  }
0x300: {  	v17 =	vor.u32 v12, v29;
	v16 =	vld.idx.msk [tilespmem:v18+s15+$0x0], $0xffff  }
0x301: {  	v18 =	vor.u32 v25, v21;
	_ =	sdelay $0x3  }
0x302: {  	[tilespmem:v17+s23+$0x0] =	vst.idx.msk $0xffff, v16  }
0x303: {  	v17 =	vor.u32 v13, v24;
	v16 =	vld.idx.msk [tilespmem:v18+s15+$0x0], $0xffff  }
0x304: {  	v18 =	vor.u32 v28, v21;
	_ =	sdelay $0x3  }
0x305: {  	[tilespmem:v17+s23+$0x0] =	vst.idx.msk $0xffff, v16  }
0x306: {  	v17 =	vor.u32 v13, v26;
	v16 =	vld.idx.msk [tilespmem:v18+s15+$0x0], $0xffff  }
0x307: {  	v18 =	vor.u32 v30, v21;
	_ =	sdelay $0x3  }
0x308: {  	[tilespmem:v17+s23+$0x0] =	vst.idx.msk $0xffff, v16  }
0x309: {  	v17 =	vor.u32 v13, v27;
	v16 =	vld.idx.msk [tilespmem:v18+s15+$0x0], $0xffff  }
0x30a: {  	v18 =	vor.u32 v31, v21;
	_ =	sdelay $0x3  }
0x30b: {  	[tilespmem:v17+s23+$0x0] =	vst.idx.msk $0xffff, v16  }
0x30c: {  	v17 =	vor.u32 v13, v29;
	v16 =	vld.idx.msk [tilespmem:v18+s15+$0x0], $0xffff  }
0x30d: {  	v18 =	vor.u32 v25, v22;
	_ =	sdelay $0x3  }
0x30e: {  	[tilespmem:v17+s23+$0x0] =	vst.idx.msk $0xffff, v16  }
0x30f: {  	v17 =	vor.u32 v14, v24;
	v16 =	vld.idx.msk [tilespmem:v18+s15+$0x0], $0xffff  }
0x310: {  	v18 =	vor.u32 v28, v22;
	_ =	sdelay $0x3  }
0x311: {  	[tilespmem:v17+s23+$0x0] =	vst.idx.msk $0xffff, v16  }
0x312: {  	v17 =	vor.u32 v14, v26;
	v16 =	vld.idx.msk [tilespmem:v18+s15+$0x0], $0xffff  }
0x313: {  	v18 =	vor.u32 v30, v22;
	_ =	sdelay $0x3  }
0x314: {  	[tilespmem:v17+s23+$0x0] =	vst.idx.msk $0xffff, v16  }
0x315: {  	v17 =	vor.u32 v14, v27;
	v16 =	vld.idx.msk [tilespmem:v18+s15+$0x0], $0xffff  }
0x316: {  	v18 =	vor.u32 v31, v22;
	_ =	sdelay $0x3  }
0x317: {  	[tilespmem:v17+s23+$0x0] =	vst.idx.msk $0xffff, v16  }
0x318: {  	v17 =	vor.u32 v14, v29;
	v16 =	vld.idx.msk [tilespmem:v18+s15+$0x0], $0xffff  }
0x319: {  	v18 =	vor.u32 v25, v23;
	_ =	sdelay $0x3  }
0x31a: {  	[tilespmem:v17+s23+$0x0] =	vst.idx.msk $0xffff, v16  }
0x31b: {  	v17 =	vor.u32 v15, v24;
	v16 =	vld.idx.msk [tilespmem:v18+s15+$0x0], $0xffff  }
0x31c: {  	v18 =	vor.u32 v28, v23;
	_ =	sdelay $0x3  }
0x31d: {  	[tilespmem:v17+s23+$0x0] =	vst.idx.msk $0xffff, v16  }
0x31e: {  	v17 =	vor.u32 v15, v26;
	v16 =	vld.idx.msk [tilespmem:v18+s15+$0x0], $0xffff  }
0x31f: {  	v18 =	vor.u32 v30, v23;
	_ =	sdelay $0x3  }
0x320: {  	[tilespmem:v17+s23+$0x0] =	vst.idx.msk $0xffff, v16  }
0x321: {  	v17 =	vor.u32 v15, v27;
	v16 =	vld.idx.msk [tilespmem:v18+s15+$0x0], $0xffff  }
0x322: {  	v18 =	vor.u32 v31, v23;
	_ =	sdelay $0x3  }
0x323: {  	[tilespmem:v17+s23+$0x0] =	vst.idx.msk $0xffff, v16  }
0x324: {  	v17 =	vor.u32 v15, v29;
	v16 =	vld.idx.msk [tilespmem:v18+s15+$0x0], $0xffff;
	_ =	sdelay $0x1  }
0x325: {  	s1 =	sshll.u32 s1, $0x12  }
0x326: {  	s1 =	sor.u32 s4, s1  }
0x327: {  	s1 =	sshrl.u32 s1, $0x3  }
0x328: {  	s1 =	sadd.s32 s2, s1;
	[tilespmem:v17+s23+$0x0] =	vst.idx.msk $0xffff, v16  }
0x329: {  	[hbm4b:s1+s8] =	stream.strided.scatter [tilespmem:s23], [sflag:$0x6], $0x2000, s9, s8, $0x38;
	[tilespmem:$0x1A600] =	vst v63  }
0x32a: {  	v16 =	vld @!p0 [tilespmem:s31+$0x280];
	_ =	sdelay $0x4  }
0x32b: {  	v16 =	vshrl.u32 @!p0 v16, $0x1  }
0x32c: {  	[tilespmem:$0x6480] =	vst @!p0 v16  }
0x32d: {  	v16 =	vld @!p0 [tilespmem:s31+$0x290];
	_ =	sdelay $0x4  }
0x32e: {  	v16 =	vshrl.u32 @!p0 v16, $0x1  }
0x32f: {  	[tilespmem:$0x6490] =	vst @!p0 v16  }
0x330: {  	v16 =	vld @!p0 [tilespmem:s31+$0x2A0];
	_ =	sdelay $0x4  }
0x331: {  	v16 =	vshrl.u32 @!p0 v16, $0x1  }
0x332: {  	[tilespmem:$0x64A0] =	vst @!p0 v16  }
0x333: {  	v16 =	vld @!p0 [tilespmem:s31+$0x2B0];
	_ =	sdelay $0x4  }
0x334: {  	v16 =	vshrl.u32 @!p0 v16, $0x1  }
0x335: {  	[tilespmem:$0x64B0] =	vst @!p0 v16  }
0x336: {  	v16 =	vld @!p0 [tilespmem:s31+$0x2C0];
	_ =	sdelay $0x4  }
0x337: {  	v16 =	vshrl.u32 @!p0 v16, $0x1  }
0x338: {  	[tilespmem:$0x64C0] =	vst @!p0 v16  }
0x339: {  	v16 =	vld @!p0 [tilespmem:s31+$0x2D0];
	_ =	sdelay $0x4  }
0x33a: {  	v16 =	vshrl.u32 @!p0 v16, $0x1  }
0x33b: {  	[tilespmem:$0x64D0] =	vst @!p0 v16  }
0x33c: {  	v16 =	vld @!p0 [tilespmem:s31+$0x2E0];
	_ =	sdelay $0x4  }
0x33d: {  	v16 =	vshrl.u32 @!p0 v16, $0x1  }
0x33e: {  	[tilespmem:$0x64E0] =	vst @!p0 v16  }
0x33f: {  	v16 =	vld @!p0 [tilespmem:s31+$0x2F0];
	_ =	sdelay $0x4  }
0x340: {  	v16 =	vshrl.u32 @!p0 v16, $0x1  }
0x341: {  	s12 =	simm.s32 @!p0 $0x6480;
	s14 =	simm.s32 @!p0 $0xA600;
	s1 =	simm.s32 @!p0 $0x80;
	[tilespmem:$0x64F0] =	vst @!p0 v16  }
0x342: {  	[tilespmem:s14], [sflag:$0x2] =	stream.indirect.gather @!p0 [hbm4b:s5+s1], $0x80, s12, s1, $0xb8;
	[tilespmem:$0x1A600] =	vst v63  }
0x343: {  	_ =	swait.ge [sflag:s24], $0x4000  }
0x344: {  	[sflag:s24] =	ssyncset.done $0x0  }
0x345: {  	[sflag:s24] =	ssyncadd.s32 $0xFFFFC000  }
0x346: {  	s1 =	sor.u32 $0x2, s0;
	_ =	swait.ge [sflag:s25], $0x2000  }
0x347: {  	s14 =	sshll.u32 s1, $0x7;
	[sflag:s25] =	ssyncset.done $0x0  }
0x348: {  	s12 =	sand.u32 $0x3FFFFF80, s14;
	[sflag:s25] =	ssyncadd.s32 $0xFFFFE000  }
0x349: {  	v16 =	vld [tilespmem:s12+$0x0];
	_ =	sdelay $0x4  }
0x34a: {  	s14 =	simm.s32 $0x0;
	v16 =	vshll.u32 v16, $0x6  }
0x34b: {  	v17 =	vadd.s32 s14, v0;
	v16 =	vand.u32 $0x40, v16  }
0x34c: {  	v25 =	vand.u32 $0xF, v17;
	v16 =	vor.u32 v1, v16  }
0x34d: {  	v18 =	vor.u32 v25, v16;
	_ =	sdelay $0x2  }
0x34e: {  	v19 =	vld [tilespmem:s12+$0x10]  }
0x34f: {  	v26 =	vshll.u32 v25, $0x7;
	v20 =	vld [tilespmem:s12+$0x20]  }
0x350: {  	v27 =	vor.u32 $0x10, v17;
	v22 =	vor.u32 v0, v26;
	v18 =	vld.idx.msk [tilespmem:v18+s17+$0x0], $0xffff  }
0x351: {  	v21 =	vld [tilespmem:s12+$0x30];
	v24 =	vor.u32 v27, v16  }
0x352: {  	v23 =	vld [tilespmem:s12+$0x40]  }
0x353: {  	v51 =	vld [tilespmem:s12+$0x50]  }
0x354: {  	v52 =	vld [tilespmem:s12+$0x60]  }
0x355: {  	v28 =	vshll.u32 v27, $0x7;
	v34 =	vld [tilespmem:s12+$0x70];
	[tilespmem:v22+s21+$0x0] =	vst.idx.msk $0xffff, v18  }
0x356: {  	v29 =	vor.u32 $0x20, v25;
	v22 =	vor.u32 v0, v28;
	v18 =	vld.idx.msk [tilespmem:v24+s17+$0x0], $0xffff  }
0x357: {  	v24 =	vor.u32 v29, v16;
	_ =	sdelay $0x3  }
0x358: {  	v30 =	vshll.u32 v29, $0x7;
	[tilespmem:v22+s21+$0x0] =	vst.idx.msk $0xffff, v18  }
0x359: {  	v31 =	vor.u32 $0x30, v17;
	v22 =	vor.u32 v0, v30;
	v18 =	vld.idx.msk [tilespmem:v24+s17+$0x0], $0xffff  }
0x35a: {  	v35 =	vor.u32 v31, v16;
	_ =	sdelay $0x2  }
0x35b: {  	v17 =	vshll.u32 v19, $0x6  }
0x35c: {  	v17 =	vand.u32 $0x40, v17;
	v24 =	vshll.u32 v31, $0x7;
	[tilespmem:v22+s21+$0x0] =	vst.idx.msk $0xffff, v18  }
0x35d: {  	v17 =	vor.u32 v2, v17;
	v19 =	vor.u32 v0, v24;
	v18 =	vld.idx.msk [tilespmem:v35+s17+$0x0], $0xffff  }
0x35e: {  	v22 =	vor.u32 v25, v17;
	_ =	sdelay $0x3  }
0x35f: {  	[tilespmem:v19+s21+$0x0] =	vst.idx.msk $0xffff, v18  }
0x360: {  	v19 =	vor.u32 v9, v26;
	v18 =	vld.idx.msk [tilespmem:v22+s17+$0x0], $0xffff  }
0x361: {  	v22 =	vor.u32 v27, v17;
	_ =	sdelay $0x3  }
0x362: {  	[tilespmem:v19+s21+$0x0] =	vst.idx.msk $0xffff, v18  }
0x363: {  	v19 =	vor.u32 v9, v28;
	v18 =	vld.idx.msk [tilespmem:v22+s17+$0x0], $0xffff  }
0x364: {  	v22 =	vor.u32 v29, v17;
	_ =	sdelay $0x3  }
0x365: {  	[tilespmem:v19+s21+$0x0] =	vst.idx.msk $0xffff, v18  }
0x366: {  	v19 =	vor.u32 v9, v30;
	v18 =	vld.idx.msk [tilespmem:v22+s17+$0x0], $0xffff  }
0x367: {  	v22 =	vor.u32 v31, v17;
	_ =	sdelay $0x2  }
0x368: {  	v20 =	vshll.u32 v20, $0x6  }
0x369: {  	v20 =	vand.u32 $0x40, v20;
	[tilespmem:v19+s21+$0x0] =	vst.idx.msk $0xffff, v18  }
0x36a: {  	v18 =	vor.u32 v3, v20;
	v20 =	vor.u32 v9, v24;
	v19 =	vld.idx.msk [tilespmem:v22+s17+$0x0], $0xffff  }
0x36b: {  	v22 =	vor.u32 v25, v18;
	_ =	sdelay $0x3  }
0x36c: {  	[tilespmem:v20+s21+$0x0] =	vst.idx.msk $0xffff, v19  }
0x36d: {  	v20 =	vor.u32 v10, v26;
	v19 =	vld.idx.msk [tilespmem:v22+s17+$0x0], $0xffff  }
0x36e: {  	v22 =	vor.u32 v27, v18;
	_ =	sdelay $0x3  }
0x36f: {  	[tilespmem:v20+s21+$0x0] =	vst.idx.msk $0xffff, v19  }
0x370: {  	v20 =	vor.u32 v10, v28;
	v19 =	vld.idx.msk [tilespmem:v22+s17+$0x0], $0xffff  }
0x371: {  	v22 =	vor.u32 v29, v18;
	_ =	sdelay $0x3  }
0x372: {  	[tilespmem:v20+s21+$0x0] =	vst.idx.msk $0xffff, v19  }
0x373: {  	v20 =	vor.u32 v10, v30;
	v19 =	vld.idx.msk [tilespmem:v22+s17+$0x0], $0xffff  }
0x374: {  	v22 =	vor.u32 v31, v18;
	_ =	sdelay $0x2  }
0x375: {  	v21 =	vshll.u32 v21, $0x6  }
0x376: {  	v21 =	vand.u32 $0x40, v21;
	[tilespmem:v20+s21+$0x0] =	vst.idx.msk $0xffff, v19  }
0x377: {  	v19 =	vor.u32 v4, v21;
	v21 =	vor.u32 v10, v24;
	v20 =	vld.idx.msk [tilespmem:v22+s17+$0x0], $0xffff  }
0x378: {  	v22 =	vor.u32 v25, v19;
	_ =	sdelay $0x3  }
0x379: {  	[tilespmem:v21+s21+$0x0] =	vst.idx.msk $0xffff, v20  }
0x37a: {  	v21 =	vor.u32 v11, v26;
	v20 =	vld.idx.msk [tilespmem:v22+s17+$0x0], $0xffff  }
0x37b: {  	v22 =	vor.u32 v27, v19;
	_ =	sdelay $0x3  }
0x37c: {  	[tilespmem:v21+s21+$0x0] =	vst.idx.msk $0xffff, v20  }
0x37d: {  	v21 =	vor.u32 v11, v28;
	v20 =	vld.idx.msk [tilespmem:v22+s17+$0x0], $0xffff  }
0x37e: {  	v22 =	vor.u32 v29, v19;
	_ =	sdelay $0x3  }
0x37f: {  	[tilespmem:v21+s21+$0x0] =	vst.idx.msk $0xffff, v20  }
0x380: {  	v21 =	vor.u32 v11, v30;
	v20 =	vld.idx.msk [tilespmem:v22+s17+$0x0], $0xffff  }
0x381: {  	v22 =	vor.u32 v31, v19;
	_ =	sdelay $0x2  }
0x382: {  	v23 =	vshll.u32 v23, $0x6  }
0x383: {  	v23 =	vand.u32 $0x40, v23;
	[tilespmem:v21+s21+$0x0] =	vst.idx.msk $0xffff, v20  }
0x384: {  	v20 =	vor.u32 v5, v23;
	v21 =	vld.idx.msk [tilespmem:v22+s17+$0x0], $0xffff;
	v22 =	vor.u32 v11, v24  }
0x385: {  	v23 =	vor.u32 v25, v20;
	_ =	sdelay $0x3  }
0x386: {  	[tilespmem:v22+s21+$0x0] =	vst.idx.msk $0xffff, v21  }
0x387: {  	v22 =	vor.u32 v12, v26;
	v21 =	vld.idx.msk [tilespmem:v23+s17+$0x0], $0xffff  }
0x388: {  	v23 =	vor.u32 v27, v20;
	_ =	sdelay $0x3  }
0x389: {  	[tilespmem:v22+s21+$0x0] =	vst.idx.msk $0xffff, v21  }
0x38a: {  	v22 =	vor.u32 v12, v28;
	v21 =	vld.idx.msk [tilespmem:v23+s17+$0x0], $0xffff  }
0x38b: {  	v23 =	vor.u32 v29, v20;
	_ =	sdelay $0x3  }
0x38c: {  	[tilespmem:v22+s21+$0x0] =	vst.idx.msk $0xffff, v21  }
0x38d: {  	v22 =	vor.u32 v12, v30;
	v21 =	vld.idx.msk [tilespmem:v23+s17+$0x0], $0xffff  }
0x38e: {  	v23 =	vor.u32 v31, v20;
	_ =	sdelay $0x2  }
0x38f: {  	v32 =	vshll.u32 v51, $0x6  }
0x390: {  	v32 =	vand.u32 $0x40, v32;
	[tilespmem:v22+s21+$0x0] =	vst.idx.msk $0xffff, v21  }
0x391: {  	v21 =	vor.u32 v6, v32;
	v22 =	vld.idx.msk [tilespmem:v23+s17+$0x0], $0xffff;
	v23 =	vor.u32 v12, v24  }
0x392: {  	v32 =	vor.u32 v25, v21;
	_ =	sdelay $0x3  }
0x393: {  	[tilespmem:v23+s21+$0x0] =	vst.idx.msk $0xffff, v22  }
0x394: {  	v23 =	vor.u32 v13, v26;
	v22 =	vld.idx.msk [tilespmem:v32+s17+$0x0], $0xffff  }
0x395: {  	v53 =	vor.u32 v27, v21;
	_ =	sdelay $0x3  }
0x396: {  	[tilespmem:v23+s21+$0x0] =	vst.idx.msk $0xffff, v22  }
0x397: {  	v23 =	vor.u32 v13, v28;
	v22 =	vld.idx.msk [tilespmem:v53+s17+$0x0], $0xffff  }
0x398: {  	v54 =	vor.u32 v29, v21;
	_ =	sdelay $0x3  }
0x399: {  	[tilespmem:v23+s21+$0x0] =	vst.idx.msk $0xffff, v22  }
0x39a: {  	v23 =	vor.u32 v13, v30;
	v22 =	vld.idx.msk [tilespmem:v54+s17+$0x0], $0xffff  }
0x39b: {  	v55 =	vor.u32 v31, v21;
	_ =	sdelay $0x2  }
0x39c: {  	v33 =	vshll.u32 v52, $0x6  }
0x39d: {  	v33 =	vand.u32 $0x40, v33;
	[tilespmem:v23+s21+$0x0] =	vst.idx.msk $0xffff, v22  }
0x39e: {  	v56 =	vor.u32 v13, v24;
	v22 =	vor.u32 v7, v33;
	v23 =	vld.idx.msk [tilespmem:v55+s17+$0x0], $0xffff  }
0x39f: {  	v33 =	vor.u32 v25, v22;
	_ =	sdelay $0x3  }
0x3a0: {  	[tilespmem:v56+s21+$0x0] =	vst.idx.msk $0xffff, v23  }
0x3a1: {  	v57 =	vor.u32 v14, v26;
	v23 =	vld.idx.msk [tilespmem:v33+s17+$0x0], $0xffff  }
0x3a2: {  	v58 =	vor.u32 v27, v22;
	_ =	sdelay $0x3  }
0x3a3: {  	[tilespmem:v57+s21+$0x0] =	vst.idx.msk $0xffff, v23  }
0x3a4: {  	v59 =	vor.u32 v14, v28;
	v23 =	vld.idx.msk [tilespmem:v58+s17+$0x0], $0xffff  }
0x3a5: {  	v60 =	vor.u32 v29, v22;
	_ =	sdelay $0x3  }
0x3a6: {  	[tilespmem:v59+s21+$0x0] =	vst.idx.msk $0xffff, v23  }
0x3a7: {  	v61 =	vor.u32 v14, v30;
	v23 =	vld.idx.msk [tilespmem:v60+s17+$0x0], $0xffff  }
0x3a8: {  	v62 =	vor.u32 v31, v22;
	_ =	sdelay $0x2  }
0x3a9: {  	v34 =	vshll.u32 v34, $0x6  }
0x3aa: {  	v34 =	vand.u32 $0x40, v34;
	[tilespmem:v61+s21+$0x0] =	vst.idx.msk $0xffff, v23  }
0x3ab: {  	v63 =	vor.u32 v14, v24;
	v23 =	vor.u32 v8, v34;
	v32 =	vld.idx.msk [tilespmem:v62+s17+$0x0], $0xffff  }
0x3ac: {  	v25 =	vor.u32 v25, v23;
	_ =	sdelay $0x3  }
0x3ad: {  	[tilespmem:v63+s21+$0x0] =	vst.idx.msk $0xffff, v32  }
0x3ae: {  	v26 =	vor.u32 v15, v26;
	v25 =	vld.idx.msk [tilespmem:v25+s17+$0x0], $0xffff  }
0x3af: {  	v27 =	vor.u32 v27, v23;
	_ =	sdelay $0x3  }
0x3b0: {  	[tilespmem:v26+s21+$0x0] =	vst.idx.msk $0xffff, v25  }
0x3b1: {  	v26 =	vor.u32 v15, v28;
	v25 =	vld.idx.msk [tilespmem:v27+s17+$0x0], $0xffff  }
0x3b2: {  	v27 =	vor.u32 v29, v23;
	_ =	sdelay $0x3  }
0x3b3: {  	[tilespmem:v26+s21+$0x0] =	vst.idx.msk $0xffff, v25  }
0x3b4: {  	v26 =	vor.u32 v15, v30;
	v25 =	vld.idx.msk [tilespmem:v27+s17+$0x0], $0xffff  }
0x3b5: {  	v27 =	vor.u32 v31, v23;
	_ =	sdelay $0x3  }
0x3b6: {  	s14 =	simm.s32 $0x1;
	[tilespmem:v26+s21+$0x0] =	vst.idx.msk $0xffff, v25  }
0x3b7: {  	s12 =	simm.s32 $0x2;
	v31 =	vadd.s32 s14, v0;
	v26 =	vld.idx.msk [tilespmem:v27+s17+$0x0], $0xffff  }
.LBB2_7:
0x3b8: {  	p1 =	sne.s32 s12, $0xF;
	v25 =	vand.u32 $0xF, v31;
	v24 =	vor.u32 v15, v24  }
0x3b9: {  	v27 =	vor.u32 v25, v16;
	_ =	sdelay $0x3  }
0x3ba: {  	[tilespmem:v24+s21+$0x0] =	vst.idx.msk $0xffff, v26  }
0x3bb: {  	v26 =	vshll.u32 v25, $0x7;
	v24 =	vld.idx.msk [tilespmem:v27+s17+$0x0], $0xffff  }
0x3bc: {  	v28 =	vor.u32 v0, v26;
	v27 =	vor.u32 $0x10, v31  }
0x3bd: {  	v29 =	vor.u32 v27, v16;
	_ =	sdelay $0x3  }
0x3be: {  	[tilespmem:v28+s21+$0x0] =	vst.idx.msk $0xffff, v24  }
0x3bf: {  	v28 =	vshll.u32 v27, $0x7;
	v24 =	vld.idx.msk [tilespmem:v29+s17+$0x0], $0xffff  }
0x3c0: {  	v30 =	vor.u32 v0, v28;
	v29 =	vor.u32 $0x20, v25  }
0x3c1: {  	v32 =	vor.u32 v29, v16;
	_ =	sdelay $0x3  }
0x3c2: {  	[tilespmem:v30+s21+$0x0] =	vst.idx.msk $0xffff, v24  }
0x3c3: {  	v30 =	vshll.u32 v29, $0x7;
	v24 =	vld.idx.msk [tilespmem:v32+s17+$0x0], $0xffff  }
0x3c4: {  	v31 =	vor.u32 $0x30, v31;
	v32 =	vor.u32 v0, v30  }
0x3c5: {  	v33 =	vor.u32 v31, v16;
	_ =	sdelay $0x3  }
0x3c6: {  	[tilespmem:v32+s21+$0x0] =	vst.idx.msk $0xffff, v24  }
0x3c7: {  	v24 =	vshll.u32 v31, $0x7;
	v32 =	vld.idx.msk [tilespmem:v33+s17+$0x0], $0xffff  }
0x3c8: {  	v33 =	vor.u32 v0, v24  }
0x3c9: {  	v34 =	vor.u32 v25, v17;
	_ =	sdelay $0x3  }
0x3ca: {  	[tilespmem:v33+s21+$0x0] =	vst.idx.msk $0xffff, v32  }
0x3cb: {  	v32 =	vld.idx.msk [tilespmem:v34+s17+$0x0], $0xffff  }
0x3cc: {  	v33 =	vor.u32 v9, v26  }
0x3cd: {  	v34 =	vor.u32 v27, v17;
	_ =	sdelay $0x3  }
0x3ce: {  	[tilespmem:v33+s21+$0x0] =	vst.idx.msk $0xffff, v32  }
0x3cf: {  	v32 =	vld.idx.msk [tilespmem:v34+s17+$0x0], $0xffff  }
0x3d0: {  	v33 =	vor.u32 v9, v28  }
0x3d1: {  	v34 =	vor.u32 v29, v17;
	_ =	sdelay $0x3  }
0x3d2: {  	[tilespmem:v33+s21+$0x0] =	vst.idx.msk $0xffff, v32  }
0x3d3: {  	v32 =	vld.idx.msk [tilespmem:v34+s17+$0x0], $0xffff  }
0x3d4: {  	v33 =	vor.u32 v9, v30  }
0x3d5: {  	v34 =	vor.u32 v31, v17;
	_ =	sdelay $0x3  }
0x3d6: {  	[tilespmem:v33+s21+$0x0] =	vst.idx.msk $0xffff, v32  }
0x3d7: {  	v32 =	vld.idx.msk [tilespmem:v34+s17+$0x0], $0xffff  }
0x3d8: {  	v33 =	vor.u32 v9, v24  }
0x3d9: {  	v34 =	vor.u32 v25, v18;
	_ =	sdelay $0x3  }
0x3da: {  	[tilespmem:v33+s21+$0x0] =	vst.idx.msk $0xffff, v32  }
0x3db: {  	v32 =	vld.idx.msk [tilespmem:v34+s17+$0x0], $0xffff  }
0x3dc: {  	v33 =	vor.u32 v10, v26  }
0x3dd: {  	v34 =	vor.u32 v27, v18;
	_ =	sdelay $0x3  }
0x3de: {  	[tilespmem:v33+s21+$0x0] =	vst.idx.msk $0xffff, v32  }
0x3df: {  	v32 =	vld.idx.msk [tilespmem:v34+s17+$0x0], $0xffff  }
0x3e0: {  	v33 =	vor.u32 v10, v28  }
0x3e1: {  	v34 =	vor.u32 v29, v18;
	_ =	sdelay $0x3  }
0x3e2: {  	[tilespmem:v33+s21+$0x0] =	vst.idx.msk $0xffff, v32  }
0x3e3: {  	v32 =	vld.idx.msk [tilespmem:v34+s17+$0x0], $0xffff  }
0x3e4: {  	v33 =	vor.u32 v10, v30  }
0x3e5: {  	v34 =	vor.u32 v31, v18;
	_ =	sdelay $0x3  }
0x3e6: {  	[tilespmem:v33+s21+$0x0] =	vst.idx.msk $0xffff, v32  }
0x3e7: {  	v32 =	vld.idx.msk [tilespmem:v34+s17+$0x0], $0xffff  }
0x3e8: {  	v33 =	vor.u32 v10, v24  }
0x3e9: {  	v34 =	vor.u32 v25, v19;
	_ =	sdelay $0x3  }
0x3ea: {  	[tilespmem:v33+s21+$0x0] =	vst.idx.msk $0xffff, v32  }
0x3eb: {  	v32 =	vld.idx.msk [tilespmem:v34+s17+$0x0], $0xffff  }
0x3ec: {  	v33 =	vor.u32 v11, v26  }
0x3ed: {  	v34 =	vor.u32 v27, v19;
	_ =	sdelay $0x3  }
0x3ee: {  	[tilespmem:v33+s21+$0x0] =	vst.idx.msk $0xffff, v32  }
0x3ef: {  	v32 =	vld.idx.msk [tilespmem:v34+s17+$0x0], $0xffff  }
0x3f0: {  	v33 =	vor.u32 v11, v28  }
0x3f1: {  	v34 =	vor.u32 v29, v19;
	_ =	sdelay $0x3  }
0x3f2: {  	[tilespmem:v33+s21+$0x0] =	vst.idx.msk $0xffff, v32  }
0x3f3: {  	v32 =	vld.idx.msk [tilespmem:v34+s17+$0x0], $0xffff  }
0x3f4: {  	v33 =	vor.u32 v11, v30  }
0x3f5: {  	v34 =	vor.u32 v31, v19;
	_ =	sdelay $0x3  }
0x3f6: {  	[tilespmem:v33+s21+$0x0] =	vst.idx.msk $0xffff, v32  }
0x3f7: {  	v32 =	vld.idx.msk [tilespmem:v34+s17+$0x0], $0xffff  }
0x3f8: {  	v33 =	vor.u32 v11, v24  }
0x3f9: {  	v34 =	vor.u32 v25, v20;
	_ =	sdelay $0x3  }
0x3fa: {  	[tilespmem:v33+s21+$0x0] =	vst.idx.msk $0xffff, v32  }
0x3fb: {  	v32 =	vld.idx.msk [tilespmem:v34+s17+$0x0], $0xffff  }
0x3fc: {  	v33 =	vor.u32 v12, v26  }
0x3fd: {  	v34 =	vor.u32 v27, v20;
	_ =	sdelay $0x3  }
0x3fe: {  	[tilespmem:v33+s21+$0x0] =	vst.idx.msk $0xffff, v32  }
0x3ff: {  	v32 =	vld.idx.msk [tilespmem:v34+s17+$0x0], $0xffff  }
0x400: {  	v33 =	vor.u32 v12, v28  }
0x401: {  	v34 =	vor.u32 v29, v20;
	_ =	sdelay $0x3  }
0x402: {  	[tilespmem:v33+s21+$0x0] =	vst.idx.msk $0xffff, v32  }
0x403: {  	v32 =	vld.idx.msk [tilespmem:v34+s17+$0x0], $0xffff  }
0x404: {  	v33 =	vor.u32 v12, v30  }
0x405: {  	v34 =	vor.u32 v31, v20;
	_ =	sdelay $0x3  }
0x406: {  	[tilespmem:v33+s21+$0x0] =	vst.idx.msk $0xffff, v32  }
0x407: {  	v32 =	vld.idx.msk [tilespmem:v34+s17+$0x0], $0xffff  }
0x408: {  	v33 =	vor.u32 v12, v24  }
0x409: {  	v34 =	vor.u32 v25, v21;
	_ =	sdelay $0x3  }
0x40a: {  	[tilespmem:v33+s21+$0x0] =	vst.idx.msk $0xffff, v32  }
0x40b: {  	v32 =	vld.idx.msk [tilespmem:v34+s17+$0x0], $0xffff  }
0x40c: {  	v33 =	vor.u32 v13, v26  }
0x40d: {  	v34 =	vor.u32 v27, v21;
	_ =	sdelay $0x3  }
0x40e: {  	[tilespmem:v33+s21+$0x0] =	vst.idx.msk $0xffff, v32  }
0x40f: {  	v32 =	vld.idx.msk [tilespmem:v34+s17+$0x0], $0xffff  }
0x410: {  	v33 =	vor.u32 v13, v28  }
0x411: {  	v34 =	vor.u32 v29, v21;
	_ =	sdelay $0x3  }
0x412: {  	[tilespmem:v33+s21+$0x0] =	vst.idx.msk $0xffff, v32  }
0x413: {  	v32 =	vld.idx.msk [tilespmem:v34+s17+$0x0], $0xffff  }
0x414: {  	v33 =	vor.u32 v13, v30  }
0x415: {  	v34 =	vor.u32 v31, v21;
	_ =	sdelay $0x3  }
0x416: {  	[tilespmem:v33+s21+$0x0] =	vst.idx.msk $0xffff, v32  }
0x417: {  	v32 =	vld.idx.msk [tilespmem:v34+s17+$0x0], $0xffff  }
0x418: {  	v33 =	vor.u32 v13, v24  }
0x419: {  	v34 =	vor.u32 v25, v22;
	_ =	sdelay $0x3  }
0x41a: {  	[tilespmem:v33+s21+$0x0] =	vst.idx.msk $0xffff, v32  }
0x41b: {  	v32 =	vld.idx.msk [tilespmem:v34+s17+$0x0], $0xffff  }
0x41c: {  	v33 =	vor.u32 v14, v26  }
0x41d: {  	v34 =	vor.u32 v27, v22;
	_ =	sdelay $0x3  }
0x41e: {  	[tilespmem:v33+s21+$0x0] =	vst.idx.msk $0xffff, v32  }
0x41f: {  	v32 =	vld.idx.msk [tilespmem:v34+s17+$0x0], $0xffff  }
0x420: {  	v33 =	vor.u32 v14, v28  }
0x421: {  	v34 =	vor.u32 v29, v22;
	_ =	sdelay $0x3  }
0x422: {  	[tilespmem:v33+s21+$0x0] =	vst.idx.msk $0xffff, v32  }
0x423: {  	v32 =	vld.idx.msk [tilespmem:v34+s17+$0x0], $0xffff  }
0x424: {  	v33 =	vor.u32 v14, v30  }
0x425: {  	v34 =	vor.u32 v31, v22;
	_ =	sdelay $0x3  }
0x426: {  	[tilespmem:v33+s21+$0x0] =	vst.idx.msk $0xffff, v32  }
0x427: {  	v32 =	vld.idx.msk [tilespmem:v34+s17+$0x0], $0xffff  }
0x428: {  	v33 =	vor.u32 v14, v24  }
0x429: {  	v25 =	vor.u32 v25, v23;
	_ =	sdelay $0x3  }
0x42a: {  	[tilespmem:v33+s21+$0x0] =	vst.idx.msk $0xffff, v32  }
0x42b: {  	v25 =	vld.idx.msk [tilespmem:v25+s17+$0x0], $0xffff  }
0x42c: {  	v26 =	vor.u32 v15, v26  }
0x42d: {  	v27 =	vor.u32 v27, v23;
	_ =	sdelay $0x3  }
0x42e: {  	[tilespmem:v26+s21+$0x0] =	vst.idx.msk $0xffff, v25  }
0x42f: {  	v25 =	vld.idx.msk [tilespmem:v27+s17+$0x0], $0xffff  }
0x430: {  	v26 =	vor.u32 v15, v28  }
0x431: {  	v27 =	vor.u32 v29, v23;
	_ =	sdelay $0x3  }
0x432: {  	[tilespmem:v26+s21+$0x0] =	vst.idx.msk $0xffff, v25  }
0x433: {  	v25 =	vld.idx.msk [tilespmem:v27+s17+$0x0], $0xffff  }
0x434: {  	v26 =	vor.u32 v15, v30  }
0x435: {  	v27 =	vor.u32 v31, v23  }
.Ltmp4:
0x436: {  	(pc) =	sbr.rel @p1 .LBB2_7-.Ltmp4, $3  }
0x437: {  	_ =	sdelay $0x1  }
0x438: {  	[tilespmem:v26+s21+$0x0] =	vst.idx.msk $0xffff, v25  }
0x439: {  	v31 =	vadd.s32 s12, v0;
	s12 =	sadd.s32 $0x1, s12;
	v26 =	vld.idx.msk [tilespmem:v27+s17+$0x0], $0xffff  }
0x43a: {  	v25 =	vand.u32 $0xF, v31;
	v24 =	vor.u32 v15, v24  }
0x43b: {  	v27 =	vor.u32 v25, v16;
	_ =	sdelay $0x3  }
0x43c: {  	[tilespmem:v24+s21+$0x0] =	vst.idx.msk $0xffff, v26;
	v24 =	vshll.u32 v25, $0x7  }
0x43d: {  	v28 =	vor.u32 $0x10, v31;
	v26 =	vld.idx.msk [tilespmem:v27+s17+$0x0], $0xffff;
	v27 =	vor.u32 v0, v24  }
0x43e: {  	v29 =	vor.u32 v28, v16;
	_ =	sdelay $0x3  }
0x43f: {  	[tilespmem:v27+s21+$0x0] =	vst.idx.msk $0xffff, v26;
	v26 =	vshll.u32 v28, $0x7  }
0x440: {  	v30 =	vor.u32 $0x20, v25;
	v27 =	vld.idx.msk [tilespmem:v29+s17+$0x0], $0xffff;
	v29 =	vor.u32 v0, v26  }
0x441: {  	v32 =	vor.u32 v30, v16;
	_ =	sdelay $0x3  }
0x442: {  	[tilespmem:v29+s21+$0x0] =	vst.idx.msk $0xffff, v27;
	v27 =	vshll.u32 v30, $0x7  }
0x443: {  	v31 =	vor.u32 $0x30, v31;
	v29 =	vld.idx.msk [tilespmem:v32+s17+$0x0], $0xffff;
	v41 =	vor.u32 v0, v27  }
0x444: {  	v16 =	vor.u32 v31, v16;
	_ =	sdelay $0x3  }
0x445: {  	[tilespmem:v41+s21+$0x0] =	vst.idx.msk $0xffff, v29;
	v29 =	vshll.u32 v31, $0x7  }
0x446: {  	v16 =	vld.idx.msk [tilespmem:v16+s17+$0x0], $0xffff;
	v42 =	vor.u32 v0, v29  }
0x447: {  	v33 =	vor.u32 v25, v17;
	_ =	sdelay $0x3  }
0x448: {  	[tilespmem:v42+s21+$0x0] =	vst.idx.msk $0xffff, v16  }
0x449: {  	v43 =	vor.u32 v9, v24;
	v16 =	vld.idx.msk [tilespmem:v33+s17+$0x0], $0xffff  }
0x44a: {  	v44 =	vor.u32 v28, v17;
	_ =	sdelay $0x3  }
0x44b: {  	[tilespmem:v43+s21+$0x0] =	vst.idx.msk $0xffff, v16  }
0x44c: {  	v45 =	vor.u32 v9, v26;
	v16 =	vld.idx.msk [tilespmem:v44+s17+$0x0], $0xffff  }
0x44d: {  	v46 =	vor.u32 v30, v17;
	_ =	sdelay $0x3  }
0x44e: {  	[tilespmem:v45+s21+$0x0] =	vst.idx.msk $0xffff, v16  }
0x44f: {  	v47 =	vor.u32 v9, v27;
	v16 =	vld.idx.msk [tilespmem:v46+s17+$0x0], $0xffff  }
0x450: {  	v17 =	vor.u32 v31, v17;
	_ =	sdelay $0x3  }
0x451: {  	[tilespmem:v47+s21+$0x0] =	vst.idx.msk $0xffff, v16  }
0x452: {  	v16 =	vld.idx.msk [tilespmem:v17+s17+$0x0], $0xffff;
	v17 =	vor.u32 v9, v29  }
0x453: {  	v48 =	vor.u32 v25, v18;
	_ =	sdelay $0x3  }
0x454: {  	[tilespmem:v17+s21+$0x0] =	vst.idx.msk $0xffff, v16  }
0x455: {  	v17 =	vor.u32 v10, v24;
	v16 =	vld.idx.msk [tilespmem:v48+s17+$0x0], $0xffff  }
0x456: {  	v49 =	vor.u32 v28, v18;
	_ =	sdelay $0x3  }
0x457: {  	[tilespmem:v17+s21+$0x0] =	vst.idx.msk $0xffff, v16  }
0x458: {  	v17 =	vor.u32 v10, v26;
	v16 =	vld.idx.msk [tilespmem:v49+s17+$0x0], $0xffff  }
0x459: {  	v50 =	vor.u32 v30, v18;
	_ =	sdelay $0x3  }
0x45a: {  	[tilespmem:v17+s21+$0x0] =	vst.idx.msk $0xffff, v16  }
0x45b: {  	v17 =	vor.u32 v10, v27;
	v16 =	vld.idx.msk [tilespmem:v50+s17+$0x0], $0xffff  }
0x45c: {  	v18 =	vor.u32 v31, v18;
	_ =	sdelay $0x3  }
0x45d: {  	[tilespmem:v17+s21+$0x0] =	vst.idx.msk $0xffff, v16  }
0x45e: {  	v17 =	vor.u32 v10, v29;
	v16 =	vld.idx.msk [tilespmem:v18+s17+$0x0], $0xffff  }
0x45f: {  	v18 =	vor.u32 v25, v19;
	_ =	sdelay $0x3  }
0x460: {  	[tilespmem:v17+s21+$0x0] =	vst.idx.msk $0xffff, v16  }
0x461: {  	v17 =	vor.u32 v11, v24;
	v16 =	vld.idx.msk [tilespmem:v18+s17+$0x0], $0xffff  }
0x462: {  	v18 =	vor.u32 v28, v19;
	_ =	sdelay $0x3  }
0x463: {  	[tilespmem:v17+s21+$0x0] =	vst.idx.msk $0xffff, v16  }
0x464: {  	v17 =	vor.u32 v11, v26;
	v16 =	vld.idx.msk [tilespmem:v18+s17+$0x0], $0xffff  }
0x465: {  	v18 =	vor.u32 v30, v19;
	_ =	sdelay $0x3  }
0x466: {  	[tilespmem:v17+s21+$0x0] =	vst.idx.msk $0xffff, v16  }
0x467: {  	v17 =	vor.u32 v11, v27;
	v16 =	vld.idx.msk [tilespmem:v18+s17+$0x0], $0xffff  }
0x468: {  	v18 =	vor.u32 v31, v19;
	_ =	sdelay $0x3  }
0x469: {  	[tilespmem:v17+s21+$0x0] =	vst.idx.msk $0xffff, v16  }
0x46a: {  	v17 =	vor.u32 v11, v29;
	v16 =	vld.idx.msk [tilespmem:v18+s17+$0x0], $0xffff  }
0x46b: {  	v18 =	vor.u32 v25, v20;
	_ =	sdelay $0x3  }
0x46c: {  	[tilespmem:v17+s21+$0x0] =	vst.idx.msk $0xffff, v16  }
0x46d: {  	v17 =	vor.u32 v12, v24;
	v16 =	vld.idx.msk [tilespmem:v18+s17+$0x0], $0xffff  }
0x46e: {  	v18 =	vor.u32 v28, v20;
	_ =	sdelay $0x3  }
0x46f: {  	[tilespmem:v17+s21+$0x0] =	vst.idx.msk $0xffff, v16  }
0x470: {  	v17 =	vor.u32 v12, v26;
	v16 =	vld.idx.msk [tilespmem:v18+s17+$0x0], $0xffff  }
0x471: {  	v18 =	vor.u32 v30, v20;
	_ =	sdelay $0x3  }
0x472: {  	[tilespmem:v17+s21+$0x0] =	vst.idx.msk $0xffff, v16  }
0x473: {  	v17 =	vor.u32 v12, v27;
	v16 =	vld.idx.msk [tilespmem:v18+s17+$0x0], $0xffff  }
0x474: {  	v18 =	vor.u32 v31, v20;
	_ =	sdelay $0x3  }
0x475: {  	[tilespmem:v17+s21+$0x0] =	vst.idx.msk $0xffff, v16  }
0x476: {  	v17 =	vor.u32 v12, v29;
	v16 =	vld.idx.msk [tilespmem:v18+s17+$0x0], $0xffff  }
0x477: {  	v18 =	vor.u32 v25, v21;
	_ =	sdelay $0x3  }
0x478: {  	[tilespmem:v17+s21+$0x0] =	vst.idx.msk $0xffff, v16  }
0x479: {  	v17 =	vor.u32 v13, v24;
	v16 =	vld.idx.msk [tilespmem:v18+s17+$0x0], $0xffff  }
0x47a: {  	v18 =	vor.u32 v28, v21;
	_ =	sdelay $0x3  }
0x47b: {  	[tilespmem:v17+s21+$0x0] =	vst.idx.msk $0xffff, v16  }
0x47c: {  	v17 =	vor.u32 v13, v26;
	v16 =	vld.idx.msk [tilespmem:v18+s17+$0x0], $0xffff  }
0x47d: {  	v18 =	vor.u32 v30, v21;
	_ =	sdelay $0x3  }
0x47e: {  	[tilespmem:v17+s21+$0x0] =	vst.idx.msk $0xffff, v16  }
0x47f: {  	v17 =	vor.u32 v13, v27;
	v16 =	vld.idx.msk [tilespmem:v18+s17+$0x0], $0xffff  }
0x480: {  	v18 =	vor.u32 v31, v21;
	_ =	sdelay $0x3  }
0x481: {  	[tilespmem:v17+s21+$0x0] =	vst.idx.msk $0xffff, v16  }
0x482: {  	v17 =	vor.u32 v13, v29;
	v16 =	vld.idx.msk [tilespmem:v18+s17+$0x0], $0xffff  }
0x483: {  	v18 =	vor.u32 v25, v22;
	_ =	sdelay $0x3  }
0x484: {  	[tilespmem:v17+s21+$0x0] =	vst.idx.msk $0xffff, v16  }
0x485: {  	v17 =	vor.u32 v14, v24;
	v16 =	vld.idx.msk [tilespmem:v18+s17+$0x0], $0xffff  }
0x486: {  	v18 =	vor.u32 v28, v22;
	_ =	sdelay $0x3  }
0x487: {  	[tilespmem:v17+s21+$0x0] =	vst.idx.msk $0xffff, v16  }
0x488: {  	v17 =	vor.u32 v14, v26;
	v16 =	vld.idx.msk [tilespmem:v18+s17+$0x0], $0xffff  }
0x489: {  	v18 =	vor.u32 v30, v22;
	_ =	sdelay $0x3  }
0x48a: {  	[tilespmem:v17+s21+$0x0] =	vst.idx.msk $0xffff, v16  }
0x48b: {  	v17 =	vor.u32 v14, v27;
	v16 =	vld.idx.msk [tilespmem:v18+s17+$0x0], $0xffff  }
0x48c: {  	v18 =	vor.u32 v31, v22;
	_ =	sdelay $0x3  }
0x48d: {  	[tilespmem:v17+s21+$0x0] =	vst.idx.msk $0xffff, v16  }
0x48e: {  	v17 =	vor.u32 v14, v29;
	v16 =	vld.idx.msk [tilespmem:v18+s17+$0x0], $0xffff  }
0x48f: {  	v18 =	vor.u32 v25, v23;
	_ =	sdelay $0x3  }
0x490: {  	[tilespmem:v17+s21+$0x0] =	vst.idx.msk $0xffff, v16  }
0x491: {  	v17 =	vor.u32 v15, v24;
	v16 =	vld.idx.msk [tilespmem:v18+s17+$0x0], $0xffff  }
0x492: {  	v18 =	vor.u32 v28, v23;
	_ =	sdelay $0x3  }
0x493: {  	[tilespmem:v17+s21+$0x0] =	vst.idx.msk $0xffff, v16  }
0x494: {  	v17 =	vor.u32 v15, v26;
	v16 =	vld.idx.msk [tilespmem:v18+s17+$0x0], $0xffff  }
0x495: {  	v18 =	vor.u32 v30, v23;
	_ =	sdelay $0x3  }
0x496: {  	[tilespmem:v17+s21+$0x0] =	vst.idx.msk $0xffff, v16  }
0x497: {  	v17 =	vor.u32 v15, v27;
	v16 =	vld.idx.msk [tilespmem:v18+s17+$0x0], $0xffff  }
0x498: {  	v18 =	vor.u32 v31, v23;
	_ =	sdelay $0x3  }
0x499: {  	[tilespmem:v17+s21+$0x0] =	vst.idx.msk $0xffff, v16  }
0x49a: {  	v17 =	vor.u32 v15, v29;
	v16 =	vld.idx.msk [tilespmem:v18+s17+$0x0], $0xffff;
	_ =	sdelay $0x1  }
0x49b: {  	s1 =	sshll.u32 s1, $0x12  }
0x49c: {  	s1 =	sor.u32 s4, s1  }
0x49d: {  	s1 =	sshrl.u32 s1, $0x3  }
0x49e: {  	s1 =	sadd.s32 s2, s1;
	[tilespmem:v17+s21+$0x0] =	vst.idx.msk $0xffff, v16  }
0x49f: {  	[hbm4b:s1+s8] =	stream.strided.scatter [tilespmem:s21], [sflag:$0x5], $0x2000, s9, s8, $0x38;
	[tilespmem:$0x1A600] =	vst v63  }
0x4a0: {  	v16 =	vld @!p0 [tilespmem:s31+$0x300];
	_ =	sdelay $0x4  }
0x4a1: {  	v16 =	vshrl.u32 @!p0 v16, $0x1  }
0x4a2: {  	[tilespmem:$0x6500] =	vst @!p0 v16  }
0x4a3: {  	v16 =	vld @!p0 [tilespmem:s31+$0x310];
	_ =	sdelay $0x4  }
0x4a4: {  	v16 =	vshrl.u32 @!p0 v16, $0x1  }
0x4a5: {  	[tilespmem:$0x6510] =	vst @!p0 v16  }
0x4a6: {  	v16 =	vld @!p0 [tilespmem:s31+$0x320];
	_ =	sdelay $0x4  }
0x4a7: {  	v16 =	vshrl.u32 @!p0 v16, $0x1  }
0x4a8: {  	[tilespmem:$0x6520] =	vst @!p0 v16  }
0x4a9: {  	v16 =	vld @!p0 [tilespmem:s31+$0x330];
	_ =	sdelay $0x4  }
0x4aa: {  	v16 =	vshrl.u32 @!p0 v16, $0x1  }
0x4ab: {  	[tilespmem:$0x6530] =	vst @!p0 v16  }
0x4ac: {  	v16 =	vld @!p0 [tilespmem:s31+$0x340];
	_ =	sdelay $0x4  }
0x4ad: {  	v16 =	vshrl.u32 @!p0 v16, $0x1  }
0x4ae: {  	[tilespmem:$0x6540] =	vst @!p0 v16  }
0x4af: {  	v16 =	vld @!p0 [tilespmem:s31+$0x350];
	_ =	sdelay $0x4  }
0x4b0: {  	v16 =	vshrl.u32 @!p0 v16, $0x1  }
0x4b1: {  	[tilespmem:$0x6550] =	vst @!p0 v16  }
0x4b2: {  	v16 =	vld @!p0 [tilespmem:s31+$0x360];
	_ =	sdelay $0x4  }
0x4b3: {  	v16 =	vshrl.u32 @!p0 v16, $0x1  }
0x4b4: {  	[tilespmem:$0x6560] =	vst @!p0 v16  }
0x4b5: {  	v16 =	vld @!p0 [tilespmem:s31+$0x370];
	_ =	sdelay $0x4  }
0x4b6: {  	v16 =	vshrl.u32 @!p0 v16, $0x1  }
0x4b7: {  	s12 =	simm.s32 @!p0 $0x6500;
	s14 =	simm.s32 @!p0 $0xE600;
	s1 =	simm.s32 @!p0 $0x80;
	[tilespmem:$0x6570] =	vst @!p0 v16  }
0x4b8: {  	[tilespmem:s14], [sflag:$0x3] =	stream.indirect.gather @!p0 [hbm4b:s5+s1], $0x80, s12, s1, $0xb8;
	[tilespmem:$0x1A600] =	vst v63  }
0x4b9: {  	_ =	swait.ge [sflag:s26], $0x4000  }
0x4ba: {  	[sflag:s26] =	ssyncset.done $0x0  }
0x4bb: {  	[sflag:s26] =	ssyncadd.s32 $0xFFFFC000  }
0x4bc: {  	s0 =	sor.u32 $0x3, s0;
	_ =	swait.ge [sflag:s28], $0x2000  }
0x4bd: {  	s12 =	sshll.u32 s0, $0x7;
	[sflag:s28] =	ssyncset.done $0x0  }
0x4be: {  	s1 =	sand.u32 $0x3FFFFF80, s12;
	[sflag:s28] =	ssyncadd.s32 $0xFFFFE000  }
0x4bf: {  	v16 =	vld [tilespmem:s1+$0x0];
	_ =	sdelay $0x4  }
0x4c0: {  	s14 =	simm.s32 $0x0;
	v16 =	vshll.u32 v16, $0x6  }
0x4c1: {  	v17 =	vadd.s32 s14, v0;
	v16 =	vand.u32 $0x40, v16  }
0x4c2: {  	v25 =	vand.u32 $0xF, v17;
	v16 =	vor.u32 v1, v16  }
0x4c3: {  	v18 =	vor.u32 v25, v16;
	_ =	sdelay $0x2  }
0x4c4: {  	v19 =	vld [tilespmem:s1+$0x10]  }
0x4c5: {  	v26 =	vshll.u32 v25, $0x7;
	v20 =	vld [tilespmem:s1+$0x20]  }
0x4c6: {  	v27 =	vor.u32 $0x10, v17;
	v22 =	vor.u32 v0, v26;
	v18 =	vld.idx.msk [tilespmem:v18+s19+$0x0], $0xffff  }
0x4c7: {  	v21 =	vld [tilespmem:s1+$0x30];
	v24 =	vor.u32 v27, v16  }
0x4c8: {  	v23 =	vld [tilespmem:s1+$0x40]  }
0x4c9: {  	v51 =	vld [tilespmem:s1+$0x50]  }
0x4ca: {  	v52 =	vld [tilespmem:s1+$0x60]  }
0x4cb: {  	v28 =	vshll.u32 v27, $0x7;
	v34 =	vld [tilespmem:s1+$0x70];
	[tilespmem:v22+s23+$0x0] =	vst.idx.msk $0xffff, v18  }
0x4cc: {  	v29 =	vor.u32 $0x20, v25;
	v22 =	vor.u32 v0, v28;
	v18 =	vld.idx.msk [tilespmem:v24+s19+$0x0], $0xffff  }
0x4cd: {  	v24 =	vor.u32 v29, v16;
	_ =	sdelay $0x3  }
0x4ce: {  	v30 =	vshll.u32 v29, $0x7;
	[tilespmem:v22+s23+$0x0] =	vst.idx.msk $0xffff, v18  }
0x4cf: {  	v31 =	vor.u32 $0x30, v17;
	v22 =	vor.u32 v0, v30;
	v18 =	vld.idx.msk [tilespmem:v24+s19+$0x0], $0xffff  }
0x4d0: {  	v35 =	vor.u32 v31, v16;
	_ =	sdelay $0x2  }
0x4d1: {  	v17 =	vshll.u32 v19, $0x6  }
0x4d2: {  	v17 =	vand.u32 $0x40, v17;
	v24 =	vshll.u32 v31, $0x7;
	[tilespmem:v22+s23+$0x0] =	vst.idx.msk $0xffff, v18  }
0x4d3: {  	v17 =	vor.u32 v2, v17;
	v19 =	vor.u32 v0, v24;
	v18 =	vld.idx.msk [tilespmem:v35+s19+$0x0], $0xffff  }
0x4d4: {  	v22 =	vor.u32 v25, v17;
	_ =	sdelay $0x3  }
0x4d5: {  	[tilespmem:v19+s23+$0x0] =	vst.idx.msk $0xffff, v18  }
0x4d6: {  	v19 =	vor.u32 v9, v26;
	v18 =	vld.idx.msk [tilespmem:v22+s19+$0x0], $0xffff  }
0x4d7: {  	v22 =	vor.u32 v27, v17;
	_ =	sdelay $0x3  }
0x4d8: {  	[tilespmem:v19+s23+$0x0] =	vst.idx.msk $0xffff, v18  }
0x4d9: {  	v19 =	vor.u32 v9, v28;
	v18 =	vld.idx.msk [tilespmem:v22+s19+$0x0], $0xffff  }
0x4da: {  	v22 =	vor.u32 v29, v17;
	_ =	sdelay $0x3  }
0x4db: {  	[tilespmem:v19+s23+$0x0] =	vst.idx.msk $0xffff, v18  }
0x4dc: {  	v19 =	vor.u32 v9, v30;
	v18 =	vld.idx.msk [tilespmem:v22+s19+$0x0], $0xffff  }
0x4dd: {  	v22 =	vor.u32 v31, v17;
	_ =	sdelay $0x2  }
0x4de: {  	v20 =	vshll.u32 v20, $0x6  }
0x4df: {  	v20 =	vand.u32 $0x40, v20;
	[tilespmem:v19+s23+$0x0] =	vst.idx.msk $0xffff, v18  }
0x4e0: {  	v18 =	vor.u32 v3, v20;
	v20 =	vor.u32 v9, v24;
	v19 =	vld.idx.msk [tilespmem:v22+s19+$0x0], $0xffff  }
0x4e1: {  	v22 =	vor.u32 v25, v18;
	_ =	sdelay $0x3  }
0x4e2: {  	[tilespmem:v20+s23+$0x0] =	vst.idx.msk $0xffff, v19  }
0x4e3: {  	v20 =	vor.u32 v10, v26;
	v19 =	vld.idx.msk [tilespmem:v22+s19+$0x0], $0xffff  }
0x4e4: {  	v22 =	vor.u32 v27, v18;
	_ =	sdelay $0x3  }
0x4e5: {  	[tilespmem:v20+s23+$0x0] =	vst.idx.msk $0xffff, v19  }
0x4e6: {  	v20 =	vor.u32 v10, v28;
	v19 =	vld.idx.msk [tilespmem:v22+s19+$0x0], $0xffff  }
0x4e7: {  	v22 =	vor.u32 v29, v18;
	_ =	sdelay $0x3  }
0x4e8: {  	[tilespmem:v20+s23+$0x0] =	vst.idx.msk $0xffff, v19  }
0x4e9: {  	v20 =	vor.u32 v10, v30;
	v19 =	vld.idx.msk [tilespmem:v22+s19+$0x0], $0xffff  }
0x4ea: {  	v22 =	vor.u32 v31, v18;
	_ =	sdelay $0x2  }
0x4eb: {  	v21 =	vshll.u32 v21, $0x6  }
0x4ec: {  	v21 =	vand.u32 $0x40, v21;
	[tilespmem:v20+s23+$0x0] =	vst.idx.msk $0xffff, v19  }
0x4ed: {  	v19 =	vor.u32 v4, v21;
	v21 =	vor.u32 v10, v24;
	v20 =	vld.idx.msk [tilespmem:v22+s19+$0x0], $0xffff  }
0x4ee: {  	v22 =	vor.u32 v25, v19;
	_ =	sdelay $0x3  }
0x4ef: {  	[tilespmem:v21+s23+$0x0] =	vst.idx.msk $0xffff, v20  }
0x4f0: {  	v21 =	vor.u32 v11, v26;
	v20 =	vld.idx.msk [tilespmem:v22+s19+$0x0], $0xffff  }
0x4f1: {  	v22 =	vor.u32 v27, v19;
	_ =	sdelay $0x3  }
0x4f2: {  	[tilespmem:v21+s23+$0x0] =	vst.idx.msk $0xffff, v20  }
0x4f3: {  	v21 =	vor.u32 v11, v28;
	v20 =	vld.idx.msk [tilespmem:v22+s19+$0x0], $0xffff  }
0x4f4: {  	v22 =	vor.u32 v29, v19;
	_ =	sdelay $0x3  }
0x4f5: {  	[tilespmem:v21+s23+$0x0] =	vst.idx.msk $0xffff, v20  }
0x4f6: {  	v21 =	vor.u32 v11, v30;
	v20 =	vld.idx.msk [tilespmem:v22+s19+$0x0], $0xffff  }
0x4f7: {  	v22 =	vor.u32 v31, v19;
	_ =	sdelay $0x2  }
0x4f8: {  	v23 =	vshll.u32 v23, $0x6  }
0x4f9: {  	v23 =	vand.u32 $0x40, v23;
	[tilespmem:v21+s23+$0x0] =	vst.idx.msk $0xffff, v20  }
0x4fa: {  	v20 =	vor.u32 v5, v23;
	v21 =	vld.idx.msk [tilespmem:v22+s19+$0x0], $0xffff;
	v22 =	vor.u32 v11, v24  }
0x4fb: {  	v23 =	vor.u32 v25, v20;
	_ =	sdelay $0x3  }
0x4fc: {  	[tilespmem:v22+s23+$0x0] =	vst.idx.msk $0xffff, v21  }
0x4fd: {  	v22 =	vor.u32 v12, v26;
	v21 =	vld.idx.msk [tilespmem:v23+s19+$0x0], $0xffff  }
0x4fe: {  	v23 =	vor.u32 v27, v20;
	_ =	sdelay $0x3  }
0x4ff: {  	[tilespmem:v22+s23+$0x0] =	vst.idx.msk $0xffff, v21  }
0x500: {  	v22 =	vor.u32 v12, v28;
	v21 =	vld.idx.msk [tilespmem:v23+s19+$0x0], $0xffff  }
0x501: {  	v23 =	vor.u32 v29, v20;
	_ =	sdelay $0x3  }
0x502: {  	[tilespmem:v22+s23+$0x0] =	vst.idx.msk $0xffff, v21  }
0x503: {  	v22 =	vor.u32 v12, v30;
	v21 =	vld.idx.msk [tilespmem:v23+s19+$0x0], $0xffff  }
0x504: {  	v23 =	vor.u32 v31, v20;
	_ =	sdelay $0x2  }
0x505: {  	v32 =	vshll.u32 v51, $0x6  }
0x506: {  	v32 =	vand.u32 $0x40, v32;
	[tilespmem:v22+s23+$0x0] =	vst.idx.msk $0xffff, v21  }
0x507: {  	v21 =	vor.u32 v6, v32;
	v22 =	vld.idx.msk [tilespmem:v23+s19+$0x0], $0xffff;
	v23 =	vor.u32 v12, v24  }
0x508: {  	v32 =	vor.u32 v25, v21;
	_ =	sdelay $0x3  }
0x509: {  	[tilespmem:v23+s23+$0x0] =	vst.idx.msk $0xffff, v22  }
0x50a: {  	v23 =	vor.u32 v13, v26;
	v22 =	vld.idx.msk [tilespmem:v32+s19+$0x0], $0xffff  }
0x50b: {  	v53 =	vor.u32 v27, v21;
	_ =	sdelay $0x3  }
0x50c: {  	[tilespmem:v23+s23+$0x0] =	vst.idx.msk $0xffff, v22  }
0x50d: {  	v23 =	vor.u32 v13, v28;
	v22 =	vld.idx.msk [tilespmem:v53+s19+$0x0], $0xffff  }
0x50e: {  	v54 =	vor.u32 v29, v21;
	_ =	sdelay $0x3  }
0x50f: {  	[tilespmem:v23+s23+$0x0] =	vst.idx.msk $0xffff, v22  }
0x510: {  	v23 =	vor.u32 v13, v30;
	v22 =	vld.idx.msk [tilespmem:v54+s19+$0x0], $0xffff  }
0x511: {  	v55 =	vor.u32 v31, v21;
	_ =	sdelay $0x2  }
0x512: {  	v33 =	vshll.u32 v52, $0x6  }
0x513: {  	v33 =	vand.u32 $0x40, v33;
	[tilespmem:v23+s23+$0x0] =	vst.idx.msk $0xffff, v22  }
0x514: {  	v56 =	vor.u32 v13, v24;
	v22 =	vor.u32 v7, v33;
	v23 =	vld.idx.msk [tilespmem:v55+s19+$0x0], $0xffff  }
0x515: {  	v33 =	vor.u32 v25, v22;
	_ =	sdelay $0x3  }
0x516: {  	[tilespmem:v56+s23+$0x0] =	vst.idx.msk $0xffff, v23  }
0x517: {  	v57 =	vor.u32 v14, v26;
	v23 =	vld.idx.msk [tilespmem:v33+s19+$0x0], $0xffff  }
0x518: {  	v58 =	vor.u32 v27, v22;
	_ =	sdelay $0x3  }
0x519: {  	[tilespmem:v57+s23+$0x0] =	vst.idx.msk $0xffff, v23  }
0x51a: {  	v59 =	vor.u32 v14, v28;
	v23 =	vld.idx.msk [tilespmem:v58+s19+$0x0], $0xffff  }
0x51b: {  	v60 =	vor.u32 v29, v22;
	_ =	sdelay $0x3  }
0x51c: {  	[tilespmem:v59+s23+$0x0] =	vst.idx.msk $0xffff, v23  }
0x51d: {  	v61 =	vor.u32 v14, v30;
	v23 =	vld.idx.msk [tilespmem:v60+s19+$0x0], $0xffff  }
0x51e: {  	v62 =	vor.u32 v31, v22;
	_ =	sdelay $0x2  }
0x51f: {  	v34 =	vshll.u32 v34, $0x6  }
0x520: {  	v34 =	vand.u32 $0x40, v34;
	[tilespmem:v61+s23+$0x0] =	vst.idx.msk $0xffff, v23  }
0x521: {  	v63 =	vor.u32 v14, v24;
	v23 =	vor.u32 v8, v34;
	v32 =	vld.idx.msk [tilespmem:v62+s19+$0x0], $0xffff  }
0x522: {  	v25 =	vor.u32 v25, v23;
	_ =	sdelay $0x3  }
0x523: {  	[tilespmem:v63+s23+$0x0] =	vst.idx.msk $0xffff, v32  }
0x524: {  	v26 =	vor.u32 v15, v26;
	v25 =	vld.idx.msk [tilespmem:v25+s19+$0x0], $0xffff  }
0x525: {  	v27 =	vor.u32 v27, v23;
	_ =	sdelay $0x3  }
0x526: {  	[tilespmem:v26+s23+$0x0] =	vst.idx.msk $0xffff, v25  }
0x527: {  	v26 =	vor.u32 v15, v28;
	v25 =	vld.idx.msk [tilespmem:v27+s19+$0x0], $0xffff  }
0x528: {  	v27 =	vor.u32 v29, v23;
	_ =	sdelay $0x3  }
0x529: {  	[tilespmem:v26+s23+$0x0] =	vst.idx.msk $0xffff, v25  }
0x52a: {  	v26 =	vor.u32 v15, v30;
	v25 =	vld.idx.msk [tilespmem:v27+s19+$0x0], $0xffff  }
0x52b: {  	v27 =	vor.u32 v31, v23;
	_ =	sdelay $0x3  }
0x52c: {  	s14 =	simm.s32 $0x1;
	[tilespmem:v26+s23+$0x0] =	vst.idx.msk $0xffff, v25  }
0x52d: {  	s1 =	simm.s32 $0x2;
	v31 =	vadd.s32 s14, v0;
	v26 =	vld.idx.msk [tilespmem:v27+s19+$0x0], $0xffff  }
.LBB2_9:
0x52e: {  	p1 =	sne.s32 s1, $0xF;
	v25 =	vand.u32 $0xF, v31;
	v24 =	vor.u32 v15, v24  }
0x52f: {  	v27 =	vor.u32 v25, v16;
	_ =	sdelay $0x3  }
0x530: {  	[tilespmem:v24+s23+$0x0] =	vst.idx.msk $0xffff, v26  }
0x531: {  	v26 =	vshll.u32 v25, $0x7;
	v24 =	vld.idx.msk [tilespmem:v27+s19+$0x0], $0xffff  }
0x532: {  	v28 =	vor.u32 v0, v26;
	v27 =	vor.u32 $0x10, v31  }
0x533: {  	v29 =	vor.u32 v27, v16;
	_ =	sdelay $0x3  }
0x534: {  	[tilespmem:v28+s23+$0x0] =	vst.idx.msk $0xffff, v24  }
0x535: {  	v28 =	vshll.u32 v27, $0x7;
	v24 =	vld.idx.msk [tilespmem:v29+s19+$0x0], $0xffff  }
0x536: {  	v30 =	vor.u32 v0, v28;
	v29 =	vor.u32 $0x20, v25  }
0x537: {  	v32 =	vor.u32 v29, v16;
	_ =	sdelay $0x3  }
0x538: {  	[tilespmem:v30+s23+$0x0] =	vst.idx.msk $0xffff, v24  }
0x539: {  	v30 =	vshll.u32 v29, $0x7;
	v24 =	vld.idx.msk [tilespmem:v32+s19+$0x0], $0xffff  }
0x53a: {  	v31 =	vor.u32 $0x30, v31;
	v32 =	vor.u32 v0, v30  }
0x53b: {  	v33 =	vor.u32 v31, v16;
	_ =	sdelay $0x3  }
0x53c: {  	[tilespmem:v32+s23+$0x0] =	vst.idx.msk $0xffff, v24  }
0x53d: {  	v24 =	vshll.u32 v31, $0x7;
	v32 =	vld.idx.msk [tilespmem:v33+s19+$0x0], $0xffff  }
0x53e: {  	v33 =	vor.u32 v0, v24  }
0x53f: {  	v34 =	vor.u32 v25, v17;
	_ =	sdelay $0x3  }
0x540: {  	[tilespmem:v33+s23+$0x0] =	vst.idx.msk $0xffff, v32  }
0x541: {  	v32 =	vld.idx.msk [tilespmem:v34+s19+$0x0], $0xffff  }
0x542: {  	v33 =	vor.u32 v9, v26  }
0x543: {  	v34 =	vor.u32 v27, v17;
	_ =	sdelay $0x3  }
0x544: {  	[tilespmem:v33+s23+$0x0] =	vst.idx.msk $0xffff, v32  }
0x545: {  	v32 =	vld.idx.msk [tilespmem:v34+s19+$0x0], $0xffff  }
0x546: {  	v33 =	vor.u32 v9, v28  }
0x547: {  	v34 =	vor.u32 v29, v17;
	_ =	sdelay $0x3  }
0x548: {  	[tilespmem:v33+s23+$0x0] =	vst.idx.msk $0xffff, v32  }
0x549: {  	v32 =	vld.idx.msk [tilespmem:v34+s19+$0x0], $0xffff  }
0x54a: {  	v33 =	vor.u32 v9, v30  }
0x54b: {  	v34 =	vor.u32 v31, v17;
	_ =	sdelay $0x3  }
0x54c: {  	[tilespmem:v33+s23+$0x0] =	vst.idx.msk $0xffff, v32  }
0x54d: {  	v32 =	vld.idx.msk [tilespmem:v34+s19+$0x0], $0xffff  }
0x54e: {  	v33 =	vor.u32 v9, v24  }
0x54f: {  	v34 =	vor.u32 v25, v18;
	_ =	sdelay $0x3  }
0x550: {  	[tilespmem:v33+s23+$0x0] =	vst.idx.msk $0xffff, v32  }
0x551: {  	v32 =	vld.idx.msk [tilespmem:v34+s19+$0x0], $0xffff  }
0x552: {  	v33 =	vor.u32 v10, v26  }
0x553: {  	v34 =	vor.u32 v27, v18;
	_ =	sdelay $0x3  }
0x554: {  	[tilespmem:v33+s23+$0x0] =	vst.idx.msk $0xffff, v32  }
0x555: {  	v32 =	vld.idx.msk [tilespmem:v34+s19+$0x0], $0xffff  }
0x556: {  	v33 =	vor.u32 v10, v28  }
0x557: {  	v34 =	vor.u32 v29, v18;
	_ =	sdelay $0x3  }
0x558: {  	[tilespmem:v33+s23+$0x0] =	vst.idx.msk $0xffff, v32  }
0x559: {  	v32 =	vld.idx.msk [tilespmem:v34+s19+$0x0], $0xffff  }
0x55a: {  	v33 =	vor.u32 v10, v30  }
0x55b: {  	v34 =	vor.u32 v31, v18;
	_ =	sdelay $0x3  }
0x55c: {  	[tilespmem:v33+s23+$0x0] =	vst.idx.msk $0xffff, v32  }
0x55d: {  	v32 =	vld.idx.msk [tilespmem:v34+s19+$0x0], $0xffff  }
0x55e: {  	v33 =	vor.u32 v10, v24  }
0x55f: {  	v34 =	vor.u32 v25, v19;
	_ =	sdelay $0x3  }
0x560: {  	[tilespmem:v33+s23+$0x0] =	vst.idx.msk $0xffff, v32  }
0x561: {  	v32 =	vld.idx.msk [tilespmem:v34+s19+$0x0], $0xffff  }
0x562: {  	v33 =	vor.u32 v11, v26  }
0x563: {  	v34 =	vor.u32 v27, v19;
	_ =	sdelay $0x3  }
0x564: {  	[tilespmem:v33+s23+$0x0] =	vst.idx.msk $0xffff, v32  }
0x565: {  	v32 =	vld.idx.msk [tilespmem:v34+s19+$0x0], $0xffff  }
0x566: {  	v33 =	vor.u32 v11, v28  }
0x567: {  	v34 =	vor.u32 v29, v19;
	_ =	sdelay $0x3  }
0x568: {  	[tilespmem:v33+s23+$0x0] =	vst.idx.msk $0xffff, v32  }
0x569: {  	v32 =	vld.idx.msk [tilespmem:v34+s19+$0x0], $0xffff  }
0x56a: {  	v33 =	vor.u32 v11, v30  }
0x56b: {  	v34 =	vor.u32 v31, v19;
	_ =	sdelay $0x3  }
0x56c: {  	[tilespmem:v33+s23+$0x0] =	vst.idx.msk $0xffff, v32  }
0x56d: {  	v32 =	vld.idx.msk [tilespmem:v34+s19+$0x0], $0xffff  }
0x56e: {  	v33 =	vor.u32 v11, v24  }
0x56f: {  	v34 =	vor.u32 v25, v20;
	_ =	sdelay $0x3  }
0x570: {  	[tilespmem:v33+s23+$0x0] =	vst.idx.msk $0xffff, v32  }
0x571: {  	v32 =	vld.idx.msk [tilespmem:v34+s19+$0x0], $0xffff  }
0x572: {  	v33 =	vor.u32 v12, v26  }
0x573: {  	v34 =	vor.u32 v27, v20;
	_ =	sdelay $0x3  }
0x574: {  	[tilespmem:v33+s23+$0x0] =	vst.idx.msk $0xffff, v32  }
0x575: {  	v32 =	vld.idx.msk [tilespmem:v34+s19+$0x0], $0xffff  }
0x576: {  	v33 =	vor.u32 v12, v28  }
0x577: {  	v34 =	vor.u32 v29, v20;
	_ =	sdelay $0x3  }
0x578: {  	[tilespmem:v33+s23+$0x0] =	vst.idx.msk $0xffff, v32  }
0x579: {  	v32 =	vld.idx.msk [tilespmem:v34+s19+$0x0], $0xffff  }
0x57a: {  	v33 =	vor.u32 v12, v30  }
0x57b: {  	v34 =	vor.u32 v31, v20;
	_ =	sdelay $0x3  }
0x57c: {  	[tilespmem:v33+s23+$0x0] =	vst.idx.msk $0xffff, v32  }
0x57d: {  	v32 =	vld.idx.msk [tilespmem:v34+s19+$0x0], $0xffff  }
0x57e: {  	v33 =	vor.u32 v12, v24  }
0x57f: {  	v34 =	vor.u32 v25, v21;
	_ =	sdelay $0x3  }
0x580: {  	[tilespmem:v33+s23+$0x0] =	vst.idx.msk $0xffff, v32  }
0x581: {  	v32 =	vld.idx.msk [tilespmem:v34+s19+$0x0], $0xffff  }
0x582: {  	v33 =	vor.u32 v13, v26  }
0x583: {  	v34 =	vor.u32 v27, v21;
	_ =	sdelay $0x3  }
0x584: {  	[tilespmem:v33+s23+$0x0] =	vst.idx.msk $0xffff, v32  }
0x585: {  	v32 =	vld.idx.msk [tilespmem:v34+s19+$0x0], $0xffff  }
0x586: {  	v33 =	vor.u32 v13, v28  }
0x587: {  	v34 =	vor.u32 v29, v21;
	_ =	sdelay $0x3  }
0x588: {  	[tilespmem:v33+s23+$0x0] =	vst.idx.msk $0xffff, v32  }
0x589: {  	v32 =	vld.idx.msk [tilespmem:v34+s19+$0x0], $0xffff  }
0x58a: {  	v33 =	vor.u32 v13, v30  }
0x58b: {  	v34 =	vor.u32 v31, v21;
	_ =	sdelay $0x3  }
0x58c: {  	[tilespmem:v33+s23+$0x0] =	vst.idx.msk $0xffff, v32  }
0x58d: {  	v32 =	vld.idx.msk [tilespmem:v34+s19+$0x0], $0xffff  }
0x58e: {  	v33 =	vor.u32 v13, v24  }
0x58f: {  	v34 =	vor.u32 v25, v22;
	_ =	sdelay $0x3  }
0x590: {  	[tilespmem:v33+s23+$0x0] =	vst.idx.msk $0xffff, v32  }
0x591: {  	v32 =	vld.idx.msk [tilespmem:v34+s19+$0x0], $0xffff  }
0x592: {  	v33 =	vor.u32 v14, v26  }
0x593: {  	v34 =	vor.u32 v27, v22;
	_ =	sdelay $0x3  }
0x594: {  	[tilespmem:v33+s23+$0x0] =	vst.idx.msk $0xffff, v32  }
0x595: {  	v32 =	vld.idx.msk [tilespmem:v34+s19+$0x0], $0xffff  }
0x596: {  	v33 =	vor.u32 v14, v28  }
0x597: {  	v34 =	vor.u32 v29, v22;
	_ =	sdelay $0x3  }
0x598: {  	[tilespmem:v33+s23+$0x0] =	vst.idx.msk $0xffff, v32  }
0x599: {  	v32 =	vld.idx.msk [tilespmem:v34+s19+$0x0], $0xffff  }
0x59a: {  	v33 =	vor.u32 v14, v30  }
0x59b: {  	v34 =	vor.u32 v31, v22;
	_ =	sdelay $0x3  }
0x59c: {  	[tilespmem:v33+s23+$0x0] =	vst.idx.msk $0xffff, v32  }
0x59d: {  	v32 =	vld.idx.msk [tilespmem:v34+s19+$0x0], $0xffff  }
0x59e: {  	v33 =	vor.u32 v14, v24  }
0x59f: {  	v25 =	vor.u32 v25, v23;
	_ =	sdelay $0x3  }
0x5a0: {  	[tilespmem:v33+s23+$0x0] =	vst.idx.msk $0xffff, v32  }
0x5a1: {  	v25 =	vld.idx.msk [tilespmem:v25+s19+$0x0], $0xffff  }
0x5a2: {  	v26 =	vor.u32 v15, v26  }
0x5a3: {  	v27 =	vor.u32 v27, v23;
	_ =	sdelay $0x3  }
0x5a4: {  	[tilespmem:v26+s23+$0x0] =	vst.idx.msk $0xffff, v25  }
0x5a5: {  	v25 =	vld.idx.msk [tilespmem:v27+s19+$0x0], $0xffff  }
0x5a6: {  	v26 =	vor.u32 v15, v28  }
0x5a7: {  	v27 =	vor.u32 v29, v23;
	_ =	sdelay $0x3  }
0x5a8: {  	[tilespmem:v26+s23+$0x0] =	vst.idx.msk $0xffff, v25  }
0x5a9: {  	v25 =	vld.idx.msk [tilespmem:v27+s19+$0x0], $0xffff  }
0x5aa: {  	v26 =	vor.u32 v15, v30  }
0x5ab: {  	v27 =	vor.u32 v31, v23  }
.Ltmp5:
0x5ac: {  	(pc) =	sbr.rel @p1 .LBB2_9-.Ltmp5, $3  }
0x5ad: {  	_ =	sdelay $0x1  }
0x5ae: {  	[tilespmem:v26+s23+$0x0] =	vst.idx.msk $0xffff, v25  }
0x5af: {  	v31 =	vadd.s32 s1, v0;
	s1 =	sadd.s32 $0x1, s1;
	v26 =	vld.idx.msk [tilespmem:v27+s19+$0x0], $0xffff  }
0x5b0: {  	v25 =	vand.u32 $0xF, v31;
	v24 =	vor.u32 v15, v24  }
0x5b1: {  	v27 =	vor.u32 v25, v16;
	_ =	sdelay $0x3  }
0x5b2: {  	[tilespmem:v24+s23+$0x0] =	vst.idx.msk $0xffff, v26;
	v24 =	vshll.u32 v25, $0x7  }
0x5b3: {  	v28 =	vor.u32 $0x10, v31;
	v26 =	vld.idx.msk [tilespmem:v27+s19+$0x0], $0xffff;
	v59 =	vor.u32 v0, v24  }
0x5b4: {  	v29 =	vor.u32 v28, v16;
	_ =	sdelay $0x3  }
0x5b5: {  	[tilespmem:v59+s23+$0x0] =	vst.idx.msk $0xffff, v26;
	v26 =	vshll.u32 v28, $0x7  }
0x5b6: {  	v30 =	vor.u32 $0x20, v25;
	v27 =	vld.idx.msk [tilespmem:v29+s19+$0x0], $0xffff;
	v60 =	vor.u32 v0, v26  }
0x5b7: {  	v32 =	vor.u32 v30, v16;
	_ =	sdelay $0x3  }
0x5b8: {  	[tilespmem:v60+s23+$0x0] =	vst.idx.msk $0xffff, v27;
	v27 =	vshll.u32 v30, $0x7  }
0x5b9: {  	v31 =	vor.u32 $0x30, v31;
	v29 =	vld.idx.msk [tilespmem:v32+s19+$0x0], $0xffff;
	v61 =	vor.u32 v0, v27  }
0x5ba: {  	v16 =	vor.u32 v31, v16;
	_ =	sdelay $0x3  }
0x5bb: {  	[tilespmem:v61+s23+$0x0] =	vst.idx.msk $0xffff, v29;
	v29 =	vshll.u32 v31, $0x7  }
0x5bc: {  	v16 =	vld.idx.msk [tilespmem:v16+s19+$0x0], $0xffff;
	v62 =	vor.u32 v0, v29  }
0x5bd: {  	v33 =	vor.u32 v25, v17;
	_ =	sdelay $0x3  }
0x5be: {  	[tilespmem:v62+s23+$0x0] =	vst.idx.msk $0xffff, v16  }
0x5bf: {  	v63 =	vor.u32 v9, v24;
	v16 =	vld.idx.msk [tilespmem:v33+s19+$0x0], $0xffff  }
0x5c0: {  	v36 =	vor.u32 v28, v17;
	_ =	sdelay $0x3  }
0x5c1: {  	[tilespmem:v63+s23+$0x0] =	vst.idx.msk $0xffff, v16  }
0x5c2: {  	v37 =	vor.u32 v9, v26;
	v16 =	vld.idx.msk [tilespmem:v36+s19+$0x0], $0xffff  }
0x5c3: {  	v38 =	vor.u32 v30, v17;
	_ =	sdelay $0x3  }
0x5c4: {  	[tilespmem:v37+s23+$0x0] =	vst.idx.msk $0xffff, v16  }
0x5c5: {  	v39 =	vor.u32 v9, v27;
	v16 =	vld.idx.msk [tilespmem:v38+s19+$0x0], $0xffff  }
0x5c6: {  	v17 =	vor.u32 v31, v17;
	_ =	sdelay $0x3  }
0x5c7: {  	[tilespmem:v39+s23+$0x0] =	vst.idx.msk $0xffff, v16  }
0x5c8: {  	v16 =	vld.idx.msk [tilespmem:v17+s19+$0x0], $0xffff;
	v17 =	vor.u32 v9, v29  }
0x5c9: {  	v40 =	vor.u32 v25, v18;
	_ =	sdelay $0x3  }
0x5ca: {  	[tilespmem:v17+s23+$0x0] =	vst.idx.msk $0xffff, v16  }
0x5cb: {  	v17 =	vor.u32 v10, v24;
	v16 =	vld.idx.msk [tilespmem:v40+s19+$0x0], $0xffff  }
0x5cc: {  	v41 =	vor.u32 v28, v18;
	_ =	sdelay $0x3  }
0x5cd: {  	[tilespmem:v17+s23+$0x0] =	vst.idx.msk $0xffff, v16  }
0x5ce: {  	v17 =	vor.u32 v10, v26;
	v16 =	vld.idx.msk [tilespmem:v41+s19+$0x0], $0xffff  }
0x5cf: {  	v42 =	vor.u32 v30, v18;
	_ =	sdelay $0x3  }
0x5d0: {  	[tilespmem:v17+s23+$0x0] =	vst.idx.msk $0xffff, v16  }
0x5d1: {  	v17 =	vor.u32 v10, v27;
	v16 =	vld.idx.msk [tilespmem:v42+s19+$0x0], $0xffff  }
0x5d2: {  	v43 =	vor.u32 v31, v18;
	_ =	sdelay $0x3  }
0x5d3: {  	[tilespmem:v17+s23+$0x0] =	vst.idx.msk $0xffff, v16  }
0x5d4: {  	v17 =	vor.u32 v10, v29;
	v16 =	vld.idx.msk [tilespmem:v43+s19+$0x0], $0xffff  }
0x5d5: {  	v44 =	vor.u32 v25, v19;
	_ =	sdelay $0x3  }
0x5d6: {  	[tilespmem:v17+s23+$0x0] =	vst.idx.msk $0xffff, v16  }
0x5d7: {  	v17 =	vor.u32 v11, v24;
	v16 =	vld.idx.msk [tilespmem:v44+s19+$0x0], $0xffff  }
0x5d8: {  	v45 =	vor.u32 v28, v19;
	_ =	sdelay $0x3  }
0x5d9: {  	[tilespmem:v17+s23+$0x0] =	vst.idx.msk $0xffff, v16  }
0x5da: {  	v17 =	vor.u32 v11, v26;
	v16 =	vld.idx.msk [tilespmem:v45+s19+$0x0], $0xffff  }
0x5db: {  	v46 =	vor.u32 v30, v19;
	_ =	sdelay $0x3  }
0x5dc: {  	[tilespmem:v17+s23+$0x0] =	vst.idx.msk $0xffff, v16  }
0x5dd: {  	v17 =	vor.u32 v11, v27;
	v16 =	vld.idx.msk [tilespmem:v46+s19+$0x0], $0xffff  }
0x5de: {  	v47 =	vor.u32 v31, v19;
	_ =	sdelay $0x3  }
0x5df: {  	[tilespmem:v17+s23+$0x0] =	vst.idx.msk $0xffff, v16  }
0x5e0: {  	v17 =	vor.u32 v11, v29;
	v16 =	vld.idx.msk [tilespmem:v47+s19+$0x0], $0xffff  }
0x5e1: {  	v48 =	vor.u32 v25, v20;
	_ =	sdelay $0x3  }
0x5e2: {  	[tilespmem:v17+s23+$0x0] =	vst.idx.msk $0xffff, v16  }
0x5e3: {  	v17 =	vor.u32 v12, v24;
	v16 =	vld.idx.msk [tilespmem:v48+s19+$0x0], $0xffff  }
0x5e4: {  	v49 =	vor.u32 v28, v20;
	_ =	sdelay $0x3  }
0x5e5: {  	[tilespmem:v17+s23+$0x0] =	vst.idx.msk $0xffff, v16  }
0x5e6: {  	v17 =	vor.u32 v12, v26;
	v16 =	vld.idx.msk [tilespmem:v49+s19+$0x0], $0xffff  }
0x5e7: {  	v50 =	vor.u32 v30, v20;
	_ =	sdelay $0x3  }
0x5e8: {  	[tilespmem:v17+s23+$0x0] =	vst.idx.msk $0xffff, v16  }
0x5e9: {  	v17 =	vor.u32 v12, v27;
	v16 =	vld.idx.msk [tilespmem:v50+s19+$0x0], $0xffff  }
0x5ea: {  	v51 =	vor.u32 v31, v20;
	_ =	sdelay $0x3  }
0x5eb: {  	[tilespmem:v17+s23+$0x0] =	vst.idx.msk $0xffff, v16  }
0x5ec: {  	v17 =	vor.u32 v12, v29;
	v16 =	vld.idx.msk [tilespmem:v51+s19+$0x0], $0xffff  }
0x5ed: {  	v52 =	vor.u32 v25, v21;
	_ =	sdelay $0x3  }
0x5ee: {  	[tilespmem:v17+s23+$0x0] =	vst.idx.msk $0xffff, v16  }
0x5ef: {  	v17 =	vor.u32 v13, v24;
	v16 =	vld.idx.msk [tilespmem:v52+s19+$0x0], $0xffff  }
0x5f0: {  	v53 =	vor.u32 v28, v21;
	_ =	sdelay $0x3  }
0x5f1: {  	[tilespmem:v17+s23+$0x0] =	vst.idx.msk $0xffff, v16  }
0x5f2: {  	v17 =	vor.u32 v13, v26;
	v16 =	vld.idx.msk [tilespmem:v53+s19+$0x0], $0xffff  }
0x5f3: {  	v54 =	vor.u32 v30, v21;
	_ =	sdelay $0x3  }
0x5f4: {  	[tilespmem:v17+s23+$0x0] =	vst.idx.msk $0xffff, v16  }
0x5f5: {  	v17 =	vor.u32 v13, v27;
	v16 =	vld.idx.msk [tilespmem:v54+s19+$0x0], $0xffff  }
0x5f6: {  	v55 =	vor.u32 v31, v21;
	_ =	sdelay $0x3  }
0x5f7: {  	[tilespmem:v17+s23+$0x0] =	vst.idx.msk $0xffff, v16  }
0x5f8: {  	v17 =	vor.u32 v13, v29;
	v16 =	vld.idx.msk [tilespmem:v55+s19+$0x0], $0xffff  }
0x5f9: {  	v56 =	vor.u32 v25, v22;
	_ =	sdelay $0x3  }
0x5fa: {  	[tilespmem:v17+s23+$0x0] =	vst.idx.msk $0xffff, v16  }
0x5fb: {  	v17 =	vor.u32 v14, v24;
	v16 =	vld.idx.msk [tilespmem:v56+s19+$0x0], $0xffff  }
0x5fc: {  	v57 =	vor.u32 v28, v22;
	_ =	sdelay $0x3  }
0x5fd: {  	[tilespmem:v17+s23+$0x0] =	vst.idx.msk $0xffff, v16  }
0x5fe: {  	v17 =	vor.u32 v14, v26;
	v16 =	vld.idx.msk [tilespmem:v57+s19+$0x0], $0xffff  }
0x5ff: {  	v58 =	vor.u32 v30, v22;
	_ =	sdelay $0x3  }
0x600: {  	[tilespmem:v17+s23+$0x0] =	vst.idx.msk $0xffff, v16  }
0x601: {  	v17 =	vor.u32 v14, v27;
	v16 =	vld.idx.msk [tilespmem:v58+s19+$0x0], $0xffff  }
0x602: {  	v59 =	vor.u32 v31, v22;
	_ =	sdelay $0x3  }
0x603: {  	[tilespmem:v17+s23+$0x0] =	vst.idx.msk $0xffff, v16  }
0x604: {  	v17 =	vor.u32 v14, v29;
	v16 =	vld.idx.msk [tilespmem:v59+s19+$0x0], $0xffff  }
0x605: {  	v60 =	vor.u32 v25, v23;
	_ =	sdelay $0x3  }
0x606: {  	[tilespmem:v17+s23+$0x0] =	vst.idx.msk $0xffff, v16  }
0x607: {  	v17 =	vor.u32 v15, v24;
	v16 =	vld.idx.msk [tilespmem:v60+s19+$0x0], $0xffff  }
0x608: {  	v61 =	vor.u32 v28, v23;
	_ =	sdelay $0x3  }
0x609: {  	[tilespmem:v17+s23+$0x0] =	vst.idx.msk $0xffff, v16  }
0x60a: {  	v17 =	vor.u32 v15, v26;
	v16 =	vld.idx.msk [tilespmem:v61+s19+$0x0], $0xffff  }
0x60b: {  	v62 =	vor.u32 v30, v23;
	_ =	sdelay $0x3  }
0x60c: {  	[tilespmem:v17+s23+$0x0] =	vst.idx.msk $0xffff, v16  }
0x60d: {  	v17 =	vor.u32 v15, v27;
	v16 =	vld.idx.msk [tilespmem:v62+s19+$0x0], $0xffff  }
0x60e: {  	v63 =	vor.u32 v31, v23;
	_ =	sdelay $0x3  }
0x60f: {  	[tilespmem:v17+s23+$0x0] =	vst.idx.msk $0xffff, v16  }
0x610: {  	v17 =	vor.u32 v15, v29;
	v16 =	vld.idx.msk [tilespmem:v63+s19+$0x0], $0xffff;
	_ =	sdelay $0x1  }
.Ltmp6:
0x611: {  	s0 =	sshll.u32 s0, $0x12;
	(pc) =	sbr.rel @p0 .LBB2_12-.Ltmp6, $4  }
0x612: {  	s0 =	sor.u32 s4, s0  }
0x613: {  	s0 =	sshrl.u32 s0, $0x3  }
0x614: {  	s0 =	sadd.s32 s2, s0;
	[tilespmem:v17+s23+$0x0] =	vst.idx.msk $0xffff, v16  }
0x615: {  	[hbm4b:s0+s8] =	stream.strided.scatter [tilespmem:s23], [sflag:$0x6], $0x2000, s9, s8, $0x38;
	[tilespmem:$0x1A600] =	vst v63  }
0x616: {  	v16 =	vld [tilespmem:s31+$0x380];
	_ =	sdelay $0x4  }
0x617: {  	v16 =	vshrl.u32 v16, $0x1  }
0x618: {  	[tilespmem:$0x6580] =	vst v16  }
0x619: {  	v16 =	vld [tilespmem:s31+$0x390];
	_ =	sdelay $0x4  }
0x61a: {  	v16 =	vshrl.u32 v16, $0x1  }
0x61b: {  	[tilespmem:$0x6590] =	vst v16  }
0x61c: {  	v16 =	vld [tilespmem:s31+$0x3A0];
	_ =	sdelay $0x4  }
0x61d: {  	v16 =	vshrl.u32 v16, $0x1  }
0x61e: {  	[tilespmem:$0x65A0] =	vst v16  }
0x61f: {  	v16 =	vld [tilespmem:s31+$0x3B0];
	_ =	sdelay $0x4  }
0x620: {  	v16 =	vshrl.u32 v16, $0x1  }
0x621: {  	[tilespmem:$0x65B0] =	vst v16  }
0x622: {  	v16 =	vld [tilespmem:s31+$0x3C0];
	_ =	sdelay $0x4  }
0x623: {  	v16 =	vshrl.u32 v16, $0x1  }
0x624: {  	[tilespmem:$0x65C0] =	vst v16  }
0x625: {  	v16 =	vld [tilespmem:s31+$0x3D0];
	_ =	sdelay $0x4  }
0x626: {  	v16 =	vshrl.u32 v16, $0x1  }
0x627: {  	[tilespmem:$0x65D0] =	vst v16  }
0x628: {  	v16 =	vld [tilespmem:s31+$0x3E0];
	_ =	sdelay $0x4  }
0x629: {  	v16 =	vshrl.u32 v16, $0x1  }
0x62a: {  	[tilespmem:$0x65E0] =	vst v16  }
0x62b: {  	v16 =	vld [tilespmem:s31+$0x3F0];
	_ =	sdelay $0x2  }
.Ltmp7:
0x62c: {  	_ = 	snop;
	(pc) =	sbr.rel .LBB2_2-.Ltmp7, $4  }
0x62d: {  	_ = 	snop  }
0x62e: {  	v16 =	vshrl.u32 v16, $0x1  }
0x62f: {  	s30 =	sadd.s32 $0x1, s30;
	[tilespmem:$0x65F0] =	vst v16  }
0x630: {  	[tilespmem:s19], [sflag:$0x4] =	stream.indirect.gather [hbm4b:s5+s11], $0x80, s18, s11, $0xb8;
	[tilespmem:$0x1A600] =	vst v63  }
.LBB2_13:
0x631: {  	_ =	sfence.sel $0x180000  }
0x632: {  	[bflag:$0x0] =	sbarrier.arrive $0xFFFF  }
0x633: {  	_ =	strace $0x90000047  }
0x634: {  	s0 =	stileid.u32;
	[bflag:$0x2] =	sbarrier.arrive $0xFFFF  }
0x635: {  	p0 =	sne.s32 s0, $0x0;
	s0 =	rddreg [dreg:$0x3]  }
0x636: {  	s0 =	sadd.s32 @!p0 $0x100000, s0  }
0x637: {  	[sflag:s0] =	ssyncadd.tile.s32 @!p0 $0x1;
	_ =	shalt  }
.Lfunc_end2:
_tile_overlayer_lowered:
.L_overlay_start_2:
0x638: {  	(tag) =	ssettag $0x2  }
0x639: {  	s0 =	rddreg [dreg:$0x0];
	s2 =	stileid.u32  }
0x63a: {  	s1 =	rddreg [dreg:$0x1];
	p0 =	sne.s32 s2, $0x0  }
0x63b: {  	s3 =	rddreg [dreg:$0x2];
	[bflag:$0x3] =	sbarrier.arrive $0xFFFF;
	s2 =	simm.s32 @!p0 $0x1C07  }
0x63c: {  	[timem:s3], [sflag:s2] =	dma.local @!p0 [hbm:s0], s1  }
0x63d: {  	s0 =	simm.s32 @!p0 $0x7  }
0x63e: {  	_ =	swait.ge @!p0 [sflag:s0], s1  }
0x63f: {  	s1 =	ssub.s32 @!p0 $0x0, s1;
	[sflag:s0] =	ssyncset.done @!p0 $0x0  }
0x640: {  	[sflag:s0] =	ssyncadd.s32 @!p0 s1  }
0x641: {  	[bflag:$0x3] =	sbarrier.arrive $0xFFFF  }
0x642: {  	_ =	shalt  }

</sc_bundles>
